<compile_context>
chip_gen: v7x
topology: tpu7x:2x2x1
jax: 0.10.2.dev20260603
libtpu: 0.0.44.dev20260713+nightly
codegen_flags: <defaults>
</compile_context>

<pallas_src>
import functools

import jax
import jax.numpy as jnp
from jax import lax
from jax.experimental import pallas as pl
from jax.experimental.pallas import tpu as pltpu
from jax.experimental.pallas import tpu_sc as plsc

_NC = 2
_NS = 16
_NW = _NC * _NS
_CH = 128
_W = 8

_CLIP = 1000000.0


def _relval_body(rel_ref, w_ref, b_ref, out_ref):
    v = lax.dot_general(rel_ref[...], w_ref[...],
                        (((1,), (1,)), ((), ())),
                        preferred_element_type=jnp.float32)
    out_ref[...] = jnp.clip(v + b_ref[...], -_CLIP, _CLIP)


def _combine_body(p_ref, out_ref):
    out_ref[...] = jnp.maximum(p_ref[0] + p_ref[1], 0.0)


def _make_sc_kernel(num_seg_pad, cpw):
    rows_per_tile = num_seg_pad // _NS
    nw = cpw // _W
    assert cpw == nw * _W and nw % 2 == 0 and nw >= 4 and _W % 2 == 0

    scratch = (
        [pltpu.VMEM_SHARED((num_seg_pad, 128), jnp.float32)]
        + [pltpu.VMEM((_CH, 128), jnp.float32)] * 2
        + [pltpu.VMEM((_W, _CH), jnp.int32)] * 6
        + [pltpu.SemaphoreType.DMA] * 6
    )

    @functools.partial(
        pl.kernel,
        out_type=jax.ShapeDtypeStruct((_NC, num_seg_pad, 128), jnp.float32),
        mesh=plsc.VectorSubcoreMesh(core_axis_name="c", subcore_axis_name="s"),
        scratch_types=scratch,
    )
    def sc_kernel(relval_hbm, rels_hbm, tails_hbm, heads_hbm, zeros_hbm,
                  out_hbm, acc, *bufs):
        rows = bufs[0:2]
        rels_w = bufs[2:4]
        tails_w = bufs[4:6]
        heads_w = bufs[6:8]
        gsem = bufs[8:10]
        ssem = bufs[10:12]
        wsem = bufs[12:14]
        c = lax.axis_index("c")
        s = lax.axis_index("s")
        wid = c * _NS + s
        base = wid * cpw

        def fire_gather(idx_row, b):
            pltpu.async_copy(relval_hbm.at[idx_row], rows[b], gsem[b])

        def wait_gather(b):
            pltpu.make_async_copy(relval_hbm.at[pl.ds(0, _CH)], rows[b],
                                  gsem[b]).wait()

        def fire_scatters(k, wb, b):
            pltpu.async_copy(rows[b], acc.at[tails_w[wb].at[k]], ssem[b],
                             add=True)
            pltpu.async_copy(rows[b], acc.at[heads_w[wb].at[k]], ssem[b],
                             add=True)

        def wait_scatters(b):
            pltpu.make_async_copy(rows[b], acc.at[pl.ds(0, _CH)],
                                  ssem[b]).wait()
            pltpu.make_async_copy(rows[b], acc.at[pl.ds(0, _CH)],
                                  ssem[b]).wait()

        def fire_window(w, wb):
            for arr, buf in ((rels_hbm, rels_w[wb]), (tails_hbm, tails_w[wb]),
                             (heads_hbm, heads_w[wb])):
                pltpu.async_copy(arr.at[pl.ds(base + w * _W, _W)], buf,
                                 wsem[wb])

        def wait_window(wb):
            for buf in (rels_w[wb], tails_w[wb], heads_w[wb]):
                pltpu.make_async_copy(rels_hbm.at[pl.ds(0, _W)], buf,
                                      wsem[wb]).wait()

        fire_window(0, 0)
        fire_window(1, 1)
        wait_window(0)
        fire_gather(rels_w[0].at[0], 0)
        pltpu.sync_copy(zeros_hbm,
                        acc.at[pl.ds(s * rows_per_tile, rows_per_tile)])
        plsc.subcore_barrier()

        def chunk_body(w, k, wb, first, fire_next_win, last_win):
            b = k % 2
            wait_gather(b)
            fire_scatters(k, wb, b)
            if not first:
                wait_scatters(1 - b)
            if k == 0 and fire_next_win:
                fire_window(w + 1, 1 - wb)
            if k == _W - 1:
                if not last_win:
                    wait_window(1 - wb)
                    fire_gather(rels_w[1 - wb].at[0], 1 - b)
            else:
                fire_gather(rels_w[wb].at[k + 1], 1 - b)

        def window_body(w, wb, first_win, fire_next_win, last_win):
            for k in range(_W):
                chunk_body(w, k, wb, first_win and k == 0,
                           fire_next_win and k == 0, last_win)

        window_body(0, 0, True, False, False)
        window_body(1, 1, False, True, False)

        @pl.loop(1, nw // 2 - 1)
        def _pair(p):
            window_body(2 * p, 0, False, True, False)
            window_body(2 * p + 1, 1, False, True, False)

        window_body(nw - 2, 0, False, True, False)
        window_body(nw - 1, 1, False, False, True)
        wait_scatters((_W - 1) % 2)

        plsc.subcore_barrier()
        pltpu.sync_copy(acc.at[pl.ds(s * rows_per_tile, rows_per_tile)],
                        out_hbm.at[c, pl.ds(s * rows_per_tile, rows_per_tile)])

    return sc_kernel


@jax.jit
def kernel(local_entity, batch_heads, batch_rels, batch_tails, batch_ids,
           fact_ids, weight_list, rel_features, W, b):
    batch_size, max_local_entity = local_entity.shape
    hidden = rel_features.shape[1]
    num_seg = batch_size * max_local_entity
    f = batch_rels.shape[0]

    rel_val = pl.pallas_call(
        _relval_body,
        out_shape=jax.ShapeDtypeStruct(rel_features.shape, jnp.float32),
    )(rel_features, W, b.reshape(1, hidden))

    cpw = -(-f // (_NW * _CH))
    cpw = -(-cpw // 8) * 8
    f_pad = _NW * cpw * _CH
    align = _NS * 8
    num_seg_pad = -(-num_seg // align) * align
    if f_pad > f and num_seg_pad == num_seg:
        num_seg_pad += align
    pad = f_pad - f
    spare = num_seg_pad - num_seg
    pad_dst = num_seg + jnp.arange(pad, dtype=jnp.int32) % spare if pad else None

    def prep(x, fill):
        if pad:
            x = jnp.concatenate([x, jnp.broadcast_to(fill, (pad,)).astype(jnp.int32)])
        return x.reshape(_NW * cpw, _CH)

    rels_p = prep(batch_rels, jnp.arange(pad, dtype=jnp.int32) % rel_features.shape[0] if pad else 0)
    tails_p = prep(batch_tails, pad_dst)
    heads_p = prep(batch_heads, pad_dst)
    zeros = jnp.zeros((num_seg_pad // _NS, 128), jnp.float32)

    partials = _make_sc_kernel(num_seg_pad, cpw)(
        rel_val, rels_p, tails_p, heads_p, zeros)

    blk = 1000
    out = pl.pallas_call(
        _combine_body,
        grid=(num_seg // blk,),
        in_specs=[pl.BlockSpec((_NC, blk, hidden), lambda i: (0, i, 0))],
        out_specs=pl.BlockSpec((blk, hidden), lambda i: (i, 0)),
        out_shape=jax.ShapeDtypeStruct((num_seg, hidden), jnp.float32),
    )(partials)

    return out.reshape(batch_size, max_local_entity, hidden)

# --- scband reference (transcript-rebuilt; emitter-appended) ---
"""Pipeline reference for scband-type-layer-53979148976539 (READ-ONLY COPY).

The authoritative reference and input builder live on the scoring server;
editing this copy changes nothing except your own understanding.
"""

import jax, jax.numpy as jnp
import numpy as np

B, N, H, R, F = 20, 500, 128, 2000, 320000


def setup_inputs(seed: int = 0) -> dict:
    key = jax.random.key(seed)
    ks = jax.random.split(key, 9)
    local_entity = jax.random.randint(ks[0], (B, N), 0, B * N, dtype=jnp.int32)
    batch_heads = jax.random.randint(ks[1], (F,), 0, B * N, dtype=jnp.int32)
    batch_rels = jax.random.randint(ks[2], (F,), 0, R, dtype=jnp.int32)
    batch_tails = jax.random.randint(ks[3], (F,), 0, B * N, dtype=jnp.int32)
    batch_ids = jax.random.randint(ks[4], (F,), 0, B, dtype=jnp.int32)
    fact_ids = jnp.arange(F, dtype=jnp.int32)
    weight_list = jax.random.uniform(ks[5], (F,), dtype=jnp.float32)
    rel_features = jax.random.normal(ks[6], (R, H), dtype=jnp.float32)
    # learned params of kb_self_linear: Linear(in_features=H, out_features=H)
    bound = float(np.sqrt(6.0 / (H + H)))  # xavier_uniform
    W = jax.random.uniform(ks[7], (H, H), minval=-bound, maxval=bound, dtype=jnp.float32)
    b = jnp.zeros((H,), dtype=jnp.float32)
    return {
        'local_entity': local_entity,
        'batch_heads': batch_heads,
        'batch_rels': batch_rels,
        'batch_tails': batch_tails,
        'batch_ids': batch_ids,
        'fact_ids': fact_ids,
        'weight_list': weight_list,
        'rel_features': rel_features,
        'W': W,
        'b': b,
    }


def reference(local_entity, batch_heads, batch_rels, batch_tails, batch_ids, fact_ids, weight_list, rel_features, W, b):
    batch_size, max_local_entity = local_entity.shape
    hidden_size = rel_features.shape[1]
    num_seg = batch_size * max_local_entity
    # fact_rel = index_select(rel_features, batch_rels)
    fact_rel = jnp.take(rel_features, batch_rels, axis=0)
    # fact_val = kb_self_linear(fact_rel), clamped
    fact_val = fact_rel @ W.T + b
    fact_val = jnp.clip(fact_val, -1000000.0, 1000000.0)
    # sparse.mm(fact2tail_mat, fact_val): ones at (batch_tails[i], fact_ids[i]) -> segment sum over tail entity
    tail_repr = jax.ops.segment_sum(fact_val, batch_tails, num_segments=num_seg)
    head_repr = jax.ops.segment_sum(fact_val, batch_heads, num_segments=num_seg)
    tail_repr = jnp.nan_to_num(tail_repr, nan=0.0, posinf=1000000.0, neginf=-1000000.0)
    head_repr = jnp.nan_to_num(head_repr, nan=0.0, posinf=1000000.0, neginf=-1000000.0)
    f2e_emb = jax.nn.relu(tail_repr + head_repr)
    f2e_emb = jnp.nan_to_num(f2e_emb, nan=0.0, posinf=1000000.0, neginf=-1000000.0)
    return f2e_emb.reshape(batch_size, max_local_entity, hidden_size)

if __name__ == "__main__":
    import jax
    _d = setup_inputs()
    print(jax.jit(kernel)(*tuple(_d.values())))

</pallas_src>

<mosaic_0001>
#map = affine_map<(d0, d1) -> (0, 0)>
#map1 = affine_map<(d0, d1) -> (0, 0, 0)>
module attributes {stable_mosaic.version = 14 : i64} {
  func.func @sc_kernel(%arg0: i32, %arg1: i32, %arg2: memref<2000x128xf32, #tpu.memory_space<hbm>>, %arg3: memref<2560x128xi32, #tpu.memory_space<hbm>>, %arg4: memref<2560x128xi32, #tpu.memory_space<hbm>>, %arg5: memref<2560x128xi32, #tpu.memory_space<hbm>>, %arg6: memref<632x128xf32, #tpu.memory_space<hbm>>, %arg7: memref<2x10112x128xf32, #tpu.memory_space<hbm>>, %arg8: memref<10112x128xf32, #tpu.memory_space<vmem_shared>>, %arg9: memref<128x128xf32, #tpu.memory_space<vmem>>, %arg10: memref<128x128xf32, #tpu.memory_space<vmem>>, %arg11: memref<8x128xi32, #tpu.memory_space<vmem>>, %arg12: memref<8x128xi32, #tpu.memory_space<vmem>>, %arg13: memref<8x128xi32, #tpu.memory_space<vmem>>, %arg14: memref<8x128xi32, #tpu.memory_space<vmem>>, %arg15: memref<8x128xi32, #tpu.memory_space<vmem>>, %arg16: memref<8x128xi32, #tpu.memory_space<vmem>>, %arg17: memref<!tpu.dma_semaphore, #tpu.memory_space<semaphore_mem>>, %arg18: memref<!tpu.dma_semaphore, #tpu.memory_space<semaphore_mem>>, %arg19: memref<!tpu.dma_semaphore, #tpu.memory_space<semaphore_mem>>, %arg20: memref<!tpu.dma_semaphore, #tpu.memory_space<semaphore_mem>>, %arg21: memref<!tpu.dma_semaphore, #tpu.memory_space<semaphore_mem>>, %arg22: memref<!tpu.dma_semaphore, #tpu.memory_space<semaphore_mem>>) attributes {dimension_semantics = [#tpu.dimension_semantics<core_parallel>, #tpu.dimension_semantics<subcore_parallel>], iteration_bounds = array<i64: 2, 16>, scalar_prefetch = 0 : i64, scratch_operands = 15 : i64, tpu.core_type = #tpu.core_type<sc_vector_subcore>, window_params = [{transform_indices = #map}, {transform_indices = #map}, {transform_indices = #map}, {transform_indices = #map}, {transform_indices = #map}, {transform_indices = #map1}]} {
    %mul3A = arith.constant 16 : i32
    %mul3A_0 = arith.muli %arg0, %mul3A : i32
    %add3A = arith.addi %mul3A_0, %arg1 : i32
    %mul3A_1 = arith.constant 80 : i32
    %mul3A_2 = arith.muli %add3A, %mul3A_1 : i32
    %add3A_3 = arith.constant 0 : i32
    %add3A_4 = arith.addi %mul3A_2, %add3A_3 : i32
    %dma_start3A = arith.constant 0 : i32
    %dma_start3A_5 = tpu.memref_slice %arg3[%add3A_4, %dma_start3A] : memref<2560x128xi32, #tpu.memory_space<hbm>> -> memref<8x128xi32, #tpu.memory_space<hbm>>
    %dma_start3A_6 = arith.constant 0 : i32
    %dma_start3A_7 = tpu.memref_slice %arg3[%add3A_4, %dma_start3A_6] : memref<2560x128xi32, #tpu.memory_space<hbm>> -> memref<8x128xi32, #tpu.memory_space<hbm>>
    tpu.enqueue_dma source(%dma_start3A_7 : memref<8x128xi32, #tpu.memory_space<hbm>>) target(%arg11 : memref<8x128xi32, #tpu.memory_space<vmem>>) target_semaphore(%arg21 : memref<!tpu.dma_semaphore, #tpu.memory_space<semaphore_mem>>)
    %add3A_8 = arith.constant 0 : i32
    %add3A_9 = arith.addi %mul3A_2, %add3A_8 : i32
    %dma_start3A_10 = arith.constant 0 : i32
    %dma_start3A_11 = tpu.memref_slice %arg4[%add3A_9, %dma_start3A_10] : memref<2560x128xi32, #tpu.memory_space<hbm>> -> memref<8x128xi32, #tpu.memory_space<hbm>>
    %dma_start3A_12 = arith.constant 0 : i32
    %dma_start3A_13 = tpu.memref_slice %arg4[%add3A_9, %dma_start3A_12] : memref<2560x128xi32, #tpu.memory_space<hbm>> -> memref<8x128xi32, #tpu.memory_space<hbm>>
    tpu.enqueue_dma source(%dma_start3A_13 : memref<8x128xi32, #tpu.memory_space<hbm>>) target(%arg13 : memref<8x128xi32, #tpu.memory_space<vmem>>) target_semaphore(%arg21 : memref<!tpu.dma_semaphore, #tpu.memory_space<semaphore_mem>>)
    %add3A_14 = arith.constant 0 : i32
    %add3A_15 = arith.addi %mul3A_2, %add3A_14 : i32
    %dma_start3A_16 = arith.constant 0 : i32
    %dma_start3A_17 = tpu.memref_slice %arg5[%add3A_15, %dma_start3A_16] : memref<2560x128xi32, #tpu.memory_space<hbm>> -> memref<8x128xi32, #tpu.memory_space<hbm>>
    %dma_start3A_18 = arith.constant 0 : i32
    %dma_start3A_19 = tpu.memref_slice %arg5[%add3A_15, %dma_start3A_18] : memref<2560x128xi32, #tpu.memory_space<hbm>> -> memref<8x128xi32, #tpu.memory_space<hbm>>
    tpu.enqueue_dma source(%dma_start3A_19 : memref<8x128xi32, #tpu.memory_space<hbm>>) target(%arg15 : memref<8x128xi32, #tpu.memory_space<vmem>>) target_semaphore(%arg21 : memref<!tpu.dma_semaphore, #tpu.memory_space<semaphore_mem>>)
    %add3A_20 = arith.constant 8 : i32
    %add3A_21 = arith.addi %mul3A_2, %add3A_20 : i32
    %dma_start3A_22 = arith.constant 0 : i32
    %dma_start3A_23 = tpu.memref_slice %arg3[%add3A_21, %dma_start3A_22] : memref<2560x128xi32, #tpu.memory_space<hbm>> -> memref<8x128xi32, #tpu.memory_space<hbm>>
    %dma_start3A_24 = arith.constant 0 : i32
    %dma_start3A_25 = tpu.memref_slice %arg3[%add3A_21, %dma_start3A_24] : memref<2560x128xi32, #tpu.memory_space<hbm>> -> memref<8x128xi32, #tpu.memory_space<hbm>>
    tpu.enqueue_dma source(%dma_start3A_25 : memref<8x128xi32, #tpu.memory_space<hbm>>) target(%arg12 : memref<8x128xi32, #tpu.memory_space<vmem>>) target_semaphore(%arg22 : memref<!tpu.dma_semaphore, #tpu.memory_space<semaphore_mem>>)
    %add3A_26 = arith.constant 8 : i32
    %add3A_27 = arith.addi %mul3A_2, %add3A_26 : i32
    %dma_start3A_28 = arith.constant 0 : i32
    %dma_start3A_29 = tpu.memref_slice %arg4[%add3A_27, %dma_start3A_28] : memref<2560x128xi32, #tpu.memory_space<hbm>> -> memref<8x128xi32, #tpu.memory_space<hbm>>
    %dma_start3A_30 = arith.constant 0 : i32
    %dma_start3A_31 = tpu.memref_slice %arg4[%add3A_27, %dma_start3A_30] : memref<2560x128xi32, #tpu.memory_space<hbm>> -> memref<8x128xi32, #tpu.memory_space<hbm>>
    tpu.enqueue_dma source(%dma_start3A_31 : memref<8x128xi32, #tpu.memory_space<hbm>>) target(%arg14 : memref<8x128xi32, #tpu.memory_space<vmem>>) target_semaphore(%arg22 : memref<!tpu.dma_semaphore, #tpu.memory_space<semaphore_mem>>)
    %add3A_32 = arith.constant 8 : i32
    %add3A_33 = arith.addi %mul3A_2, %add3A_32 : i32
    %dma_start3A_34 = arith.constant 0 : i32
    %dma_start3A_35 = tpu.memref_slice %arg5[%add3A_33, %dma_start3A_34] : memref<2560x128xi32, #tpu.memory_space<hbm>> -> memref<8x128xi32, #tpu.memory_space<hbm>>
    %dma_start3A_36 = arith.constant 0 : i32
    %dma_start3A_37 = tpu.memref_slice %arg5[%add3A_33, %dma_start3A_36] : memref<2560x128xi32, #tpu.memory_space<hbm>> -> memref<8x128xi32, #tpu.memory_space<hbm>>
    tpu.enqueue_dma source(%dma_start3A_37 : memref<8x128xi32, #tpu.memory_space<hbm>>) target(%arg16 : memref<8x128xi32, #tpu.memory_space<vmem>>) target_semaphore(%arg22 : memref<!tpu.dma_semaphore, #tpu.memory_space<semaphore_mem>>)
    %dma_wait3A = arith.constant 0 : i32
    %dma_wait3A_38 = arith.constant 0 : i32
    %dma_wait3A_39 = tpu.memref_slice %arg3[%dma_wait3A, %dma_wait3A_38] : memref<2560x128xi32, #tpu.memory_space<hbm>> -> memref<8x128xi32, #tpu.memory_space<hbm>>
    %dma_wait3A_40 = arith.constant 0 : i32
    %dma_wait3A_41 = arith.constant 0 : i32
    %dma_wait3A_42 = tpu.memref_slice %arg3[%dma_wait3A_40, %dma_wait3A_41] : memref<2560x128xi32, #tpu.memory_space<hbm>> -> memref<8x128xi32, #tpu.memory_space<hbm>>
    tpu.wait_dma2 semaphore(%arg21 : memref<!tpu.dma_semaphore, #tpu.memory_space<semaphore_mem>>) src(%dma_wait3A_42 : memref<8x128xi32, #tpu.memory_space<hbm>>) dst(%arg11 : memref<8x128xi32, #tpu.memory_space<vmem>>)
    %dma_wait3A_43 = arith.constant 0 : i32
    %dma_wait3A_44 = arith.constant 0 : i32
    %dma_wait3A_45 = tpu.memref_slice %arg3[%dma_wait3A_43, %dma_wait3A_44] : memref<2560x128xi32, #tpu.memory_space<hbm>> -> memref<8x128xi32, #tpu.memory_space<hbm>>
    %dma_wait3A_46 = arith.constant 0 : i32
    %dma_wait3A_47 = arith.constant 0 : i32
    %dma_wait3A_48 = tpu.memref_slice %arg3[%dma_wait3A_46, %dma_wait3A_47] : memref<2560x128xi32, #tpu.memory_space<hbm>> -> memref<8x128xi32, #tpu.memory_space<hbm>>
    tpu.wait_dma2 semaphore(%arg21 : memref<!tpu.dma_semaphore, #tpu.memory_space<semaphore_mem>>) src(%dma_wait3A_48 : memref<8x128xi32, #tpu.memory_space<hbm>>) dst(%arg13 : memref<8x128xi32, #tpu.memory_space<vmem>>)
    %dma_wait3A_49 = arith.constant 0 : i32
    %dma_wait3A_50 = arith.constant 0 : i32
    %dma_wait3A_51 = tpu.memref_slice %arg3[%dma_wait3A_49, %dma_wait3A_50] : memref<2560x128xi32, #tpu.memory_space<hbm>> -> memref<8x128xi32, #tpu.memory_space<hbm>>
    %dma_wait3A_52 = arith.constant 0 : i32
    %dma_wait3A_53 = arith.constant 0 : i32
    %dma_wait3A_54 = tpu.memref_slice %arg3[%dma_wait3A_52, %dma_wait3A_53] : memref<2560x128xi32, #tpu.memory_space<hbm>> -> memref<8x128xi32, #tpu.memory_space<hbm>>
    tpu.wait_dma2 semaphore(%arg21 : memref<!tpu.dma_semaphore, #tpu.memory_space<semaphore_mem>>) src(%dma_wait3A_54 : memref<8x128xi32, #tpu.memory_space<hbm>>) dst(%arg15 : memref<8x128xi32, #tpu.memory_space<vmem>>)
    %dma_start3A_55 = arith.constant 0 : i32
    %dma_start3A_56 = arith.constant 0 : i32
    %dma_start3A_57 = tpu.memref_slice %arg11[%dma_start3A_55, %dma_start3A_56] : memref<8x128xi32, #tpu.memory_space<vmem>> -> memref<1x128xi32, #tpu.memory_space<vmem>>
    %dma_start3A_58 = tpu.memref_squeeze %dma_start3A_57 : memref<1x128xi32, #tpu.memory_space<vmem>> -> memref<128xi32, #tpu.memory_space<vmem>>
    %dma_start3A_59 = arith.constant 0 : i32
    %dma_start3A_60 = arith.constant 0 : i32
    %dma_start3A_61 = tpu.memref_slice %arg2[%dma_start3A_59, %dma_start3A_60] : memref<2000x128xf32, #tpu.memory_space<hbm>> -> memref<2000x128xf32, #tpu.memory_space<hbm>>
    tpu.enqueue_indirect_dma source(%dma_start3A_61 : memref<2000x128xf32, #tpu.memory_space<hbm>>) target(%arg9 : memref<128x128xf32, #tpu.memory_space<vmem>>) offsets(%dma_start3A_58 : memref<128xi32, #tpu.memory_space<vmem>>) semaphore(%arg17 : memref<!tpu.dma_semaphore, #tpu.memory_space<semaphore_mem>>)
    %mul3A_62 = arith.constant 632 : i32
    %mul3A_63 = arith.muli %arg1, %mul3A_62 : i32
    "tpu.region"() ({
      %run_scoped3A = tpu.sem_alloc : memref<!tpu.dma_semaphore, #tpu.memory_space<semaphore_mem>>
      %dma_start3A_1404 = arith.constant 0 : i32
      %dma_start3A_1405 = tpu.memref_slice %arg8[%mul3A_63, %dma_start3A_1404] : memref<10112x128xf32, #tpu.memory_space<vmem_shared>> -> memref<632x128xf32, #tpu.memory_space<vmem_shared>>
      tpu.enqueue_dma source(%arg6 : memref<632x128xf32, #tpu.memory_space<hbm>>) target(%dma_start3A_1405 : memref<632x128xf32, #tpu.memory_space<vmem_shared>>) target_semaphore(%run_scoped3A : memref<!tpu.dma_semaphore, #tpu.memory_space<semaphore_mem>>)
      %dma_wait3A_1406 = arith.constant 0 : i32
      %dma_wait3A_1407 = tpu.memref_slice %arg8[%mul3A_63, %dma_wait3A_1406] : memref<10112x128xf32, #tpu.memory_space<vmem_shared>> -> memref<632x128xf32, #tpu.memory_space<vmem_shared>>
      tpu.wait_dma2 semaphore(%run_scoped3A : memref<!tpu.dma_semaphore, #tpu.memory_space<semaphore_mem>>) src(%arg6 : memref<632x128xf32, #tpu.memory_space<hbm>>) dst(%dma_wait3A_1407 : memref<632x128xf32, #tpu.memory_space<vmem_shared>>)
      tpu.yield
    }) : () -> ()
    %barrier3A = arith.constant 0 : index
    tpu.barrier barrier_id(%barrier3A)
    %dma_wait3A_64 = arith.constant 0 : i32
    %dma_wait3A_65 = arith.constant 0 : i32
    %dma_wait3A_66 = tpu.memref_slice %arg2[%dma_wait3A_64, %dma_wait3A_65] : memref<2000x128xf32, #tpu.memory_space<hbm>> -> memref<128x128xf32, #tpu.memory_space<hbm>>
    %dma_wait3A_67 = arith.constant 0 : i32
    %dma_wait3A_68 = arith.constant 0 : i32
    %dma_wait3A_69 = tpu.memref_slice %arg2[%dma_wait3A_67, %dma_wait3A_68] : memref<2000x128xf32, #tpu.memory_space<hbm>> -> memref<128x128xf32, #tpu.memory_space<hbm>>
    tpu.wait_dma2 semaphore(%arg17 : memref<!tpu.dma_semaphore, #tpu.memory_space<semaphore_mem>>) src(%dma_wait3A_69 : memref<128x128xf32, #tpu.memory_space<hbm>>) dst(%arg9 : memref<128x128xf32, #tpu.memory_space<vmem>>)
    %dma_start3A_70 = arith.constant 0 : i32
    %dma_start3A_71 = arith.constant 0 : i32
    %dma_start3A_72 = tpu.memref_slice %arg13[%dma_start3A_70, %dma_start3A_71] : memref<8x128xi32, #tpu.memory_space<vmem>> -> memref<1x128xi32, #tpu.memory_space<vmem>>
    %dma_start3A_73 = tpu.memref_squeeze %dma_start3A_72 : memref<1x128xi32, #tpu.memory_space<vmem>> -> memref<128xi32, #tpu.memory_space<vmem>>
    %dma_start3A_74 = arith.constant 0 : i32
    %dma_start3A_75 = arith.constant 0 : i32
    %dma_start3A_76 = tpu.memref_slice %arg8[%dma_start3A_74, %dma_start3A_75] : memref<10112x128xf32, #tpu.memory_space<vmem_shared>> -> memref<10112x128xf32, #tpu.memory_space<vmem_shared>>
    tpu.enqueue_indirect_dma source(%arg9 : memref<128x128xf32, #tpu.memory_space<vmem>>) target(%dma_start3A_76 : memref<10112x128xf32, #tpu.memory_space<vmem_shared>>) offsets(%dma_start3A_73 : memref<128xi32, #tpu.memory_space<vmem>>) semaphore(%arg19 : memref<!tpu.dma_semaphore, #tpu.memory_space<semaphore_mem>>) {add = true}
    %dma_start3A_77 = arith.constant 0 : i32
    %dma_start3A_78 = arith.constant 0 : i32
    %dma_start3A_79 = tpu.memref_slice %arg15[%dma_start3A_77, %dma_start3A_78] : memref<8x128xi32, #tpu.memory_space<vmem>> -> memref<1x128xi32, #tpu.memory_space<vmem>>
    %dma_start3A_80 = tpu.memref_squeeze %dma_start3A_79 : memref<1x128xi32, #tpu.memory_space<vmem>> -> memref<128xi32, #tpu.memory_space<vmem>>
    %dma_start3A_81 = arith.constant 0 : i32
    %dma_start3A_82 = arith.constant 0 : i32
    %dma_start3A_83 = tpu.memref_slice %arg8[%dma_start3A_81, %dma_start3A_82] : memref<10112x128xf32, #tpu.memory_space<vmem_shared>> -> memref<10112x128xf32, #tpu.memory_space<vmem_shared>>
    tpu.enqueue_indirect_dma source(%arg9 : memref<128x128xf32, #tpu.memory_space<vmem>>) target(%dma_start3A_83 : memref<10112x128xf32, #tpu.memory_space<vmem_shared>>) offsets(%dma_start3A_80 : memref<128xi32, #tpu.memory_space<vmem>>) semaphore(%arg19 : memref<!tpu.dma_semaphore, #tpu.memory_space<semaphore_mem>>) {add = true}
    %dma_start3A_84 = arith.constant 1 : i32
    %dma_start3A_85 = arith.constant 0 : i32
    %dma_start3A_86 = tpu.memref_slice %arg11[%dma_start3A_84, %dma_start3A_85] : memref<8x128xi32, #tpu.memory_space<vmem>> -> memref<1x128xi32, #tpu.memory_space<vmem>>
    %dma_start3A_87 = tpu.memref_squeeze %dma_start3A_86 : memref<1x128xi32, #tpu.memory_space<vmem>> -> memref<128xi32, #tpu.memory_space<vmem>>
    %dma_start3A_88 = arith.constant 0 : i32
    %dma_start3A_89 = arith.constant 0 : i32
    %dma_start3A_90 = tpu.memref_slice %arg2[%dma_start3A_88, %dma_start3A_89] : memref<2000x128xf32, #tpu.memory_space<hbm>> -> memref<2000x128xf32, #tpu.memory_space<hbm>>
    tpu.enqueue_indirect_dma source(%dma_start3A_90 : memref<2000x128xf32, #tpu.memory_space<hbm>>) target(%arg10 : memref<128x128xf32, #tpu.memory_space<vmem>>) offsets(%dma_start3A_87 : memref<128xi32, #tpu.memory_space<vmem>>) semaphore(%arg18 : memref<!tpu.dma_semaphore, #tpu.memory_space<semaphore_mem>>)
    %dma_wait3A_91 = arith.constant 0 : i32
    %dma_wait3A_92 = arith.constant 0 : i32
    %dma_wait3A_93 = tpu.memref_slice %arg2[%dma_wait3A_91, %dma_wait3A_92] : memref<2000x128xf32, #tpu.memory_space<hbm>> -> memref<128x128xf32, #tpu.memory_space<hbm>>
    %dma_wait3A_94 = arith.constant 0 : i32
    %dma_wait3A_95 = arith.constant 0 : i32
    %dma_wait3A_96 = tpu.memref_slice %arg2[%dma_wait3A_94, %dma_wait3A_95] : memref<2000x128xf32, #tpu.memory_space<hbm>> -> memref<128x128xf32, #tpu.memory_space<hbm>>
    tpu.wait_dma2 semaphore(%arg18 : memref<!tpu.dma_semaphore, #tpu.memory_space<semaphore_mem>>) src(%dma_wait3A_96 : memref<128x128xf32, #tpu.memory_space<hbm>>) dst(%arg10 : memref<128x128xf32, #tpu.memory_space<vmem>>)
    %dma_start3A_97 = arith.constant 1 : i32
    %dma_start3A_98 = arith.constant 0 : i32
    %dma_start3A_99 = tpu.memref_slice %arg13[%dma_start3A_97, %dma_start3A_98] : memref<8x128xi32, #tpu.memory_space<vmem>> -> memref<1x128xi32, #tpu.memory_space<vmem>>
    %dma_start3A_100 = tpu.memref_squeeze %dma_start3A_99 : memref<1x128xi32, #tpu.memory_space<vmem>> -> memref<128xi32, #tpu.memory_space<vmem>>
    %dma_start3A_101 = arith.constant 0 : i32
    %dma_start3A_102 = arith.constant 0 : i32
    %dma_start3A_103 = tpu.memref_slice %arg8[%dma_start3A_101, %dma_start3A_102] : memref<10112x128xf32, #tpu.memory_space<vmem_shared>> -> memref<10112x128xf32, #tpu.memory_space<vmem_shared>>
    tpu.enqueue_indirect_dma source(%arg10 : memref<128x128xf32, #tpu.memory_space<vmem>>) target(%dma_start3A_103 : memref<10112x128xf32, #tpu.memory_space<vmem_shared>>) offsets(%dma_start3A_100 : memref<128xi32, #tpu.memory_space<vmem>>) semaphore(%arg20 : memref<!tpu.dma_semaphore, #tpu.memory_space<semaphore_mem>>) {add = true}
    %dma_start3A_104 = arith.constant 1 : i32
    %dma_start3A_105 = arith.constant 0 : i32
    %dma_start3A_106 = tpu.memref_slice %arg15[%dma_start3A_104, %dma_start3A_105] : memref<8x128xi32, #tpu.memory_space<vmem>> -> memref<1x128xi32, #tpu.memory_space<vmem>>
    %dma_start3A_107 = tpu.memref_squeeze %dma_start3A_106 : memref<1x128xi32, #tpu.memory_space<vmem>> -> memref<128xi32, #tpu.memory_space<vmem>>
    %dma_start3A_108 = arith.constant 0 : i32
    %dma_start3A_109 = arith.constant 0 : i32
    %dma_start3A_110 = tpu.memref_slice %arg8[%dma_start3A_108, %dma_start3A_109] : memref<10112x128xf32, #tpu.memory_space<vmem_shared>> -> memref<10112x128xf32, #tpu.memory_space<vmem_shared>>
    tpu.enqueue_indirect_dma source(%arg10 : memref<128x128xf32, #tpu.memory_space<vmem>>) target(%dma_start3A_110 : memref<10112x128xf32, #tpu.memory_space<vmem_shared>>) offsets(%dma_start3A_107 : memref<128xi32, #tpu.memory_space<vmem>>) semaphore(%arg20 : memref<!tpu.dma_semaphore, #tpu.memory_space<semaphore_mem>>) {add = true}
    %dma_wait3A_111 = arith.constant 0 : i32
    %dma_wait3A_112 = arith.constant 0 : i32
    %dma_wait3A_113 = tpu.memref_slice %arg8[%dma_wait3A_111, %dma_wait3A_112] : memref<10112x128xf32, #tpu.memory_space<vmem_shared>> -> memref<128x128xf32, #tpu.memory_space<vmem_shared>>
    %dma_wait3A_114 = arith.constant 0 : i32
    %dma_wait3A_115 = arith.constant 0 : i32
    %dma_wait3A_116 = tpu.memref_slice %arg8[%dma_wait3A_114, %dma_wait3A_115] : memref<10112x128xf32, #tpu.memory_space<vmem_shared>> -> memref<128x128xf32, #tpu.memory_space<vmem_shared>>
    tpu.wait_dma2 semaphore(%arg19 : memref<!tpu.dma_semaphore, #tpu.memory_space<semaphore_mem>>) src(%arg9 : memref<128x128xf32, #tpu.memory_space<vmem>>) dst(%dma_wait3A_116 : memref<128x128xf32, #tpu.memory_space<vmem_shared>>)
    %dma_wait3A_117 = arith.constant 0 : i32
    %dma_wait3A_118 = arith.constant 0 : i32
    %dma_wait3A_119 = tpu.memref_slice %arg8[%dma_wait3A_117, %dma_wait3A_118] : memref<10112x128xf32, #tpu.memory_space<vmem_shared>> -> memref<128x128xf32, #tpu.memory_space<vmem_shared>>
    %dma_wait3A_120 = arith.constant 0 : i32
    %dma_wait3A_121 = arith.constant 0 : i32
    %dma_wait3A_122 = tpu.memref_slice %arg8[%dma_wait3A_120, %dma_wait3A_121] : memref<10112x128xf32, #tpu.memory_space<vmem_shared>> -> memref<128x128xf32, #tpu.memory_space<vmem_shared>>
    tpu.wait_dma2 semaphore(%arg19 : memref<!tpu.dma_semaphore, #tpu.memory_space<semaphore_mem>>) src(%arg9 : memref<128x128xf32, #tpu.memory_space<vmem>>) dst(%dma_wait3A_122 : memref<128x128xf32, #tpu.memory_space<vmem_shared>>)
    %dma_start3A_123 = arith.constant 2 : i32
    %dma_start3A_124 = arith.constant 0 : i32
    %dma_start3A_125 = tpu.memref_slice %arg11[%dma_start3A_123, %dma_start3A_124] : memref<8x128xi32, #tpu.memory_space<vmem>> -> memref<1x128xi32, #tpu.memory_space<vmem>>
    %dma_start3A_126 = tpu.memref_squeeze %dma_start3A_125 : memref<1x128xi32, #tpu.memory_space<vmem>> -> memref<128xi32, #tpu.memory_space<vmem>>
    %dma_start3A_127 = arith.constant 0 : i32
    %dma_start3A_128 = arith.constant 0 : i32
    %dma_start3A_129 = tpu.memref_slice %arg2[%dma_start3A_127, %dma_start3A_128] : memref<2000x128xf32, #tpu.memory_space<hbm>> -> memref<2000x128xf32, #tpu.memory_space<hbm>>
    tpu.enqueue_indirect_dma source(%dma_start3A_129 : memref<2000x128xf32, #tpu.memory_space<hbm>>) target(%arg9 : memref<128x128xf32, #tpu.memory_space<vmem>>) offsets(%dma_start3A_126 : memref<128xi32, #tpu.memory_space<vmem>>) semaphore(%arg17 : memref<!tpu.dma_semaphore, #tpu.memory_space<semaphore_mem>>)
    %dma_wait3A_130 = arith.constant 0 : i32
    %dma_wait3A_131 = arith.constant 0 : i32
    %dma_wait3A_132 = tpu.memref_slice %arg2[%dma_wait3A_130, %dma_wait3A_131] : memref<2000x128xf32, #tpu.memory_space<hbm>> -> memref<128x128xf32, #tpu.memory_space<hbm>>
    %dma_wait3A_133 = arith.constant 0 : i32
    %dma_wait3A_134 = arith.constant 0 : i32
    %dma_wait3A_135 = tpu.memref_slice %arg2[%dma_wait3A_133, %dma_wait3A_134] : memref<2000x128xf32, #tpu.memory_space<hbm>> -> memref<128x128xf32, #tpu.memory_space<hbm>>
    tpu.wait_dma2 semaphore(%arg17 : memref<!tpu.dma_semaphore, #tpu.memory_space<semaphore_mem>>) src(%dma_wait3A_135 : memref<128x128xf32, #tpu.memory_space<hbm>>) dst(%arg9 : memref<128x128xf32, #tpu.memory_space<vmem>>)
    %dma_start3A_136 = arith.constant 2 : i32
    %dma_start3A_137 = arith.constant 0 : i32
    %dma_start3A_138 = tpu.memref_slice %arg13[%dma_start3A_136, %dma_start3A_137] : memref<8x128xi32, #tpu.memory_space<vmem>> -> memref<1x128xi32, #tpu.memory_space<vmem>>
    %dma_start3A_139 = tpu.memref_squeeze %dma_start3A_138 : memref<1x128xi32, #tpu.memory_space<vmem>> -> memref<128xi32, #tpu.memory_space<vmem>>
    %dma_start3A_140 = arith.constant 0 : i32
    %dma_start3A_141 = arith.constant 0 : i32
    %dma_start3A_142 = tpu.memref_slice %arg8[%dma_start3A_140, %dma_start3A_141] : memref<10112x128xf32, #tpu.memory_space<vmem_shared>> -> memref<10112x128xf32, #tpu.memory_space<vmem_shared>>
    tpu.enqueue_indirect_dma source(%arg9 : memref<128x128xf32, #tpu.memory_space<vmem>>) target(%dma_start3A_142 : memref<10112x128xf32, #tpu.memory_space<vmem_shared>>) offsets(%dma_start3A_139 : memref<128xi32, #tpu.memory_space<vmem>>) semaphore(%arg19 : memref<!tpu.dma_semaphore, #tpu.memory_space<semaphore_mem>>) {add = true}
    %dma_start3A_143 = arith.constant 2 : i32
    %dma_start3A_144 = arith.constant 0 : i32
    %dma_start3A_145 = tpu.memref_slice %arg15[%dma_start3A_143, %dma_start3A_144] : memref<8x128xi32, #tpu.memory_space<vmem>> -> memref<1x128xi32, #tpu.memory_space<vmem>>
    %dma_start3A_146 = tpu.memref_squeeze %dma_start3A_145 : memref<1x128xi32, #tpu.memory_space<vmem>> -> memref<128xi32, #tpu.memory_space<vmem>>
    %dma_start3A_147 = arith.constant 0 : i32
    %dma_start3A_148 = arith.constant 0 : i32
    %dma_start3A_149 = tpu.memref_slice %arg8[%dma_start3A_147, %dma_start3A_148] : memref<10112x128xf32, #tpu.memory_space<vmem_shared>> -> memref<10112x128xf32, #tpu.memory_space<vmem_shared>>
    tpu.enqueue_indirect_dma source(%arg9 : memref<128x128xf32, #tpu.memory_space<vmem>>) target(%dma_start3A_149 : memref<10112x128xf32, #tpu.memory_space<vmem_shared>>) offsets(%dma_start3A_146 : memref<128xi32, #tpu.memory_space<vmem>>) semaphore(%arg19 : memref<!tpu.dma_semaphore, #tpu.memory_space<semaphore_mem>>) {add = true}
    %dma_wait3A_150 = arith.constant 0 : i32
    %dma_wait3A_151 = arith.constant 0 : i32
    %dma_wait3A_152 = tpu.memref_slice %arg8[%dma_wait3A_150, %dma_wait3A_151] : memref<10112x128xf32, #tpu.memory_space<vmem_shared>> -> memref<128x128xf32, #tpu.memory_space<vmem_shared>>
    %dma_wait3A_153 = arith.constant 0 : i32
    %dma_wait3A_154 = arith.constant 0 : i32
    %dma_wait3A_155 = tpu.memref_slice %arg8[%dma_wait3A_153, %dma_wait3A_154] : memref<10112x128xf32, #tpu.memory_space<vmem_shared>> -> memref<128x128xf32, #tpu.memory_space<vmem_shared>>
    tpu.wait_dma2 semaphore(%arg20 : memref<!tpu.dma_semaphore, #tpu.memory_space<semaphore_mem>>) src(%arg10 : memref<128x128xf32, #tpu.memory_space<vmem>>) dst(%dma_wait3A_155 : memref<128x128xf32, #tpu.memory_space<vmem_shared>>)
    %dma_wait3A_156 = arith.constant 0 : i32
    %dma_wait3A_157 = arith.constant 0 : i32
    %dma_wait3A_158 = tpu.memref_slice %arg8[%dma_wait3A_156, %dma_wait3A_157] : memref<10112x128xf32, #tpu.memory_space<vmem_shared>> -> memref<128x128xf32, #tpu.memory_space<vmem_shared>>
    %dma_wait3A_159 = arith.constant 0 : i32
    %dma_wait3A_160 = arith.constant 0 : i32
    %dma_wait3A_161 = tpu.memref_slice %arg8[%dma_wait3A_159, %dma_wait3A_160] : memref<10112x128xf32, #tpu.memory_space<vmem_shared>> -> memref<128x128xf32, #tpu.memory_space<vmem_shared>>
    tpu.wait_dma2 semaphore(%arg20 : memref<!tpu.dma_semaphore, #tpu.memory_space<semaphore_mem>>) src(%arg10 : memref<128x128xf32, #tpu.memory_space<vmem>>) dst(%dma_wait3A_161 : memref<128x128xf32, #tpu.memory_space<vmem_shared>>)
    %dma_start3A_162 = arith.constant 3 : i32
    %dma_start3A_163 = arith.constant 0 : i32
    %dma_start3A_164 = tpu.memref_slice %arg11[%dma_start3A_162, %dma_start3A_163] : memref<8x128xi32, #tpu.memory_space<vmem>> -> memref<1x128xi32, #tpu.memory_space<vmem>>
    %dma_start3A_165 = tpu.memref_squeeze %dma_start3A_164 : memref<1x128xi32, #tpu.memory_space<vmem>> -> memref<128xi32, #tpu.memory_space<vmem>>
    %dma_start3A_166 = arith.constant 0 : i32
    %dma_start3A_167 = arith.constant 0 : i32
    %dma_start3A_168 = tpu.memref_slice %arg2[%dma_start3A_166, %dma_start3A_167] : memref<2000x128xf32, #tpu.memory_space<hbm>> -> memref<2000x128xf32, #tpu.memory_space<hbm>>
    tpu.enqueue_indirect_dma source(%dma_start3A_168 : memref<2000x128xf32, #tpu.memory_space<hbm>>) target(%arg10 : memref<128x128xf32, #tpu.memory_space<vmem>>) offsets(%dma_start3A_165 : memref<128xi32, #tpu.memory_space<vmem>>) semaphore(%arg18 : memref<!tpu.dma_semaphore, #tpu.memory_space<semaphore_mem>>)
    %dma_wait3A_169 = arith.constant 0 : i32
    %dma_wait3A_170 = arith.constant 0 : i32
    %dma_wait3A_171 = tpu.memref_slice %arg2[%dma_wait3A_169, %dma_wait3A_170] : memref<2000x128xf32, #tpu.memory_space<hbm>> -> memref<128x128xf32, #tpu.memory_space<hbm>>
    %dma_wait3A_172 = arith.constant 0 : i32
    %dma_wait3A_173 = arith.constant 0 : i32
    %dma_wait3A_174 = tpu.memref_slice %arg2[%dma_wait3A_172, %dma_wait3A_173] : memref<2000x128xf32, #tpu.memory_space<hbm>> -> memref<128x128xf32, #tpu.memory_space<hbm>>
    tpu.wait_dma2 semaphore(%arg18 : memref<!tpu.dma_semaphore, #tpu.memory_space<semaphore_mem>>) src(%dma_wait3A_174 : memref<128x128xf32, #tpu.memory_space<hbm>>) dst(%arg10 : memref<128x128xf32, #tpu.memory_space<vmem>>)
    %dma_start3A_175 = arith.constant 3 : i32
    %dma_start3A_176 = arith.constant 0 : i32
    %dma_start3A_177 = tpu.memref_slice %arg13[%dma_start3A_175, %dma_start3A_176] : memref<8x128xi32, #tpu.memory_space<vmem>> -> memref<1x128xi32, #tpu.memory_space<vmem>>
    %dma_start3A_178 = tpu.memref_squeeze %dma_start3A_177 : memref<1x128xi32, #tpu.memory_space<vmem>> -> memref<128xi32, #tpu.memory_space<vmem>>
    %dma_start3A_179 = arith.constant 0 : i32
    %dma_start3A_180 = arith.constant 0 : i32
    %dma_start3A_181 = tpu.memref_slice %arg8[%dma_start3A_179, %dma_start3A_180] : memref<10112x128xf32, #tpu.memory_space<vmem_shared>> -> memref<10112x128xf32, #tpu.memory_space<vmem_shared>>
    tpu.enqueue_indirect_dma source(%arg10 : memref<128x128xf32, #tpu.memory_space<vmem>>) target(%dma_start3A_181 : memref<10112x128xf32, #tpu.memory_space<vmem_shared>>) offsets(%dma_start3A_178 : memref<128xi32, #tpu.memory_space<vmem>>) semaphore(%arg20 : memref<!tpu.dma_semaphore, #tpu.memory_space<semaphore_mem>>) {add = true}
    %dma_start3A_182 = arith.constant 3 : i32
    %dma_start3A_183 = arith.constant 0 : i32
    %dma_start3A_184 = tpu.memref_slice %arg15[%dma_start3A_182, %dma_start3A_183] : memref<8x128xi32, #tpu.memory_space<vmem>> -> memref<1x128xi32, #tpu.memory_space<vmem>>
    %dma_start3A_185 = tpu.memref_squeeze %dma_start3A_184 : memref<1x128xi32, #tpu.memory_space<vmem>> -> memref<128xi32, #tpu.memory_space<vmem>>
    %dma_start3A_186 = arith.constant 0 : i32
    %dma_start3A_187 = arith.constant 0 : i32
    %dma_start3A_188 = tpu.memref_slice %arg8[%dma_start3A_186, %dma_start3A_187] : memref<10112x128xf32, #tpu.memory_space<vmem_shared>> -> memref<10112x128xf32, #tpu.memory_space<vmem_shared>>
    tpu.enqueue_indirect_dma source(%arg10 : memref<128x128xf32, #tpu.memory_space<vmem>>) target(%dma_start3A_188 : memref<10112x128xf32, #tpu.memory_space<vmem_shared>>) offsets(%dma_start3A_185 : memref<128xi32, #tpu.memory_space<vmem>>) semaphore(%arg20 : memref<!tpu.dma_semaphore, #tpu.memory_space<semaphore_mem>>) {add = true}
    %dma_wait3A_189 = arith.constant 0 : i32
    %dma_wait3A_190 = arith.constant 0 : i32
    %dma_wait3A_191 = tpu.memref_slice %arg8[%dma_wait3A_189, %dma_wait3A_190] : memref<10112x128xf32, #tpu.memory_space<vmem_shared>> -> memref<128x128xf32, #tpu.memory_space<vmem_shared>>
    %dma_wait3A_192 = arith.constant 0 : i32
    %dma_wait3A_193 = arith.constant 0 : i32
    %dma_wait3A_194 = tpu.memref_slice %arg8[%dma_wait3A_192, %dma_wait3A_193] : memref<10112x128xf32, #tpu.memory_space<vmem_shared>> -> memref<128x128xf32, #tpu.memory_space<vmem_shared>>
    tpu.wait_dma2 semaphore(%arg19 : memref<!tpu.dma_semaphore, #tpu.memory_space<semaphore_mem>>) src(%arg9 : memref<128x128xf32, #tpu.memory_space<vmem>>) dst(%dma_wait3A_194 : memref<128x128xf32, #tpu.memory_space<vmem_shared>>)
    %dma_wait3A_195 = arith.constant 0 : i32
    %dma_wait3A_196 = arith.constant 0 : i32
    %dma_wait3A_197 = tpu.memref_slice %arg8[%dma_wait3A_195, %dma_wait3A_196] : memref<10112x128xf32, #tpu.memory_space<vmem_shared>> -> memref<128x128xf32, #tpu.memory_space<vmem_shared>>
    %dma_wait3A_198 = arith.constant 0 : i32
    %dma_wait3A_199 = arith.constant 0 : i32
    %dma_wait3A_200 = tpu.memref_slice %arg8[%dma_wait3A_198, %dma_wait3A_199] : memref<10112x128xf32, #tpu.memory_space<vmem_shared>> -> memref<128x128xf32, #tpu.memory_space<vmem_shared>>
    tpu.wait_dma2 semaphore(%arg19 : memref<!tpu.dma_semaphore, #tpu.memory_space<semaphore_mem>>) src(%arg9 : memref<128x128xf32, #tpu.memory_space<vmem>>) dst(%dma_wait3A_200 : memref<128x128xf32, #tpu.memory_space<vmem_shared>>)
    %dma_start3A_201 = arith.constant 4 : i32
    %dma_start3A_202 = arith.constant 0 : i32
    %dma_start3A_203 = tpu.memref_slice %arg11[%dma_start3A_201, %dma_start3A_202] : memref<8x128xi32, #tpu.memory_space<vmem>> -> memref<1x128xi32, #tpu.memory_space<vmem>>
    %dma_start3A_204 = tpu.memref_squeeze %dma_start3A_203 : memref<1x128xi32, #tpu.memory_space<vmem>> -> memref<128xi32, #tpu.memory_space<vmem>>
    %dma_start3A_205 = arith.constant 0 : i32
    %dma_start3A_206 = arith.constant 0 : i32
    %dma_start3A_207 = tpu.memref_slice %arg2[%dma_start3A_205, %dma_start3A_206] : memref<2000x128xf32, #tpu.memory_space<hbm>> -> memref<2000x128xf32, #tpu.memory_space<hbm>>
    tpu.enqueue_indirect_dma source(%dma_start3A_207 : memref<2000x128xf32, #tpu.memory_space<hbm>>) target(%arg9 : memref<128x128xf32, #tpu.memory_space<vmem>>) offsets(%dma_start3A_204 : memref<128xi32, #tpu.memory_space<vmem>>) semaphore(%arg17 : memref<!tpu.dma_semaphore, #tpu.memory_space<semaphore_mem>>)
    %dma_wait3A_208 = arith.constant 0 : i32
    %dma_wait3A_209 = arith.constant 0 : i32
    %dma_wait3A_210 = tpu.memref_slice %arg2[%dma_wait3A_208, %dma_wait3A_209] : memref<2000x128xf32, #tpu.memory_space<hbm>> -> memref<128x128xf32, #tpu.memory_space<hbm>>
    %dma_wait3A_211 = arith.constant 0 : i32
    %dma_wait3A_212 = arith.constant 0 : i32
    %dma_wait3A_213 = tpu.memref_slice %arg2[%dma_wait3A_211, %dma_wait3A_212] : memref<2000x128xf32, #tpu.memory_space<hbm>> -> memref<128x128xf32, #tpu.memory_space<hbm>>
    tpu.wait_dma2 semaphore(%arg17 : memref<!tpu.dma_semaphore, #tpu.memory_space<semaphore_mem>>) src(%dma_wait3A_213 : memref<128x128xf32, #tpu.memory_space<hbm>>) dst(%arg9 : memref<128x128xf32, #tpu.memory_space<vmem>>)
    %dma_start3A_214 = arith.constant 4 : i32
    %dma_start3A_215 = arith.constant 0 : i32
    %dma_start3A_216 = tpu.memref_slice %arg13[%dma_start3A_214, %dma_start3A_215] : memref<8x128xi32, #tpu.memory_space<vmem>> -> memref<1x128xi32, #tpu.memory_space<vmem>>
    %dma_start3A_217 = tpu.memref_squeeze %dma_start3A_216 : memref<1x128xi32, #tpu.memory_space<vmem>> -> memref<128xi32, #tpu.memory_space<vmem>>
    %dma_start3A_218 = arith.constant 0 : i32
    %dma_start3A_219 = arith.constant 0 : i32
    %dma_start3A_220 = tpu.memref_slice %arg8[%dma_start3A_218, %dma_start3A_219] : memref<10112x128xf32, #tpu.memory_space<vmem_shared>> -> memref<10112x128xf32, #tpu.memory_space<vmem_shared>>
    tpu.enqueue_indirect_dma source(%arg9 : memref<128x128xf32, #tpu.memory_space<vmem>>) target(%dma_start3A_220 : memref<10112x128xf32, #tpu.memory_space<vmem_shared>>) offsets(%dma_start3A_217 : memref<128xi32, #tpu.memory_space<vmem>>) semaphore(%arg19 : memref<!tpu.dma_semaphore, #tpu.memory_space<semaphore_mem>>) {add = true}
    %dma_start3A_221 = arith.constant 4 : i32
    %dma_start3A_222 = arith.constant 0 : i32
    %dma_start3A_223 = tpu.memref_slice %arg15[%dma_start3A_221, %dma_start3A_222] : memref<8x128xi32, #tpu.memory_space<vmem>> -> memref<1x128xi32, #tpu.memory_space<vmem>>
    %dma_start3A_224 = tpu.memref_squeeze %dma_start3A_223 : memref<1x128xi32, #tpu.memory_space<vmem>> -> memref<128xi32, #tpu.memory_space<vmem>>
    %dma_start3A_225 = arith.constant 0 : i32
    %dma_start3A_226 = arith.constant 0 : i32
    %dma_start3A_227 = tpu.memref_slice %arg8[%dma_start3A_225, %dma_start3A_226] : memref<10112x128xf32, #tpu.memory_space<vmem_shared>> -> memref<10112x128xf32, #tpu.memory_space<vmem_shared>>
    tpu.enqueue_indirect_dma source(%arg9 : memref<128x128xf32, #tpu.memory_space<vmem>>) target(%dma_start3A_227 : memref<10112x128xf32, #tpu.memory_space<vmem_shared>>) offsets(%dma_start3A_224 : memref<128xi32, #tpu.memory_space<vmem>>) semaphore(%arg19 : memref<!tpu.dma_semaphore, #tpu.memory_space<semaphore_mem>>) {add = true}
    %dma_wait3A_228 = arith.constant 0 : i32
    %dma_wait3A_229 = arith.constant 0 : i32
    %dma_wait3A_230 = tpu.memref_slice %arg8[%dma_wait3A_228, %dma_wait3A_229] : memref<10112x128xf32, #tpu.memory_space<vmem_shared>> -> memref<128x128xf32, #tpu.memory_space<vmem_shared>>
    %dma_wait3A_231 = arith.constant 0 : i32
    %dma_wait3A_232 = arith.constant 0 : i32
    %dma_wait3A_233 = tpu.memref_slice %arg8[%dma_wait3A_231, %dma_wait3A_232] : memref<10112x128xf32, #tpu.memory_space<vmem_shared>> -> memref<128x128xf32, #tpu.memory_space<vmem_shared>>
    tpu.wait_dma2 semaphore(%arg20 : memref<!tpu.dma_semaphore, #tpu.memory_space<semaphore_mem>>) src(%arg10 : memref<128x128xf32, #tpu.memory_space<vmem>>) dst(%dma_wait3A_233 : memref<128x128xf32, #tpu.memory_space<vmem_shared>>)
    %dma_wait3A_234 = arith.constant 0 : i32
    %dma_wait3A_235 = arith.constant 0 : i32
    %dma_wait3A_236 = tpu.memref_slice %arg8[%dma_wait3A_234, %dma_wait3A_235] : memref<10112x128xf32, #tpu.memory_space<vmem_shared>> -> memref<128x128xf32, #tpu.memory_space<vmem_shared>>
    %dma_wait3A_237 = arith.constant 0 : i32
    %dma_wait3A_238 = arith.constant 0 : i32
    %dma_wait3A_239 = tpu.memref_slice %arg8[%dma_wait3A_237, %dma_wait3A_238] : memref<10112x128xf32, #tpu.memory_space<vmem_shared>> -> memref<128x128xf32, #tpu.memory_space<vmem_shared>>
    tpu.wait_dma2 semaphore(%arg20 : memref<!tpu.dma_semaphore, #tpu.memory_space<semaphore_mem>>) src(%arg10 : memref<128x128xf32, #tpu.memory_space<vmem>>) dst(%dma_wait3A_239 : memref<128x128xf32, #tpu.memory_space<vmem_shared>>)
    %dma_start3A_240 = arith.constant 5 : i32
    %dma_start3A_241 = arith.constant 0 : i32
    %dma_start3A_242 = tpu.memref_slice %arg11[%dma_start3A_240, %dma_start3A_241] : memref<8x128xi32, #tpu.memory_space<vmem>> -> memref<1x128xi32, #tpu.memory_space<vmem>>
    %dma_start3A_243 = tpu.memref_squeeze %dma_start3A_242 : memref<1x128xi32, #tpu.memory_space<vmem>> -> memref<128xi32, #tpu.memory_space<vmem>>
    %dma_start3A_244 = arith.constant 0 : i32
    %dma_start3A_245 = arith.constant 0 : i32
    %dma_start3A_246 = tpu.memref_slice %arg2[%dma_start3A_244, %dma_start3A_245] : memref<2000x128xf32, #tpu.memory_space<hbm>> -> memref<2000x128xf32, #tpu.memory_space<hbm>>
    tpu.enqueue_indirect_dma source(%dma_start3A_246 : memref<2000x128xf32, #tpu.memory_space<hbm>>) target(%arg10 : memref<128x128xf32, #tpu.memory_space<vmem>>) offsets(%dma_start3A_243 : memref<128xi32, #tpu.memory_space<vmem>>) semaphore(%arg18 : memref<!tpu.dma_semaphore, #tpu.memory_space<semaphore_mem>>)
    %dma_wait3A_247 = arith.constant 0 : i32
    %dma_wait3A_248 = arith.constant 0 : i32
    %dma_wait3A_249 = tpu.memref_slice %arg2[%dma_wait3A_247, %dma_wait3A_248] : memref<2000x128xf32, #tpu.memory_space<hbm>> -> memref<128x128xf32, #tpu.memory_space<hbm>>
    %dma_wait3A_250 = arith.constant 0 : i32
    %dma_wait3A_251 = arith.constant 0 : i32
    %dma_wait3A_252 = tpu.memref_slice %arg2[%dma_wait3A_250, %dma_wait3A_251] : memref<2000x128xf32, #tpu.memory_space<hbm>> -> memref<128x128xf32, #tpu.memory_space<hbm>>
    tpu.wait_dma2 semaphore(%arg18 : memref<!tpu.dma_semaphore, #tpu.memory_space<semaphore_mem>>) src(%dma_wait3A_252 : memref<128x128xf32, #tpu.memory_space<hbm>>) dst(%arg10 : memref<128x128xf32, #tpu.memory_space<vmem>>)
    %dma_start3A_253 = arith.constant 5 : i32
    %dma_start3A_254 = arith.constant 0 : i32
    %dma_start3A_255 = tpu.memref_slice %arg13[%dma_start3A_253, %dma_start3A_254] : memref<8x128xi32, #tpu.memory_space<vmem>> -> memref<1x128xi32, #tpu.memory_space<vmem>>
    %dma_start3A_256 = tpu.memref_squeeze %dma_start3A_255 : memref<1x128xi32, #tpu.memory_space<vmem>> -> memref<128xi32, #tpu.memory_space<vmem>>
    %dma_start3A_257 = arith.constant 0 : i32
    %dma_start3A_258 = arith.constant 0 : i32
    %dma_start3A_259 = tpu.memref_slice %arg8[%dma_start3A_257, %dma_start3A_258] : memref<10112x128xf32, #tpu.memory_space<vmem_shared>> -> memref<10112x128xf32, #tpu.memory_space<vmem_shared>>
    tpu.enqueue_indirect_dma source(%arg10 : memref<128x128xf32, #tpu.memory_space<vmem>>) target(%dma_start3A_259 : memref<10112x128xf32, #tpu.memory_space<vmem_shared>>) offsets(%dma_start3A_256 : memref<128xi32, #tpu.memory_space<vmem>>) semaphore(%arg20 : memref<!tpu.dma_semaphore, #tpu.memory_space<semaphore_mem>>) {add = true}
    %dma_start3A_260 = arith.constant 5 : i32
    %dma_start3A_261 = arith.constant 0 : i32
    %dma_start3A_262 = tpu.memref_slice %arg15[%dma_start3A_260, %dma_start3A_261] : memref<8x128xi32, #tpu.memory_space<vmem>> -> memref<1x128xi32, #tpu.memory_space<vmem>>
    %dma_start3A_263 = tpu.memref_squeeze %dma_start3A_262 : memref<1x128xi32, #tpu.memory_space<vmem>> -> memref<128xi32, #tpu.memory_space<vmem>>
    %dma_start3A_264 = arith.constant 0 : i32
    %dma_start3A_265 = arith.constant 0 : i32
    %dma_start3A_266 = tpu.memref_slice %arg8[%dma_start3A_264, %dma_start3A_265] : memref<10112x128xf32, #tpu.memory_space<vmem_shared>> -> memref<10112x128xf32, #tpu.memory_space<vmem_shared>>
    tpu.enqueue_indirect_dma source(%arg10 : memref<128x128xf32, #tpu.memory_space<vmem>>) target(%dma_start3A_266 : memref<10112x128xf32, #tpu.memory_space<vmem_shared>>) offsets(%dma_start3A_263 : memref<128xi32, #tpu.memory_space<vmem>>) semaphore(%arg20 : memref<!tpu.dma_semaphore, #tpu.memory_space<semaphore_mem>>) {add = true}
    %dma_wait3A_267 = arith.constant 0 : i32
    %dma_wait3A_268 = arith.constant 0 : i32
    %dma_wait3A_269 = tpu.memref_slice %arg8[%dma_wait3A_267, %dma_wait3A_268] : memref<10112x128xf32, #tpu.memory_space<vmem_shared>> -> memref<128x128xf32, #tpu.memory_space<vmem_shared>>
    %dma_wait3A_270 = arith.constant 0 : i32
    %dma_wait3A_271 = arith.constant 0 : i32
    %dma_wait3A_272 = tpu.memref_slice %arg8[%dma_wait3A_270, %dma_wait3A_271] : memref<10112x128xf32, #tpu.memory_space<vmem_shared>> -> memref<128x128xf32, #tpu.memory_space<vmem_shared>>
    tpu.wait_dma2 semaphore(%arg19 : memref<!tpu.dma_semaphore, #tpu.memory_space<semaphore_mem>>) src(%arg9 : memref<128x128xf32, #tpu.memory_space<vmem>>) dst(%dma_wait3A_272 : memref<128x128xf32, #tpu.memory_space<vmem_shared>>)
    %dma_wait3A_273 = arith.constant 0 : i32
    %dma_wait3A_274 = arith.constant 0 : i32
    %dma_wait3A_275 = tpu.memref_slice %arg8[%dma_wait3A_273, %dma_wait3A_274] : memref<10112x128xf32, #tpu.memory_space<vmem_shared>> -> memref<128x128xf32, #tpu.memory_space<vmem_shared>>
    %dma_wait3A_276 = arith.constant 0 : i32
    %dma_wait3A_277 = arith.constant 0 : i32
    %dma_wait3A_278 = tpu.memref_slice %arg8[%dma_wait3A_276, %dma_wait3A_277] : memref<10112x128xf32, #tpu.memory_space<vmem_shared>> -> memref<128x128xf32, #tpu.memory_space<vmem_shared>>
    tpu.wait_dma2 semaphore(%arg19 : memref<!tpu.dma_semaphore, #tpu.memory_space<semaphore_mem>>) src(%arg9 : memref<128x128xf32, #tpu.memory_space<vmem>>) dst(%dma_wait3A_278 : memref<128x128xf32, #tpu.memory_space<vmem_shared>>)
    %dma_start3A_279 = arith.constant 6 : i32
    %dma_start3A_280 = arith.constant 0 : i32
    %dma_start3A_281 = tpu.memref_slice %arg11[%dma_start3A_279, %dma_start3A_280] : memref<8x128xi32, #tpu.memory_space<vmem>> -> memref<1x128xi32, #tpu.memory_space<vmem>>
    %dma_start3A_282 = tpu.memref_squeeze %dma_start3A_281 : memref<1x128xi32, #tpu.memory_space<vmem>> -> memref<128xi32, #tpu.memory_space<vmem>>
    %dma_start3A_283 = arith.constant 0 : i32
    %dma_start3A_284 = arith.constant 0 : i32
    %dma_start3A_285 = tpu.memref_slice %arg2[%dma_start3A_283, %dma_start3A_284] : memref<2000x128xf32, #tpu.memory_space<hbm>> -> memref<2000x128xf32, #tpu.memory_space<hbm>>
    tpu.enqueue_indirect_dma source(%dma_start3A_285 : memref<2000x128xf32, #tpu.memory_space<hbm>>) target(%arg9 : memref<128x128xf32, #tpu.memory_space<vmem>>) offsets(%dma_start3A_282 : memref<128xi32, #tpu.memory_space<vmem>>) semaphore(%arg17 : memref<!tpu.dma_semaphore, #tpu.memory_space<semaphore_mem>>)
    %dma_wait3A_286 = arith.constant 0 : i32
    %dma_wait3A_287 = arith.constant 0 : i32
    %dma_wait3A_288 = tpu.memref_slice %arg2[%dma_wait3A_286, %dma_wait3A_287] : memref<2000x128xf32, #tpu.memory_space<hbm>> -> memref<128x128xf32, #tpu.memory_space<hbm>>
    %dma_wait3A_289 = arith.constant 0 : i32
    %dma_wait3A_290 = arith.constant 0 : i32
    %dma_wait3A_291 = tpu.memref_slice %arg2[%dma_wait3A_289, %dma_wait3A_290] : memref<2000x128xf32, #tpu.memory_space<hbm>> -> memref<128x128xf32, #tpu.memory_space<hbm>>
    tpu.wait_dma2 semaphore(%arg17 : memref<!tpu.dma_semaphore, #tpu.memory_space<semaphore_mem>>) src(%dma_wait3A_291 : memref<128x128xf32, #tpu.memory_space<hbm>>) dst(%arg9 : memref<128x128xf32, #tpu.memory_space<vmem>>)
    %dma_start3A_292 = arith.constant 6 : i32
    %dma_start3A_293 = arith.constant 0 : i32
    %dma_start3A_294 = tpu.memref_slice %arg13[%dma_start3A_292, %dma_start3A_293] : memref<8x128xi32, #tpu.memory_space<vmem>> -> memref<1x128xi32, #tpu.memory_space<vmem>>
    %dma_start3A_295 = tpu.memref_squeeze %dma_start3A_294 : memref<1x128xi32, #tpu.memory_space<vmem>> -> memref<128xi32, #tpu.memory_space<vmem>>
    %dma_start3A_296 = arith.constant 0 : i32
    %dma_start3A_297 = arith.constant 0 : i32
    %dma_start3A_298 = tpu.memref_slice %arg8[%dma_start3A_296, %dma_start3A_297] : memref<10112x128xf32, #tpu.memory_space<vmem_shared>> -> memref<10112x128xf32, #tpu.memory_space<vmem_shared>>
    tpu.enqueue_indirect_dma source(%arg9 : memref<128x128xf32, #tpu.memory_space<vmem>>) target(%dma_start3A_298 : memref<10112x128xf32, #tpu.memory_space<vmem_shared>>) offsets(%dma_start3A_295 : memref<128xi32, #tpu.memory_space<vmem>>) semaphore(%arg19 : memref<!tpu.dma_semaphore, #tpu.memory_space<semaphore_mem>>) {add = true}
    %dma_start3A_299 = arith.constant 6 : i32
    %dma_start3A_300 = arith.constant 0 : i32
    %dma_start3A_301 = tpu.memref_slice %arg15[%dma_start3A_299, %dma_start3A_300] : memref<8x128xi32, #tpu.memory_space<vmem>> -> memref<1x128xi32, #tpu.memory_space<vmem>>
    %dma_start3A_302 = tpu.memref_squeeze %dma_start3A_301 : memref<1x128xi32, #tpu.memory_space<vmem>> -> memref<128xi32, #tpu.memory_space<vmem>>
    %dma_start3A_303 = arith.constant 0 : i32
    %dma_start3A_304 = arith.constant 0 : i32
    %dma_start3A_305 = tpu.memref_slice %arg8[%dma_start3A_303, %dma_start3A_304] : memref<10112x128xf32, #tpu.memory_space<vmem_shared>> -> memref<10112x128xf32, #tpu.memory_space<vmem_shared>>
    tpu.enqueue_indirect_dma source(%arg9 : memref<128x128xf32, #tpu.memory_space<vmem>>) target(%dma_start3A_305 : memref<10112x128xf32, #tpu.memory_space<vmem_shared>>) offsets(%dma_start3A_302 : memref<128xi32, #tpu.memory_space<vmem>>) semaphore(%arg19 : memref<!tpu.dma_semaphore, #tpu.memory_space<semaphore_mem>>) {add = true}
    %dma_wait3A_306 = arith.constant 0 : i32
    %dma_wait3A_307 = arith.constant 0 : i32
    %dma_wait3A_308 = tpu.memref_slice %arg8[%dma_wait3A_306, %dma_wait3A_307] : memref<10112x128xf32, #tpu.memory_space<vmem_shared>> -> memref<128x128xf32, #tpu.memory_space<vmem_shared>>
    %dma_wait3A_309 = arith.constant 0 : i32
    %dma_wait3A_310 = arith.constant 0 : i32
    %dma_wait3A_311 = tpu.memref_slice %arg8[%dma_wait3A_309, %dma_wait3A_310] : memref<10112x128xf32, #tpu.memory_space<vmem_shared>> -> memref<128x128xf32, #tpu.memory_space<vmem_shared>>
    tpu.wait_dma2 semaphore(%arg20 : memref<!tpu.dma_semaphore, #tpu.memory_space<semaphore_mem>>) src(%arg10 : memref<128x128xf32, #tpu.memory_space<vmem>>) dst(%dma_wait3A_311 : memref<128x128xf32, #tpu.memory_space<vmem_shared>>)
    %dma_wait3A_312 = arith.constant 0 : i32
    %dma_wait3A_313 = arith.constant 0 : i32
    %dma_wait3A_314 = tpu.memref_slice %arg8[%dma_wait3A_312, %dma_wait3A_313] : memref<10112x128xf32, #tpu.memory_space<vmem_shared>> -> memref<128x128xf32, #tpu.memory_space<vmem_shared>>
    %dma_wait3A_315 = arith.constant 0 : i32
    %dma_wait3A_316 = arith.constant 0 : i32
    %dma_wait3A_317 = tpu.memref_slice %arg8[%dma_wait3A_315, %dma_wait3A_316] : memref<10112x128xf32, #tpu.memory_space<vmem_shared>> -> memref<128x128xf32, #tpu.memory_space<vmem_shared>>
    tpu.wait_dma2 semaphore(%arg20 : memref<!tpu.dma_semaphore, #tpu.memory_space<semaphore_mem>>) src(%arg10 : memref<128x128xf32, #tpu.memory_space<vmem>>) dst(%dma_wait3A_317 : memref<128x128xf32, #tpu.memory_space<vmem_shared>>)
    %dma_start3A_318 = arith.constant 7 : i32
    %dma_start3A_319 = arith.constant 0 : i32
    %dma_start3A_320 = tpu.memref_slice %arg11[%dma_start3A_318, %dma_start3A_319] : memref<8x128xi32, #tpu.memory_space<vmem>> -> memref<1x128xi32, #tpu.memory_space<vmem>>
    %dma_start3A_321 = tpu.memref_squeeze %dma_start3A_320 : memref<1x128xi32, #tpu.memory_space<vmem>> -> memref<128xi32, #tpu.memory_space<vmem>>
    %dma_start3A_322 = arith.constant 0 : i32
    %dma_start3A_323 = arith.constant 0 : i32
    %dma_start3A_324 = tpu.memref_slice %arg2[%dma_start3A_322, %dma_start3A_323] : memref<2000x128xf32, #tpu.memory_space<hbm>> -> memref<2000x128xf32, #tpu.memory_space<hbm>>
    tpu.enqueue_indirect_dma source(%dma_start3A_324 : memref<2000x128xf32, #tpu.memory_space<hbm>>) target(%arg10 : memref<128x128xf32, #tpu.memory_space<vmem>>) offsets(%dma_start3A_321 : memref<128xi32, #tpu.memory_space<vmem>>) semaphore(%arg18 : memref<!tpu.dma_semaphore, #tpu.memory_space<semaphore_mem>>)
    %dma_wait3A_325 = arith.constant 0 : i32
    %dma_wait3A_326 = arith.constant 0 : i32
    %dma_wait3A_327 = tpu.memref_slice %arg2[%dma_wait3A_325, %dma_wait3A_326] : memref<2000x128xf32, #tpu.memory_space<hbm>> -> memref<128x128xf32, #tpu.memory_space<hbm>>
    %dma_wait3A_328 = arith.constant 0 : i32
    %dma_wait3A_329 = arith.constant 0 : i32
    %dma_wait3A_330 = tpu.memref_slice %arg2[%dma_wait3A_328, %dma_wait3A_329] : memref<2000x128xf32, #tpu.memory_space<hbm>> -> memref<128x128xf32, #tpu.memory_space<hbm>>
    tpu.wait_dma2 semaphore(%arg18 : memref<!tpu.dma_semaphore, #tpu.memory_space<semaphore_mem>>) src(%dma_wait3A_330 : memref<128x128xf32, #tpu.memory_space<hbm>>) dst(%arg10 : memref<128x128xf32, #tpu.memory_space<vmem>>)
    %dma_start3A_331 = arith.constant 7 : i32
    %dma_start3A_332 = arith.constant 0 : i32
    %dma_start3A_333 = tpu.memref_slice %arg13[%dma_start3A_331, %dma_start3A_332] : memref<8x128xi32, #tpu.memory_space<vmem>> -> memref<1x128xi32, #tpu.memory_space<vmem>>
    %dma_start3A_334 = tpu.memref_squeeze %dma_start3A_333 : memref<1x128xi32, #tpu.memory_space<vmem>> -> memref<128xi32, #tpu.memory_space<vmem>>
    %dma_start3A_335 = arith.constant 0 : i32
    %dma_start3A_336 = arith.constant 0 : i32
    %dma_start3A_337 = tpu.memref_slice %arg8[%dma_start3A_335, %dma_start3A_336] : memref<10112x128xf32, #tpu.memory_space<vmem_shared>> -> memref<10112x128xf32, #tpu.memory_space<vmem_shared>>
    tpu.enqueue_indirect_dma source(%arg10 : memref<128x128xf32, #tpu.memory_space<vmem>>) target(%dma_start3A_337 : memref<10112x128xf32, #tpu.memory_space<vmem_shared>>) offsets(%dma_start3A_334 : memref<128xi32, #tpu.memory_space<vmem>>) semaphore(%arg20 : memref<!tpu.dma_semaphore, #tpu.memory_space<semaphore_mem>>) {add = true}
    %dma_start3A_338 = arith.constant 7 : i32
    %dma_start3A_339 = arith.constant 0 : i32
    %dma_start3A_340 = tpu.memref_slice %arg15[%dma_start3A_338, %dma_start3A_339] : memref<8x128xi32, #tpu.memory_space<vmem>> -> memref<1x128xi32, #tpu.memory_space<vmem>>
    %dma_start3A_341 = tpu.memref_squeeze %dma_start3A_340 : memref<1x128xi32, #tpu.memory_space<vmem>> -> memref<128xi32, #tpu.memory_space<vmem>>
    %dma_start3A_342 = arith.constant 0 : i32
    %dma_start3A_343 = arith.constant 0 : i32
    %dma_start3A_344 = tpu.memref_slice %arg8[%dma_start3A_342, %dma_start3A_343] : memref<10112x128xf32, #tpu.memory_space<vmem_shared>> -> memref<10112x128xf32, #tpu.memory_space<vmem_shared>>
    tpu.enqueue_indirect_dma source(%arg10 : memref<128x128xf32, #tpu.memory_space<vmem>>) target(%dma_start3A_344 : memref<10112x128xf32, #tpu.memory_space<vmem_shared>>) offsets(%dma_start3A_341 : memref<128xi32, #tpu.memory_space<vmem>>) semaphore(%arg20 : memref<!tpu.dma_semaphore, #tpu.memory_space<semaphore_mem>>) {add = true}
    %dma_wait3A_345 = arith.constant 0 : i32
    %dma_wait3A_346 = arith.constant 0 : i32
    %dma_wait3A_347 = tpu.memref_slice %arg8[%dma_wait3A_345, %dma_wait3A_346] : memref<10112x128xf32, #tpu.memory_space<vmem_shared>> -> memref<128x128xf32, #tpu.memory_space<vmem_shared>>
    %dma_wait3A_348 = arith.constant 0 : i32
    %dma_wait3A_349 = arith.constant 0 : i32
    %dma_wait3A_350 = tpu.memref_slice %arg8[%dma_wait3A_348, %dma_wait3A_349] : memref<10112x128xf32, #tpu.memory_space<vmem_shared>> -> memref<128x128xf32, #tpu.memory_space<vmem_shared>>
    tpu.wait_dma2 semaphore(%arg19 : memref<!tpu.dma_semaphore, #tpu.memory_space<semaphore_mem>>) src(%arg9 : memref<128x128xf32, #tpu.memory_space<vmem>>) dst(%dma_wait3A_350 : memref<128x128xf32, #tpu.memory_space<vmem_shared>>)
    %dma_wait3A_351 = arith.constant 0 : i32
    %dma_wait3A_352 = arith.constant 0 : i32
    %dma_wait3A_353 = tpu.memref_slice %arg8[%dma_wait3A_351, %dma_wait3A_352] : memref<10112x128xf32, #tpu.memory_space<vmem_shared>> -> memref<128x128xf32, #tpu.memory_space<vmem_shared>>
    %dma_wait3A_354 = arith.constant 0 : i32
    %dma_wait3A_355 = arith.constant 0 : i32
    %dma_wait3A_356 = tpu.memref_slice %arg8[%dma_wait3A_354, %dma_wait3A_355] : memref<10112x128xf32, #tpu.memory_space<vmem_shared>> -> memref<128x128xf32, #tpu.memory_space<vmem_shared>>
    tpu.wait_dma2 semaphore(%arg19 : memref<!tpu.dma_semaphore, #tpu.memory_space<semaphore_mem>>) src(%arg9 : memref<128x128xf32, #tpu.memory_space<vmem>>) dst(%dma_wait3A_356 : memref<128x128xf32, #tpu.memory_space<vmem_shared>>)
    %dma_wait3A_357 = arith.constant 0 : i32
    %dma_wait3A_358 = arith.constant 0 : i32
    %dma_wait3A_359 = tpu.memref_slice %arg3[%dma_wait3A_357, %dma_wait3A_358] : memref<2560x128xi32, #tpu.memory_space<hbm>> -> memref<8x128xi32, #tpu.memory_space<hbm>>
    %dma_wait3A_360 = arith.constant 0 : i32
    %dma_wait3A_361 = arith.constant 0 : i32
    %dma_wait3A_362 = tpu.memref_slice %arg3[%dma_wait3A_360, %dma_wait3A_361] : memref<2560x128xi32, #tpu.memory_space<hbm>> -> memref<8x128xi32, #tpu.memory_space<hbm>>
    tpu.wait_dma2 semaphore(%arg22 : memref<!tpu.dma_semaphore, #tpu.memory_space<semaphore_mem>>) src(%dma_wait3A_362 : memref<8x128xi32, #tpu.memory_space<hbm>>) dst(%arg12 : memref<8x128xi32, #tpu.memory_space<vmem>>)
    %dma_wait3A_363 = arith.constant 0 : i32
    %dma_wait3A_364 = arith.constant 0 : i32
    %dma_wait3A_365 = tpu.memref_slice %arg3[%dma_wait3A_363, %dma_wait3A_364] : memref<2560x128xi32, #tpu.memory_space<hbm>> -> memref<8x128xi32, #tpu.memory_space<hbm>>
    %dma_wait3A_366 = arith.constant 0 : i32
    %dma_wait3A_367 = arith.constant 0 : i32
    %dma_wait3A_368 = tpu.memref_slice %arg3[%dma_wait3A_366, %dma_wait3A_367] : memref<2560x128xi32, #tpu.memory_space<hbm>> -> memref<8x128xi32, #tpu.memory_space<hbm>>
    tpu.wait_dma2 semaphore(%arg22 : memref<!tpu.dma_semaphore, #tpu.memory_space<semaphore_mem>>) src(%dma_wait3A_368 : memref<8x128xi32, #tpu.memory_space<hbm>>) dst(%arg14 : memref<8x128xi32, #tpu.memory_space<vmem>>)
    %dma_wait3A_369 = arith.constant 0 : i32
    %dma_wait3A_370 = arith.constant 0 : i32
    %dma_wait3A_371 = tpu.memref_slice %arg3[%dma_wait3A_369, %dma_wait3A_370] : memref<2560x128xi32, #tpu.memory_space<hbm>> -> memref<8x128xi32, #tpu.memory_space<hbm>>
    %dma_wait3A_372 = arith.constant 0 : i32
    %dma_wait3A_373 = arith.constant 0 : i32
    %dma_wait3A_374 = tpu.memref_slice %arg3[%dma_wait3A_372, %dma_wait3A_373] : memref<2560x128xi32, #tpu.memory_space<hbm>> -> memref<8x128xi32, #tpu.memory_space<hbm>>
    tpu.wait_dma2 semaphore(%arg22 : memref<!tpu.dma_semaphore, #tpu.memory_space<semaphore_mem>>) src(%dma_wait3A_374 : memref<8x128xi32, #tpu.memory_space<hbm>>) dst(%arg16 : memref<8x128xi32, #tpu.memory_space<vmem>>)
    %dma_start3A_375 = arith.constant 0 : i32
    %dma_start3A_376 = arith.constant 0 : i32
    %dma_start3A_377 = tpu.memref_slice %arg12[%dma_start3A_375, %dma_start3A_376] : memref<8x128xi32, #tpu.memory_space<vmem>> -> memref<1x128xi32, #tpu.memory_space<vmem>>
    %dma_start3A_378 = tpu.memref_squeeze %dma_start3A_377 : memref<1x128xi32, #tpu.memory_space<vmem>> -> memref<128xi32, #tpu.memory_space<vmem>>
    %dma_start3A_379 = arith.constant 0 : i32
    %dma_start3A_380 = arith.constant 0 : i32
    %dma_start3A_381 = tpu.memref_slice %arg2[%dma_start3A_379, %dma_start3A_380] : memref<2000x128xf32, #tpu.memory_space<hbm>> -> memref<2000x128xf32, #tpu.memory_space<hbm>>
    tpu.enqueue_indirect_dma source(%dma_start3A_381 : memref<2000x128xf32, #tpu.memory_space<hbm>>) target(%arg9 : memref<128x128xf32, #tpu.memory_space<vmem>>) offsets(%dma_start3A_378 : memref<128xi32, #tpu.memory_space<vmem>>) semaphore(%arg17 : memref<!tpu.dma_semaphore, #tpu.memory_space<semaphore_mem>>)
    %dma_wait3A_382 = arith.constant 0 : i32
    %dma_wait3A_383 = arith.constant 0 : i32
    %dma_wait3A_384 = tpu.memref_slice %arg2[%dma_wait3A_382, %dma_wait3A_383] : memref<2000x128xf32, #tpu.memory_space<hbm>> -> memref<128x128xf32, #tpu.memory_space<hbm>>
    %dma_wait3A_385 = arith.constant 0 : i32
    %dma_wait3A_386 = arith.constant 0 : i32
    %dma_wait3A_387 = tpu.memref_slice %arg2[%dma_wait3A_385, %dma_wait3A_386] : memref<2000x128xf32, #tpu.memory_space<hbm>> -> memref<128x128xf32, #tpu.memory_space<hbm>>
    tpu.wait_dma2 semaphore(%arg17 : memref<!tpu.dma_semaphore, #tpu.memory_space<semaphore_mem>>) src(%dma_wait3A_387 : memref<128x128xf32, #tpu.memory_space<hbm>>) dst(%arg9 : memref<128x128xf32, #tpu.memory_space<vmem>>)
    %dma_start3A_388 = arith.constant 0 : i32
    %dma_start3A_389 = arith.constant 0 : i32
    %dma_start3A_390 = tpu.memref_slice %arg14[%dma_start3A_388, %dma_start3A_389] : memref<8x128xi32, #tpu.memory_space<vmem>> -> memref<1x128xi32, #tpu.memory_space<vmem>>
    %dma_start3A_391 = tpu.memref_squeeze %dma_start3A_390 : memref<1x128xi32, #tpu.memory_space<vmem>> -> memref<128xi32, #tpu.memory_space<vmem>>
    %dma_start3A_392 = arith.constant 0 : i32
    %dma_start3A_393 = arith.constant 0 : i32
    %dma_start3A_394 = tpu.memref_slice %arg8[%dma_start3A_392, %dma_start3A_393] : memref<10112x128xf32, #tpu.memory_space<vmem_shared>> -> memref<10112x128xf32, #tpu.memory_space<vmem_shared>>
    tpu.enqueue_indirect_dma source(%arg9 : memref<128x128xf32, #tpu.memory_space<vmem>>) target(%dma_start3A_394 : memref<10112x128xf32, #tpu.memory_space<vmem_shared>>) offsets(%dma_start3A_391 : memref<128xi32, #tpu.memory_space<vmem>>) semaphore(%arg19 : memref<!tpu.dma_semaphore, #tpu.memory_space<semaphore_mem>>) {add = true}
    %dma_start3A_395 = arith.constant 0 : i32
    %dma_start3A_396 = arith.constant 0 : i32
    %dma_start3A_397 = tpu.memref_slice %arg16[%dma_start3A_395, %dma_start3A_396] : memref<8x128xi32, #tpu.memory_space<vmem>> -> memref<1x128xi32, #tpu.memory_space<vmem>>
    %dma_start3A_398 = tpu.memref_squeeze %dma_start3A_397 : memref<1x128xi32, #tpu.memory_space<vmem>> -> memref<128xi32, #tpu.memory_space<vmem>>
    %dma_start3A_399 = arith.constant 0 : i32
    %dma_start3A_400 = arith.constant 0 : i32
    %dma_start3A_401 = tpu.memref_slice %arg8[%dma_start3A_399, %dma_start3A_400] : memref<10112x128xf32, #tpu.memory_space<vmem_shared>> -> memref<10112x128xf32, #tpu.memory_space<vmem_shared>>
    tpu.enqueue_indirect_dma source(%arg9 : memref<128x128xf32, #tpu.memory_space<vmem>>) target(%dma_start3A_401 : memref<10112x128xf32, #tpu.memory_space<vmem_shared>>) offsets(%dma_start3A_398 : memref<128xi32, #tpu.memory_space<vmem>>) semaphore(%arg19 : memref<!tpu.dma_semaphore, #tpu.memory_space<semaphore_mem>>) {add = true}
    %dma_wait3A_402 = arith.constant 0 : i32
    %dma_wait3A_403 = arith.constant 0 : i32
    %dma_wait3A_404 = tpu.memref_slice %arg8[%dma_wait3A_402, %dma_wait3A_403] : memref<10112x128xf32, #tpu.memory_space<vmem_shared>> -> memref<128x128xf32, #tpu.memory_space<vmem_shared>>
    %dma_wait3A_405 = arith.constant 0 : i32
    %dma_wait3A_406 = arith.constant 0 : i32
    %dma_wait3A_407 = tpu.memref_slice %arg8[%dma_wait3A_405, %dma_wait3A_406] : memref<10112x128xf32, #tpu.memory_space<vmem_shared>> -> memref<128x128xf32, #tpu.memory_space<vmem_shared>>
    tpu.wait_dma2 semaphore(%arg20 : memref<!tpu.dma_semaphore, #tpu.memory_space<semaphore_mem>>) src(%arg10 : memref<128x128xf32, #tpu.memory_space<vmem>>) dst(%dma_wait3A_407 : memref<128x128xf32, #tpu.memory_space<vmem_shared>>)
    %dma_wait3A_408 = arith.constant 0 : i32
    %dma_wait3A_409 = arith.constant 0 : i32
    %dma_wait3A_410 = tpu.memref_slice %arg8[%dma_wait3A_408, %dma_wait3A_409] : memref<10112x128xf32, #tpu.memory_space<vmem_shared>> -> memref<128x128xf32, #tpu.memory_space<vmem_shared>>
    %dma_wait3A_411 = arith.constant 0 : i32
    %dma_wait3A_412 = arith.constant 0 : i32
    %dma_wait3A_413 = tpu.memref_slice %arg8[%dma_wait3A_411, %dma_wait3A_412] : memref<10112x128xf32, #tpu.memory_space<vmem_shared>> -> memref<128x128xf32, #tpu.memory_space<vmem_shared>>
    tpu.wait_dma2 semaphore(%arg20 : memref<!tpu.dma_semaphore, #tpu.memory_space<semaphore_mem>>) src(%arg10 : memref<128x128xf32, #tpu.memory_space<vmem>>) dst(%dma_wait3A_413 : memref<128x128xf32, #tpu.memory_space<vmem_shared>>)
    %add3A_414 = arith.constant 16 : i32
    %add3A_415 = arith.addi %mul3A_2, %add3A_414 : i32
    %dma_start3A_416 = arith.constant 0 : i32
    %dma_start3A_417 = tpu.memref_slice %arg3[%add3A_415, %dma_start3A_416] : memref<2560x128xi32, #tpu.memory_space<hbm>> -> memref<8x128xi32, #tpu.memory_space<hbm>>
    %dma_start3A_418 = arith.constant 0 : i32
    %dma_start3A_419 = tpu.memref_slice %arg3[%add3A_415, %dma_start3A_418] : memref<2560x128xi32, #tpu.memory_space<hbm>> -> memref<8x128xi32, #tpu.memory_space<hbm>>
    tpu.enqueue_dma source(%dma_start3A_419 : memref<8x128xi32, #tpu.memory_space<hbm>>) target(%arg11 : memref<8x128xi32, #tpu.memory_space<vmem>>) target_semaphore(%arg21 : memref<!tpu.dma_semaphore, #tpu.memory_space<semaphore_mem>>)
    %add3A_420 = arith.constant 16 : i32
    %add3A_421 = arith.addi %mul3A_2, %add3A_420 : i32
    %dma_start3A_422 = arith.constant 0 : i32
    %dma_start3A_423 = tpu.memref_slice %arg4[%add3A_421, %dma_start3A_422] : memref<2560x128xi32, #tpu.memory_space<hbm>> -> memref<8x128xi32, #tpu.memory_space<hbm>>
    %dma_start3A_424 = arith.constant 0 : i32
    %dma_start3A_425 = tpu.memref_slice %arg4[%add3A_421, %dma_start3A_424] : memref<2560x128xi32, #tpu.memory_space<hbm>> -> memref<8x128xi32, #tpu.memory_space<hbm>>
    tpu.enqueue_dma source(%dma_start3A_425 : memref<8x128xi32, #tpu.memory_space<hbm>>) target(%arg13 : memref<8x128xi32, #tpu.memory_space<vmem>>) target_semaphore(%arg21 : memref<!tpu.dma_semaphore, #tpu.memory_space<semaphore_mem>>)
    %add3A_426 = arith.constant 16 : i32
    %add3A_427 = arith.addi %mul3A_2, %add3A_426 : i32
    %dma_start3A_428 = arith.constant 0 : i32
    %dma_start3A_429 = tpu.memref_slice %arg5[%add3A_427, %dma_start3A_428] : memref<2560x128xi32, #tpu.memory_space<hbm>> -> memref<8x128xi32, #tpu.memory_space<hbm>>
    %dma_start3A_430 = arith.constant 0 : i32
    %dma_start3A_431 = tpu.memref_slice %arg5[%add3A_427, %dma_start3A_430] : memref<2560x128xi32, #tpu.memory_space<hbm>> -> memref<8x128xi32, #tpu.memory_space<hbm>>
    tpu.enqueue_dma source(%dma_start3A_431 : memref<8x128xi32, #tpu.memory_space<hbm>>) target(%arg15 : memref<8x128xi32, #tpu.memory_space<vmem>>) target_semaphore(%arg21 : memref<!tpu.dma_semaphore, #tpu.memory_space<semaphore_mem>>)
    %dma_start3A_432 = arith.constant 1 : i32
    %dma_start3A_433 = arith.constant 0 : i32
    %dma_start3A_434 = tpu.memref_slice %arg12[%dma_start3A_432, %dma_start3A_433] : memref<8x128xi32, #tpu.memory_space<vmem>> -> memref<1x128xi32, #tpu.memory_space<vmem>>
    %dma_start3A_435 = tpu.memref_squeeze %dma_start3A_434 : memref<1x128xi32, #tpu.memory_space<vmem>> -> memref<128xi32, #tpu.memory_space<vmem>>
    %dma_start3A_436 = arith.constant 0 : i32
    %dma_start3A_437 = arith.constant 0 : i32
    %dma_start3A_438 = tpu.memref_slice %arg2[%dma_start3A_436, %dma_start3A_437] : memref<2000x128xf32, #tpu.memory_space<hbm>> -> memref<2000x128xf32, #tpu.memory_space<hbm>>
    tpu.enqueue_indirect_dma source(%dma_start3A_438 : memref<2000x128xf32, #tpu.memory_space<hbm>>) target(%arg10 : memref<128x128xf32, #tpu.memory_space<vmem>>) offsets(%dma_start3A_435 : memref<128xi32, #tpu.memory_space<vmem>>) semaphore(%arg18 : memref<!tpu.dma_semaphore, #tpu.memory_space<semaphore_mem>>)
    %dma_wait3A_439 = arith.constant 0 : i32
    %dma_wait3A_440 = arith.constant 0 : i32
    %dma_wait3A_441 = tpu.memref_slice %arg2[%dma_wait3A_439, %dma_wait3A_440] : memref<2000x128xf32, #tpu.memory_space<hbm>> -> memref<128x128xf32, #tpu.memory_space<hbm>>
    %dma_wait3A_442 = arith.constant 0 : i32
    %dma_wait3A_443 = arith.constant 0 : i32
    %dma_wait3A_444 = tpu.memref_slice %arg2[%dma_wait3A_442, %dma_wait3A_443] : memref<2000x128xf32, #tpu.memory_space<hbm>> -> memref<128x128xf32, #tpu.memory_space<hbm>>
    tpu.wait_dma2 semaphore(%arg18 : memref<!tpu.dma_semaphore, #tpu.memory_space<semaphore_mem>>) src(%dma_wait3A_444 : memref<128x128xf32, #tpu.memory_space<hbm>>) dst(%arg10 : memref<128x128xf32, #tpu.memory_space<vmem>>)
    %dma_start3A_445 = arith.constant 1 : i32
    %dma_start3A_446 = arith.constant 0 : i32
    %dma_start3A_447 = tpu.memref_slice %arg14[%dma_start3A_445, %dma_start3A_446] : memref<8x128xi32, #tpu.memory_space<vmem>> -> memref<1x128xi32, #tpu.memory_space<vmem>>
    %dma_start3A_448 = tpu.memref_squeeze %dma_start3A_447 : memref<1x128xi32, #tpu.memory_space<vmem>> -> memref<128xi32, #tpu.memory_space<vmem>>
    %dma_start3A_449 = arith.constant 0 : i32
    %dma_start3A_450 = arith.constant 0 : i32
    %dma_start3A_451 = tpu.memref_slice %arg8[%dma_start3A_449, %dma_start3A_450] : memref<10112x128xf32, #tpu.memory_space<vmem_shared>> -> memref<10112x128xf32, #tpu.memory_space<vmem_shared>>
    tpu.enqueue_indirect_dma source(%arg10 : memref<128x128xf32, #tpu.memory_space<vmem>>) target(%dma_start3A_451 : memref<10112x128xf32, #tpu.memory_space<vmem_shared>>) offsets(%dma_start3A_448 : memref<128xi32, #tpu.memory_space<vmem>>) semaphore(%arg20 : memref<!tpu.dma_semaphore, #tpu.memory_space<semaphore_mem>>) {add = true}
    %dma_start3A_452 = arith.constant 1 : i32
    %dma_start3A_453 = arith.constant 0 : i32
    %dma_start3A_454 = tpu.memref_slice %arg16[%dma_start3A_452, %dma_start3A_453] : memref<8x128xi32, #tpu.memory_space<vmem>> -> memref<1x128xi32, #tpu.memory_space<vmem>>
    %dma_start3A_455 = tpu.memref_squeeze %dma_start3A_454 : memref<1x128xi32, #tpu.memory_space<vmem>> -> memref<128xi32, #tpu.memory_space<vmem>>
    %dma_start3A_456 = arith.constant 0 : i32
    %dma_start3A_457 = arith.constant 0 : i32
    %dma_start3A_458 = tpu.memref_slice %arg8[%dma_start3A_456, %dma_start3A_457] : memref<10112x128xf32, #tpu.memory_space<vmem_shared>> -> memref<10112x128xf32, #tpu.memory_space<vmem_shared>>
    tpu.enqueue_indirect_dma source(%arg10 : memref<128x128xf32, #tpu.memory_space<vmem>>) target(%dma_start3A_458 : memref<10112x128xf32, #tpu.memory_space<vmem_shared>>) offsets(%dma_start3A_455 : memref<128xi32, #tpu.memory_space<vmem>>) semaphore(%arg20 : memref<!tpu.dma_semaphore, #tpu.memory_space<semaphore_mem>>) {add = true}
    %dma_wait3A_459 = arith.constant 0 : i32
    %dma_wait3A_460 = arith.constant 0 : i32
    %dma_wait3A_461 = tpu.memref_slice %arg8[%dma_wait3A_459, %dma_wait3A_460] : memref<10112x128xf32, #tpu.memory_space<vmem_shared>> -> memref<128x128xf32, #tpu.memory_space<vmem_shared>>
    %dma_wait3A_462 = arith.constant 0 : i32
    %dma_wait3A_463 = arith.constant 0 : i32
    %dma_wait3A_464 = tpu.memref_slice %arg8[%dma_wait3A_462, %dma_wait3A_463] : memref<10112x128xf32, #tpu.memory_space<vmem_shared>> -> memref<128x128xf32, #tpu.memory_space<vmem_shared>>
    tpu.wait_dma2 semaphore(%arg19 : memref<!tpu.dma_semaphore, #tpu.memory_space<semaphore_mem>>) src(%arg9 : memref<128x128xf32, #tpu.memory_space<vmem>>) dst(%dma_wait3A_464 : memref<128x128xf32, #tpu.memory_space<vmem_shared>>)
    %dma_wait3A_465 = arith.constant 0 : i32
    %dma_wait3A_466 = arith.constant 0 : i32
    %dma_wait3A_467 = tpu.memref_slice %arg8[%dma_wait3A_465, %dma_wait3A_466] : memref<10112x128xf32, #tpu.memory_space<vmem_shared>> -> memref<128x128xf32, #tpu.memory_space<vmem_shared>>
    %dma_wait3A_468 = arith.constant 0 : i32
    %dma_wait3A_469 = arith.constant 0 : i32
    %dma_wait3A_470 = tpu.memref_slice %arg8[%dma_wait3A_468, %dma_wait3A_469] : memref<10112x128xf32, #tpu.memory_space<vmem_shared>> -> memref<128x128xf32, #tpu.memory_space<vmem_shared>>
    tpu.wait_dma2 semaphore(%arg19 : memref<!tpu.dma_semaphore, #tpu.memory_space<semaphore_mem>>) src(%arg9 : memref<128x128xf32, #tpu.memory_space<vmem>>) dst(%dma_wait3A_470 : memref<128x128xf32, #tpu.memory_space<vmem_shared>>)
    %dma_start3A_471 = arith.constant 2 : i32
    %dma_start3A_472 = arith.constant 0 : i32
    %dma_start3A_473 = tpu.memref_slice %arg12[%dma_start3A_471, %dma_start3A_472] : memref<8x128xi32, #tpu.memory_space<vmem>> -> memref<1x128xi32, #tpu.memory_space<vmem>>
    %dma_start3A_474 = tpu.memref_squeeze %dma_start3A_473 : memref<1x128xi32, #tpu.memory_space<vmem>> -> memref<128xi32, #tpu.memory_space<vmem>>
    %dma_start3A_475 = arith.constant 0 : i32
    %dma_start3A_476 = arith.constant 0 : i32
    %dma_start3A_477 = tpu.memref_slice %arg2[%dma_start3A_475, %dma_start3A_476] : memref<2000x128xf32, #tpu.memory_space<hbm>> -> memref<2000x128xf32, #tpu.memory_space<hbm>>
    tpu.enqueue_indirect_dma source(%dma_start3A_477 : memref<2000x128xf32, #tpu.memory_space<hbm>>) target(%arg9 : memref<128x128xf32, #tpu.memory_space<vmem>>) offsets(%dma_start3A_474 : memref<128xi32, #tpu.memory_space<vmem>>) semaphore(%arg17 : memref<!tpu.dma_semaphore, #tpu.memory_space<semaphore_mem>>)
    %dma_wait3A_478 = arith.constant 0 : i32
    %dma_wait3A_479 = arith.constant 0 : i32
    %dma_wait3A_480 = tpu.memref_slice %arg2[%dma_wait3A_478, %dma_wait3A_479] : memref<2000x128xf32, #tpu.memory_space<hbm>> -> memref<128x128xf32, #tpu.memory_space<hbm>>
    %dma_wait3A_481 = arith.constant 0 : i32
    %dma_wait3A_482 = arith.constant 0 : i32
    %dma_wait3A_483 = tpu.memref_slice %arg2[%dma_wait3A_481, %dma_wait3A_482] : memref<2000x128xf32, #tpu.memory_space<hbm>> -> memref<128x128xf32, #tpu.memory_space<hbm>>
    tpu.wait_dma2 semaphore(%arg17 : memref<!tpu.dma_semaphore, #tpu.memory_space<semaphore_mem>>) src(%dma_wait3A_483 : memref<128x128xf32, #tpu.memory_space<hbm>>) dst(%arg9 : memref<128x128xf32, #tpu.memory_space<vmem>>)
    %dma_start3A_484 = arith.constant 2 : i32
    %dma_start3A_485 = arith.constant 0 : i32
    %dma_start3A_486 = tpu.memref_slice %arg14[%dma_start3A_484, %dma_start3A_485] : memref<8x128xi32, #tpu.memory_space<vmem>> -> memref<1x128xi32, #tpu.memory_space<vmem>>
    %dma_start3A_487 = tpu.memref_squeeze %dma_start3A_486 : memref<1x128xi32, #tpu.memory_space<vmem>> -> memref<128xi32, #tpu.memory_space<vmem>>
    %dma_start3A_488 = arith.constant 0 : i32
    %dma_start3A_489 = arith.constant 0 : i32
    %dma_start3A_490 = tpu.memref_slice %arg8[%dma_start3A_488, %dma_start3A_489] : memref<10112x128xf32, #tpu.memory_space<vmem_shared>> -> memref<10112x128xf32, #tpu.memory_space<vmem_shared>>
    tpu.enqueue_indirect_dma source(%arg9 : memref<128x128xf32, #tpu.memory_space<vmem>>) target(%dma_start3A_490 : memref<10112x128xf32, #tpu.memory_space<vmem_shared>>) offsets(%dma_start3A_487 : memref<128xi32, #tpu.memory_space<vmem>>) semaphore(%arg19 : memref<!tpu.dma_semaphore, #tpu.memory_space<semaphore_mem>>) {add = true}
    %dma_start3A_491 = arith.constant 2 : i32
    %dma_start3A_492 = arith.constant 0 : i32
    %dma_start3A_493 = tpu.memref_slice %arg16[%dma_start3A_491, %dma_start3A_492] : memref<8x128xi32, #tpu.memory_space<vmem>> -> memref<1x128xi32, #tpu.memory_space<vmem>>
    %dma_start3A_494 = tpu.memref_squeeze %dma_start3A_493 : memref<1x128xi32, #tpu.memory_space<vmem>> -> memref<128xi32, #tpu.memory_space<vmem>>
    %dma_start3A_495 = arith.constant 0 : i32
    %dma_start3A_496 = arith.constant 0 : i32
    %dma_start3A_497 = tpu.memref_slice %arg8[%dma_start3A_495, %dma_start3A_496] : memref<10112x128xf32, #tpu.memory_space<vmem_shared>> -> memref<10112x128xf32, #tpu.memory_space<vmem_shared>>
    tpu.enqueue_indirect_dma source(%arg9 : memref<128x128xf32, #tpu.memory_space<vmem>>) target(%dma_start3A_497 : memref<10112x128xf32, #tpu.memory_space<vmem_shared>>) offsets(%dma_start3A_494 : memref<128xi32, #tpu.memory_space<vmem>>) semaphore(%arg19 : memref<!tpu.dma_semaphore, #tpu.memory_space<semaphore_mem>>) {add = true}
    %dma_wait3A_498 = arith.constant 0 : i32
    %dma_wait3A_499 = arith.constant 0 : i32
    %dma_wait3A_500 = tpu.memref_slice %arg8[%dma_wait3A_498, %dma_wait3A_499] : memref<10112x128xf32, #tpu.memory_space<vmem_shared>> -> memref<128x128xf32, #tpu.memory_space<vmem_shared>>
    %dma_wait3A_501 = arith.constant 0 : i32
    %dma_wait3A_502 = arith.constant 0 : i32
    %dma_wait3A_503 = tpu.memref_slice %arg8[%dma_wait3A_501, %dma_wait3A_502] : memref<10112x128xf32, #tpu.memory_space<vmem_shared>> -> memref<128x128xf32, #tpu.memory_space<vmem_shared>>
    tpu.wait_dma2 semaphore(%arg20 : memref<!tpu.dma_semaphore, #tpu.memory_space<semaphore_mem>>) src(%arg10 : memref<128x128xf32, #tpu.memory_space<vmem>>) dst(%dma_wait3A_503 : memref<128x128xf32, #tpu.memory_space<vmem_shared>>)
    %dma_wait3A_504 = arith.constant 0 : i32
    %dma_wait3A_505 = arith.constant 0 : i32
    %dma_wait3A_506 = tpu.memref_slice %arg8[%dma_wait3A_504, %dma_wait3A_505] : memref<10112x128xf32, #tpu.memory_space<vmem_shared>> -> memref<128x128xf32, #tpu.memory_space<vmem_shared>>
    %dma_wait3A_507 = arith.constant 0 : i32
    %dma_wait3A_508 = arith.constant 0 : i32
    %dma_wait3A_509 = tpu.memref_slice %arg8[%dma_wait3A_507, %dma_wait3A_508] : memref<10112x128xf32, #tpu.memory_space<vmem_shared>> -> memref<128x128xf32, #tpu.memory_space<vmem_shared>>
    tpu.wait_dma2 semaphore(%arg20 : memref<!tpu.dma_semaphore, #tpu.memory_space<semaphore_mem>>) src(%arg10 : memref<128x128xf32, #tpu.memory_space<vmem>>) dst(%dma_wait3A_509 : memref<128x128xf32, #tpu.memory_space<vmem_shared>>)
    %dma_start3A_510 = arith.constant 3 : i32
    %dma_start3A_511 = arith.constant 0 : i32
    %dma_start3A_512 = tpu.memref_slice %arg12[%dma_start3A_510, %dma_start3A_511] : memref<8x128xi32, #tpu.memory_space<vmem>> -> memref<1x128xi32, #tpu.memory_space<vmem>>
    %dma_start3A_513 = tpu.memref_squeeze %dma_start3A_512 : memref<1x128xi32, #tpu.memory_space<vmem>> -> memref<128xi32, #tpu.memory_space<vmem>>
    %dma_start3A_514 = arith.constant 0 : i32
    %dma_start3A_515 = arith.constant 0 : i32
    %dma_start3A_516 = tpu.memref_slice %arg2[%dma_start3A_514, %dma_start3A_515] : memref<2000x128xf32, #tpu.memory_space<hbm>> -> memref<2000x128xf32, #tpu.memory_space<hbm>>
    tpu.enqueue_indirect_dma source(%dma_start3A_516 : memref<2000x128xf32, #tpu.memory_space<hbm>>) target(%arg10 : memref<128x128xf32, #tpu.memory_space<vmem>>) offsets(%dma_start3A_513 : memref<128xi32, #tpu.memory_space<vmem>>) semaphore(%arg18 : memref<!tpu.dma_semaphore, #tpu.memory_space<semaphore_mem>>)
    %dma_wait3A_517 = arith.constant 0 : i32
    %dma_wait3A_518 = arith.constant 0 : i32
    %dma_wait3A_519 = tpu.memref_slice %arg2[%dma_wait3A_517, %dma_wait3A_518] : memref<2000x128xf32, #tpu.memory_space<hbm>> -> memref<128x128xf32, #tpu.memory_space<hbm>>
    %dma_wait3A_520 = arith.constant 0 : i32
    %dma_wait3A_521 = arith.constant 0 : i32
    %dma_wait3A_522 = tpu.memref_slice %arg2[%dma_wait3A_520, %dma_wait3A_521] : memref<2000x128xf32, #tpu.memory_space<hbm>> -> memref<128x128xf32, #tpu.memory_space<hbm>>
    tpu.wait_dma2 semaphore(%arg18 : memref<!tpu.dma_semaphore, #tpu.memory_space<semaphore_mem>>) src(%dma_wait3A_522 : memref<128x128xf32, #tpu.memory_space<hbm>>) dst(%arg10 : memref<128x128xf32, #tpu.memory_space<vmem>>)
    %dma_start3A_523 = arith.constant 3 : i32
    %dma_start3A_524 = arith.constant 0 : i32
    %dma_start3A_525 = tpu.memref_slice %arg14[%dma_start3A_523, %dma_start3A_524] : memref<8x128xi32, #tpu.memory_space<vmem>> -> memref<1x128xi32, #tpu.memory_space<vmem>>
    %dma_start3A_526 = tpu.memref_squeeze %dma_start3A_525 : memref<1x128xi32, #tpu.memory_space<vmem>> -> memref<128xi32, #tpu.memory_space<vmem>>
    %dma_start3A_527 = arith.constant 0 : i32
    %dma_start3A_528 = arith.constant 0 : i32
    %dma_start3A_529 = tpu.memref_slice %arg8[%dma_start3A_527, %dma_start3A_528] : memref<10112x128xf32, #tpu.memory_space<vmem_shared>> -> memref<10112x128xf32, #tpu.memory_space<vmem_shared>>
    tpu.enqueue_indirect_dma source(%arg10 : memref<128x128xf32, #tpu.memory_space<vmem>>) target(%dma_start3A_529 : memref<10112x128xf32, #tpu.memory_space<vmem_shared>>) offsets(%dma_start3A_526 : memref<128xi32, #tpu.memory_space<vmem>>) semaphore(%arg20 : memref<!tpu.dma_semaphore, #tpu.memory_space<semaphore_mem>>) {add = true}
    %dma_start3A_530 = arith.constant 3 : i32
    %dma_start3A_531 = arith.constant 0 : i32
    %dma_start3A_532 = tpu.memref_slice %arg16[%dma_start3A_530, %dma_start3A_531] : memref<8x128xi32, #tpu.memory_space<vmem>> -> memref<1x128xi32, #tpu.memory_space<vmem>>
    %dma_start3A_533 = tpu.memref_squeeze %dma_start3A_532 : memref<1x128xi32, #tpu.memory_space<vmem>> -> memref<128xi32, #tpu.memory_space<vmem>>
    %dma_start3A_534 = arith.constant 0 : i32
    %dma_start3A_535 = arith.constant 0 : i32
    %dma_start3A_536 = tpu.memref_slice %arg8[%dma_start3A_534, %dma_start3A_535] : memref<10112x128xf32, #tpu.memory_space<vmem_shared>> -> memref<10112x128xf32, #tpu.memory_space<vmem_shared>>
    tpu.enqueue_indirect_dma source(%arg10 : memref<128x128xf32, #tpu.memory_space<vmem>>) target(%dma_start3A_536 : memref<10112x128xf32, #tpu.memory_space<vmem_shared>>) offsets(%dma_start3A_533 : memref<128xi32, #tpu.memory_space<vmem>>) semaphore(%arg20 : memref<!tpu.dma_semaphore, #tpu.memory_space<semaphore_mem>>) {add = true}
    %dma_wait3A_537 = arith.constant 0 : i32
    %dma_wait3A_538 = arith.constant 0 : i32
    %dma_wait3A_539 = tpu.memref_slice %arg8[%dma_wait3A_537, %dma_wait3A_538] : memref<10112x128xf32, #tpu.memory_space<vmem_shared>> -> memref<128x128xf32, #tpu.memory_space<vmem_shared>>
    %dma_wait3A_540 = arith.constant 0 : i32
    %dma_wait3A_541 = arith.constant 0 : i32
    %dma_wait3A_542 = tpu.memref_slice %arg8[%dma_wait3A_540, %dma_wait3A_541] : memref<10112x128xf32, #tpu.memory_space<vmem_shared>> -> memref<128x128xf32, #tpu.memory_space<vmem_shared>>
    tpu.wait_dma2 semaphore(%arg19 : memref<!tpu.dma_semaphore, #tpu.memory_space<semaphore_mem>>) src(%arg9 : memref<128x128xf32, #tpu.memory_space<vmem>>) dst(%dma_wait3A_542 : memref<128x128xf32, #tpu.memory_space<vmem_shared>>)
    %dma_wait3A_543 = arith.constant 0 : i32
    %dma_wait3A_544 = arith.constant 0 : i32
    %dma_wait3A_545 = tpu.memref_slice %arg8[%dma_wait3A_543, %dma_wait3A_544] : memref<10112x128xf32, #tpu.memory_space<vmem_shared>> -> memref<128x128xf32, #tpu.memory_space<vmem_shared>>
    %dma_wait3A_546 = arith.constant 0 : i32
    %dma_wait3A_547 = arith.constant 0 : i32
    %dma_wait3A_548 = tpu.memref_slice %arg8[%dma_wait3A_546, %dma_wait3A_547] : memref<10112x128xf32, #tpu.memory_space<vmem_shared>> -> memref<128x128xf32, #tpu.memory_space<vmem_shared>>
    tpu.wait_dma2 semaphore(%arg19 : memref<!tpu.dma_semaphore, #tpu.memory_space<semaphore_mem>>) src(%arg9 : memref<128x128xf32, #tpu.memory_space<vmem>>) dst(%dma_wait3A_548 : memref<128x128xf32, #tpu.memory_space<vmem_shared>>)
    %dma_start3A_549 = arith.constant 4 : i32
    %dma_start3A_550 = arith.constant 0 : i32
    %dma_start3A_551 = tpu.memref_slice %arg12[%dma_start3A_549, %dma_start3A_550] : memref<8x128xi32, #tpu.memory_space<vmem>> -> memref<1x128xi32, #tpu.memory_space<vmem>>
    %dma_start3A_552 = tpu.memref_squeeze %dma_start3A_551 : memref<1x128xi32, #tpu.memory_space<vmem>> -> memref<128xi32, #tpu.memory_space<vmem>>
    %dma_start3A_553 = arith.constant 0 : i32
    %dma_start3A_554 = arith.constant 0 : i32
    %dma_start3A_555 = tpu.memref_slice %arg2[%dma_start3A_553, %dma_start3A_554] : memref<2000x128xf32, #tpu.memory_space<hbm>> -> memref<2000x128xf32, #tpu.memory_space<hbm>>
    tpu.enqueue_indirect_dma source(%dma_start3A_555 : memref<2000x128xf32, #tpu.memory_space<hbm>>) target(%arg9 : memref<128x128xf32, #tpu.memory_space<vmem>>) offsets(%dma_start3A_552 : memref<128xi32, #tpu.memory_space<vmem>>) semaphore(%arg17 : memref<!tpu.dma_semaphore, #tpu.memory_space<semaphore_mem>>)
    %dma_wait3A_556 = arith.constant 0 : i32
    %dma_wait3A_557 = arith.constant 0 : i32
    %dma_wait3A_558 = tpu.memref_slice %arg2[%dma_wait3A_556, %dma_wait3A_557] : memref<2000x128xf32, #tpu.memory_space<hbm>> -> memref<128x128xf32, #tpu.memory_space<hbm>>
    %dma_wait3A_559 = arith.constant 0 : i32
    %dma_wait3A_560 = arith.constant 0 : i32
    %dma_wait3A_561 = tpu.memref_slice %arg2[%dma_wait3A_559, %dma_wait3A_560] : memref<2000x128xf32, #tpu.memory_space<hbm>> -> memref<128x128xf32, #tpu.memory_space<hbm>>
    tpu.wait_dma2 semaphore(%arg17 : memref<!tpu.dma_semaphore, #tpu.memory_space<semaphore_mem>>) src(%dma_wait3A_561 : memref<128x128xf32, #tpu.memory_space<hbm>>) dst(%arg9 : memref<128x128xf32, #tpu.memory_space<vmem>>)
    %dma_start3A_562 = arith.constant 4 : i32
    %dma_start3A_563 = arith.constant 0 : i32
    %dma_start3A_564 = tpu.memref_slice %arg14[%dma_start3A_562, %dma_start3A_563] : memref<8x128xi32, #tpu.memory_space<vmem>> -> memref<1x128xi32, #tpu.memory_space<vmem>>
    %dma_start3A_565 = tpu.memref_squeeze %dma_start3A_564 : memref<1x128xi32, #tpu.memory_space<vmem>> -> memref<128xi32, #tpu.memory_space<vmem>>
    %dma_start3A_566 = arith.constant 0 : i32
    %dma_start3A_567 = arith.constant 0 : i32
    %dma_start3A_568 = tpu.memref_slice %arg8[%dma_start3A_566, %dma_start3A_567] : memref<10112x128xf32, #tpu.memory_space<vmem_shared>> -> memref<10112x128xf32, #tpu.memory_space<vmem_shared>>
    tpu.enqueue_indirect_dma source(%arg9 : memref<128x128xf32, #tpu.memory_space<vmem>>) target(%dma_start3A_568 : memref<10112x128xf32, #tpu.memory_space<vmem_shared>>) offsets(%dma_start3A_565 : memref<128xi32, #tpu.memory_space<vmem>>) semaphore(%arg19 : memref<!tpu.dma_semaphore, #tpu.memory_space<semaphore_mem>>) {add = true}
    %dma_start3A_569 = arith.constant 4 : i32
    %dma_start3A_570 = arith.constant 0 : i32
    %dma_start3A_571 = tpu.memref_slice %arg16[%dma_start3A_569, %dma_start3A_570] : memref<8x128xi32, #tpu.memory_space<vmem>> -> memref<1x128xi32, #tpu.memory_space<vmem>>
    %dma_start3A_572 = tpu.memref_squeeze %dma_start3A_571 : memref<1x128xi32, #tpu.memory_space<vmem>> -> memref<128xi32, #tpu.memory_space<vmem>>
    %dma_start3A_573 = arith.constant 0 : i32
    %dma_start3A_574 = arith.constant 0 : i32
    %dma_start3A_575 = tpu.memref_slice %arg8[%dma_start3A_573, %dma_start3A_574] : memref<10112x128xf32, #tpu.memory_space<vmem_shared>> -> memref<10112x128xf32, #tpu.memory_space<vmem_shared>>
    tpu.enqueue_indirect_dma source(%arg9 : memref<128x128xf32, #tpu.memory_space<vmem>>) target(%dma_start3A_575 : memref<10112x128xf32, #tpu.memory_space<vmem_shared>>) offsets(%dma_start3A_572 : memref<128xi32, #tpu.memory_space<vmem>>) semaphore(%arg19 : memref<!tpu.dma_semaphore, #tpu.memory_space<semaphore_mem>>) {add = true}
    %dma_wait3A_576 = arith.constant 0 : i32
    %dma_wait3A_577 = arith.constant 0 : i32
    %dma_wait3A_578 = tpu.memref_slice %arg8[%dma_wait3A_576, %dma_wait3A_577] : memref<10112x128xf32, #tpu.memory_space<vmem_shared>> -> memref<128x128xf32, #tpu.memory_space<vmem_shared>>
    %dma_wait3A_579 = arith.constant 0 : i32
    %dma_wait3A_580 = arith.constant 0 : i32
    %dma_wait3A_581 = tpu.memref_slice %arg8[%dma_wait3A_579, %dma_wait3A_580] : memref<10112x128xf32, #tpu.memory_space<vmem_shared>> -> memref<128x128xf32, #tpu.memory_space<vmem_shared>>
    tpu.wait_dma2 semaphore(%arg20 : memref<!tpu.dma_semaphore, #tpu.memory_space<semaphore_mem>>) src(%arg10 : memref<128x128xf32, #tpu.memory_space<vmem>>) dst(%dma_wait3A_581 : memref<128x128xf32, #tpu.memory_space<vmem_shared>>)
    %dma_wait3A_582 = arith.constant 0 : i32
    %dma_wait3A_583 = arith.constant 0 : i32
    %dma_wait3A_584 = tpu.memref_slice %arg8[%dma_wait3A_582, %dma_wait3A_583] : memref<10112x128xf32, #tpu.memory_space<vmem_shared>> -> memref<128x128xf32, #tpu.memory_space<vmem_shared>>
    %dma_wait3A_585 = arith.constant 0 : i32
    %dma_wait3A_586 = arith.constant 0 : i32
    %dma_wait3A_587 = tpu.memref_slice %arg8[%dma_wait3A_585, %dma_wait3A_586] : memref<10112x128xf32, #tpu.memory_space<vmem_shared>> -> memref<128x128xf32, #tpu.memory_space<vmem_shared>>
    tpu.wait_dma2 semaphore(%arg20 : memref<!tpu.dma_semaphore, #tpu.memory_space<semaphore_mem>>) src(%arg10 : memref<128x128xf32, #tpu.memory_space<vmem>>) dst(%dma_wait3A_587 : memref<128x128xf32, #tpu.memory_space<vmem_shared>>)
    %dma_start3A_588 = arith.constant 5 : i32
    %dma_start3A_589 = arith.constant 0 : i32
    %dma_start3A_590 = tpu.memref_slice %arg12[%dma_start3A_588, %dma_start3A_589] : memref<8x128xi32, #tpu.memory_space<vmem>> -> memref<1x128xi32, #tpu.memory_space<vmem>>
    %dma_start3A_591 = tpu.memref_squeeze %dma_start3A_590 : memref<1x128xi32, #tpu.memory_space<vmem>> -> memref<128xi32, #tpu.memory_space<vmem>>
    %dma_start3A_592 = arith.constant 0 : i32
    %dma_start3A_593 = arith.constant 0 : i32
    %dma_start3A_594 = tpu.memref_slice %arg2[%dma_start3A_592, %dma_start3A_593] : memref<2000x128xf32, #tpu.memory_space<hbm>> -> memref<2000x128xf32, #tpu.memory_space<hbm>>
    tpu.enqueue_indirect_dma source(%dma_start3A_594 : memref<2000x128xf32, #tpu.memory_space<hbm>>) target(%arg10 : memref<128x128xf32, #tpu.memory_space<vmem>>) offsets(%dma_start3A_591 : memref<128xi32, #tpu.memory_space<vmem>>) semaphore(%arg18 : memref<!tpu.dma_semaphore, #tpu.memory_space<semaphore_mem>>)
    %dma_wait3A_595 = arith.constant 0 : i32
    %dma_wait3A_596 = arith.constant 0 : i32
    %dma_wait3A_597 = tpu.memref_slice %arg2[%dma_wait3A_595, %dma_wait3A_596] : memref<2000x128xf32, #tpu.memory_space<hbm>> -> memref<128x128xf32, #tpu.memory_space<hbm>>
    %dma_wait3A_598 = arith.constant 0 : i32
    %dma_wait3A_599 = arith.constant 0 : i32
    %dma_wait3A_600 = tpu.memref_slice %arg2[%dma_wait3A_598, %dma_wait3A_599] : memref<2000x128xf32, #tpu.memory_space<hbm>> -> memref<128x128xf32, #tpu.memory_space<hbm>>
    tpu.wait_dma2 semaphore(%arg18 : memref<!tpu.dma_semaphore, #tpu.memory_space<semaphore_mem>>) src(%dma_wait3A_600 : memref<128x128xf32, #tpu.memory_space<hbm>>) dst(%arg10 : memref<128x128xf32, #tpu.memory_space<vmem>>)
    %dma_start3A_601 = arith.constant 5 : i32
    %dma_start3A_602 = arith.constant 0 : i32
    %dma_start3A_603 = tpu.memref_slice %arg14[%dma_start3A_601, %dma_start3A_602] : memref<8x128xi32, #tpu.memory_space<vmem>> -> memref<1x128xi32, #tpu.memory_space<vmem>>
    %dma_start3A_604 = tpu.memref_squeeze %dma_start3A_603 : memref<1x128xi32, #tpu.memory_space<vmem>> -> memref<128xi32, #tpu.memory_space<vmem>>
    %dma_start3A_605 = arith.constant 0 : i32
    %dma_start3A_606 = arith.constant 0 : i32
    %dma_start3A_607 = tpu.memref_slice %arg8[%dma_start3A_605, %dma_start3A_606] : memref<10112x128xf32, #tpu.memory_space<vmem_shared>> -> memref<10112x128xf32, #tpu.memory_space<vmem_shared>>
    tpu.enqueue_indirect_dma source(%arg10 : memref<128x128xf32, #tpu.memory_space<vmem>>) target(%dma_start3A_607 : memref<10112x128xf32, #tpu.memory_space<vmem_shared>>) offsets(%dma_start3A_604 : memref<128xi32, #tpu.memory_space<vmem>>) semaphore(%arg20 : memref<!tpu.dma_semaphore, #tpu.memory_space<semaphore_mem>>) {add = true}
    %dma_start3A_608 = arith.constant 5 : i32
    %dma_start3A_609 = arith.constant 0 : i32
    %dma_start3A_610 = tpu.memref_slice %arg16[%dma_start3A_608, %dma_start3A_609] : memref<8x128xi32, #tpu.memory_space<vmem>> -> memref<1x128xi32, #tpu.memory_space<vmem>>
    %dma_start3A_611 = tpu.memref_squeeze %dma_start3A_610 : memref<1x128xi32, #tpu.memory_space<vmem>> -> memref<128xi32, #tpu.memory_space<vmem>>
    %dma_start3A_612 = arith.constant 0 : i32
    %dma_start3A_613 = arith.constant 0 : i32
    %dma_start3A_614 = tpu.memref_slice %arg8[%dma_start3A_612, %dma_start3A_613] : memref<10112x128xf32, #tpu.memory_space<vmem_shared>> -> memref<10112x128xf32, #tpu.memory_space<vmem_shared>>
    tpu.enqueue_indirect_dma source(%arg10 : memref<128x128xf32, #tpu.memory_space<vmem>>) target(%dma_start3A_614 : memref<10112x128xf32, #tpu.memory_space<vmem_shared>>) offsets(%dma_start3A_611 : memref<128xi32, #tpu.memory_space<vmem>>) semaphore(%arg20 : memref<!tpu.dma_semaphore, #tpu.memory_space<semaphore_mem>>) {add = true}
    %dma_wait3A_615 = arith.constant 0 : i32
    %dma_wait3A_616 = arith.constant 0 : i32
    %dma_wait3A_617 = tpu.memref_slice %arg8[%dma_wait3A_615, %dma_wait3A_616] : memref<10112x128xf32, #tpu.memory_space<vmem_shared>> -> memref<128x128xf32, #tpu.memory_space<vmem_shared>>
    %dma_wait3A_618 = arith.constant 0 : i32
    %dma_wait3A_619 = arith.constant 0 : i32
    %dma_wait3A_620 = tpu.memref_slice %arg8[%dma_wait3A_618, %dma_wait3A_619] : memref<10112x128xf32, #tpu.memory_space<vmem_shared>> -> memref<128x128xf32, #tpu.memory_space<vmem_shared>>
    tpu.wait_dma2 semaphore(%arg19 : memref<!tpu.dma_semaphore, #tpu.memory_space<semaphore_mem>>) src(%arg9 : memref<128x128xf32, #tpu.memory_space<vmem>>) dst(%dma_wait3A_620 : memref<128x128xf32, #tpu.memory_space<vmem_shared>>)
    %dma_wait3A_621 = arith.constant 0 : i32
    %dma_wait3A_622 = arith.constant 0 : i32
    %dma_wait3A_623 = tpu.memref_slice %arg8[%dma_wait3A_621, %dma_wait3A_622] : memref<10112x128xf32, #tpu.memory_space<vmem_shared>> -> memref<128x128xf32, #tpu.memory_space<vmem_shared>>
    %dma_wait3A_624 = arith.constant 0 : i32
    %dma_wait3A_625 = arith.constant 0 : i32
    %dma_wait3A_626 = tpu.memref_slice %arg8[%dma_wait3A_624, %dma_wait3A_625] : memref<10112x128xf32, #tpu.memory_space<vmem_shared>> -> memref<128x128xf32, #tpu.memory_space<vmem_shared>>
    tpu.wait_dma2 semaphore(%arg19 : memref<!tpu.dma_semaphore, #tpu.memory_space<semaphore_mem>>) src(%arg9 : memref<128x128xf32, #tpu.memory_space<vmem>>) dst(%dma_wait3A_626 : memref<128x128xf32, #tpu.memory_space<vmem_shared>>)
    %dma_start3A_627 = arith.constant 6 : i32
    %dma_start3A_628 = arith.constant 0 : i32
    %dma_start3A_629 = tpu.memref_slice %arg12[%dma_start3A_627, %dma_start3A_628] : memref<8x128xi32, #tpu.memory_space<vmem>> -> memref<1x128xi32, #tpu.memory_space<vmem>>
    %dma_start3A_630 = tpu.memref_squeeze %dma_start3A_629 : memref<1x128xi32, #tpu.memory_space<vmem>> -> memref<128xi32, #tpu.memory_space<vmem>>
    %dma_start3A_631 = arith.constant 0 : i32
    %dma_start3A_632 = arith.constant 0 : i32
    %dma_start3A_633 = tpu.memref_slice %arg2[%dma_start3A_631, %dma_start3A_632] : memref<2000x128xf32, #tpu.memory_space<hbm>> -> memref<2000x128xf32, #tpu.memory_space<hbm>>
    tpu.enqueue_indirect_dma source(%dma_start3A_633 : memref<2000x128xf32, #tpu.memory_space<hbm>>) target(%arg9 : memref<128x128xf32, #tpu.memory_space<vmem>>) offsets(%dma_start3A_630 : memref<128xi32, #tpu.memory_space<vmem>>) semaphore(%arg17 : memref<!tpu.dma_semaphore, #tpu.memory_space<semaphore_mem>>)
    %dma_wait3A_634 = arith.constant 0 : i32
    %dma_wait3A_635 = arith.constant 0 : i32
    %dma_wait3A_636 = tpu.memref_slice %arg2[%dma_wait3A_634, %dma_wait3A_635] : memref<2000x128xf32, #tpu.memory_space<hbm>> -> memref<128x128xf32, #tpu.memory_space<hbm>>
    %dma_wait3A_637 = arith.constant 0 : i32
    %dma_wait3A_638 = arith.constant 0 : i32
    %dma_wait3A_639 = tpu.memref_slice %arg2[%dma_wait3A_637, %dma_wait3A_638] : memref<2000x128xf32, #tpu.memory_space<hbm>> -> memref<128x128xf32, #tpu.memory_space<hbm>>
    tpu.wait_dma2 semaphore(%arg17 : memref<!tpu.dma_semaphore, #tpu.memory_space<semaphore_mem>>) src(%dma_wait3A_639 : memref<128x128xf32, #tpu.memory_space<hbm>>) dst(%arg9 : memref<128x128xf32, #tpu.memory_space<vmem>>)
    %dma_start3A_640 = arith.constant 6 : i32
    %dma_start3A_641 = arith.constant 0 : i32
    %dma_start3A_642 = tpu.memref_slice %arg14[%dma_start3A_640, %dma_start3A_641] : memref<8x128xi32, #tpu.memory_space<vmem>> -> memref<1x128xi32, #tpu.memory_space<vmem>>
    %dma_start3A_643 = tpu.memref_squeeze %dma_start3A_642 : memref<1x128xi32, #tpu.memory_space<vmem>> -> memref<128xi32, #tpu.memory_space<vmem>>
    %dma_start3A_644 = arith.constant 0 : i32
    %dma_start3A_645 = arith.constant 0 : i32
    %dma_start3A_646 = tpu.memref_slice %arg8[%dma_start3A_644, %dma_start3A_645] : memref<10112x128xf32, #tpu.memory_space<vmem_shared>> -> memref<10112x128xf32, #tpu.memory_space<vmem_shared>>
    tpu.enqueue_indirect_dma source(%arg9 : memref<128x128xf32, #tpu.memory_space<vmem>>) target(%dma_start3A_646 : memref<10112x128xf32, #tpu.memory_space<vmem_shared>>) offsets(%dma_start3A_643 : memref<128xi32, #tpu.memory_space<vmem>>) semaphore(%arg19 : memref<!tpu.dma_semaphore, #tpu.memory_space<semaphore_mem>>) {add = true}
    %dma_start3A_647 = arith.constant 6 : i32
    %dma_start3A_648 = arith.constant 0 : i32
    %dma_start3A_649 = tpu.memref_slice %arg16[%dma_start3A_647, %dma_start3A_648] : memref<8x128xi32, #tpu.memory_space<vmem>> -> memref<1x128xi32, #tpu.memory_space<vmem>>
    %dma_start3A_650 = tpu.memref_squeeze %dma_start3A_649 : memref<1x128xi32, #tpu.memory_space<vmem>> -> memref<128xi32, #tpu.memory_space<vmem>>
    %dma_start3A_651 = arith.constant 0 : i32
    %dma_start3A_652 = arith.constant 0 : i32
    %dma_start3A_653 = tpu.memref_slice %arg8[%dma_start3A_651, %dma_start3A_652] : memref<10112x128xf32, #tpu.memory_space<vmem_shared>> -> memref<10112x128xf32, #tpu.memory_space<vmem_shared>>
    tpu.enqueue_indirect_dma source(%arg9 : memref<128x128xf32, #tpu.memory_space<vmem>>) target(%dma_start3A_653 : memref<10112x128xf32, #tpu.memory_space<vmem_shared>>) offsets(%dma_start3A_650 : memref<128xi32, #tpu.memory_space<vmem>>) semaphore(%arg19 : memref<!tpu.dma_semaphore, #tpu.memory_space<semaphore_mem>>) {add = true}
    %dma_wait3A_654 = arith.constant 0 : i32
    %dma_wait3A_655 = arith.constant 0 : i32
    %dma_wait3A_656 = tpu.memref_slice %arg8[%dma_wait3A_654, %dma_wait3A_655] : memref<10112x128xf32, #tpu.memory_space<vmem_shared>> -> memref<128x128xf32, #tpu.memory_space<vmem_shared>>
    %dma_wait3A_657 = arith.constant 0 : i32
    %dma_wait3A_658 = arith.constant 0 : i32
    %dma_wait3A_659 = tpu.memref_slice %arg8[%dma_wait3A_657, %dma_wait3A_658] : memref<10112x128xf32, #tpu.memory_space<vmem_shared>> -> memref<128x128xf32, #tpu.memory_space<vmem_shared>>
    tpu.wait_dma2 semaphore(%arg20 : memref<!tpu.dma_semaphore, #tpu.memory_space<semaphore_mem>>) src(%arg10 : memref<128x128xf32, #tpu.memory_space<vmem>>) dst(%dma_wait3A_659 : memref<128x128xf32, #tpu.memory_space<vmem_shared>>)
    %dma_wait3A_660 = arith.constant 0 : i32
    %dma_wait3A_661 = arith.constant 0 : i32
    %dma_wait3A_662 = tpu.memref_slice %arg8[%dma_wait3A_660, %dma_wait3A_661] : memref<10112x128xf32, #tpu.memory_space<vmem_shared>> -> memref<128x128xf32, #tpu.memory_space<vmem_shared>>
    %dma_wait3A_663 = arith.constant 0 : i32
    %dma_wait3A_664 = arith.constant 0 : i32
    %dma_wait3A_665 = tpu.memref_slice %arg8[%dma_wait3A_663, %dma_wait3A_664] : memref<10112x128xf32, #tpu.memory_space<vmem_shared>> -> memref<128x128xf32, #tpu.memory_space<vmem_shared>>
    tpu.wait_dma2 semaphore(%arg20 : memref<!tpu.dma_semaphore, #tpu.memory_space<semaphore_mem>>) src(%arg10 : memref<128x128xf32, #tpu.memory_space<vmem>>) dst(%dma_wait3A_665 : memref<128x128xf32, #tpu.memory_space<vmem_shared>>)
    %dma_start3A_666 = arith.constant 7 : i32
    %dma_start3A_667 = arith.constant 0 : i32
    %dma_start3A_668 = tpu.memref_slice %arg12[%dma_start3A_666, %dma_start3A_667] : memref<8x128xi32, #tpu.memory_space<vmem>> -> memref<1x128xi32, #tpu.memory_space<vmem>>
    %dma_start3A_669 = tpu.memref_squeeze %dma_start3A_668 : memref<1x128xi32, #tpu.memory_space<vmem>> -> memref<128xi32, #tpu.memory_space<vmem>>
    %dma_start3A_670 = arith.constant 0 : i32
    %dma_start3A_671 = arith.constant 0 : i32
    %dma_start3A_672 = tpu.memref_slice %arg2[%dma_start3A_670, %dma_start3A_671] : memref<2000x128xf32, #tpu.memory_space<hbm>> -> memref<2000x128xf32, #tpu.memory_space<hbm>>
    tpu.enqueue_indirect_dma source(%dma_start3A_672 : memref<2000x128xf32, #tpu.memory_space<hbm>>) target(%arg10 : memref<128x128xf32, #tpu.memory_space<vmem>>) offsets(%dma_start3A_669 : memref<128xi32, #tpu.memory_space<vmem>>) semaphore(%arg18 : memref<!tpu.dma_semaphore, #tpu.memory_space<semaphore_mem>>)
    %dma_wait3A_673 = arith.constant 0 : i32
    %dma_wait3A_674 = arith.constant 0 : i32
    %dma_wait3A_675 = tpu.memref_slice %arg2[%dma_wait3A_673, %dma_wait3A_674] : memref<2000x128xf32, #tpu.memory_space<hbm>> -> memref<128x128xf32, #tpu.memory_space<hbm>>
    %dma_wait3A_676 = arith.constant 0 : i32
    %dma_wait3A_677 = arith.constant 0 : i32
    %dma_wait3A_678 = tpu.memref_slice %arg2[%dma_wait3A_676, %dma_wait3A_677] : memref<2000x128xf32, #tpu.memory_space<hbm>> -> memref<128x128xf32, #tpu.memory_space<hbm>>
    tpu.wait_dma2 semaphore(%arg18 : memref<!tpu.dma_semaphore, #tpu.memory_space<semaphore_mem>>) src(%dma_wait3A_678 : memref<128x128xf32, #tpu.memory_space<hbm>>) dst(%arg10 : memref<128x128xf32, #tpu.memory_space<vmem>>)
    %dma_start3A_679 = arith.constant 7 : i32
    %dma_start3A_680 = arith.constant 0 : i32
    %dma_start3A_681 = tpu.memref_slice %arg14[%dma_start3A_679, %dma_start3A_680] : memref<8x128xi32, #tpu.memory_space<vmem>> -> memref<1x128xi32, #tpu.memory_space<vmem>>
    %dma_start3A_682 = tpu.memref_squeeze %dma_start3A_681 : memref<1x128xi32, #tpu.memory_space<vmem>> -> memref<128xi32, #tpu.memory_space<vmem>>
    %dma_start3A_683 = arith.constant 0 : i32
    %dma_start3A_684 = arith.constant 0 : i32
    %dma_start3A_685 = tpu.memref_slice %arg8[%dma_start3A_683, %dma_start3A_684] : memref<10112x128xf32, #tpu.memory_space<vmem_shared>> -> memref<10112x128xf32, #tpu.memory_space<vmem_shared>>
    tpu.enqueue_indirect_dma source(%arg10 : memref<128x128xf32, #tpu.memory_space<vmem>>) target(%dma_start3A_685 : memref<10112x128xf32, #tpu.memory_space<vmem_shared>>) offsets(%dma_start3A_682 : memref<128xi32, #tpu.memory_space<vmem>>) semaphore(%arg20 : memref<!tpu.dma_semaphore, #tpu.memory_space<semaphore_mem>>) {add = true}
    %dma_start3A_686 = arith.constant 7 : i32
    %dma_start3A_687 = arith.constant 0 : i32
    %dma_start3A_688 = tpu.memref_slice %arg16[%dma_start3A_686, %dma_start3A_687] : memref<8x128xi32, #tpu.memory_space<vmem>> -> memref<1x128xi32, #tpu.memory_space<vmem>>
    %dma_start3A_689 = tpu.memref_squeeze %dma_start3A_688 : memref<1x128xi32, #tpu.memory_space<vmem>> -> memref<128xi32, #tpu.memory_space<vmem>>
    %dma_start3A_690 = arith.constant 0 : i32
    %dma_start3A_691 = arith.constant 0 : i32
    %dma_start3A_692 = tpu.memref_slice %arg8[%dma_start3A_690, %dma_start3A_691] : memref<10112x128xf32, #tpu.memory_space<vmem_shared>> -> memref<10112x128xf32, #tpu.memory_space<vmem_shared>>
    tpu.enqueue_indirect_dma source(%arg10 : memref<128x128xf32, #tpu.memory_space<vmem>>) target(%dma_start3A_692 : memref<10112x128xf32, #tpu.memory_space<vmem_shared>>) offsets(%dma_start3A_689 : memref<128xi32, #tpu.memory_space<vmem>>) semaphore(%arg20 : memref<!tpu.dma_semaphore, #tpu.memory_space<semaphore_mem>>) {add = true}
    %dma_wait3A_693 = arith.constant 0 : i32
    %dma_wait3A_694 = arith.constant 0 : i32
    %dma_wait3A_695 = tpu.memref_slice %arg8[%dma_wait3A_693, %dma_wait3A_694] : memref<10112x128xf32, #tpu.memory_space<vmem_shared>> -> memref<128x128xf32, #tpu.memory_space<vmem_shared>>
    %dma_wait3A_696 = arith.constant 0 : i32
    %dma_wait3A_697 = arith.constant 0 : i32
    %dma_wait3A_698 = tpu.memref_slice %arg8[%dma_wait3A_696, %dma_wait3A_697] : memref<10112x128xf32, #tpu.memory_space<vmem_shared>> -> memref<128x128xf32, #tpu.memory_space<vmem_shared>>
    tpu.wait_dma2 semaphore(%arg19 : memref<!tpu.dma_semaphore, #tpu.memory_space<semaphore_mem>>) src(%arg9 : memref<128x128xf32, #tpu.memory_space<vmem>>) dst(%dma_wait3A_698 : memref<128x128xf32, #tpu.memory_space<vmem_shared>>)
    %dma_wait3A_699 = arith.constant 0 : i32
    %dma_wait3A_700 = arith.constant 0 : i32
    %dma_wait3A_701 = tpu.memref_slice %arg8[%dma_wait3A_699, %dma_wait3A_700] : memref<10112x128xf32, #tpu.memory_space<vmem_shared>> -> memref<128x128xf32, #tpu.memory_space<vmem_shared>>
    %dma_wait3A_702 = arith.constant 0 : i32
    %dma_wait3A_703 = arith.constant 0 : i32
    %dma_wait3A_704 = tpu.memref_slice %arg8[%dma_wait3A_702, %dma_wait3A_703] : memref<10112x128xf32, #tpu.memory_space<vmem_shared>> -> memref<128x128xf32, #tpu.memory_space<vmem_shared>>
    tpu.wait_dma2 semaphore(%arg19 : memref<!tpu.dma_semaphore, #tpu.memory_space<semaphore_mem>>) src(%arg9 : memref<128x128xf32, #tpu.memory_space<vmem>>) dst(%dma_wait3A_704 : memref<128x128xf32, #tpu.memory_space<vmem_shared>>)
    %dma_wait3A_705 = arith.constant 0 : i32
    %dma_wait3A_706 = arith.constant 0 : i32
    %dma_wait3A_707 = tpu.memref_slice %arg3[%dma_wait3A_705, %dma_wait3A_706] : memref<2560x128xi32, #tpu.memory_space<hbm>> -> memref<8x128xi32, #tpu.memory_space<hbm>>
    %dma_wait3A_708 = arith.constant 0 : i32
    %dma_wait3A_709 = arith.constant 0 : i32
    %dma_wait3A_710 = tpu.memref_slice %arg3[%dma_wait3A_708, %dma_wait3A_709] : memref<2560x128xi32, #tpu.memory_space<hbm>> -> memref<8x128xi32, #tpu.memory_space<hbm>>
    tpu.wait_dma2 semaphore(%arg21 : memref<!tpu.dma_semaphore, #tpu.memory_space<semaphore_mem>>) src(%dma_wait3A_710 : memref<8x128xi32, #tpu.memory_space<hbm>>) dst(%arg11 : memref<8x128xi32, #tpu.memory_space<vmem>>)
    %dma_wait3A_711 = arith.constant 0 : i32
    %dma_wait3A_712 = arith.constant 0 : i32
    %dma_wait3A_713 = tpu.memref_slice %arg3[%dma_wait3A_711, %dma_wait3A_712] : memref<2560x128xi32, #tpu.memory_space<hbm>> -> memref<8x128xi32, #tpu.memory_space<hbm>>
    %dma_wait3A_714 = arith.constant 0 : i32
    %dma_wait3A_715 = arith.constant 0 : i32
    %dma_wait3A_716 = tpu.memref_slice %arg3[%dma_wait3A_714, %dma_wait3A_715] : memref<2560x128xi32, #tpu.memory_space<hbm>> -> memref<8x128xi32, #tpu.memory_space<hbm>>
    tpu.wait_dma2 semaphore(%arg21 : memref<!tpu.dma_semaphore, #tpu.memory_space<semaphore_mem>>) src(%dma_wait3A_716 : memref<8x128xi32, #tpu.memory_space<hbm>>) dst(%arg13 : memref<8x128xi32, #tpu.memory_space<vmem>>)
    %dma_wait3A_717 = arith.constant 0 : i32
    %dma_wait3A_718 = arith.constant 0 : i32
    %dma_wait3A_719 = tpu.memref_slice %arg3[%dma_wait3A_717, %dma_wait3A_718] : memref<2560x128xi32, #tpu.memory_space<hbm>> -> memref<8x128xi32, #tpu.memory_space<hbm>>
    %dma_wait3A_720 = arith.constant 0 : i32
    %dma_wait3A_721 = arith.constant 0 : i32
    %dma_wait3A_722 = tpu.memref_slice %arg3[%dma_wait3A_720, %dma_wait3A_721] : memref<2560x128xi32, #tpu.memory_space<hbm>> -> memref<8x128xi32, #tpu.memory_space<hbm>>
    tpu.wait_dma2 semaphore(%arg21 : memref<!tpu.dma_semaphore, #tpu.memory_space<semaphore_mem>>) src(%dma_wait3A_722 : memref<8x128xi32, #tpu.memory_space<hbm>>) dst(%arg15 : memref<8x128xi32, #tpu.memory_space<vmem>>)
    %dma_start3A_723 = arith.constant 0 : i32
    %dma_start3A_724 = arith.constant 0 : i32
    %dma_start3A_725 = tpu.memref_slice %arg11[%dma_start3A_723, %dma_start3A_724] : memref<8x128xi32, #tpu.memory_space<vmem>> -> memref<1x128xi32, #tpu.memory_space<vmem>>
    %dma_start3A_726 = tpu.memref_squeeze %dma_start3A_725 : memref<1x128xi32, #tpu.memory_space<vmem>> -> memref<128xi32, #tpu.memory_space<vmem>>
    %dma_start3A_727 = arith.constant 0 : i32
    %dma_start3A_728 = arith.constant 0 : i32
    %dma_start3A_729 = tpu.memref_slice %arg2[%dma_start3A_727, %dma_start3A_728] : memref<2000x128xf32, #tpu.memory_space<hbm>> -> memref<2000x128xf32, #tpu.memory_space<hbm>>
    tpu.enqueue_indirect_dma source(%dma_start3A_729 : memref<2000x128xf32, #tpu.memory_space<hbm>>) target(%arg9 : memref<128x128xf32, #tpu.memory_space<vmem>>) offsets(%dma_start3A_726 : memref<128xi32, #tpu.memory_space<vmem>>) semaphore(%arg17 : memref<!tpu.dma_semaphore, #tpu.memory_space<semaphore_mem>>)
    %scan3A = arith.constant 0 : i32
    %scan3A_730 = arith.constant 3 : i32
    %scan3A_731 = arith.addi %scan3A, %scan3A_730 : i32
    %scan3A_732 = arith.constant 1 : i32
    scf.for %scan3A_1404 = %scan3A to %scan3A_731 step %scan3A_732  : i32 {
      %mul3A_1405 = arith.constant 1 : i32
      %mul3A_1406 = arith.muli %scan3A_1404, %mul3A_1405 : i32
      %add3A_1407 = arith.constant 1 : i32
      %add3A_1408 = arith.addi %add3A_1407, %mul3A_1406 : i32
      %mul3A_1409 = arith.constant 2 : i32
      %mul3A_1410 = arith.muli %mul3A_1409, %add3A_1408 : i32
      %dma_wait3A_1411 = arith.constant 0 : i32
      %dma_wait3A_1412 = arith.constant 0 : i32
      %dma_wait3A_1413 = tpu.memref_slice %arg2[%dma_wait3A_1411, %dma_wait3A_1412] : memref<2000x128xf32, #tpu.memory_space<hbm>> -> memref<128x128xf32, #tpu.memory_space<hbm>>
      %dma_wait3A_1414 = arith.constant 0 : i32
      %dma_wait3A_1415 = arith.constant 0 : i32
      %dma_wait3A_1416 = tpu.memref_slice %arg2[%dma_wait3A_1414, %dma_wait3A_1415] : memref<2000x128xf32, #tpu.memory_space<hbm>> -> memref<128x128xf32, #tpu.memory_space<hbm>>
      tpu.wait_dma2 semaphore(%arg17 : memref<!tpu.dma_semaphore, #tpu.memory_space<semaphore_mem>>) src(%dma_wait3A_1416 : memref<128x128xf32, #tpu.memory_space<hbm>>) dst(%arg9 : memref<128x128xf32, #tpu.memory_space<vmem>>)
      %dma_start3A_1417 = arith.constant 0 : i32
      %dma_start3A_1418 = arith.constant 0 : i32
      %dma_start3A_1419 = tpu.memref_slice %arg13[%dma_start3A_1417, %dma_start3A_1418] : memref<8x128xi32, #tpu.memory_space<vmem>> -> memref<1x128xi32, #tpu.memory_space<vmem>>
      %dma_start3A_1420 = tpu.memref_squeeze %dma_start3A_1419 : memref<1x128xi32, #tpu.memory_space<vmem>> -> memref<128xi32, #tpu.memory_space<vmem>>
      %dma_start3A_1421 = arith.constant 0 : i32
      %dma_start3A_1422 = arith.constant 0 : i32
      %dma_start3A_1423 = tpu.memref_slice %arg8[%dma_start3A_1421, %dma_start3A_1422] : memref<10112x128xf32, #tpu.memory_space<vmem_shared>> -> memref<10112x128xf32, #tpu.memory_space<vmem_shared>>
      tpu.enqueue_indirect_dma source(%arg9 : memref<128x128xf32, #tpu.memory_space<vmem>>) target(%dma_start3A_1423 : memref<10112x128xf32, #tpu.memory_space<vmem_shared>>) offsets(%dma_start3A_1420 : memref<128xi32, #tpu.memory_space<vmem>>) semaphore(%arg19 : memref<!tpu.dma_semaphore, #tpu.memory_space<semaphore_mem>>) {add = true}
      %dma_start3A_1424 = arith.constant 0 : i32
      %dma_start3A_1425 = arith.constant 0 : i32
      %dma_start3A_1426 = tpu.memref_slice %arg15[%dma_start3A_1424, %dma_start3A_1425] : memref<8x128xi32, #tpu.memory_space<vmem>> -> memref<1x128xi32, #tpu.memory_space<vmem>>
      %dma_start3A_1427 = tpu.memref_squeeze %dma_start3A_1426 : memref<1x128xi32, #tpu.memory_space<vmem>> -> memref<128xi32, #tpu.memory_space<vmem>>
      %dma_start3A_1428 = arith.constant 0 : i32
      %dma_start3A_1429 = arith.constant 0 : i32
      %dma_start3A_1430 = tpu.memref_slice %arg8[%dma_start3A_1428, %dma_start3A_1429] : memref<10112x128xf32, #tpu.memory_space<vmem_shared>> -> memref<10112x128xf32, #tpu.memory_space<vmem_shared>>
      tpu.enqueue_indirect_dma source(%arg9 : memref<128x128xf32, #tpu.memory_space<vmem>>) target(%dma_start3A_1430 : memref<10112x128xf32, #tpu.memory_space<vmem_shared>>) offsets(%dma_start3A_1427 : memref<128xi32, #tpu.memory_space<vmem>>) semaphore(%arg19 : memref<!tpu.dma_semaphore, #tpu.memory_space<semaphore_mem>>) {add = true}
      %dma_wait3A_1431 = arith.constant 0 : i32
      %dma_wait3A_1432 = arith.constant 0 : i32
      %dma_wait3A_1433 = tpu.memref_slice %arg8[%dma_wait3A_1431, %dma_wait3A_1432] : memref<10112x128xf32, #tpu.memory_space<vmem_shared>> -> memref<128x128xf32, #tpu.memory_space<vmem_shared>>
      %dma_wait3A_1434 = arith.constant 0 : i32
      %dma_wait3A_1435 = arith.constant 0 : i32
      %dma_wait3A_1436 = tpu.memref_slice %arg8[%dma_wait3A_1434, %dma_wait3A_1435] : memref<10112x128xf32, #tpu.memory_space<vmem_shared>> -> memref<128x128xf32, #tpu.memory_space<vmem_shared>>
      tpu.wait_dma2 semaphore(%arg20 : memref<!tpu.dma_semaphore, #tpu.memory_space<semaphore_mem>>) src(%arg10 : memref<128x128xf32, #tpu.memory_space<vmem>>) dst(%dma_wait3A_1436 : memref<128x128xf32, #tpu.memory_space<vmem_shared>>)
      %dma_wait3A_1437 = arith.constant 0 : i32
      %dma_wait3A_1438 = arith.constant 0 : i32
      %dma_wait3A_1439 = tpu.memref_slice %arg8[%dma_wait3A_1437, %dma_wait3A_1438] : memref<10112x128xf32, #tpu.memory_space<vmem_shared>> -> memref<128x128xf32, #tpu.memory_space<vmem_shared>>
      %dma_wait3A_1440 = arith.constant 0 : i32
      %dma_wait3A_1441 = arith.constant 0 : i32
      %dma_wait3A_1442 = tpu.memref_slice %arg8[%dma_wait3A_1440, %dma_wait3A_1441] : memref<10112x128xf32, #tpu.memory_space<vmem_shared>> -> memref<128x128xf32, #tpu.memory_space<vmem_shared>>
      tpu.wait_dma2 semaphore(%arg20 : memref<!tpu.dma_semaphore, #tpu.memory_space<semaphore_mem>>) src(%arg10 : memref<128x128xf32, #tpu.memory_space<vmem>>) dst(%dma_wait3A_1442 : memref<128x128xf32, #tpu.memory_space<vmem_shared>>)
      %add3A_1443 = arith.constant 1 : i32
      %add3A_1444 = arith.addi %mul3A_1410, %add3A_1443 : i32
      %mul3A_1445 = arith.constant 8 : i32
      %mul3A_1446 = arith.muli %add3A_1444, %mul3A_1445 : i32
      %add3A_1447 = arith.addi %mul3A_2, %mul3A_1446 : i32
      %dma_start3A_1448 = arith.constant 0 : i32
      %dma_start3A_1449 = tpu.memref_slice %arg3[%add3A_1447, %dma_start3A_1448] : memref<2560x128xi32, #tpu.memory_space<hbm>> -> memref<8x128xi32, #tpu.memory_space<hbm>>
      %dma_start3A_1450 = arith.constant 0 : i32
      %dma_start3A_1451 = tpu.memref_slice %arg3[%add3A_1447, %dma_start3A_1450] : memref<2560x128xi32, #tpu.memory_space<hbm>> -> memref<8x128xi32, #tpu.memory_space<hbm>>
      tpu.enqueue_dma source(%dma_start3A_1451 : memref<8x128xi32, #tpu.memory_space<hbm>>) target(%arg12 : memref<8x128xi32, #tpu.memory_space<vmem>>) target_semaphore(%arg22 : memref<!tpu.dma_semaphore, #tpu.memory_space<semaphore_mem>>)
      %mul3A_1452 = arith.constant 8 : i32
      %mul3A_1453 = arith.muli %add3A_1444, %mul3A_1452 : i32
      %add3A_1454 = arith.addi %mul3A_2, %mul3A_1453 : i32
      %dma_start3A_1455 = arith.constant 0 : i32
      %dma_start3A_1456 = tpu.memref_slice %arg4[%add3A_1454, %dma_start3A_1455] : memref<2560x128xi32, #tpu.memory_space<hbm>> -> memref<8x128xi32, #tpu.memory_space<hbm>>
      %dma_start3A_1457 = arith.constant 0 : i32
      %dma_start3A_1458 = tpu.memref_slice %arg4[%add3A_1454, %dma_start3A_1457] : memref<2560x128xi32, #tpu.memory_space<hbm>> -> memref<8x128xi32, #tpu.memory_space<hbm>>
      tpu.enqueue_dma source(%dma_start3A_1458 : memref<8x128xi32, #tpu.memory_space<hbm>>) target(%arg14 : memref<8x128xi32, #tpu.memory_space<vmem>>) target_semaphore(%arg22 : memref<!tpu.dma_semaphore, #tpu.memory_space<semaphore_mem>>)
      %mul3A_1459 = arith.constant 8 : i32
      %mul3A_1460 = arith.muli %add3A_1444, %mul3A_1459 : i32
      %add3A_1461 = arith.addi %mul3A_2, %mul3A_1460 : i32
      %dma_start3A_1462 = arith.constant 0 : i32
      %dma_start3A_1463 = tpu.memref_slice %arg5[%add3A_1461, %dma_start3A_1462] : memref<2560x128xi32, #tpu.memory_space<hbm>> -> memref<8x128xi32, #tpu.memory_space<hbm>>
      %dma_start3A_1464 = arith.constant 0 : i32
      %dma_start3A_1465 = tpu.memref_slice %arg5[%add3A_1461, %dma_start3A_1464] : memref<2560x128xi32, #tpu.memory_space<hbm>> -> memref<8x128xi32, #tpu.memory_space<hbm>>
      tpu.enqueue_dma source(%dma_start3A_1465 : memref<8x128xi32, #tpu.memory_space<hbm>>) target(%arg16 : memref<8x128xi32, #tpu.memory_space<vmem>>) target_semaphore(%arg22 : memref<!tpu.dma_semaphore, #tpu.memory_space<semaphore_mem>>)
      %dma_start3A_1466 = arith.constant 1 : i32
      %dma_start3A_1467 = arith.constant 0 : i32
      %dma_start3A_1468 = tpu.memref_slice %arg11[%dma_start3A_1466, %dma_start3A_1467] : memref<8x128xi32, #tpu.memory_space<vmem>> -> memref<1x128xi32, #tpu.memory_space<vmem>>
      %dma_start3A_1469 = tpu.memref_squeeze %dma_start3A_1468 : memref<1x128xi32, #tpu.memory_space<vmem>> -> memref<128xi32, #tpu.memory_space<vmem>>
      %dma_start3A_1470 = arith.constant 0 : i32
      %dma_start3A_1471 = arith.constant 0 : i32
      %dma_start3A_1472 = tpu.memref_slice %arg2[%dma_start3A_1470, %dma_start3A_1471] : memref<2000x128xf32, #tpu.memory_space<hbm>> -> memref<2000x128xf32, #tpu.memory_space<hbm>>
      tpu.enqueue_indirect_dma source(%dma_start3A_1472 : memref<2000x128xf32, #tpu.memory_space<hbm>>) target(%arg10 : memref<128x128xf32, #tpu.memory_space<vmem>>) offsets(%dma_start3A_1469 : memref<128xi32, #tpu.memory_space<vmem>>) semaphore(%arg18 : memref<!tpu.dma_semaphore, #tpu.memory_space<semaphore_mem>>)
      %dma_wait3A_1473 = arith.constant 0 : i32
      %dma_wait3A_1474 = arith.constant 0 : i32
      %dma_wait3A_1475 = tpu.memref_slice %arg2[%dma_wait3A_1473, %dma_wait3A_1474] : memref<2000x128xf32, #tpu.memory_space<hbm>> -> memref<128x128xf32, #tpu.memory_space<hbm>>
      %dma_wait3A_1476 = arith.constant 0 : i32
      %dma_wait3A_1477 = arith.constant 0 : i32
      %dma_wait3A_1478 = tpu.memref_slice %arg2[%dma_wait3A_1476, %dma_wait3A_1477] : memref<2000x128xf32, #tpu.memory_space<hbm>> -> memref<128x128xf32, #tpu.memory_space<hbm>>
      tpu.wait_dma2 semaphore(%arg18 : memref<!tpu.dma_semaphore, #tpu.memory_space<semaphore_mem>>) src(%dma_wait3A_1478 : memref<128x128xf32, #tpu.memory_space<hbm>>) dst(%arg10 : memref<128x128xf32, #tpu.memory_space<vmem>>)
      %dma_start3A_1479 = arith.constant 1 : i32
      %dma_start3A_1480 = arith.constant 0 : i32
      %dma_start3A_1481 = tpu.memref_slice %arg13[%dma_start3A_1479, %dma_start3A_1480] : memref<8x128xi32, #tpu.memory_space<vmem>> -> memref<1x128xi32, #tpu.memory_space<vmem>>
      %dma_start3A_1482 = tpu.memref_squeeze %dma_start3A_1481 : memref<1x128xi32, #tpu.memory_space<vmem>> -> memref<128xi32, #tpu.memory_space<vmem>>
      %dma_start3A_1483 = arith.constant 0 : i32
      %dma_start3A_1484 = arith.constant 0 : i32
      %dma_start3A_1485 = tpu.memref_slice %arg8[%dma_start3A_1483, %dma_start3A_1484] : memref<10112x128xf32, #tpu.memory_space<vmem_shared>> -> memref<10112x128xf32, #tpu.memory_space<vmem_shared>>
      tpu.enqueue_indirect_dma source(%arg10 : memref<128x128xf32, #tpu.memory_space<vmem>>) target(%dma_start3A_1485 : memref<10112x128xf32, #tpu.memory_space<vmem_shared>>) offsets(%dma_start3A_1482 : memref<128xi32, #tpu.memory_space<vmem>>) semaphore(%arg20 : memref<!tpu.dma_semaphore, #tpu.memory_space<semaphore_mem>>) {add = true}
      %dma_start3A_1486 = arith.constant 1 : i32
      %dma_start3A_1487 = arith.constant 0 : i32
      %dma_start3A_1488 = tpu.memref_slice %arg15[%dma_start3A_1486, %dma_start3A_1487] : memref<8x128xi32, #tpu.memory_space<vmem>> -> memref<1x128xi32, #tpu.memory_space<vmem>>
      %dma_start3A_1489 = tpu.memref_squeeze %dma_start3A_1488 : memref<1x128xi32, #tpu.memory_space<vmem>> -> memref<128xi32, #tpu.memory_space<vmem>>
      %dma_start3A_1490 = arith.constant 0 : i32
      %dma_start3A_1491 = arith.constant 0 : i32
      %dma_start3A_1492 = tpu.memref_slice %arg8[%dma_start3A_1490, %dma_start3A_1491] : memref<10112x128xf32, #tpu.memory_space<vmem_shared>> -> memref<10112x128xf32, #tpu.memory_space<vmem_shared>>
      tpu.enqueue_indirect_dma source(%arg10 : memref<128x128xf32, #tpu.memory_space<vmem>>) target(%dma_start3A_1492 : memref<10112x128xf32, #tpu.memory_space<vmem_shared>>) offsets(%dma_start3A_1489 : memref<128xi32, #tpu.memory_space<vmem>>) semaphore(%arg20 : memref<!tpu.dma_semaphore, #tpu.memory_space<semaphore_mem>>) {add = true}
      %dma_wait3A_1493 = arith.constant 0 : i32
      %dma_wait3A_1494 = arith.constant 0 : i32
      %dma_wait3A_1495 = tpu.memref_slice %arg8[%dma_wait3A_1493, %dma_wait3A_1494] : memref<10112x128xf32, #tpu.memory_space<vmem_shared>> -> memref<128x128xf32, #tpu.memory_space<vmem_shared>>
      %dma_wait3A_1496 = arith.constant 0 : i32
      %dma_wait3A_1497 = arith.constant 0 : i32
      %dma_wait3A_1498 = tpu.memref_slice %arg8[%dma_wait3A_1496, %dma_wait3A_1497] : memref<10112x128xf32, #tpu.memory_space<vmem_shared>> -> memref<128x128xf32, #tpu.memory_space<vmem_shared>>
      tpu.wait_dma2 semaphore(%arg19 : memref<!tpu.dma_semaphore, #tpu.memory_space<semaphore_mem>>) src(%arg9 : memref<128x128xf32, #tpu.memory_space<vmem>>) dst(%dma_wait3A_1498 : memref<128x128xf32, #tpu.memory_space<vmem_shared>>)
      %dma_wait3A_1499 = arith.constant 0 : i32
      %dma_wait3A_1500 = arith.constant 0 : i32
      %dma_wait3A_1501 = tpu.memref_slice %arg8[%dma_wait3A_1499, %dma_wait3A_1500] : memref<10112x128xf32, #tpu.memory_space<vmem_shared>> -> memref<128x128xf32, #tpu.memory_space<vmem_shared>>
      %dma_wait3A_1502 = arith.constant 0 : i32
      %dma_wait3A_1503 = arith.constant 0 : i32
      %dma_wait3A_1504 = tpu.memref_slice %arg8[%dma_wait3A_1502, %dma_wait3A_1503] : memref<10112x128xf32, #tpu.memory_space<vmem_shared>> -> memref<128x128xf32, #tpu.memory_space<vmem_shared>>
      tpu.wait_dma2 semaphore(%arg19 : memref<!tpu.dma_semaphore, #tpu.memory_space<semaphore_mem>>) src(%arg9 : memref<128x128xf32, #tpu.memory_space<vmem>>) dst(%dma_wait3A_1504 : memref<128x128xf32, #tpu.memory_space<vmem_shared>>)
      %dma_start3A_1505 = arith.constant 2 : i32
      %dma_start3A_1506 = arith.constant 0 : i32
      %dma_start3A_1507 = tpu.memref_slice %arg11[%dma_start3A_1505, %dma_start3A_1506] : memref<8x128xi32, #tpu.memory_space<vmem>> -> memref<1x128xi32, #tpu.memory_space<vmem>>
      %dma_start3A_1508 = tpu.memref_squeeze %dma_start3A_1507 : memref<1x128xi32, #tpu.memory_space<vmem>> -> memref<128xi32, #tpu.memory_space<vmem>>
      %dma_start3A_1509 = arith.constant 0 : i32
      %dma_start3A_1510 = arith.constant 0 : i32
      %dma_start3A_1511 = tpu.memref_slice %arg2[%dma_start3A_1509, %dma_start3A_1510] : memref<2000x128xf32, #tpu.memory_space<hbm>> -> memref<2000x128xf32, #tpu.memory_space<hbm>>
      tpu.enqueue_indirect_dma source(%dma_start3A_1511 : memref<2000x128xf32, #tpu.memory_space<hbm>>) target(%arg9 : memref<128x128xf32, #tpu.memory_space<vmem>>) offsets(%dma_start3A_1508 : memref<128xi32, #tpu.memory_space<vmem>>) semaphore(%arg17 : memref<!tpu.dma_semaphore, #tpu.memory_space<semaphore_mem>>)
      %dma_wait3A_1512 = arith.constant 0 : i32
      %dma_wait3A_1513 = arith.constant 0 : i32
      %dma_wait3A_1514 = tpu.memref_slice %arg2[%dma_wait3A_1512, %dma_wait3A_1513] : memref<2000x128xf32, #tpu.memory_space<hbm>> -> memref<128x128xf32, #tpu.memory_space<hbm>>
      %dma_wait3A_1515 = arith.constant 0 : i32
      %dma_wait3A_1516 = arith.constant 0 : i32
      %dma_wait3A_1517 = tpu.memref_slice %arg2[%dma_wait3A_1515, %dma_wait3A_1516] : memref<2000x128xf32, #tpu.memory_space<hbm>> -> memref<128x128xf32, #tpu.memory_space<hbm>>
      tpu.wait_dma2 semaphore(%arg17 : memref<!tpu.dma_semaphore, #tpu.memory_space<semaphore_mem>>) src(%dma_wait3A_1517 : memref<128x128xf32, #tpu.memory_space<hbm>>) dst(%arg9 : memref<128x128xf32, #tpu.memory_space<vmem>>)
      %dma_start3A_1518 = arith.constant 2 : i32
      %dma_start3A_1519 = arith.constant 0 : i32
      %dma_start3A_1520 = tpu.memref_slice %arg13[%dma_start3A_1518, %dma_start3A_1519] : memref<8x128xi32, #tpu.memory_space<vmem>> -> memref<1x128xi32, #tpu.memory_space<vmem>>
      %dma_start3A_1521 = tpu.memref_squeeze %dma_start3A_1520 : memref<1x128xi32, #tpu.memory_space<vmem>> -> memref<128xi32, #tpu.memory_space<vmem>>
      %dma_start3A_1522 = arith.constant 0 : i32
      %dma_start3A_1523 = arith.constant 0 : i32
      %dma_start3A_1524 = tpu.memref_slice %arg8[%dma_start3A_1522, %dma_start3A_1523] : memref<10112x128xf32, #tpu.memory_space<vmem_shared>> -> memref<10112x128xf32, #tpu.memory_space<vmem_shared>>
      tpu.enqueue_indirect_dma source(%arg9 : memref<128x128xf32, #tpu.memory_space<vmem>>) target(%dma_start3A_1524 : memref<10112x128xf32, #tpu.memory_space<vmem_shared>>) offsets(%dma_start3A_1521 : memref<128xi32, #tpu.memory_space<vmem>>) semaphore(%arg19 : memref<!tpu.dma_semaphore, #tpu.memory_space<semaphore_mem>>) {add = true}
      %dma_start3A_1525 = arith.constant 2 : i32
      %dma_start3A_1526 = arith.constant 0 : i32
      %dma_start3A_1527 = tpu.memref_slice %arg15[%dma_start3A_1525, %dma_start3A_1526] : memref<8x128xi32, #tpu.memory_space<vmem>> -> memref<1x128xi32, #tpu.memory_space<vmem>>
      %dma_start3A_1528 = tpu.memref_squeeze %dma_start3A_1527 : memref<1x128xi32, #tpu.memory_space<vmem>> -> memref<128xi32, #tpu.memory_space<vmem>>
      %dma_start3A_1529 = arith.constant 0 : i32
      %dma_start3A_1530 = arith.constant 0 : i32
      %dma_start3A_1531 = tpu.memref_slice %arg8[%dma_start3A_1529, %dma_start3A_1530] : memref<10112x128xf32, #tpu.memory_space<vmem_shared>> -> memref<10112x128xf32, #tpu.memory_space<vmem_shared>>
      tpu.enqueue_indirect_dma source(%arg9 : memref<128x128xf32, #tpu.memory_space<vmem>>) target(%dma_start3A_1531 : memref<10112x128xf32, #tpu.memory_space<vmem_shared>>) offsets(%dma_start3A_1528 : memref<128xi32, #tpu.memory_space<vmem>>) semaphore(%arg19 : memref<!tpu.dma_semaphore, #tpu.memory_space<semaphore_mem>>) {add = true}
      %dma_wait3A_1532 = arith.constant 0 : i32
      %dma_wait3A_1533 = arith.constant 0 : i32
      %dma_wait3A_1534 = tpu.memref_slice %arg8[%dma_wait3A_1532, %dma_wait3A_1533] : memref<10112x128xf32, #tpu.memory_space<vmem_shared>> -> memref<128x128xf32, #tpu.memory_space<vmem_shared>>
      %dma_wait3A_1535 = arith.constant 0 : i32
      %dma_wait3A_1536 = arith.constant 0 : i32
      %dma_wait3A_1537 = tpu.memref_slice %arg8[%dma_wait3A_1535, %dma_wait3A_1536] : memref<10112x128xf32, #tpu.memory_space<vmem_shared>> -> memref<128x128xf32, #tpu.memory_space<vmem_shared>>
      tpu.wait_dma2 semaphore(%arg20 : memref<!tpu.dma_semaphore, #tpu.memory_space<semaphore_mem>>) src(%arg10 : memref<128x128xf32, #tpu.memory_space<vmem>>) dst(%dma_wait3A_1537 : memref<128x128xf32, #tpu.memory_space<vmem_shared>>)
      %dma_wait3A_1538 = arith.constant 0 : i32
      %dma_wait3A_1539 = arith.constant 0 : i32
      %dma_wait3A_1540 = tpu.memref_slice %arg8[%dma_wait3A_1538, %dma_wait3A_1539] : memref<10112x128xf32, #tpu.memory_space<vmem_shared>> -> memref<128x128xf32, #tpu.memory_space<vmem_shared>>
      %dma_wait3A_1541 = arith.constant 0 : i32
      %dma_wait3A_1542 = arith.constant 0 : i32
      %dma_wait3A_1543 = tpu.memref_slice %arg8[%dma_wait3A_1541, %dma_wait3A_1542] : memref<10112x128xf32, #tpu.memory_space<vmem_shared>> -> memref<128x128xf32, #tpu.memory_space<vmem_shared>>
      tpu.wait_dma2 semaphore(%arg20 : memref<!tpu.dma_semaphore, #tpu.memory_space<semaphore_mem>>) src(%arg10 : memref<128x128xf32, #tpu.memory_space<vmem>>) dst(%dma_wait3A_1543 : memref<128x128xf32, #tpu.memory_space<vmem_shared>>)
      %dma_start3A_1544 = arith.constant 3 : i32
      %dma_start3A_1545 = arith.constant 0 : i32
      %dma_start3A_1546 = tpu.memref_slice %arg11[%dma_start3A_1544, %dma_start3A_1545] : memref<8x128xi32, #tpu.memory_space<vmem>> -> memref<1x128xi32, #tpu.memory_space<vmem>>
      %dma_start3A_1547 = tpu.memref_squeeze %dma_start3A_1546 : memref<1x128xi32, #tpu.memory_space<vmem>> -> memref<128xi32, #tpu.memory_space<vmem>>
      %dma_start3A_1548 = arith.constant 0 : i32
      %dma_start3A_1549 = arith.constant 0 : i32
      %dma_start3A_1550 = tpu.memref_slice %arg2[%dma_start3A_1548, %dma_start3A_1549] : memref<2000x128xf32, #tpu.memory_space<hbm>> -> memref<2000x128xf32, #tpu.memory_space<hbm>>
      tpu.enqueue_indirect_dma source(%dma_start3A_1550 : memref<2000x128xf32, #tpu.memory_space<hbm>>) target(%arg10 : memref<128x128xf32, #tpu.memory_space<vmem>>) offsets(%dma_start3A_1547 : memref<128xi32, #tpu.memory_space<vmem>>) semaphore(%arg18 : memref<!tpu.dma_semaphore, #tpu.memory_space<semaphore_mem>>)
      %dma_wait3A_1551 = arith.constant 0 : i32
      %dma_wait3A_1552 = arith.constant 0 : i32
      %dma_wait3A_1553 = tpu.memref_slice %arg2[%dma_wait3A_1551, %dma_wait3A_1552] : memref<2000x128xf32, #tpu.memory_space<hbm>> -> memref<128x128xf32, #tpu.memory_space<hbm>>
      %dma_wait3A_1554 = arith.constant 0 : i32
      %dma_wait3A_1555 = arith.constant 0 : i32
      %dma_wait3A_1556 = tpu.memref_slice %arg2[%dma_wait3A_1554, %dma_wait3A_1555] : memref<2000x128xf32, #tpu.memory_space<hbm>> -> memref<128x128xf32, #tpu.memory_space<hbm>>
      tpu.wait_dma2 semaphore(%arg18 : memref<!tpu.dma_semaphore, #tpu.memory_space<semaphore_mem>>) src(%dma_wait3A_1556 : memref<128x128xf32, #tpu.memory_space<hbm>>) dst(%arg10 : memref<128x128xf32, #tpu.memory_space<vmem>>)
      %dma_start3A_1557 = arith.constant 3 : i32
      %dma_start3A_1558 = arith.constant 0 : i32
      %dma_start3A_1559 = tpu.memref_slice %arg13[%dma_start3A_1557, %dma_start3A_1558] : memref<8x128xi32, #tpu.memory_space<vmem>> -> memref<1x128xi32, #tpu.memory_space<vmem>>
      %dma_start3A_1560 = tpu.memref_squeeze %dma_start3A_1559 : memref<1x128xi32, #tpu.memory_space<vmem>> -> memref<128xi32, #tpu.memory_space<vmem>>
      %dma_start3A_1561 = arith.constant 0 : i32
      %dma_start3A_1562 = arith.constant 0 : i32
      %dma_start3A_1563 = tpu.memref_slice %arg8[%dma_start3A_1561, %dma_start3A_1562] : memref<10112x128xf32, #tpu.memory_space<vmem_shared>> -> memref<10112x128xf32, #tpu.memory_space<vmem_shared>>
      tpu.enqueue_indirect_dma source(%arg10 : memref<128x128xf32, #tpu.memory_space<vmem>>) target(%dma_start3A_1563 : memref<10112x128xf32, #tpu.memory_space<vmem_shared>>) offsets(%dma_start3A_1560 : memref<128xi32, #tpu.memory_space<vmem>>) semaphore(%arg20 : memref<!tpu.dma_semaphore, #tpu.memory_space<semaphore_mem>>) {add = true}
      %dma_start3A_1564 = arith.constant 3 : i32
      %dma_start3A_1565 = arith.constant 0 : i32
      %dma_start3A_1566 = tpu.memref_slice %arg15[%dma_start3A_1564, %dma_start3A_1565] : memref<8x128xi32, #tpu.memory_space<vmem>> -> memref<1x128xi32, #tpu.memory_space<vmem>>
      %dma_start3A_1567 = tpu.memref_squeeze %dma_start3A_1566 : memref<1x128xi32, #tpu.memory_space<vmem>> -> memref<128xi32, #tpu.memory_space<vmem>>
      %dma_start3A_1568 = arith.constant 0 : i32
      %dma_start3A_1569 = arith.constant 0 : i32
      %dma_start3A_1570 = tpu.memref_slice %arg8[%dma_start3A_1568, %dma_start3A_1569] : memref<10112x128xf32, #tpu.memory_space<vmem_shared>> -> memref<10112x128xf32, #tpu.memory_space<vmem_shared>>
      tpu.enqueue_indirect_dma source(%arg10 : memref<128x128xf32, #tpu.memory_space<vmem>>) target(%dma_start3A_1570 : memref<10112x128xf32, #tpu.memory_space<vmem_shared>>) offsets(%dma_start3A_1567 : memref<128xi32, #tpu.memory_space<vmem>>) semaphore(%arg20 : memref<!tpu.dma_semaphore, #tpu.memory_space<semaphore_mem>>) {add = true}
      %dma_wait3A_1571 = arith.constant 0 : i32
      %dma_wait3A_1572 = arith.constant 0 : i32
      %dma_wait3A_1573 = tpu.memref_slice %arg8[%dma_wait3A_1571, %dma_wait3A_1572] : memref<10112x128xf32, #tpu.memory_space<vmem_shared>> -> memref<128x128xf32, #tpu.memory_space<vmem_shared>>
      %dma_wait3A_1574 = arith.constant 0 : i32
      %dma_wait3A_1575 = arith.constant 0 : i32
      %dma_wait3A_1576 = tpu.memref_slice %arg8[%dma_wait3A_1574, %dma_wait3A_1575] : memref<10112x128xf32, #tpu.memory_space<vmem_shared>> -> memref<128x128xf32, #tpu.memory_space<vmem_shared>>
      tpu.wait_dma2 semaphore(%arg19 : memref<!tpu.dma_semaphore, #tpu.memory_space<semaphore_mem>>) src(%arg9 : memref<128x128xf32, #tpu.memory_space<vmem>>) dst(%dma_wait3A_1576 : memref<128x128xf32, #tpu.memory_space<vmem_shared>>)
      %dma_wait3A_1577 = arith.constant 0 : i32
      %dma_wait3A_1578 = arith.constant 0 : i32
      %dma_wait3A_1579 = tpu.memref_slice %arg8[%dma_wait3A_1577, %dma_wait3A_1578] : memref<10112x128xf32, #tpu.memory_space<vmem_shared>> -> memref<128x128xf32, #tpu.memory_space<vmem_shared>>
      %dma_wait3A_1580 = arith.constant 0 : i32
      %dma_wait3A_1581 = arith.constant 0 : i32
      %dma_wait3A_1582 = tpu.memref_slice %arg8[%dma_wait3A_1580, %dma_wait3A_1581] : memref<10112x128xf32, #tpu.memory_space<vmem_shared>> -> memref<128x128xf32, #tpu.memory_space<vmem_shared>>
      tpu.wait_dma2 semaphore(%arg19 : memref<!tpu.dma_semaphore, #tpu.memory_space<semaphore_mem>>) src(%arg9 : memref<128x128xf32, #tpu.memory_space<vmem>>) dst(%dma_wait3A_1582 : memref<128x128xf32, #tpu.memory_space<vmem_shared>>)
      %dma_start3A_1583 = arith.constant 4 : i32
      %dma_start3A_1584 = arith.constant 0 : i32
      %dma_start3A_1585 = tpu.memref_slice %arg11[%dma_start3A_1583, %dma_start3A_1584] : memref<8x128xi32, #tpu.memory_space<vmem>> -> memref<1x128xi32, #tpu.memory_space<vmem>>
      %dma_start3A_1586 = tpu.memref_squeeze %dma_start3A_1585 : memref<1x128xi32, #tpu.memory_space<vmem>> -> memref<128xi32, #tpu.memory_space<vmem>>
      %dma_start3A_1587 = arith.constant 0 : i32
      %dma_start3A_1588 = arith.constant 0 : i32
      %dma_start3A_1589 = tpu.memref_slice %arg2[%dma_start3A_1587, %dma_start3A_1588] : memref<2000x128xf32, #tpu.memory_space<hbm>> -> memref<2000x128xf32, #tpu.memory_space<hbm>>
      tpu.enqueue_indirect_dma source(%dma_start3A_1589 : memref<2000x128xf32, #tpu.memory_space<hbm>>) target(%arg9 : memref<128x128xf32, #tpu.memory_space<vmem>>) offsets(%dma_start3A_1586 : memref<128xi32, #tpu.memory_space<vmem>>) semaphore(%arg17 : memref<!tpu.dma_semaphore, #tpu.memory_space<semaphore_mem>>)
      %dma_wait3A_1590 = arith.constant 0 : i32
      %dma_wait3A_1591 = arith.constant 0 : i32
      %dma_wait3A_1592 = tpu.memref_slice %arg2[%dma_wait3A_1590, %dma_wait3A_1591] : memref<2000x128xf32, #tpu.memory_space<hbm>> -> memref<128x128xf32, #tpu.memory_space<hbm>>
      %dma_wait3A_1593 = arith.constant 0 : i32
      %dma_wait3A_1594 = arith.constant 0 : i32
      %dma_wait3A_1595 = tpu.memref_slice %arg2[%dma_wait3A_1593, %dma_wait3A_1594] : memref<2000x128xf32, #tpu.memory_space<hbm>> -> memref<128x128xf32, #tpu.memory_space<hbm>>
      tpu.wait_dma2 semaphore(%arg17 : memref<!tpu.dma_semaphore, #tpu.memory_space<semaphore_mem>>) src(%dma_wait3A_1595 : memref<128x128xf32, #tpu.memory_space<hbm>>) dst(%arg9 : memref<128x128xf32, #tpu.memory_space<vmem>>)
      %dma_start3A_1596 = arith.constant 4 : i32
      %dma_start3A_1597 = arith.constant 0 : i32
      %dma_start3A_1598 = tpu.memref_slice %arg13[%dma_start3A_1596, %dma_start3A_1597] : memref<8x128xi32, #tpu.memory_space<vmem>> -> memref<1x128xi32, #tpu.memory_space<vmem>>
      %dma_start3A_1599 = tpu.memref_squeeze %dma_start3A_1598 : memref<1x128xi32, #tpu.memory_space<vmem>> -> memref<128xi32, #tpu.memory_space<vmem>>
      %dma_start3A_1600 = arith.constant 0 : i32
      %dma_start3A_1601 = arith.constant 0 : i32
      %dma_start3A_1602 = tpu.memref_slice %arg8[%dma_start3A_1600, %dma_start3A_1601] : memref<10112x128xf32, #tpu.memory_space<vmem_shared>> -> memref<10112x128xf32, #tpu.memory_space<vmem_shared>>
      tpu.enqueue_indirect_dma source(%arg9 : memref<128x128xf32, #tpu.memory_space<vmem>>) target(%dma_start3A_1602 : memref<10112x128xf32, #tpu.memory_space<vmem_shared>>) offsets(%dma_start3A_1599 : memref<128xi32, #tpu.memory_space<vmem>>) semaphore(%arg19 : memref<!tpu.dma_semaphore, #tpu.memory_space<semaphore_mem>>) {add = true}
      %dma_start3A_1603 = arith.constant 4 : i32
      %dma_start3A_1604 = arith.constant 0 : i32
      %dma_start3A_1605 = tpu.memref_slice %arg15[%dma_start3A_1603, %dma_start3A_1604] : memref<8x128xi32, #tpu.memory_space<vmem>> -> memref<1x128xi32, #tpu.memory_space<vmem>>
      %dma_start3A_1606 = tpu.memref_squeeze %dma_start3A_1605 : memref<1x128xi32, #tpu.memory_space<vmem>> -> memref<128xi32, #tpu.memory_space<vmem>>
      %dma_start3A_1607 = arith.constant 0 : i32
      %dma_start3A_1608 = arith.constant 0 : i32
      %dma_start3A_1609 = tpu.memref_slice %arg8[%dma_start3A_1607, %dma_start3A_1608] : memref<10112x128xf32, #tpu.memory_space<vmem_shared>> -> memref<10112x128xf32, #tpu.memory_space<vmem_shared>>
      tpu.enqueue_indirect_dma source(%arg9 : memref<128x128xf32, #tpu.memory_space<vmem>>) target(%dma_start3A_1609 : memref<10112x128xf32, #tpu.memory_space<vmem_shared>>) offsets(%dma_start3A_1606 : memref<128xi32, #tpu.memory_space<vmem>>) semaphore(%arg19 : memref<!tpu.dma_semaphore, #tpu.memory_space<semaphore_mem>>) {add = true}
      %dma_wait3A_1610 = arith.constant 0 : i32
      %dma_wait3A_1611 = arith.constant 0 : i32
      %dma_wait3A_1612 = tpu.memref_slice %arg8[%dma_wait3A_1610, %dma_wait3A_1611] : memref<10112x128xf32, #tpu.memory_space<vmem_shared>> -> memref<128x128xf32, #tpu.memory_space<vmem_shared>>
      %dma_wait3A_1613 = arith.constant 0 : i32
      %dma_wait3A_1614 = arith.constant 0 : i32
      %dma_wait3A_1615 = tpu.memref_slice %arg8[%dma_wait3A_1613, %dma_wait3A_1614] : memref<10112x128xf32, #tpu.memory_space<vmem_shared>> -> memref<128x128xf32, #tpu.memory_space<vmem_shared>>
      tpu.wait_dma2 semaphore(%arg20 : memref<!tpu.dma_semaphore, #tpu.memory_space<semaphore_mem>>) src(%arg10 : memref<128x128xf32, #tpu.memory_space<vmem>>) dst(%dma_wait3A_1615 : memref<128x128xf32, #tpu.memory_space<vmem_shared>>)
      %dma_wait3A_1616 = arith.constant 0 : i32
      %dma_wait3A_1617 = arith.constant 0 : i32
      %dma_wait3A_1618 = tpu.memref_slice %arg8[%dma_wait3A_1616, %dma_wait3A_1617] : memref<10112x128xf32, #tpu.memory_space<vmem_shared>> -> memref<128x128xf32, #tpu.memory_space<vmem_shared>>
      %dma_wait3A_1619 = arith.constant 0 : i32
      %dma_wait3A_1620 = arith.constant 0 : i32
      %dma_wait3A_1621 = tpu.memref_slice %arg8[%dma_wait3A_1619, %dma_wait3A_1620] : memref<10112x128xf32, #tpu.memory_space<vmem_shared>> -> memref<128x128xf32, #tpu.memory_space<vmem_shared>>
      tpu.wait_dma2 semaphore(%arg20 : memref<!tpu.dma_semaphore, #tpu.memory_space<semaphore_mem>>) src(%arg10 : memref<128x128xf32, #tpu.memory_space<vmem>>) dst(%dma_wait3A_1621 : memref<128x128xf32, #tpu.memory_space<vmem_shared>>)
      %dma_start3A_1622 = arith.constant 5 : i32
      %dma_start3A_1623 = arith.constant 0 : i32
      %dma_start3A_1624 = tpu.memref_slice %arg11[%dma_start3A_1622, %dma_start3A_1623] : memref<8x128xi32, #tpu.memory_space<vmem>> -> memref<1x128xi32, #tpu.memory_space<vmem>>
      %dma_start3A_1625 = tpu.memref_squeeze %dma_start3A_1624 : memref<1x128xi32, #tpu.memory_space<vmem>> -> memref<128xi32, #tpu.memory_space<vmem>>
      %dma_start3A_1626 = arith.constant 0 : i32
      %dma_start3A_1627 = arith.constant 0 : i32
      %dma_start3A_1628 = tpu.memref_slice %arg2[%dma_start3A_1626, %dma_start3A_1627] : memref<2000x128xf32, #tpu.memory_space<hbm>> -> memref<2000x128xf32, #tpu.memory_space<hbm>>
      tpu.enqueue_indirect_dma source(%dma_start3A_1628 : memref<2000x128xf32, #tpu.memory_space<hbm>>) target(%arg10 : memref<128x128xf32, #tpu.memory_space<vmem>>) offsets(%dma_start3A_1625 : memref<128xi32, #tpu.memory_space<vmem>>) semaphore(%arg18 : memref<!tpu.dma_semaphore, #tpu.memory_space<semaphore_mem>>)
      %dma_wait3A_1629 = arith.constant 0 : i32
      %dma_wait3A_1630 = arith.constant 0 : i32
      %dma_wait3A_1631 = tpu.memref_slice %arg2[%dma_wait3A_1629, %dma_wait3A_1630] : memref<2000x128xf32, #tpu.memory_space<hbm>> -> memref<128x128xf32, #tpu.memory_space<hbm>>
      %dma_wait3A_1632 = arith.constant 0 : i32
      %dma_wait3A_1633 = arith.constant 0 : i32
      %dma_wait3A_1634 = tpu.memref_slice %arg2[%dma_wait3A_1632, %dma_wait3A_1633] : memref<2000x128xf32, #tpu.memory_space<hbm>> -> memref<128x128xf32, #tpu.memory_space<hbm>>
      tpu.wait_dma2 semaphore(%arg18 : memref<!tpu.dma_semaphore, #tpu.memory_space<semaphore_mem>>) src(%dma_wait3A_1634 : memref<128x128xf32, #tpu.memory_space<hbm>>) dst(%arg10 : memref<128x128xf32, #tpu.memory_space<vmem>>)
      %dma_start3A_1635 = arith.constant 5 : i32
      %dma_start3A_1636 = arith.constant 0 : i32
      %dma_start3A_1637 = tpu.memref_slice %arg13[%dma_start3A_1635, %dma_start3A_1636] : memref<8x128xi32, #tpu.memory_space<vmem>> -> memref<1x128xi32, #tpu.memory_space<vmem>>
      %dma_start3A_1638 = tpu.memref_squeeze %dma_start3A_1637 : memref<1x128xi32, #tpu.memory_space<vmem>> -> memref<128xi32, #tpu.memory_space<vmem>>
      %dma_start3A_1639 = arith.constant 0 : i32
      %dma_start3A_1640 = arith.constant 0 : i32
      %dma_start3A_1641 = tpu.memref_slice %arg8[%dma_start3A_1639, %dma_start3A_1640] : memref<10112x128xf32, #tpu.memory_space<vmem_shared>> -> memref<10112x128xf32, #tpu.memory_space<vmem_shared>>
      tpu.enqueue_indirect_dma source(%arg10 : memref<128x128xf32, #tpu.memory_space<vmem>>) target(%dma_start3A_1641 : memref<10112x128xf32, #tpu.memory_space<vmem_shared>>) offsets(%dma_start3A_1638 : memref<128xi32, #tpu.memory_space<vmem>>) semaphore(%arg20 : memref<!tpu.dma_semaphore, #tpu.memory_space<semaphore_mem>>) {add = true}
      %dma_start3A_1642 = arith.constant 5 : i32
      %dma_start3A_1643 = arith.constant 0 : i32
      %dma_start3A_1644 = tpu.memref_slice %arg15[%dma_start3A_1642, %dma_start3A_1643] : memref<8x128xi32, #tpu.memory_space<vmem>> -> memref<1x128xi32, #tpu.memory_space<vmem>>
      %dma_start3A_1645 = tpu.memref_squeeze %dma_start3A_1644 : memref<1x128xi32, #tpu.memory_space<vmem>> -> memref<128xi32, #tpu.memory_space<vmem>>
      %dma_start3A_1646 = arith.constant 0 : i32
      %dma_start3A_1647 = arith.constant 0 : i32
      %dma_start3A_1648 = tpu.memref_slice %arg8[%dma_start3A_1646, %dma_start3A_1647] : memref<10112x128xf32, #tpu.memory_space<vmem_shared>> -> memref<10112x128xf32, #tpu.memory_space<vmem_shared>>
      tpu.enqueue_indirect_dma source(%arg10 : memref<128x128xf32, #tpu.memory_space<vmem>>) target(%dma_start3A_1648 : memref<10112x128xf32, #tpu.memory_space<vmem_shared>>) offsets(%dma_start3A_1645 : memref<128xi32, #tpu.memory_space<vmem>>) semaphore(%arg20 : memref<!tpu.dma_semaphore, #tpu.memory_space<semaphore_mem>>) {add = true}
      %dma_wait3A_1649 = arith.constant 0 : i32
      %dma_wait3A_1650 = arith.constant 0 : i32
      %dma_wait3A_1651 = tpu.memref_slice %arg8[%dma_wait3A_1649, %dma_wait3A_1650] : memref<10112x128xf32, #tpu.memory_space<vmem_shared>> -> memref<128x128xf32, #tpu.memory_space<vmem_shared>>
      %dma_wait3A_1652 = arith.constant 0 : i32
      %dma_wait3A_1653 = arith.constant 0 : i32
      %dma_wait3A_1654 = tpu.memref_slice %arg8[%dma_wait3A_1652, %dma_wait3A_1653] : memref<10112x128xf32, #tpu.memory_space<vmem_shared>> -> memref<128x128xf32, #tpu.memory_space<vmem_shared>>
      tpu.wait_dma2 semaphore(%arg19 : memref<!tpu.dma_semaphore, #tpu.memory_space<semaphore_mem>>) src(%arg9 : memref<128x128xf32, #tpu.memory_space<vmem>>) dst(%dma_wait3A_1654 : memref<128x128xf32, #tpu.memory_space<vmem_shared>>)
      %dma_wait3A_1655 = arith.constant 0 : i32
      %dma_wait3A_1656 = arith.constant 0 : i32
      %dma_wait3A_1657 = tpu.memref_slice %arg8[%dma_wait3A_1655, %dma_wait3A_1656] : memref<10112x128xf32, #tpu.memory_space<vmem_shared>> -> memref<128x128xf32, #tpu.memory_space<vmem_shared>>
      %dma_wait3A_1658 = arith.constant 0 : i32
      %dma_wait3A_1659 = arith.constant 0 : i32
      %dma_wait3A_1660 = tpu.memref_slice %arg8[%dma_wait3A_1658, %dma_wait3A_1659] : memref<10112x128xf32, #tpu.memory_space<vmem_shared>> -> memref<128x128xf32, #tpu.memory_space<vmem_shared>>
      tpu.wait_dma2 semaphore(%arg19 : memref<!tpu.dma_semaphore, #tpu.memory_space<semaphore_mem>>) src(%arg9 : memref<128x128xf32, #tpu.memory_space<vmem>>) dst(%dma_wait3A_1660 : memref<128x128xf32, #tpu.memory_space<vmem_shared>>)
      %dma_start3A_1661 = arith.constant 6 : i32
      %dma_start3A_1662 = arith.constant 0 : i32
      %dma_start3A_1663 = tpu.memref_slice %arg11[%dma_start3A_1661, %dma_start3A_1662] : memref<8x128xi32, #tpu.memory_space<vmem>> -> memref<1x128xi32, #tpu.memory_space<vmem>>
      %dma_start3A_1664 = tpu.memref_squeeze %dma_start3A_1663 : memref<1x128xi32, #tpu.memory_space<vmem>> -> memref<128xi32, #tpu.memory_space<vmem>>
      %dma_start3A_1665 = arith.constant 0 : i32
      %dma_start3A_1666 = arith.constant 0 : i32
      %dma_start3A_1667 = tpu.memref_slice %arg2[%dma_start3A_1665, %dma_start3A_1666] : memref<2000x128xf32, #tpu.memory_space<hbm>> -> memref<2000x128xf32, #tpu.memory_space<hbm>>
      tpu.enqueue_indirect_dma source(%dma_start3A_1667 : memref<2000x128xf32, #tpu.memory_space<hbm>>) target(%arg9 : memref<128x128xf32, #tpu.memory_space<vmem>>) offsets(%dma_start3A_1664 : memref<128xi32, #tpu.memory_space<vmem>>) semaphore(%arg17 : memref<!tpu.dma_semaphore, #tpu.memory_space<semaphore_mem>>)
      %dma_wait3A_1668 = arith.constant 0 : i32
      %dma_wait3A_1669 = arith.constant 0 : i32
      %dma_wait3A_1670 = tpu.memref_slice %arg2[%dma_wait3A_1668, %dma_wait3A_1669] : memref<2000x128xf32, #tpu.memory_space<hbm>> -> memref<128x128xf32, #tpu.memory_space<hbm>>
      %dma_wait3A_1671 = arith.constant 0 : i32
      %dma_wait3A_1672 = arith.constant 0 : i32
      %dma_wait3A_1673 = tpu.memref_slice %arg2[%dma_wait3A_1671, %dma_wait3A_1672] : memref<2000x128xf32, #tpu.memory_space<hbm>> -> memref<128x128xf32, #tpu.memory_space<hbm>>
      tpu.wait_dma2 semaphore(%arg17 : memref<!tpu.dma_semaphore, #tpu.memory_space<semaphore_mem>>) src(%dma_wait3A_1673 : memref<128x128xf32, #tpu.memory_space<hbm>>) dst(%arg9 : memref<128x128xf32, #tpu.memory_space<vmem>>)
      %dma_start3A_1674 = arith.constant 6 : i32
      %dma_start3A_1675 = arith.constant 0 : i32
      %dma_start3A_1676 = tpu.memref_slice %arg13[%dma_start3A_1674, %dma_start3A_1675] : memref<8x128xi32, #tpu.memory_space<vmem>> -> memref<1x128xi32, #tpu.memory_space<vmem>>
      %dma_start3A_1677 = tpu.memref_squeeze %dma_start3A_1676 : memref<1x128xi32, #tpu.memory_space<vmem>> -> memref<128xi32, #tpu.memory_space<vmem>>
      %dma_start3A_1678 = arith.constant 0 : i32
      %dma_start3A_1679 = arith.constant 0 : i32
      %dma_start3A_1680 = tpu.memref_slice %arg8[%dma_start3A_1678, %dma_start3A_1679] : memref<10112x128xf32, #tpu.memory_space<vmem_shared>> -> memref<10112x128xf32, #tpu.memory_space<vmem_shared>>
      tpu.enqueue_indirect_dma source(%arg9 : memref<128x128xf32, #tpu.memory_space<vmem>>) target(%dma_start3A_1680 : memref<10112x128xf32, #tpu.memory_space<vmem_shared>>) offsets(%dma_start3A_1677 : memref<128xi32, #tpu.memory_space<vmem>>) semaphore(%arg19 : memref<!tpu.dma_semaphore, #tpu.memory_space<semaphore_mem>>) {add = true}
      %dma_start3A_1681 = arith.constant 6 : i32
      %dma_start3A_1682 = arith.constant 0 : i32
      %dma_start3A_1683 = tpu.memref_slice %arg15[%dma_start3A_1681, %dma_start3A_1682] : memref<8x128xi32, #tpu.memory_space<vmem>> -> memref<1x128xi32, #tpu.memory_space<vmem>>
      %dma_start3A_1684 = tpu.memref_squeeze %dma_start3A_1683 : memref<1x128xi32, #tpu.memory_space<vmem>> -> memref<128xi32, #tpu.memory_space<vmem>>
      %dma_start3A_1685 = arith.constant 0 : i32
      %dma_start3A_1686 = arith.constant 0 : i32
      %dma_start3A_1687 = tpu.memref_slice %arg8[%dma_start3A_1685, %dma_start3A_1686] : memref<10112x128xf32, #tpu.memory_space<vmem_shared>> -> memref<10112x128xf32, #tpu.memory_space<vmem_shared>>
      tpu.enqueue_indirect_dma source(%arg9 : memref<128x128xf32, #tpu.memory_space<vmem>>) target(%dma_start3A_1687 : memref<10112x128xf32, #tpu.memory_space<vmem_shared>>) offsets(%dma_start3A_1684 : memref<128xi32, #tpu.memory_space<vmem>>) semaphore(%arg19 : memref<!tpu.dma_semaphore, #tpu.memory_space<semaphore_mem>>) {add = true}
      %dma_wait3A_1688 = arith.constant 0 : i32
      %dma_wait3A_1689 = arith.constant 0 : i32
      %dma_wait3A_1690 = tpu.memref_slice %arg8[%dma_wait3A_1688, %dma_wait3A_1689] : memref<10112x128xf32, #tpu.memory_space<vmem_shared>> -> memref<128x128xf32, #tpu.memory_space<vmem_shared>>
      %dma_wait3A_1691 = arith.constant 0 : i32
      %dma_wait3A_1692 = arith.constant 0 : i32
      %dma_wait3A_1693 = tpu.memref_slice %arg8[%dma_wait3A_1691, %dma_wait3A_1692] : memref<10112x128xf32, #tpu.memory_space<vmem_shared>> -> memref<128x128xf32, #tpu.memory_space<vmem_shared>>
      tpu.wait_dma2 semaphore(%arg20 : memref<!tpu.dma_semaphore, #tpu.memory_space<semaphore_mem>>) src(%arg10 : memref<128x128xf32, #tpu.memory_space<vmem>>) dst(%dma_wait3A_1693 : memref<128x128xf32, #tpu.memory_space<vmem_shared>>)
      %dma_wait3A_1694 = arith.constant 0 : i32
      %dma_wait3A_1695 = arith.constant 0 : i32
      %dma_wait3A_1696 = tpu.memref_slice %arg8[%dma_wait3A_1694, %dma_wait3A_1695] : memref<10112x128xf32, #tpu.memory_space<vmem_shared>> -> memref<128x128xf32, #tpu.memory_space<vmem_shared>>
      %dma_wait3A_1697 = arith.constant 0 : i32
      %dma_wait3A_1698 = arith.constant 0 : i32
      %dma_wait3A_1699 = tpu.memref_slice %arg8[%dma_wait3A_1697, %dma_wait3A_1698] : memref<10112x128xf32, #tpu.memory_space<vmem_shared>> -> memref<128x128xf32, #tpu.memory_space<vmem_shared>>
      tpu.wait_dma2 semaphore(%arg20 : memref<!tpu.dma_semaphore, #tpu.memory_space<semaphore_mem>>) src(%arg10 : memref<128x128xf32, #tpu.memory_space<vmem>>) dst(%dma_wait3A_1699 : memref<128x128xf32, #tpu.memory_space<vmem_shared>>)
      %dma_start3A_1700 = arith.constant 7 : i32
      %dma_start3A_1701 = arith.constant 0 : i32
      %dma_start3A_1702 = tpu.memref_slice %arg11[%dma_start3A_1700, %dma_start3A_1701] : memref<8x128xi32, #tpu.memory_space<vmem>> -> memref<1x128xi32, #tpu.memory_space<vmem>>
      %dma_start3A_1703 = tpu.memref_squeeze %dma_start3A_1702 : memref<1x128xi32, #tpu.memory_space<vmem>> -> memref<128xi32, #tpu.memory_space<vmem>>
      %dma_start3A_1704 = arith.constant 0 : i32
      %dma_start3A_1705 = arith.constant 0 : i32
      %dma_start3A_1706 = tpu.memref_slice %arg2[%dma_start3A_1704, %dma_start3A_1705] : memref<2000x128xf32, #tpu.memory_space<hbm>> -> memref<2000x128xf32, #tpu.memory_space<hbm>>
      tpu.enqueue_indirect_dma source(%dma_start3A_1706 : memref<2000x128xf32, #tpu.memory_space<hbm>>) target(%arg10 : memref<128x128xf32, #tpu.memory_space<vmem>>) offsets(%dma_start3A_1703 : memref<128xi32, #tpu.memory_space<vmem>>) semaphore(%arg18 : memref<!tpu.dma_semaphore, #tpu.memory_space<semaphore_mem>>)
      %dma_wait3A_1707 = arith.constant 0 : i32
      %dma_wait3A_1708 = arith.constant 0 : i32
      %dma_wait3A_1709 = tpu.memref_slice %arg2[%dma_wait3A_1707, %dma_wait3A_1708] : memref<2000x128xf32, #tpu.memory_space<hbm>> -> memref<128x128xf32, #tpu.memory_space<hbm>>
      %dma_wait3A_1710 = arith.constant 0 : i32
      %dma_wait3A_1711 = arith.constant 0 : i32
      %dma_wait3A_1712 = tpu.memref_slice %arg2[%dma_wait3A_1710, %dma_wait3A_1711] : memref<2000x128xf32, #tpu.memory_space<hbm>> -> memref<128x128xf32, #tpu.memory_space<hbm>>
      tpu.wait_dma2 semaphore(%arg18 : memref<!tpu.dma_semaphore, #tpu.memory_space<semaphore_mem>>) src(%dma_wait3A_1712 : memref<128x128xf32, #tpu.memory_space<hbm>>) dst(%arg10 : memref<128x128xf32, #tpu.memory_space<vmem>>)
      %dma_start3A_1713 = arith.constant 7 : i32
      %dma_start3A_1714 = arith.constant 0 : i32
      %dma_start3A_1715 = tpu.memref_slice %arg13[%dma_start3A_1713, %dma_start3A_1714] : memref<8x128xi32, #tpu.memory_space<vmem>> -> memref<1x128xi32, #tpu.memory_space<vmem>>
      %dma_start3A_1716 = tpu.memref_squeeze %dma_start3A_1715 : memref<1x128xi32, #tpu.memory_space<vmem>> -> memref<128xi32, #tpu.memory_space<vmem>>
      %dma_start3A_1717 = arith.constant 0 : i32
      %dma_start3A_1718 = arith.constant 0 : i32
      %dma_start3A_1719 = tpu.memref_slice %arg8[%dma_start3A_1717, %dma_start3A_1718] : memref<10112x128xf32, #tpu.memory_space<vmem_shared>> -> memref<10112x128xf32, #tpu.memory_space<vmem_shared>>
      tpu.enqueue_indirect_dma source(%arg10 : memref<128x128xf32, #tpu.memory_space<vmem>>) target(%dma_start3A_1719 : memref<10112x128xf32, #tpu.memory_space<vmem_shared>>) offsets(%dma_start3A_1716 : memref<128xi32, #tpu.memory_space<vmem>>) semaphore(%arg20 : memref<!tpu.dma_semaphore, #tpu.memory_space<semaphore_mem>>) {add = true}
      %dma_start3A_1720 = arith.constant 7 : i32
      %dma_start3A_1721 = arith.constant 0 : i32
      %dma_start3A_1722 = tpu.memref_slice %arg15[%dma_start3A_1720, %dma_start3A_1721] : memref<8x128xi32, #tpu.memory_space<vmem>> -> memref<1x128xi32, #tpu.memory_space<vmem>>
      %dma_start3A_1723 = tpu.memref_squeeze %dma_start3A_1722 : memref<1x128xi32, #tpu.memory_space<vmem>> -> memref<128xi32, #tpu.memory_space<vmem>>
      %dma_start3A_1724 = arith.constant 0 : i32
      %dma_start3A_1725 = arith.constant 0 : i32
      %dma_start3A_1726 = tpu.memref_slice %arg8[%dma_start3A_1724, %dma_start3A_1725] : memref<10112x128xf32, #tpu.memory_space<vmem_shared>> -> memref<10112x128xf32, #tpu.memory_space<vmem_shared>>
      tpu.enqueue_indirect_dma source(%arg10 : memref<128x128xf32, #tpu.memory_space<vmem>>) target(%dma_start3A_1726 : memref<10112x128xf32, #tpu.memory_space<vmem_shared>>) offsets(%dma_start3A_1723 : memref<128xi32, #tpu.memory_space<vmem>>) semaphore(%arg20 : memref<!tpu.dma_semaphore, #tpu.memory_space<semaphore_mem>>) {add = true}
      %dma_wait3A_1727 = arith.constant 0 : i32
      %dma_wait3A_1728 = arith.constant 0 : i32
      %dma_wait3A_1729 = tpu.memref_slice %arg8[%dma_wait3A_1727, %dma_wait3A_1728] : memref<10112x128xf32, #tpu.memory_space<vmem_shared>> -> memref<128x128xf32, #tpu.memory_space<vmem_shared>>
      %dma_wait3A_1730 = arith.constant 0 : i32
      %dma_wait3A_1731 = arith.constant 0 : i32
      %dma_wait3A_1732 = tpu.memref_slice %arg8[%dma_wait3A_1730, %dma_wait3A_1731] : memref<10112x128xf32, #tpu.memory_space<vmem_shared>> -> memref<128x128xf32, #tpu.memory_space<vmem_shared>>
      tpu.wait_dma2 semaphore(%arg19 : memref<!tpu.dma_semaphore, #tpu.memory_space<semaphore_mem>>) src(%arg9 : memref<128x128xf32, #tpu.memory_space<vmem>>) dst(%dma_wait3A_1732 : memref<128x128xf32, #tpu.memory_space<vmem_shared>>)
      %dma_wait3A_1733 = arith.constant 0 : i32
      %dma_wait3A_1734 = arith.constant 0 : i32
      %dma_wait3A_1735 = tpu.memref_slice %arg8[%dma_wait3A_1733, %dma_wait3A_1734] : memref<10112x128xf32, #tpu.memory_space<vmem_shared>> -> memref<128x128xf32, #tpu.memory_space<vmem_shared>>
      %dma_wait3A_1736 = arith.constant 0 : i32
      %dma_wait3A_1737 = arith.constant 0 : i32
      %dma_wait3A_1738 = tpu.memref_slice %arg8[%dma_wait3A_1736, %dma_wait3A_1737] : memref<10112x128xf32, #tpu.memory_space<vmem_shared>> -> memref<128x128xf32, #tpu.memory_space<vmem_shared>>
      tpu.wait_dma2 semaphore(%arg19 : memref<!tpu.dma_semaphore, #tpu.memory_space<semaphore_mem>>) src(%arg9 : memref<128x128xf32, #tpu.memory_space<vmem>>) dst(%dma_wait3A_1738 : memref<128x128xf32, #tpu.memory_space<vmem_shared>>)
      %dma_wait3A_1739 = arith.constant 0 : i32
      %dma_wait3A_1740 = arith.constant 0 : i32
      %dma_wait3A_1741 = tpu.memref_slice %arg3[%dma_wait3A_1739, %dma_wait3A_1740] : memref<2560x128xi32, #tpu.memory_space<hbm>> -> memref<8x128xi32, #tpu.memory_space<hbm>>
      %dma_wait3A_1742 = arith.constant 0 : i32
      %dma_wait3A_1743 = arith.constant 0 : i32
      %dma_wait3A_1744 = tpu.memref_slice %arg3[%dma_wait3A_1742, %dma_wait3A_1743] : memref<2560x128xi32, #tpu.memory_space<hbm>> -> memref<8x128xi32, #tpu.memory_space<hbm>>
      tpu.wait_dma2 semaphore(%arg22 : memref<!tpu.dma_semaphore, #tpu.memory_space<semaphore_mem>>) src(%dma_wait3A_1744 : memref<8x128xi32, #tpu.memory_space<hbm>>) dst(%arg12 : memref<8x128xi32, #tpu.memory_space<vmem>>)
      %dma_wait3A_1745 = arith.constant 0 : i32
      %dma_wait3A_1746 = arith.constant 0 : i32
      %dma_wait3A_1747 = tpu.memref_slice %arg3[%dma_wait3A_1745, %dma_wait3A_1746] : memref<2560x128xi32, #tpu.memory_space<hbm>> -> memref<8x128xi32, #tpu.memory_space<hbm>>
      %dma_wait3A_1748 = arith.constant 0 : i32
      %dma_wait3A_1749 = arith.constant 0 : i32
      %dma_wait3A_1750 = tpu.memref_slice %arg3[%dma_wait3A_1748, %dma_wait3A_1749] : memref<2560x128xi32, #tpu.memory_space<hbm>> -> memref<8x128xi32, #tpu.memory_space<hbm>>
      tpu.wait_dma2 semaphore(%arg22 : memref<!tpu.dma_semaphore, #tpu.memory_space<semaphore_mem>>) src(%dma_wait3A_1750 : memref<8x128xi32, #tpu.memory_space<hbm>>) dst(%arg14 : memref<8x128xi32, #tpu.memory_space<vmem>>)
      %dma_wait3A_1751 = arith.constant 0 : i32
      %dma_wait3A_1752 = arith.constant 0 : i32
      %dma_wait3A_1753 = tpu.memref_slice %arg3[%dma_wait3A_1751, %dma_wait3A_1752] : memref<2560x128xi32, #tpu.memory_space<hbm>> -> memref<8x128xi32, #tpu.memory_space<hbm>>
      %dma_wait3A_1754 = arith.constant 0 : i32
      %dma_wait3A_1755 = arith.constant 0 : i32
      %dma_wait3A_1756 = tpu.memref_slice %arg3[%dma_wait3A_1754, %dma_wait3A_1755] : memref<2560x128xi32, #tpu.memory_space<hbm>> -> memref<8x128xi32, #tpu.memory_space<hbm>>
      tpu.wait_dma2 semaphore(%arg22 : memref<!tpu.dma_semaphore, #tpu.memory_space<semaphore_mem>>) src(%dma_wait3A_1756 : memref<8x128xi32, #tpu.memory_space<hbm>>) dst(%arg16 : memref<8x128xi32, #tpu.memory_space<vmem>>)
      %dma_start3A_1757 = arith.constant 0 : i32
      %dma_start3A_1758 = arith.constant 0 : i32
      %dma_start3A_1759 = tpu.memref_slice %arg12[%dma_start3A_1757, %dma_start3A_1758] : memref<8x128xi32, #tpu.memory_space<vmem>> -> memref<1x128xi32, #tpu.memory_space<vmem>>
      %dma_start3A_1760 = tpu.memref_squeeze %dma_start3A_1759 : memref<1x128xi32, #tpu.memory_space<vmem>> -> memref<128xi32, #tpu.memory_space<vmem>>
      %dma_start3A_1761 = arith.constant 0 : i32
      %dma_start3A_1762 = arith.constant 0 : i32
      %dma_start3A_1763 = tpu.memref_slice %arg2[%dma_start3A_1761, %dma_start3A_1762] : memref<2000x128xf32, #tpu.memory_space<hbm>> -> memref<2000x128xf32, #tpu.memory_space<hbm>>
      tpu.enqueue_indirect_dma source(%dma_start3A_1763 : memref<2000x128xf32, #tpu.memory_space<hbm>>) target(%arg9 : memref<128x128xf32, #tpu.memory_space<vmem>>) offsets(%dma_start3A_1760 : memref<128xi32, #tpu.memory_space<vmem>>) semaphore(%arg17 : memref<!tpu.dma_semaphore, #tpu.memory_space<semaphore_mem>>)
      %mul3A_1764 = arith.constant 2 : i32
      %mul3A_1765 = arith.muli %mul3A_1764, %add3A_1408 : i32
      %add3A_1766 = arith.constant 1 : i32
      %add3A_1767 = arith.addi %mul3A_1765, %add3A_1766 : i32
      %dma_wait3A_1768 = arith.constant 0 : i32
      %dma_wait3A_1769 = arith.constant 0 : i32
      %dma_wait3A_1770 = tpu.memref_slice %arg2[%dma_wait3A_1768, %dma_wait3A_1769] : memref<2000x128xf32, #tpu.memory_space<hbm>> -> memref<128x128xf32, #tpu.memory_space<hbm>>
      %dma_wait3A_1771 = arith.constant 0 : i32
      %dma_wait3A_1772 = arith.constant 0 : i32
      %dma_wait3A_1773 = tpu.memref_slice %arg2[%dma_wait3A_1771, %dma_wait3A_1772] : memref<2000x128xf32, #tpu.memory_space<hbm>> -> memref<128x128xf32, #tpu.memory_space<hbm>>
      tpu.wait_dma2 semaphore(%arg17 : memref<!tpu.dma_semaphore, #tpu.memory_space<semaphore_mem>>) src(%dma_wait3A_1773 : memref<128x128xf32, #tpu.memory_space<hbm>>) dst(%arg9 : memref<128x128xf32, #tpu.memory_space<vmem>>)
      %dma_start3A_1774 = arith.constant 0 : i32
      %dma_start3A_1775 = arith.constant 0 : i32
      %dma_start3A_1776 = tpu.memref_slice %arg14[%dma_start3A_1774, %dma_start3A_1775] : memref<8x128xi32, #tpu.memory_space<vmem>> -> memref<1x128xi32, #tpu.memory_space<vmem>>
      %dma_start3A_1777 = tpu.memref_squeeze %dma_start3A_1776 : memref<1x128xi32, #tpu.memory_space<vmem>> -> memref<128xi32, #tpu.memory_space<vmem>>
      %dma_start3A_1778 = arith.constant 0 : i32
      %dma_start3A_1779 = arith.constant 0 : i32
      %dma_start3A_1780 = tpu.memref_slice %arg8[%dma_start3A_1778, %dma_start3A_1779] : memref<10112x128xf32, #tpu.memory_space<vmem_shared>> -> memref<10112x128xf32, #tpu.memory_space<vmem_shared>>
      tpu.enqueue_indirect_dma source(%arg9 : memref<128x128xf32, #tpu.memory_space<vmem>>) target(%dma_start3A_1780 : memref<10112x128xf32, #tpu.memory_space<vmem_shared>>) offsets(%dma_start3A_1777 : memref<128xi32, #tpu.memory_space<vmem>>) semaphore(%arg19 : memref<!tpu.dma_semaphore, #tpu.memory_space<semaphore_mem>>) {add = true}
      %dma_start3A_1781 = arith.constant 0 : i32
      %dma_start3A_1782 = arith.constant 0 : i32
      %dma_start3A_1783 = tpu.memref_slice %arg16[%dma_start3A_1781, %dma_start3A_1782] : memref<8x128xi32, #tpu.memory_space<vmem>> -> memref<1x128xi32, #tpu.memory_space<vmem>>
      %dma_start3A_1784 = tpu.memref_squeeze %dma_start3A_1783 : memref<1x128xi32, #tpu.memory_space<vmem>> -> memref<128xi32, #tpu.memory_space<vmem>>
      %dma_start3A_1785 = arith.constant 0 : i32
      %dma_start3A_1786 = arith.constant 0 : i32
      %dma_start3A_1787 = tpu.memref_slice %arg8[%dma_start3A_1785, %dma_start3A_1786] : memref<10112x128xf32, #tpu.memory_space<vmem_shared>> -> memref<10112x128xf32, #tpu.memory_space<vmem_shared>>
      tpu.enqueue_indirect_dma source(%arg9 : memref<128x128xf32, #tpu.memory_space<vmem>>) target(%dma_start3A_1787 : memref<10112x128xf32, #tpu.memory_space<vmem_shared>>) offsets(%dma_start3A_1784 : memref<128xi32, #tpu.memory_space<vmem>>) semaphore(%arg19 : memref<!tpu.dma_semaphore, #tpu.memory_space<semaphore_mem>>) {add = true}
      %dma_wait3A_1788 = arith.constant 0 : i32
      %dma_wait3A_1789 = arith.constant 0 : i32
      %dma_wait3A_1790 = tpu.memref_slice %arg8[%dma_wait3A_1788, %dma_wait3A_1789] : memref<10112x128xf32, #tpu.memory_space<vmem_shared>> -> memref<128x128xf32, #tpu.memory_space<vmem_shared>>
      %dma_wait3A_1791 = arith.constant 0 : i32
      %dma_wait3A_1792 = arith.constant 0 : i32
      %dma_wait3A_1793 = tpu.memref_slice %arg8[%dma_wait3A_1791, %dma_wait3A_1792] : memref<10112x128xf32, #tpu.memory_space<vmem_shared>> -> memref<128x128xf32, #tpu.memory_space<vmem_shared>>
      tpu.wait_dma2 semaphore(%arg20 : memref<!tpu.dma_semaphore, #tpu.memory_space<semaphore_mem>>) src(%arg10 : memref<128x128xf32, #tpu.memory_space<vmem>>) dst(%dma_wait3A_1793 : memref<128x128xf32, #tpu.memory_space<vmem_shared>>)
      %dma_wait3A_1794 = arith.constant 0 : i32
      %dma_wait3A_1795 = arith.constant 0 : i32
      %dma_wait3A_1796 = tpu.memref_slice %arg8[%dma_wait3A_1794, %dma_wait3A_1795] : memref<10112x128xf32, #tpu.memory_space<vmem_shared>> -> memref<128x128xf32, #tpu.memory_space<vmem_shared>>
      %dma_wait3A_1797 = arith.constant 0 : i32
      %dma_wait3A_1798 = arith.constant 0 : i32
      %dma_wait3A_1799 = tpu.memref_slice %arg8[%dma_wait3A_1797, %dma_wait3A_1798] : memref<10112x128xf32, #tpu.memory_space<vmem_shared>> -> memref<128x128xf32, #tpu.memory_space<vmem_shared>>
      tpu.wait_dma2 semaphore(%arg20 : memref<!tpu.dma_semaphore, #tpu.memory_space<semaphore_mem>>) src(%arg10 : memref<128x128xf32, #tpu.memory_space<vmem>>) dst(%dma_wait3A_1799 : memref<128x128xf32, #tpu.memory_space<vmem_shared>>)
      %add3A_1800 = arith.constant 1 : i32
      %add3A_1801 = arith.addi %add3A_1767, %add3A_1800 : i32
      %mul3A_1802 = arith.constant 8 : i32
      %mul3A_1803 = arith.muli %add3A_1801, %mul3A_1802 : i32
      %add3A_1804 = arith.addi %mul3A_2, %mul3A_1803 : i32
      %dma_start3A_1805 = arith.constant 0 : i32
      %dma_start3A_1806 = tpu.memref_slice %arg3[%add3A_1804, %dma_start3A_1805] : memref<2560x128xi32, #tpu.memory_space<hbm>> -> memref<8x128xi32, #tpu.memory_space<hbm>>
      %dma_start3A_1807 = arith.constant 0 : i32
      %dma_start3A_1808 = tpu.memref_slice %arg3[%add3A_1804, %dma_start3A_1807] : memref<2560x128xi32, #tpu.memory_space<hbm>> -> memref<8x128xi32, #tpu.memory_space<hbm>>
      tpu.enqueue_dma source(%dma_start3A_1808 : memref<8x128xi32, #tpu.memory_space<hbm>>) target(%arg11 : memref<8x128xi32, #tpu.memory_space<vmem>>) target_semaphore(%arg21 : memref<!tpu.dma_semaphore, #tpu.memory_space<semaphore_mem>>)
      %mul3A_1809 = arith.constant 8 : i32
      %mul3A_1810 = arith.muli %add3A_1801, %mul3A_1809 : i32
      %add3A_1811 = arith.addi %mul3A_2, %mul3A_1810 : i32
      %dma_start3A_1812 = arith.constant 0 : i32
      %dma_start3A_1813 = tpu.memref_slice %arg4[%add3A_1811, %dma_start3A_1812] : memref<2560x128xi32, #tpu.memory_space<hbm>> -> memref<8x128xi32, #tpu.memory_space<hbm>>
      %dma_start3A_1814 = arith.constant 0 : i32
      %dma_start3A_1815 = tpu.memref_slice %arg4[%add3A_1811, %dma_start3A_1814] : memref<2560x128xi32, #tpu.memory_space<hbm>> -> memref<8x128xi32, #tpu.memory_space<hbm>>
      tpu.enqueue_dma source(%dma_start3A_1815 : memref<8x128xi32, #tpu.memory_space<hbm>>) target(%arg13 : memref<8x128xi32, #tpu.memory_space<vmem>>) target_semaphore(%arg21 : memref<!tpu.dma_semaphore, #tpu.memory_space<semaphore_mem>>)
      %mul3A_1816 = arith.constant 8 : i32
      %mul3A_1817 = arith.muli %add3A_1801, %mul3A_1816 : i32
      %add3A_1818 = arith.addi %mul3A_2, %mul3A_1817 : i32
      %dma_start3A_1819 = arith.constant 0 : i32
      %dma_start3A_1820 = tpu.memref_slice %arg5[%add3A_1818, %dma_start3A_1819] : memref<2560x128xi32, #tpu.memory_space<hbm>> -> memref<8x128xi32, #tpu.memory_space<hbm>>
      %dma_start3A_1821 = arith.constant 0 : i32
      %dma_start3A_1822 = tpu.memref_slice %arg5[%add3A_1818, %dma_start3A_1821] : memref<2560x128xi32, #tpu.memory_space<hbm>> -> memref<8x128xi32, #tpu.memory_space<hbm>>
      tpu.enqueue_dma source(%dma_start3A_1822 : memref<8x128xi32, #tpu.memory_space<hbm>>) target(%arg15 : memref<8x128xi32, #tpu.memory_space<vmem>>) target_semaphore(%arg21 : memref<!tpu.dma_semaphore, #tpu.memory_space<semaphore_mem>>)
      %dma_start3A_1823 = arith.constant 1 : i32
      %dma_start3A_1824 = arith.constant 0 : i32
      %dma_start3A_1825 = tpu.memref_slice %arg12[%dma_start3A_1823, %dma_start3A_1824] : memref<8x128xi32, #tpu.memory_space<vmem>> -> memref<1x128xi32, #tpu.memory_space<vmem>>
      %dma_start3A_1826 = tpu.memref_squeeze %dma_start3A_1825 : memref<1x128xi32, #tpu.memory_space<vmem>> -> memref<128xi32, #tpu.memory_space<vmem>>
      %dma_start3A_1827 = arith.constant 0 : i32
      %dma_start3A_1828 = arith.constant 0 : i32
      %dma_start3A_1829 = tpu.memref_slice %arg2[%dma_start3A_1827, %dma_start3A_1828] : memref<2000x128xf32, #tpu.memory_space<hbm>> -> memref<2000x128xf32, #tpu.memory_space<hbm>>
      tpu.enqueue_indirect_dma source(%dma_start3A_1829 : memref<2000x128xf32, #tpu.memory_space<hbm>>) target(%arg10 : memref<128x128xf32, #tpu.memory_space<vmem>>) offsets(%dma_start3A_1826 : memref<128xi32, #tpu.memory_space<vmem>>) semaphore(%arg18 : memref<!tpu.dma_semaphore, #tpu.memory_space<semaphore_mem>>)
      %dma_wait3A_1830 = arith.constant 0 : i32
      %dma_wait3A_1831 = arith.constant 0 : i32
      %dma_wait3A_1832 = tpu.memref_slice %arg2[%dma_wait3A_1830, %dma_wait3A_1831] : memref<2000x128xf32, #tpu.memory_space<hbm>> -> memref<128x128xf32, #tpu.memory_space<hbm>>
      %dma_wait3A_1833 = arith.constant 0 : i32
      %dma_wait3A_1834 = arith.constant 0 : i32
      %dma_wait3A_1835 = tpu.memref_slice %arg2[%dma_wait3A_1833, %dma_wait3A_1834] : memref<2000x128xf32, #tpu.memory_space<hbm>> -> memref<128x128xf32, #tpu.memory_space<hbm>>
      tpu.wait_dma2 semaphore(%arg18 : memref<!tpu.dma_semaphore, #tpu.memory_space<semaphore_mem>>) src(%dma_wait3A_1835 : memref<128x128xf32, #tpu.memory_space<hbm>>) dst(%arg10 : memref<128x128xf32, #tpu.memory_space<vmem>>)
      %dma_start3A_1836 = arith.constant 1 : i32
      %dma_start3A_1837 = arith.constant 0 : i32
      %dma_start3A_1838 = tpu.memref_slice %arg14[%dma_start3A_1836, %dma_start3A_1837] : memref<8x128xi32, #tpu.memory_space<vmem>> -> memref<1x128xi32, #tpu.memory_space<vmem>>
      %dma_start3A_1839 = tpu.memref_squeeze %dma_start3A_1838 : memref<1x128xi32, #tpu.memory_space<vmem>> -> memref<128xi32, #tpu.memory_space<vmem>>
      %dma_start3A_1840 = arith.constant 0 : i32
      %dma_start3A_1841 = arith.constant 0 : i32
      %dma_start3A_1842 = tpu.memref_slice %arg8[%dma_start3A_1840, %dma_start3A_1841] : memref<10112x128xf32, #tpu.memory_space<vmem_shared>> -> memref<10112x128xf32, #tpu.memory_space<vmem_shared>>
      tpu.enqueue_indirect_dma source(%arg10 : memref<128x128xf32, #tpu.memory_space<vmem>>) target(%dma_start3A_1842 : memref<10112x128xf32, #tpu.memory_space<vmem_shared>>) offsets(%dma_start3A_1839 : memref<128xi32, #tpu.memory_space<vmem>>) semaphore(%arg20 : memref<!tpu.dma_semaphore, #tpu.memory_space<semaphore_mem>>) {add = true}
      %dma_start3A_1843 = arith.constant 1 : i32
      %dma_start3A_1844 = arith.constant 0 : i32
      %dma_start3A_1845 = tpu.memref_slice %arg16[%dma_start3A_1843, %dma_start3A_1844] : memref<8x128xi32, #tpu.memory_space<vmem>> -> memref<1x128xi32, #tpu.memory_space<vmem>>
      %dma_start3A_1846 = tpu.memref_squeeze %dma_start3A_1845 : memref<1x128xi32, #tpu.memory_space<vmem>> -> memref<128xi32, #tpu.memory_space<vmem>>
      %dma_start3A_1847 = arith.constant 0 : i32
      %dma_start3A_1848 = arith.constant 0 : i32
      %dma_start3A_1849 = tpu.memref_slice %arg8[%dma_start3A_1847, %dma_start3A_1848] : memref<10112x128xf32, #tpu.memory_space<vmem_shared>> -> memref<10112x128xf32, #tpu.memory_space<vmem_shared>>
      tpu.enqueue_indirect_dma source(%arg10 : memref<128x128xf32, #tpu.memory_space<vmem>>) target(%dma_start3A_1849 : memref<10112x128xf32, #tpu.memory_space<vmem_shared>>) offsets(%dma_start3A_1846 : memref<128xi32, #tpu.memory_space<vmem>>) semaphore(%arg20 : memref<!tpu.dma_semaphore, #tpu.memory_space<semaphore_mem>>) {add = true}
      %dma_wait3A_1850 = arith.constant 0 : i32
      %dma_wait3A_1851 = arith.constant 0 : i32
      %dma_wait3A_1852 = tpu.memref_slice %arg8[%dma_wait3A_1850, %dma_wait3A_1851] : memref<10112x128xf32, #tpu.memory_space<vmem_shared>> -> memref<128x128xf32, #tpu.memory_space<vmem_shared>>
      %dma_wait3A_1853 = arith.constant 0 : i32
      %dma_wait3A_1854 = arith.constant 0 : i32
      %dma_wait3A_1855 = tpu.memref_slice %arg8[%dma_wait3A_1853, %dma_wait3A_1854] : memref<10112x128xf32, #tpu.memory_space<vmem_shared>> -> memref<128x128xf32, #tpu.memory_space<vmem_shared>>
      tpu.wait_dma2 semaphore(%arg19 : memref<!tpu.dma_semaphore, #tpu.memory_space<semaphore_mem>>) src(%arg9 : memref<128x128xf32, #tpu.memory_space<vmem>>) dst(%dma_wait3A_1855 : memref<128x128xf32, #tpu.memory_space<vmem_shared>>)
      %dma_wait3A_1856 = arith.constant 0 : i32
      %dma_wait3A_1857 = arith.constant 0 : i32
      %dma_wait3A_1858 = tpu.memref_slice %arg8[%dma_wait3A_1856, %dma_wait3A_1857] : memref<10112x128xf32, #tpu.memory_space<vmem_shared>> -> memref<128x128xf32, #tpu.memory_space<vmem_shared>>
      %dma_wait3A_1859 = arith.constant 0 : i32
      %dma_wait3A_1860 = arith.constant 0 : i32
      %dma_wait3A_1861 = tpu.memref_slice %arg8[%dma_wait3A_1859, %dma_wait3A_1860] : memref<10112x128xf32, #tpu.memory_space<vmem_shared>> -> memref<128x128xf32, #tpu.memory_space<vmem_shared>>
      tpu.wait_dma2 semaphore(%arg19 : memref<!tpu.dma_semaphore, #tpu.memory_space<semaphore_mem>>) src(%arg9 : memref<128x128xf32, #tpu.memory_space<vmem>>) dst(%dma_wait3A_1861 : memref<128x128xf32, #tpu.memory_space<vmem_shared>>)
      %dma_start3A_1862 = arith.constant 2 : i32
      %dma_start3A_1863 = arith.constant 0 : i32
      %dma_start3A_1864 = tpu.memref_slice %arg12[%dma_start3A_1862, %dma_start3A_1863] : memref<8x128xi32, #tpu.memory_space<vmem>> -> memref<1x128xi32, #tpu.memory_space<vmem>>
      %dma_start3A_1865 = tpu.memref_squeeze %dma_start3A_1864 : memref<1x128xi32, #tpu.memory_space<vmem>> -> memref<128xi32, #tpu.memory_space<vmem>>
      %dma_start3A_1866 = arith.constant 0 : i32
      %dma_start3A_1867 = arith.constant 0 : i32
      %dma_start3A_1868 = tpu.memref_slice %arg2[%dma_start3A_1866, %dma_start3A_1867] : memref<2000x128xf32, #tpu.memory_space<hbm>> -> memref<2000x128xf32, #tpu.memory_space<hbm>>
      tpu.enqueue_indirect_dma source(%dma_start3A_1868 : memref<2000x128xf32, #tpu.memory_space<hbm>>) target(%arg9 : memref<128x128xf32, #tpu.memory_space<vmem>>) offsets(%dma_start3A_1865 : memref<128xi32, #tpu.memory_space<vmem>>) semaphore(%arg17 : memref<!tpu.dma_semaphore, #tpu.memory_space<semaphore_mem>>)
      %dma_wait3A_1869 = arith.constant 0 : i32
      %dma_wait3A_1870 = arith.constant 0 : i32
      %dma_wait3A_1871 = tpu.memref_slice %arg2[%dma_wait3A_1869, %dma_wait3A_1870] : memref<2000x128xf32, #tpu.memory_space<hbm>> -> memref<128x128xf32, #tpu.memory_space<hbm>>
      %dma_wait3A_1872 = arith.constant 0 : i32
      %dma_wait3A_1873 = arith.constant 0 : i32
      %dma_wait3A_1874 = tpu.memref_slice %arg2[%dma_wait3A_1872, %dma_wait3A_1873] : memref<2000x128xf32, #tpu.memory_space<hbm>> -> memref<128x128xf32, #tpu.memory_space<hbm>>
      tpu.wait_dma2 semaphore(%arg17 : memref<!tpu.dma_semaphore, #tpu.memory_space<semaphore_mem>>) src(%dma_wait3A_1874 : memref<128x128xf32, #tpu.memory_space<hbm>>) dst(%arg9 : memref<128x128xf32, #tpu.memory_space<vmem>>)
      %dma_start3A_1875 = arith.constant 2 : i32
      %dma_start3A_1876 = arith.constant 0 : i32
      %dma_start3A_1877 = tpu.memref_slice %arg14[%dma_start3A_1875, %dma_start3A_1876] : memref<8x128xi32, #tpu.memory_space<vmem>> -> memref<1x128xi32, #tpu.memory_space<vmem>>
      %dma_start3A_1878 = tpu.memref_squeeze %dma_start3A_1877 : memref<1x128xi32, #tpu.memory_space<vmem>> -> memref<128xi32, #tpu.memory_space<vmem>>
      %dma_start3A_1879 = arith.constant 0 : i32
      %dma_start3A_1880 = arith.constant 0 : i32
      %dma_start3A_1881 = tpu.memref_slice %arg8[%dma_start3A_1879, %dma_start3A_1880] : memref<10112x128xf32, #tpu.memory_space<vmem_shared>> -> memref<10112x128xf32, #tpu.memory_space<vmem_shared>>
      tpu.enqueue_indirect_dma source(%arg9 : memref<128x128xf32, #tpu.memory_space<vmem>>) target(%dma_start3A_1881 : memref<10112x128xf32, #tpu.memory_space<vmem_shared>>) offsets(%dma_start3A_1878 : memref<128xi32, #tpu.memory_space<vmem>>) semaphore(%arg19 : memref<!tpu.dma_semaphore, #tpu.memory_space<semaphore_mem>>) {add = true}
      %dma_start3A_1882 = arith.constant 2 : i32
      %dma_start3A_1883 = arith.constant 0 : i32
      %dma_start3A_1884 = tpu.memref_slice %arg16[%dma_start3A_1882, %dma_start3A_1883] : memref<8x128xi32, #tpu.memory_space<vmem>> -> memref<1x128xi32, #tpu.memory_space<vmem>>
      %dma_start3A_1885 = tpu.memref_squeeze %dma_start3A_1884 : memref<1x128xi32, #tpu.memory_space<vmem>> -> memref<128xi32, #tpu.memory_space<vmem>>
      %dma_start3A_1886 = arith.constant 0 : i32
      %dma_start3A_1887 = arith.constant 0 : i32
      %dma_start3A_1888 = tpu.memref_slice %arg8[%dma_start3A_1886, %dma_start3A_1887] : memref<10112x128xf32, #tpu.memory_space<vmem_shared>> -> memref<10112x128xf32, #tpu.memory_space<vmem_shared>>
      tpu.enqueue_indirect_dma source(%arg9 : memref<128x128xf32, #tpu.memory_space<vmem>>) target(%dma_start3A_1888 : memref<10112x128xf32, #tpu.memory_space<vmem_shared>>) offsets(%dma_start3A_1885 : memref<128xi32, #tpu.memory_space<vmem>>) semaphore(%arg19 : memref<!tpu.dma_semaphore, #tpu.memory_space<semaphore_mem>>) {add = true}
      %dma_wait3A_1889 = arith.constant 0 : i32
      %dma_wait3A_1890 = arith.constant 0 : i32
      %dma_wait3A_1891 = tpu.memref_slice %arg8[%dma_wait3A_1889, %dma_wait3A_1890] : memref<10112x128xf32, #tpu.memory_space<vmem_shared>> -> memref<128x128xf32, #tpu.memory_space<vmem_shared>>
      %dma_wait3A_1892 = arith.constant 0 : i32
      %dma_wait3A_1893 = arith.constant 0 : i32
      %dma_wait3A_1894 = tpu.memref_slice %arg8[%dma_wait3A_1892, %dma_wait3A_1893] : memref<10112x128xf32, #tpu.memory_space<vmem_shared>> -> memref<128x128xf32, #tpu.memory_space<vmem_shared>>
      tpu.wait_dma2 semaphore(%arg20 : memref<!tpu.dma_semaphore, #tpu.memory_space<semaphore_mem>>) src(%arg10 : memref<128x128xf32, #tpu.memory_space<vmem>>) dst(%dma_wait3A_1894 : memref<128x128xf32, #tpu.memory_space<vmem_shared>>)
      %dma_wait3A_1895 = arith.constant 0 : i32
      %dma_wait3A_1896 = arith.constant 0 : i32
      %dma_wait3A_1897 = tpu.memref_slice %arg8[%dma_wait3A_1895, %dma_wait3A_1896] : memref<10112x128xf32, #tpu.memory_space<vmem_shared>> -> memref<128x128xf32, #tpu.memory_space<vmem_shared>>
      %dma_wait3A_1898 = arith.constant 0 : i32
      %dma_wait3A_1899 = arith.constant 0 : i32
      %dma_wait3A_1900 = tpu.memref_slice %arg8[%dma_wait3A_1898, %dma_wait3A_1899] : memref<10112x128xf32, #tpu.memory_space<vmem_shared>> -> memref<128x128xf32, #tpu.memory_space<vmem_shared>>
      tpu.wait_dma2 semaphore(%arg20 : memref<!tpu.dma_semaphore, #tpu.memory_space<semaphore_mem>>) src(%arg10 : memref<128x128xf32, #tpu.memory_space<vmem>>) dst(%dma_wait3A_1900 : memref<128x128xf32, #tpu.memory_space<vmem_shared>>)
      %dma_start3A_1901 = arith.constant 3 : i32
      %dma_start3A_1902 = arith.constant 0 : i32
      %dma_start3A_1903 = tpu.memref_slice %arg12[%dma_start3A_1901, %dma_start3A_1902] : memref<8x128xi32, #tpu.memory_space<vmem>> -> memref<1x128xi32, #tpu.memory_space<vmem>>
      %dma_start3A_1904 = tpu.memref_squeeze %dma_start3A_1903 : memref<1x128xi32, #tpu.memory_space<vmem>> -> memref<128xi32, #tpu.memory_space<vmem>>
      %dma_start3A_1905 = arith.constant 0 : i32
      %dma_start3A_1906 = arith.constant 0 : i32
      %dma_start3A_1907 = tpu.memref_slice %arg2[%dma_start3A_1905, %dma_start3A_1906] : memref<2000x128xf32, #tpu.memory_space<hbm>> -> memref<2000x128xf32, #tpu.memory_space<hbm>>
      tpu.enqueue_indirect_dma source(%dma_start3A_1907 : memref<2000x128xf32, #tpu.memory_space<hbm>>) target(%arg10 : memref<128x128xf32, #tpu.memory_space<vmem>>) offsets(%dma_start3A_1904 : memref<128xi32, #tpu.memory_space<vmem>>) semaphore(%arg18 : memref<!tpu.dma_semaphore, #tpu.memory_space<semaphore_mem>>)
      %dma_wait3A_1908 = arith.constant 0 : i32
      %dma_wait3A_1909 = arith.constant 0 : i32
      %dma_wait3A_1910 = tpu.memref_slice %arg2[%dma_wait3A_1908, %dma_wait3A_1909] : memref<2000x128xf32, #tpu.memory_space<hbm>> -> memref<128x128xf32, #tpu.memory_space<hbm>>
      %dma_wait3A_1911 = arith.constant 0 : i32
      %dma_wait3A_1912 = arith.constant 0 : i32
      %dma_wait3A_1913 = tpu.memref_slice %arg2[%dma_wait3A_1911, %dma_wait3A_1912] : memref<2000x128xf32, #tpu.memory_space<hbm>> -> memref<128x128xf32, #tpu.memory_space<hbm>>
      tpu.wait_dma2 semaphore(%arg18 : memref<!tpu.dma_semaphore, #tpu.memory_space<semaphore_mem>>) src(%dma_wait3A_1913 : memref<128x128xf32, #tpu.memory_space<hbm>>) dst(%arg10 : memref<128x128xf32, #tpu.memory_space<vmem>>)
      %dma_start3A_1914 = arith.constant 3 : i32
      %dma_start3A_1915 = arith.constant 0 : i32
      %dma_start3A_1916 = tpu.memref_slice %arg14[%dma_start3A_1914, %dma_start3A_1915] : memref<8x128xi32, #tpu.memory_space<vmem>> -> memref<1x128xi32, #tpu.memory_space<vmem>>
      %dma_start3A_1917 = tpu.memref_squeeze %dma_start3A_1916 : memref<1x128xi32, #tpu.memory_space<vmem>> -> memref<128xi32, #tpu.memory_space<vmem>>
      %dma_start3A_1918 = arith.constant 0 : i32
      %dma_start3A_1919 = arith.constant 0 : i32
      %dma_start3A_1920 = tpu.memref_slice %arg8[%dma_start3A_1918, %dma_start3A_1919] : memref<10112x128xf32, #tpu.memory_space<vmem_shared>> -> memref<10112x128xf32, #tpu.memory_space<vmem_shared>>
      tpu.enqueue_indirect_dma source(%arg10 : memref<128x128xf32, #tpu.memory_space<vmem>>) target(%dma_start3A_1920 : memref<10112x128xf32, #tpu.memory_space<vmem_shared>>) offsets(%dma_start3A_1917 : memref<128xi32, #tpu.memory_space<vmem>>) semaphore(%arg20 : memref<!tpu.dma_semaphore, #tpu.memory_space<semaphore_mem>>) {add = true}
      %dma_start3A_1921 = arith.constant 3 : i32
      %dma_start3A_1922 = arith.constant 0 : i32
      %dma_start3A_1923 = tpu.memref_slice %arg16[%dma_start3A_1921, %dma_start3A_1922] : memref<8x128xi32, #tpu.memory_space<vmem>> -> memref<1x128xi32, #tpu.memory_space<vmem>>
      %dma_start3A_1924 = tpu.memref_squeeze %dma_start3A_1923 : memref<1x128xi32, #tpu.memory_space<vmem>> -> memref<128xi32, #tpu.memory_space<vmem>>
      %dma_start3A_1925 = arith.constant 0 : i32
      %dma_start3A_1926 = arith.constant 0 : i32
      %dma_start3A_1927 = tpu.memref_slice %arg8[%dma_start3A_1925, %dma_start3A_1926] : memref<10112x128xf32, #tpu.memory_space<vmem_shared>> -> memref<10112x128xf32, #tpu.memory_space<vmem_shared>>
      tpu.enqueue_indirect_dma source(%arg10 : memref<128x128xf32, #tpu.memory_space<vmem>>) target(%dma_start3A_1927 : memref<10112x128xf32, #tpu.memory_space<vmem_shared>>) offsets(%dma_start3A_1924 : memref<128xi32, #tpu.memory_space<vmem>>) semaphore(%arg20 : memref<!tpu.dma_semaphore, #tpu.memory_space<semaphore_mem>>) {add = true}
      %dma_wait3A_1928 = arith.constant 0 : i32
      %dma_wait3A_1929 = arith.constant 0 : i32
      %dma_wait3A_1930 = tpu.memref_slice %arg8[%dma_wait3A_1928, %dma_wait3A_1929] : memref<10112x128xf32, #tpu.memory_space<vmem_shared>> -> memref<128x128xf32, #tpu.memory_space<vmem_shared>>
      %dma_wait3A_1931 = arith.constant 0 : i32
      %dma_wait3A_1932 = arith.constant 0 : i32
      %dma_wait3A_1933 = tpu.memref_slice %arg8[%dma_wait3A_1931, %dma_wait3A_1932] : memref<10112x128xf32, #tpu.memory_space<vmem_shared>> -> memref<128x128xf32, #tpu.memory_space<vmem_shared>>
      tpu.wait_dma2 semaphore(%arg19 : memref<!tpu.dma_semaphore, #tpu.memory_space<semaphore_mem>>) src(%arg9 : memref<128x128xf32, #tpu.memory_space<vmem>>) dst(%dma_wait3A_1933 : memref<128x128xf32, #tpu.memory_space<vmem_shared>>)
      %dma_wait3A_1934 = arith.constant 0 : i32
      %dma_wait3A_1935 = arith.constant 0 : i32
      %dma_wait3A_1936 = tpu.memref_slice %arg8[%dma_wait3A_1934, %dma_wait3A_1935] : memref<10112x128xf32, #tpu.memory_space<vmem_shared>> -> memref<128x128xf32, #tpu.memory_space<vmem_shared>>
      %dma_wait3A_1937 = arith.constant 0 : i32
      %dma_wait3A_1938 = arith.constant 0 : i32
      %dma_wait3A_1939 = tpu.memref_slice %arg8[%dma_wait3A_1937, %dma_wait3A_1938] : memref<10112x128xf32, #tpu.memory_space<vmem_shared>> -> memref<128x128xf32, #tpu.memory_space<vmem_shared>>
      tpu.wait_dma2 semaphore(%arg19 : memref<!tpu.dma_semaphore, #tpu.memory_space<semaphore_mem>>) src(%arg9 : memref<128x128xf32, #tpu.memory_space<vmem>>) dst(%dma_wait3A_1939 : memref<128x128xf32, #tpu.memory_space<vmem_shared>>)
      %dma_start3A_1940 = arith.constant 4 : i32
      %dma_start3A_1941 = arith.constant 0 : i32
      %dma_start3A_1942 = tpu.memref_slice %arg12[%dma_start3A_1940, %dma_start3A_1941] : memref<8x128xi32, #tpu.memory_space<vmem>> -> memref<1x128xi32, #tpu.memory_space<vmem>>
      %dma_start3A_1943 = tpu.memref_squeeze %dma_start3A_1942 : memref<1x128xi32, #tpu.memory_space<vmem>> -> memref<128xi32, #tpu.memory_space<vmem>>
      %dma_start3A_1944 = arith.constant 0 : i32
      %dma_start3A_1945 = arith.constant 0 : i32
      %dma_start3A_1946 = tpu.memref_slice %arg2[%dma_start3A_1944, %dma_start3A_1945] : memref<2000x128xf32, #tpu.memory_space<hbm>> -> memref<2000x128xf32, #tpu.memory_space<hbm>>
      tpu.enqueue_indirect_dma source(%dma_start3A_1946 : memref<2000x128xf32, #tpu.memory_space<hbm>>) target(%arg9 : memref<128x128xf32, #tpu.memory_space<vmem>>) offsets(%dma_start3A_1943 : memref<128xi32, #tpu.memory_space<vmem>>) semaphore(%arg17 : memref<!tpu.dma_semaphore, #tpu.memory_space<semaphore_mem>>)
      %dma_wait3A_1947 = arith.constant 0 : i32
      %dma_wait3A_1948 = arith.constant 0 : i32
      %dma_wait3A_1949 = tpu.memref_slice %arg2[%dma_wait3A_1947, %dma_wait3A_1948] : memref<2000x128xf32, #tpu.memory_space<hbm>> -> memref<128x128xf32, #tpu.memory_space<hbm>>
      %dma_wait3A_1950 = arith.constant 0 : i32
      %dma_wait3A_1951 = arith.constant 0 : i32
      %dma_wait3A_1952 = tpu.memref_slice %arg2[%dma_wait3A_1950, %dma_wait3A_1951] : memref<2000x128xf32, #tpu.memory_space<hbm>> -> memref<128x128xf32, #tpu.memory_space<hbm>>
      tpu.wait_dma2 semaphore(%arg17 : memref<!tpu.dma_semaphore, #tpu.memory_space<semaphore_mem>>) src(%dma_wait3A_1952 : memref<128x128xf32, #tpu.memory_space<hbm>>) dst(%arg9 : memref<128x128xf32, #tpu.memory_space<vmem>>)
      %dma_start3A_1953 = arith.constant 4 : i32
      %dma_start3A_1954 = arith.constant 0 : i32
      %dma_start3A_1955 = tpu.memref_slice %arg14[%dma_start3A_1953, %dma_start3A_1954] : memref<8x128xi32, #tpu.memory_space<vmem>> -> memref<1x128xi32, #tpu.memory_space<vmem>>
      %dma_start3A_1956 = tpu.memref_squeeze %dma_start3A_1955 : memref<1x128xi32, #tpu.memory_space<vmem>> -> memref<128xi32, #tpu.memory_space<vmem>>
      %dma_start3A_1957 = arith.constant 0 : i32
      %dma_start3A_1958 = arith.constant 0 : i32
      %dma_start3A_1959 = tpu.memref_slice %arg8[%dma_start3A_1957, %dma_start3A_1958] : memref<10112x128xf32, #tpu.memory_space<vmem_shared>> -> memref<10112x128xf32, #tpu.memory_space<vmem_shared>>
      tpu.enqueue_indirect_dma source(%arg9 : memref<128x128xf32, #tpu.memory_space<vmem>>) target(%dma_start3A_1959 : memref<10112x128xf32, #tpu.memory_space<vmem_shared>>) offsets(%dma_start3A_1956 : memref<128xi32, #tpu.memory_space<vmem>>) semaphore(%arg19 : memref<!tpu.dma_semaphore, #tpu.memory_space<semaphore_mem>>) {add = true}
      %dma_start3A_1960 = arith.constant 4 : i32
      %dma_start3A_1961 = arith.constant 0 : i32
      %dma_start3A_1962 = tpu.memref_slice %arg16[%dma_start3A_1960, %dma_start3A_1961] : memref<8x128xi32, #tpu.memory_space<vmem>> -> memref<1x128xi32, #tpu.memory_space<vmem>>
      %dma_start3A_1963 = tpu.memref_squeeze %dma_start3A_1962 : memref<1x128xi32, #tpu.memory_space<vmem>> -> memref<128xi32, #tpu.memory_space<vmem>>
      %dma_start3A_1964 = arith.constant 0 : i32
      %dma_start3A_1965 = arith.constant 0 : i32
      %dma_start3A_1966 = tpu.memref_slice %arg8[%dma_start3A_1964, %dma_start3A_1965] : memref<10112x128xf32, #tpu.memory_space<vmem_shared>> -> memref<10112x128xf32, #tpu.memory_space<vmem_shared>>
      tpu.enqueue_indirect_dma source(%arg9 : memref<128x128xf32, #tpu.memory_space<vmem>>) target(%dma_start3A_1966 : memref<10112x128xf32, #tpu.memory_space<vmem_shared>>) offsets(%dma_start3A_1963 : memref<128xi32, #tpu.memory_space<vmem>>) semaphore(%arg19 : memref<!tpu.dma_semaphore, #tpu.memory_space<semaphore_mem>>) {add = true}
      %dma_wait3A_1967 = arith.constant 0 : i32
      %dma_wait3A_1968 = arith.constant 0 : i32
      %dma_wait3A_1969 = tpu.memref_slice %arg8[%dma_wait3A_1967, %dma_wait3A_1968] : memref<10112x128xf32, #tpu.memory_space<vmem_shared>> -> memref<128x128xf32, #tpu.memory_space<vmem_shared>>
      %dma_wait3A_1970 = arith.constant 0 : i32
      %dma_wait3A_1971 = arith.constant 0 : i32
      %dma_wait3A_1972 = tpu.memref_slice %arg8[%dma_wait3A_1970, %dma_wait3A_1971] : memref<10112x128xf32, #tpu.memory_space<vmem_shared>> -> memref<128x128xf32, #tpu.memory_space<vmem_shared>>
      tpu.wait_dma2 semaphore(%arg20 : memref<!tpu.dma_semaphore, #tpu.memory_space<semaphore_mem>>) src(%arg10 : memref<128x128xf32, #tpu.memory_space<vmem>>) dst(%dma_wait3A_1972 : memref<128x128xf32, #tpu.memory_space<vmem_shared>>)
      %dma_wait3A_1973 = arith.constant 0 : i32
      %dma_wait3A_1974 = arith.constant 0 : i32
      %dma_wait3A_1975 = tpu.memref_slice %arg8[%dma_wait3A_1973, %dma_wait3A_1974] : memref<10112x128xf32, #tpu.memory_space<vmem_shared>> -> memref<128x128xf32, #tpu.memory_space<vmem_shared>>
      %dma_wait3A_1976 = arith.constant 0 : i32
      %dma_wait3A_1977 = arith.constant 0 : i32
      %dma_wait3A_1978 = tpu.memref_slice %arg8[%dma_wait3A_1976, %dma_wait3A_1977] : memref<10112x128xf32, #tpu.memory_space<vmem_shared>> -> memref<128x128xf32, #tpu.memory_space<vmem_shared>>
      tpu.wait_dma2 semaphore(%arg20 : memref<!tpu.dma_semaphore, #tpu.memory_space<semaphore_mem>>) src(%arg10 : memref<128x128xf32, #tpu.memory_space<vmem>>) dst(%dma_wait3A_1978 : memref<128x128xf32, #tpu.memory_space<vmem_shared>>)
      %dma_start3A_1979 = arith.constant 5 : i32
      %dma_start3A_1980 = arith.constant 0 : i32
      %dma_start3A_1981 = tpu.memref_slice %arg12[%dma_start3A_1979, %dma_start3A_1980] : memref<8x128xi32, #tpu.memory_space<vmem>> -> memref<1x128xi32, #tpu.memory_space<vmem>>
      %dma_start3A_1982 = tpu.memref_squeeze %dma_start3A_1981 : memref<1x128xi32, #tpu.memory_space<vmem>> -> memref<128xi32, #tpu.memory_space<vmem>>
      %dma_start3A_1983 = arith.constant 0 : i32
      %dma_start3A_1984 = arith.constant 0 : i32
      %dma_start3A_1985 = tpu.memref_slice %arg2[%dma_start3A_1983, %dma_start3A_1984] : memref<2000x128xf32, #tpu.memory_space<hbm>> -> memref<2000x128xf32, #tpu.memory_space<hbm>>
      tpu.enqueue_indirect_dma source(%dma_start3A_1985 : memref<2000x128xf32, #tpu.memory_space<hbm>>) target(%arg10 : memref<128x128xf32, #tpu.memory_space<vmem>>) offsets(%dma_start3A_1982 : memref<128xi32, #tpu.memory_space<vmem>>) semaphore(%arg18 : memref<!tpu.dma_semaphore, #tpu.memory_space<semaphore_mem>>)
      %dma_wait3A_1986 = arith.constant 0 : i32
      %dma_wait3A_1987 = arith.constant 0 : i32
      %dma_wait3A_1988 = tpu.memref_slice %arg2[%dma_wait3A_1986, %dma_wait3A_1987] : memref<2000x128xf32, #tpu.memory_space<hbm>> -> memref<128x128xf32, #tpu.memory_space<hbm>>
      %dma_wait3A_1989 = arith.constant 0 : i32
      %dma_wait3A_1990 = arith.constant 0 : i32
      %dma_wait3A_1991 = tpu.memref_slice %arg2[%dma_wait3A_1989, %dma_wait3A_1990] : memref<2000x128xf32, #tpu.memory_space<hbm>> -> memref<128x128xf32, #tpu.memory_space<hbm>>
      tpu.wait_dma2 semaphore(%arg18 : memref<!tpu.dma_semaphore, #tpu.memory_space<semaphore_mem>>) src(%dma_wait3A_1991 : memref<128x128xf32, #tpu.memory_space<hbm>>) dst(%arg10 : memref<128x128xf32, #tpu.memory_space<vmem>>)
      %dma_start3A_1992 = arith.constant 5 : i32
      %dma_start3A_1993 = arith.constant 0 : i32
      %dma_start3A_1994 = tpu.memref_slice %arg14[%dma_start3A_1992, %dma_start3A_1993] : memref<8x128xi32, #tpu.memory_space<vmem>> -> memref<1x128xi32, #tpu.memory_space<vmem>>
      %dma_start3A_1995 = tpu.memref_squeeze %dma_start3A_1994 : memref<1x128xi32, #tpu.memory_space<vmem>> -> memref<128xi32, #tpu.memory_space<vmem>>
      %dma_start3A_1996 = arith.constant 0 : i32
      %dma_start3A_1997 = arith.constant 0 : i32
      %dma_start3A_1998 = tpu.memref_slice %arg8[%dma_start3A_1996, %dma_start3A_1997] : memref<10112x128xf32, #tpu.memory_space<vmem_shared>> -> memref<10112x128xf32, #tpu.memory_space<vmem_shared>>
      tpu.enqueue_indirect_dma source(%arg10 : memref<128x128xf32, #tpu.memory_space<vmem>>) target(%dma_start3A_1998 : memref<10112x128xf32, #tpu.memory_space<vmem_shared>>) offsets(%dma_start3A_1995 : memref<128xi32, #tpu.memory_space<vmem>>) semaphore(%arg20 : memref<!tpu.dma_semaphore, #tpu.memory_space<semaphore_mem>>) {add = true}
      %dma_start3A_1999 = arith.constant 5 : i32
      %dma_start3A_2000 = arith.constant 0 : i32
      %dma_start3A_2001 = tpu.memref_slice %arg16[%dma_start3A_1999, %dma_start3A_2000] : memref<8x128xi32, #tpu.memory_space<vmem>> -> memref<1x128xi32, #tpu.memory_space<vmem>>
      %dma_start3A_2002 = tpu.memref_squeeze %dma_start3A_2001 : memref<1x128xi32, #tpu.memory_space<vmem>> -> memref<128xi32, #tpu.memory_space<vmem>>
      %dma_start3A_2003 = arith.constant 0 : i32
      %dma_start3A_2004 = arith.constant 0 : i32
      %dma_start3A_2005 = tpu.memref_slice %arg8[%dma_start3A_2003, %dma_start3A_2004] : memref<10112x128xf32, #tpu.memory_space<vmem_shared>> -> memref<10112x128xf32, #tpu.memory_space<vmem_shared>>
      tpu.enqueue_indirect_dma source(%arg10 : memref<128x128xf32, #tpu.memory_space<vmem>>) target(%dma_start3A_2005 : memref<10112x128xf32, #tpu.memory_space<vmem_shared>>) offsets(%dma_start3A_2002 : memref<128xi32, #tpu.memory_space<vmem>>) semaphore(%arg20 : memref<!tpu.dma_semaphore, #tpu.memory_space<semaphore_mem>>) {add = true}
      %dma_wait3A_2006 = arith.constant 0 : i32
      %dma_wait3A_2007 = arith.constant 0 : i32
      %dma_wait3A_2008 = tpu.memref_slice %arg8[%dma_wait3A_2006, %dma_wait3A_2007] : memref<10112x128xf32, #tpu.memory_space<vmem_shared>> -> memref<128x128xf32, #tpu.memory_space<vmem_shared>>
      %dma_wait3A_2009 = arith.constant 0 : i32
      %dma_wait3A_2010 = arith.constant 0 : i32
      %dma_wait3A_2011 = tpu.memref_slice %arg8[%dma_wait3A_2009, %dma_wait3A_2010] : memref<10112x128xf32, #tpu.memory_space<vmem_shared>> -> memref<128x128xf32, #tpu.memory_space<vmem_shared>>
      tpu.wait_dma2 semaphore(%arg19 : memref<!tpu.dma_semaphore, #tpu.memory_space<semaphore_mem>>) src(%arg9 : memref<128x128xf32, #tpu.memory_space<vmem>>) dst(%dma_wait3A_2011 : memref<128x128xf32, #tpu.memory_space<vmem_shared>>)
      %dma_wait3A_2012 = arith.constant 0 : i32
      %dma_wait3A_2013 = arith.constant 0 : i32
      %dma_wait3A_2014 = tpu.memref_slice %arg8[%dma_wait3A_2012, %dma_wait3A_2013] : memref<10112x128xf32, #tpu.memory_space<vmem_shared>> -> memref<128x128xf32, #tpu.memory_space<vmem_shared>>
      %dma_wait3A_2015 = arith.constant 0 : i32
      %dma_wait3A_2016 = arith.constant 0 : i32
      %dma_wait3A_2017 = tpu.memref_slice %arg8[%dma_wait3A_2015, %dma_wait3A_2016] : memref<10112x128xf32, #tpu.memory_space<vmem_shared>> -> memref<128x128xf32, #tpu.memory_space<vmem_shared>>
      tpu.wait_dma2 semaphore(%arg19 : memref<!tpu.dma_semaphore, #tpu.memory_space<semaphore_mem>>) src(%arg9 : memref<128x128xf32, #tpu.memory_space<vmem>>) dst(%dma_wait3A_2017 : memref<128x128xf32, #tpu.memory_space<vmem_shared>>)
      %dma_start3A_2018 = arith.constant 6 : i32
      %dma_start3A_2019 = arith.constant 0 : i32
      %dma_start3A_2020 = tpu.memref_slice %arg12[%dma_start3A_2018, %dma_start3A_2019] : memref<8x128xi32, #tpu.memory_space<vmem>> -> memref<1x128xi32, #tpu.memory_space<vmem>>
      %dma_start3A_2021 = tpu.memref_squeeze %dma_start3A_2020 : memref<1x128xi32, #tpu.memory_space<vmem>> -> memref<128xi32, #tpu.memory_space<vmem>>
      %dma_start3A_2022 = arith.constant 0 : i32
      %dma_start3A_2023 = arith.constant 0 : i32
      %dma_start3A_2024 = tpu.memref_slice %arg2[%dma_start3A_2022, %dma_start3A_2023] : memref<2000x128xf32, #tpu.memory_space<hbm>> -> memref<2000x128xf32, #tpu.memory_space<hbm>>
      tpu.enqueue_indirect_dma source(%dma_start3A_2024 : memref<2000x128xf32, #tpu.memory_space<hbm>>) target(%arg9 : memref<128x128xf32, #tpu.memory_space<vmem>>) offsets(%dma_start3A_2021 : memref<128xi32, #tpu.memory_space<vmem>>) semaphore(%arg17 : memref<!tpu.dma_semaphore, #tpu.memory_space<semaphore_mem>>)
      %dma_wait3A_2025 = arith.constant 0 : i32
      %dma_wait3A_2026 = arith.constant 0 : i32
      %dma_wait3A_2027 = tpu.memref_slice %arg2[%dma_wait3A_2025, %dma_wait3A_2026] : memref<2000x128xf32, #tpu.memory_space<hbm>> -> memref<128x128xf32, #tpu.memory_space<hbm>>
      %dma_wait3A_2028 = arith.constant 0 : i32
      %dma_wait3A_2029 = arith.constant 0 : i32
      %dma_wait3A_2030 = tpu.memref_slice %arg2[%dma_wait3A_2028, %dma_wait3A_2029] : memref<2000x128xf32, #tpu.memory_space<hbm>> -> memref<128x128xf32, #tpu.memory_space<hbm>>
      tpu.wait_dma2 semaphore(%arg17 : memref<!tpu.dma_semaphore, #tpu.memory_space<semaphore_mem>>) src(%dma_wait3A_2030 : memref<128x128xf32, #tpu.memory_space<hbm>>) dst(%arg9 : memref<128x128xf32, #tpu.memory_space<vmem>>)
      %dma_start3A_2031 = arith.constant 6 : i32
      %dma_start3A_2032 = arith.constant 0 : i32
      %dma_start3A_2033 = tpu.memref_slice %arg14[%dma_start3A_2031, %dma_start3A_2032] : memref<8x128xi32, #tpu.memory_space<vmem>> -> memref<1x128xi32, #tpu.memory_space<vmem>>
      %dma_start3A_2034 = tpu.memref_squeeze %dma_start3A_2033 : memref<1x128xi32, #tpu.memory_space<vmem>> -> memref<128xi32, #tpu.memory_space<vmem>>
      %dma_start3A_2035 = arith.constant 0 : i32
      %dma_start3A_2036 = arith.constant 0 : i32
      %dma_start3A_2037 = tpu.memref_slice %arg8[%dma_start3A_2035, %dma_start3A_2036] : memref<10112x128xf32, #tpu.memory_space<vmem_shared>> -> memref<10112x128xf32, #tpu.memory_space<vmem_shared>>
      tpu.enqueue_indirect_dma source(%arg9 : memref<128x128xf32, #tpu.memory_space<vmem>>) target(%dma_start3A_2037 : memref<10112x128xf32, #tpu.memory_space<vmem_shared>>) offsets(%dma_start3A_2034 : memref<128xi32, #tpu.memory_space<vmem>>) semaphore(%arg19 : memref<!tpu.dma_semaphore, #tpu.memory_space<semaphore_mem>>) {add = true}
      %dma_start3A_2038 = arith.constant 6 : i32
      %dma_start3A_2039 = arith.constant 0 : i32
      %dma_start3A_2040 = tpu.memref_slice %arg16[%dma_start3A_2038, %dma_start3A_2039] : memref<8x128xi32, #tpu.memory_space<vmem>> -> memref<1x128xi32, #tpu.memory_space<vmem>>
      %dma_start3A_2041 = tpu.memref_squeeze %dma_start3A_2040 : memref<1x128xi32, #tpu.memory_space<vmem>> -> memref<128xi32, #tpu.memory_space<vmem>>
      %dma_start3A_2042 = arith.constant 0 : i32
      %dma_start3A_2043 = arith.constant 0 : i32
      %dma_start3A_2044 = tpu.memref_slice %arg8[%dma_start3A_2042, %dma_start3A_2043] : memref<10112x128xf32, #tpu.memory_space<vmem_shared>> -> memref<10112x128xf32, #tpu.memory_space<vmem_shared>>
      tpu.enqueue_indirect_dma source(%arg9 : memref<128x128xf32, #tpu.memory_space<vmem>>) target(%dma_start3A_2044 : memref<10112x128xf32, #tpu.memory_space<vmem_shared>>) offsets(%dma_start3A_2041 : memref<128xi32, #tpu.memory_space<vmem>>) semaphore(%arg19 : memref<!tpu.dma_semaphore, #tpu.memory_space<semaphore_mem>>) {add = true}
      %dma_wait3A_2045 = arith.constant 0 : i32
      %dma_wait3A_2046 = arith.constant 0 : i32
      %dma_wait3A_2047 = tpu.memref_slice %arg8[%dma_wait3A_2045, %dma_wait3A_2046] : memref<10112x128xf32, #tpu.memory_space<vmem_shared>> -> memref<128x128xf32, #tpu.memory_space<vmem_shared>>
      %dma_wait3A_2048 = arith.constant 0 : i32
      %dma_wait3A_2049 = arith.constant 0 : i32
      %dma_wait3A_2050 = tpu.memref_slice %arg8[%dma_wait3A_2048, %dma_wait3A_2049] : memref<10112x128xf32, #tpu.memory_space<vmem_shared>> -> memref<128x128xf32, #tpu.memory_space<vmem_shared>>
      tpu.wait_dma2 semaphore(%arg20 : memref<!tpu.dma_semaphore, #tpu.memory_space<semaphore_mem>>) src(%arg10 : memref<128x128xf32, #tpu.memory_space<vmem>>) dst(%dma_wait3A_2050 : memref<128x128xf32, #tpu.memory_space<vmem_shared>>)
      %dma_wait3A_2051 = arith.constant 0 : i32
      %dma_wait3A_2052 = arith.constant 0 : i32
      %dma_wait3A_2053 = tpu.memref_slice %arg8[%dma_wait3A_2051, %dma_wait3A_2052] : memref<10112x128xf32, #tpu.memory_space<vmem_shared>> -> memref<128x128xf32, #tpu.memory_space<vmem_shared>>
      %dma_wait3A_2054 = arith.constant 0 : i32
      %dma_wait3A_2055 = arith.constant 0 : i32
      %dma_wait3A_2056 = tpu.memref_slice %arg8[%dma_wait3A_2054, %dma_wait3A_2055] : memref<10112x128xf32, #tpu.memory_space<vmem_shared>> -> memref<128x128xf32, #tpu.memory_space<vmem_shared>>
      tpu.wait_dma2 semaphore(%arg20 : memref<!tpu.dma_semaphore, #tpu.memory_space<semaphore_mem>>) src(%arg10 : memref<128x128xf32, #tpu.memory_space<vmem>>) dst(%dma_wait3A_2056 : memref<128x128xf32, #tpu.memory_space<vmem_shared>>)
      %dma_start3A_2057 = arith.constant 7 : i32
      %dma_start3A_2058 = arith.constant 0 : i32
      %dma_start3A_2059 = tpu.memref_slice %arg12[%dma_start3A_2057, %dma_start3A_2058] : memref<8x128xi32, #tpu.memory_space<vmem>> -> memref<1x128xi32, #tpu.memory_space<vmem>>
      %dma_start3A_2060 = tpu.memref_squeeze %dma_start3A_2059 : memref<1x128xi32, #tpu.memory_space<vmem>> -> memref<128xi32, #tpu.memory_space<vmem>>
      %dma_start3A_2061 = arith.constant 0 : i32
      %dma_start3A_2062 = arith.constant 0 : i32
      %dma_start3A_2063 = tpu.memref_slice %arg2[%dma_start3A_2061, %dma_start3A_2062] : memref<2000x128xf32, #tpu.memory_space<hbm>> -> memref<2000x128xf32, #tpu.memory_space<hbm>>
      tpu.enqueue_indirect_dma source(%dma_start3A_2063 : memref<2000x128xf32, #tpu.memory_space<hbm>>) target(%arg10 : memref<128x128xf32, #tpu.memory_space<vmem>>) offsets(%dma_start3A_2060 : memref<128xi32, #tpu.memory_space<vmem>>) semaphore(%arg18 : memref<!tpu.dma_semaphore, #tpu.memory_space<semaphore_mem>>)
      %dma_wait3A_2064 = arith.constant 0 : i32
      %dma_wait3A_2065 = arith.constant 0 : i32
      %dma_wait3A_2066 = tpu.memref_slice %arg2[%dma_wait3A_2064, %dma_wait3A_2065] : memref<2000x128xf32, #tpu.memory_space<hbm>> -> memref<128x128xf32, #tpu.memory_space<hbm>>
      %dma_wait3A_2067 = arith.constant 0 : i32
      %dma_wait3A_2068 = arith.constant 0 : i32
      %dma_wait3A_2069 = tpu.memref_slice %arg2[%dma_wait3A_2067, %dma_wait3A_2068] : memref<2000x128xf32, #tpu.memory_space<hbm>> -> memref<128x128xf32, #tpu.memory_space<hbm>>
      tpu.wait_dma2 semaphore(%arg18 : memref<!tpu.dma_semaphore, #tpu.memory_space<semaphore_mem>>) src(%dma_wait3A_2069 : memref<128x128xf32, #tpu.memory_space<hbm>>) dst(%arg10 : memref<128x128xf32, #tpu.memory_space<vmem>>)
      %dma_start3A_2070 = arith.constant 7 : i32
      %dma_start3A_2071 = arith.constant 0 : i32
      %dma_start3A_2072 = tpu.memref_slice %arg14[%dma_start3A_2070, %dma_start3A_2071] : memref<8x128xi32, #tpu.memory_space<vmem>> -> memref<1x128xi32, #tpu.memory_space<vmem>>
      %dma_start3A_2073 = tpu.memref_squeeze %dma_start3A_2072 : memref<1x128xi32, #tpu.memory_space<vmem>> -> memref<128xi32, #tpu.memory_space<vmem>>
      %dma_start3A_2074 = arith.constant 0 : i32
      %dma_start3A_2075 = arith.constant 0 : i32
      %dma_start3A_2076 = tpu.memref_slice %arg8[%dma_start3A_2074, %dma_start3A_2075] : memref<10112x128xf32, #tpu.memory_space<vmem_shared>> -> memref<10112x128xf32, #tpu.memory_space<vmem_shared>>
      tpu.enqueue_indirect_dma source(%arg10 : memref<128x128xf32, #tpu.memory_space<vmem>>) target(%dma_start3A_2076 : memref<10112x128xf32, #tpu.memory_space<vmem_shared>>) offsets(%dma_start3A_2073 : memref<128xi32, #tpu.memory_space<vmem>>) semaphore(%arg20 : memref<!tpu.dma_semaphore, #tpu.memory_space<semaphore_mem>>) {add = true}
      %dma_start3A_2077 = arith.constant 7 : i32
      %dma_start3A_2078 = arith.constant 0 : i32
      %dma_start3A_2079 = tpu.memref_slice %arg16[%dma_start3A_2077, %dma_start3A_2078] : memref<8x128xi32, #tpu.memory_space<vmem>> -> memref<1x128xi32, #tpu.memory_space<vmem>>
      %dma_start3A_2080 = tpu.memref_squeeze %dma_start3A_2079 : memref<1x128xi32, #tpu.memory_space<vmem>> -> memref<128xi32, #tpu.memory_space<vmem>>
      %dma_start3A_2081 = arith.constant 0 : i32
      %dma_start3A_2082 = arith.constant 0 : i32
      %dma_start3A_2083 = tpu.memref_slice %arg8[%dma_start3A_2081, %dma_start3A_2082] : memref<10112x128xf32, #tpu.memory_space<vmem_shared>> -> memref<10112x128xf32, #tpu.memory_space<vmem_shared>>
      tpu.enqueue_indirect_dma source(%arg10 : memref<128x128xf32, #tpu.memory_space<vmem>>) target(%dma_start3A_2083 : memref<10112x128xf32, #tpu.memory_space<vmem_shared>>) offsets(%dma_start3A_2080 : memref<128xi32, #tpu.memory_space<vmem>>) semaphore(%arg20 : memref<!tpu.dma_semaphore, #tpu.memory_space<semaphore_mem>>) {add = true}
      %dma_wait3A_2084 = arith.constant 0 : i32
      %dma_wait3A_2085 = arith.constant 0 : i32
      %dma_wait3A_2086 = tpu.memref_slice %arg8[%dma_wait3A_2084, %dma_wait3A_2085] : memref<10112x128xf32, #tpu.memory_space<vmem_shared>> -> memref<128x128xf32, #tpu.memory_space<vmem_shared>>
      %dma_wait3A_2087 = arith.constant 0 : i32
      %dma_wait3A_2088 = arith.constant 0 : i32
      %dma_wait3A_2089 = tpu.memref_slice %arg8[%dma_wait3A_2087, %dma_wait3A_2088] : memref<10112x128xf32, #tpu.memory_space<vmem_shared>> -> memref<128x128xf32, #tpu.memory_space<vmem_shared>>
      tpu.wait_dma2 semaphore(%arg19 : memref<!tpu.dma_semaphore, #tpu.memory_space<semaphore_mem>>) src(%arg9 : memref<128x128xf32, #tpu.memory_space<vmem>>) dst(%dma_wait3A_2089 : memref<128x128xf32, #tpu.memory_space<vmem_shared>>)
      %dma_wait3A_2090 = arith.constant 0 : i32
      %dma_wait3A_2091 = arith.constant 0 : i32
      %dma_wait3A_2092 = tpu.memref_slice %arg8[%dma_wait3A_2090, %dma_wait3A_2091] : memref<10112x128xf32, #tpu.memory_space<vmem_shared>> -> memref<128x128xf32, #tpu.memory_space<vmem_shared>>
      %dma_wait3A_2093 = arith.constant 0 : i32
      %dma_wait3A_2094 = arith.constant 0 : i32
      %dma_wait3A_2095 = tpu.memref_slice %arg8[%dma_wait3A_2093, %dma_wait3A_2094] : memref<10112x128xf32, #tpu.memory_space<vmem_shared>> -> memref<128x128xf32, #tpu.memory_space<vmem_shared>>
      tpu.wait_dma2 semaphore(%arg19 : memref<!tpu.dma_semaphore, #tpu.memory_space<semaphore_mem>>) src(%arg9 : memref<128x128xf32, #tpu.memory_space<vmem>>) dst(%dma_wait3A_2095 : memref<128x128xf32, #tpu.memory_space<vmem_shared>>)
      %dma_wait3A_2096 = arith.constant 0 : i32
      %dma_wait3A_2097 = arith.constant 0 : i32
      %dma_wait3A_2098 = tpu.memref_slice %arg3[%dma_wait3A_2096, %dma_wait3A_2097] : memref<2560x128xi32, #tpu.memory_space<hbm>> -> memref<8x128xi32, #tpu.memory_space<hbm>>
      %dma_wait3A_2099 = arith.constant 0 : i32
      %dma_wait3A_2100 = arith.constant 0 : i32
      %dma_wait3A_2101 = tpu.memref_slice %arg3[%dma_wait3A_2099, %dma_wait3A_2100] : memref<2560x128xi32, #tpu.memory_space<hbm>> -> memref<8x128xi32, #tpu.memory_space<hbm>>
      tpu.wait_dma2 semaphore(%arg21 : memref<!tpu.dma_semaphore, #tpu.memory_space<semaphore_mem>>) src(%dma_wait3A_2101 : memref<8x128xi32, #tpu.memory_space<hbm>>) dst(%arg11 : memref<8x128xi32, #tpu.memory_space<vmem>>)
      %dma_wait3A_2102 = arith.constant 0 : i32
      %dma_wait3A_2103 = arith.constant 0 : i32
      %dma_wait3A_2104 = tpu.memref_slice %arg3[%dma_wait3A_2102, %dma_wait3A_2103] : memref<2560x128xi32, #tpu.memory_space<hbm>> -> memref<8x128xi32, #tpu.memory_space<hbm>>
      %dma_wait3A_2105 = arith.constant 0 : i32
      %dma_wait3A_2106 = arith.constant 0 : i32
      %dma_wait3A_2107 = tpu.memref_slice %arg3[%dma_wait3A_2105, %dma_wait3A_2106] : memref<2560x128xi32, #tpu.memory_space<hbm>> -> memref<8x128xi32, #tpu.memory_space<hbm>>
      tpu.wait_dma2 semaphore(%arg21 : memref<!tpu.dma_semaphore, #tpu.memory_space<semaphore_mem>>) src(%dma_wait3A_2107 : memref<8x128xi32, #tpu.memory_space<hbm>>) dst(%arg13 : memref<8x128xi32, #tpu.memory_space<vmem>>)
      %dma_wait3A_2108 = arith.constant 0 : i32
      %dma_wait3A_2109 = arith.constant 0 : i32
      %dma_wait3A_2110 = tpu.memref_slice %arg3[%dma_wait3A_2108, %dma_wait3A_2109] : memref<2560x128xi32, #tpu.memory_space<hbm>> -> memref<8x128xi32, #tpu.memory_space<hbm>>
      %dma_wait3A_2111 = arith.constant 0 : i32
      %dma_wait3A_2112 = arith.constant 0 : i32
      %dma_wait3A_2113 = tpu.memref_slice %arg3[%dma_wait3A_2111, %dma_wait3A_2112] : memref<2560x128xi32, #tpu.memory_space<hbm>> -> memref<8x128xi32, #tpu.memory_space<hbm>>
      tpu.wait_dma2 semaphore(%arg21 : memref<!tpu.dma_semaphore, #tpu.memory_space<semaphore_mem>>) src(%dma_wait3A_2113 : memref<8x128xi32, #tpu.memory_space<hbm>>) dst(%arg15 : memref<8x128xi32, #tpu.memory_space<vmem>>)
      %dma_start3A_2114 = arith.constant 0 : i32
      %dma_start3A_2115 = arith.constant 0 : i32
      %dma_start3A_2116 = tpu.memref_slice %arg11[%dma_start3A_2114, %dma_start3A_2115] : memref<8x128xi32, #tpu.memory_space<vmem>> -> memref<1x128xi32, #tpu.memory_space<vmem>>
      %dma_start3A_2117 = tpu.memref_squeeze %dma_start3A_2116 : memref<1x128xi32, #tpu.memory_space<vmem>> -> memref<128xi32, #tpu.memory_space<vmem>>
      %dma_start3A_2118 = arith.constant 0 : i32
      %dma_start3A_2119 = arith.constant 0 : i32
      %dma_start3A_2120 = tpu.memref_slice %arg2[%dma_start3A_2118, %dma_start3A_2119] : memref<2000x128xf32, #tpu.memory_space<hbm>> -> memref<2000x128xf32, #tpu.memory_space<hbm>>
      tpu.enqueue_indirect_dma source(%dma_start3A_2120 : memref<2000x128xf32, #tpu.memory_space<hbm>>) target(%arg9 : memref<128x128xf32, #tpu.memory_space<vmem>>) offsets(%dma_start3A_2117 : memref<128xi32, #tpu.memory_space<vmem>>) semaphore(%arg17 : memref<!tpu.dma_semaphore, #tpu.memory_space<semaphore_mem>>)
    }
    %scan3A_733 = arith.constant 3 : i32
    %dma_wait3A_734 = arith.constant 0 : i32
    %dma_wait3A_735 = arith.constant 0 : i32
    %dma_wait3A_736 = tpu.memref_slice %arg2[%dma_wait3A_734, %dma_wait3A_735] : memref<2000x128xf32, #tpu.memory_space<hbm>> -> memref<128x128xf32, #tpu.memory_space<hbm>>
    %dma_wait3A_737 = arith.constant 0 : i32
    %dma_wait3A_738 = arith.constant 0 : i32
    %dma_wait3A_739 = tpu.memref_slice %arg2[%dma_wait3A_737, %dma_wait3A_738] : memref<2000x128xf32, #tpu.memory_space<hbm>> -> memref<128x128xf32, #tpu.memory_space<hbm>>
    tpu.wait_dma2 semaphore(%arg17 : memref<!tpu.dma_semaphore, #tpu.memory_space<semaphore_mem>>) src(%dma_wait3A_739 : memref<128x128xf32, #tpu.memory_space<hbm>>) dst(%arg9 : memref<128x128xf32, #tpu.memory_space<vmem>>)
    %dma_start3A_740 = arith.constant 0 : i32
    %dma_start3A_741 = arith.constant 0 : i32
    %dma_start3A_742 = tpu.memref_slice %arg13[%dma_start3A_740, %dma_start3A_741] : memref<8x128xi32, #tpu.memory_space<vmem>> -> memref<1x128xi32, #tpu.memory_space<vmem>>
    %dma_start3A_743 = tpu.memref_squeeze %dma_start3A_742 : memref<1x128xi32, #tpu.memory_space<vmem>> -> memref<128xi32, #tpu.memory_space<vmem>>
    %dma_start3A_744 = arith.constant 0 : i32
    %dma_start3A_745 = arith.constant 0 : i32
    %dma_start3A_746 = tpu.memref_slice %arg8[%dma_start3A_744, %dma_start3A_745] : memref<10112x128xf32, #tpu.memory_space<vmem_shared>> -> memref<10112x128xf32, #tpu.memory_space<vmem_shared>>
    tpu.enqueue_indirect_dma source(%arg9 : memref<128x128xf32, #tpu.memory_space<vmem>>) target(%dma_start3A_746 : memref<10112x128xf32, #tpu.memory_space<vmem_shared>>) offsets(%dma_start3A_743 : memref<128xi32, #tpu.memory_space<vmem>>) semaphore(%arg19 : memref<!tpu.dma_semaphore, #tpu.memory_space<semaphore_mem>>) {add = true}
    %dma_start3A_747 = arith.constant 0 : i32
    %dma_start3A_748 = arith.constant 0 : i32
    %dma_start3A_749 = tpu.memref_slice %arg15[%dma_start3A_747, %dma_start3A_748] : memref<8x128xi32, #tpu.memory_space<vmem>> -> memref<1x128xi32, #tpu.memory_space<vmem>>
    %dma_start3A_750 = tpu.memref_squeeze %dma_start3A_749 : memref<1x128xi32, #tpu.memory_space<vmem>> -> memref<128xi32, #tpu.memory_space<vmem>>
    %dma_start3A_751 = arith.constant 0 : i32
    %dma_start3A_752 = arith.constant 0 : i32
    %dma_start3A_753 = tpu.memref_slice %arg8[%dma_start3A_751, %dma_start3A_752] : memref<10112x128xf32, #tpu.memory_space<vmem_shared>> -> memref<10112x128xf32, #tpu.memory_space<vmem_shared>>
    tpu.enqueue_indirect_dma source(%arg9 : memref<128x128xf32, #tpu.memory_space<vmem>>) target(%dma_start3A_753 : memref<10112x128xf32, #tpu.memory_space<vmem_shared>>) offsets(%dma_start3A_750 : memref<128xi32, #tpu.memory_space<vmem>>) semaphore(%arg19 : memref<!tpu.dma_semaphore, #tpu.memory_space<semaphore_mem>>) {add = true}
    %dma_wait3A_754 = arith.constant 0 : i32
    %dma_wait3A_755 = arith.constant 0 : i32
    %dma_wait3A_756 = tpu.memref_slice %arg8[%dma_wait3A_754, %dma_wait3A_755] : memref<10112x128xf32, #tpu.memory_space<vmem_shared>> -> memref<128x128xf32, #tpu.memory_space<vmem_shared>>
    %dma_wait3A_757 = arith.constant 0 : i32
    %dma_wait3A_758 = arith.constant 0 : i32
    %dma_wait3A_759 = tpu.memref_slice %arg8[%dma_wait3A_757, %dma_wait3A_758] : memref<10112x128xf32, #tpu.memory_space<vmem_shared>> -> memref<128x128xf32, #tpu.memory_space<vmem_shared>>
    tpu.wait_dma2 semaphore(%arg20 : memref<!tpu.dma_semaphore, #tpu.memory_space<semaphore_mem>>) src(%arg10 : memref<128x128xf32, #tpu.memory_space<vmem>>) dst(%dma_wait3A_759 : memref<128x128xf32, #tpu.memory_space<vmem_shared>>)
    %dma_wait3A_760 = arith.constant 0 : i32
    %dma_wait3A_761 = arith.constant 0 : i32
    %dma_wait3A_762 = tpu.memref_slice %arg8[%dma_wait3A_760, %dma_wait3A_761] : memref<10112x128xf32, #tpu.memory_space<vmem_shared>> -> memref<128x128xf32, #tpu.memory_space<vmem_shared>>
    %dma_wait3A_763 = arith.constant 0 : i32
    %dma_wait3A_764 = arith.constant 0 : i32
    %dma_wait3A_765 = tpu.memref_slice %arg8[%dma_wait3A_763, %dma_wait3A_764] : memref<10112x128xf32, #tpu.memory_space<vmem_shared>> -> memref<128x128xf32, #tpu.memory_space<vmem_shared>>
    tpu.wait_dma2 semaphore(%arg20 : memref<!tpu.dma_semaphore, #tpu.memory_space<semaphore_mem>>) src(%arg10 : memref<128x128xf32, #tpu.memory_space<vmem>>) dst(%dma_wait3A_765 : memref<128x128xf32, #tpu.memory_space<vmem_shared>>)
    %add3A_766 = arith.constant 72 : i32
    %add3A_767 = arith.addi %mul3A_2, %add3A_766 : i32
    %dma_start3A_768 = arith.constant 0 : i32
    %dma_start3A_769 = tpu.memref_slice %arg3[%add3A_767, %dma_start3A_768] : memref<2560x128xi32, #tpu.memory_space<hbm>> -> memref<8x128xi32, #tpu.memory_space<hbm>>
    %dma_start3A_770 = arith.constant 0 : i32
    %dma_start3A_771 = tpu.memref_slice %arg3[%add3A_767, %dma_start3A_770] : memref<2560x128xi32, #tpu.memory_space<hbm>> -> memref<8x128xi32, #tpu.memory_space<hbm>>
    tpu.enqueue_dma source(%dma_start3A_771 : memref<8x128xi32, #tpu.memory_space<hbm>>) target(%arg12 : memref<8x128xi32, #tpu.memory_space<vmem>>) target_semaphore(%arg22 : memref<!tpu.dma_semaphore, #tpu.memory_space<semaphore_mem>>)
    %add3A_772 = arith.constant 72 : i32
    %add3A_773 = arith.addi %mul3A_2, %add3A_772 : i32
    %dma_start3A_774 = arith.constant 0 : i32
    %dma_start3A_775 = tpu.memref_slice %arg4[%add3A_773, %dma_start3A_774] : memref<2560x128xi32, #tpu.memory_space<hbm>> -> memref<8x128xi32, #tpu.memory_space<hbm>>
    %dma_start3A_776 = arith.constant 0 : i32
    %dma_start3A_777 = tpu.memref_slice %arg4[%add3A_773, %dma_start3A_776] : memref<2560x128xi32, #tpu.memory_space<hbm>> -> memref<8x128xi32, #tpu.memory_space<hbm>>
    tpu.enqueue_dma source(%dma_start3A_777 : memref<8x128xi32, #tpu.memory_space<hbm>>) target(%arg14 : memref<8x128xi32, #tpu.memory_space<vmem>>) target_semaphore(%arg22 : memref<!tpu.dma_semaphore, #tpu.memory_space<semaphore_mem>>)
    %add3A_778 = arith.constant 72 : i32
    %add3A_779 = arith.addi %mul3A_2, %add3A_778 : i32
    %dma_start3A_780 = arith.constant 0 : i32
    %dma_start3A_781 = tpu.memref_slice %arg5[%add3A_779, %dma_start3A_780] : memref<2560x128xi32, #tpu.memory_space<hbm>> -> memref<8x128xi32, #tpu.memory_space<hbm>>
    %dma_start3A_782 = arith.constant 0 : i32
    %dma_start3A_783 = tpu.memref_slice %arg5[%add3A_779, %dma_start3A_782] : memref<2560x128xi32, #tpu.memory_space<hbm>> -> memref<8x128xi32, #tpu.memory_space<hbm>>
    tpu.enqueue_dma source(%dma_start3A_783 : memref<8x128xi32, #tpu.memory_space<hbm>>) target(%arg16 : memref<8x128xi32, #tpu.memory_space<vmem>>) target_semaphore(%arg22 : memref<!tpu.dma_semaphore, #tpu.memory_space<semaphore_mem>>)
    %dma_start3A_784 = arith.constant 1 : i32
    %dma_start3A_785 = arith.constant 0 : i32
    %dma_start3A_786 = tpu.memref_slice %arg11[%dma_start3A_784, %dma_start3A_785] : memref<8x128xi32, #tpu.memory_space<vmem>> -> memref<1x128xi32, #tpu.memory_space<vmem>>
    %dma_start3A_787 = tpu.memref_squeeze %dma_start3A_786 : memref<1x128xi32, #tpu.memory_space<vmem>> -> memref<128xi32, #tpu.memory_space<vmem>>
    %dma_start3A_788 = arith.constant 0 : i32
    %dma_start3A_789 = arith.constant 0 : i32
    %dma_start3A_790 = tpu.memref_slice %arg2[%dma_start3A_788, %dma_start3A_789] : memref<2000x128xf32, #tpu.memory_space<hbm>> -> memref<2000x128xf32, #tpu.memory_space<hbm>>
    tpu.enqueue_indirect_dma source(%dma_start3A_790 : memref<2000x128xf32, #tpu.memory_space<hbm>>) target(%arg10 : memref<128x128xf32, #tpu.memory_space<vmem>>) offsets(%dma_start3A_787 : memref<128xi32, #tpu.memory_space<vmem>>) semaphore(%arg18 : memref<!tpu.dma_semaphore, #tpu.memory_space<semaphore_mem>>)
    %dma_wait3A_791 = arith.constant 0 : i32
    %dma_wait3A_792 = arith.constant 0 : i32
    %dma_wait3A_793 = tpu.memref_slice %arg2[%dma_wait3A_791, %dma_wait3A_792] : memref<2000x128xf32, #tpu.memory_space<hbm>> -> memref<128x128xf32, #tpu.memory_space<hbm>>
    %dma_wait3A_794 = arith.constant 0 : i32
    %dma_wait3A_795 = arith.constant 0 : i32
    %dma_wait3A_796 = tpu.memref_slice %arg2[%dma_wait3A_794, %dma_wait3A_795] : memref<2000x128xf32, #tpu.memory_space<hbm>> -> memref<128x128xf32, #tpu.memory_space<hbm>>
    tpu.wait_dma2 semaphore(%arg18 : memref<!tpu.dma_semaphore, #tpu.memory_space<semaphore_mem>>) src(%dma_wait3A_796 : memref<128x128xf32, #tpu.memory_space<hbm>>) dst(%arg10 : memref<128x128xf32, #tpu.memory_space<vmem>>)
    %dma_start3A_797 = arith.constant 1 : i32
    %dma_start3A_798 = arith.constant 0 : i32
    %dma_start3A_799 = tpu.memref_slice %arg13[%dma_start3A_797, %dma_start3A_798] : memref<8x128xi32, #tpu.memory_space<vmem>> -> memref<1x128xi32, #tpu.memory_space<vmem>>
    %dma_start3A_800 = tpu.memref_squeeze %dma_start3A_799 : memref<1x128xi32, #tpu.memory_space<vmem>> -> memref<128xi32, #tpu.memory_space<vmem>>
    %dma_start3A_801 = arith.constant 0 : i32
    %dma_start3A_802 = arith.constant 0 : i32
    %dma_start3A_803 = tpu.memref_slice %arg8[%dma_start3A_801, %dma_start3A_802] : memref<10112x128xf32, #tpu.memory_space<vmem_shared>> -> memref<10112x128xf32, #tpu.memory_space<vmem_shared>>
    tpu.enqueue_indirect_dma source(%arg10 : memref<128x128xf32, #tpu.memory_space<vmem>>) target(%dma_start3A_803 : memref<10112x128xf32, #tpu.memory_space<vmem_shared>>) offsets(%dma_start3A_800 : memref<128xi32, #tpu.memory_space<vmem>>) semaphore(%arg20 : memref<!tpu.dma_semaphore, #tpu.memory_space<semaphore_mem>>) {add = true}
    %dma_start3A_804 = arith.constant 1 : i32
    %dma_start3A_805 = arith.constant 0 : i32
    %dma_start3A_806 = tpu.memref_slice %arg15[%dma_start3A_804, %dma_start3A_805] : memref<8x128xi32, #tpu.memory_space<vmem>> -> memref<1x128xi32, #tpu.memory_space<vmem>>
    %dma_start3A_807 = tpu.memref_squeeze %dma_start3A_806 : memref<1x128xi32, #tpu.memory_space<vmem>> -> memref<128xi32, #tpu.memory_space<vmem>>
    %dma_start3A_808 = arith.constant 0 : i32
    %dma_start3A_809 = arith.constant 0 : i32
    %dma_start3A_810 = tpu.memref_slice %arg8[%dma_start3A_808, %dma_start3A_809] : memref<10112x128xf32, #tpu.memory_space<vmem_shared>> -> memref<10112x128xf32, #tpu.memory_space<vmem_shared>>
    tpu.enqueue_indirect_dma source(%arg10 : memref<128x128xf32, #tpu.memory_space<vmem>>) target(%dma_start3A_810 : memref<10112x128xf32, #tpu.memory_space<vmem_shared>>) offsets(%dma_start3A_807 : memref<128xi32, #tpu.memory_space<vmem>>) semaphore(%arg20 : memref<!tpu.dma_semaphore, #tpu.memory_space<semaphore_mem>>) {add = true}
    %dma_wait3A_811 = arith.constant 0 : i32
    %dma_wait3A_812 = arith.constant 0 : i32
    %dma_wait3A_813 = tpu.memref_slice %arg8[%dma_wait3A_811, %dma_wait3A_812] : memref<10112x128xf32, #tpu.memory_space<vmem_shared>> -> memref<128x128xf32, #tpu.memory_space<vmem_shared>>
    %dma_wait3A_814 = arith.constant 0 : i32
    %dma_wait3A_815 = arith.constant 0 : i32
    %dma_wait3A_816 = tpu.memref_slice %arg8[%dma_wait3A_814, %dma_wait3A_815] : memref<10112x128xf32, #tpu.memory_space<vmem_shared>> -> memref<128x128xf32, #tpu.memory_space<vmem_shared>>
    tpu.wait_dma2 semaphore(%arg19 : memref<!tpu.dma_semaphore, #tpu.memory_space<semaphore_mem>>) src(%arg9 : memref<128x128xf32, #tpu.memory_space<vmem>>) dst(%dma_wait3A_816 : memref<128x128xf32, #tpu.memory_space<vmem_shared>>)
    %dma_wait3A_817 = arith.constant 0 : i32
    %dma_wait3A_818 = arith.constant 0 : i32
    %dma_wait3A_819 = tpu.memref_slice %arg8[%dma_wait3A_817, %dma_wait3A_818] : memref<10112x128xf32, #tpu.memory_space<vmem_shared>> -> memref<128x128xf32, #tpu.memory_space<vmem_shared>>
    %dma_wait3A_820 = arith.constant 0 : i32
    %dma_wait3A_821 = arith.constant 0 : i32
    %dma_wait3A_822 = tpu.memref_slice %arg8[%dma_wait3A_820, %dma_wait3A_821] : memref<10112x128xf32, #tpu.memory_space<vmem_shared>> -> memref<128x128xf32, #tpu.memory_space<vmem_shared>>
    tpu.wait_dma2 semaphore(%arg19 : memref<!tpu.dma_semaphore, #tpu.memory_space<semaphore_mem>>) src(%arg9 : memref<128x128xf32, #tpu.memory_space<vmem>>) dst(%dma_wait3A_822 : memref<128x128xf32, #tpu.memory_space<vmem_shared>>)
    %dma_start3A_823 = arith.constant 2 : i32
    %dma_start3A_824 = arith.constant 0 : i32
    %dma_start3A_825 = tpu.memref_slice %arg11[%dma_start3A_823, %dma_start3A_824] : memref<8x128xi32, #tpu.memory_space<vmem>> -> memref<1x128xi32, #tpu.memory_space<vmem>>
    %dma_start3A_826 = tpu.memref_squeeze %dma_start3A_825 : memref<1x128xi32, #tpu.memory_space<vmem>> -> memref<128xi32, #tpu.memory_space<vmem>>
    %dma_start3A_827 = arith.constant 0 : i32
    %dma_start3A_828 = arith.constant 0 : i32
    %dma_start3A_829 = tpu.memref_slice %arg2[%dma_start3A_827, %dma_start3A_828] : memref<2000x128xf32, #tpu.memory_space<hbm>> -> memref<2000x128xf32, #tpu.memory_space<hbm>>
    tpu.enqueue_indirect_dma source(%dma_start3A_829 : memref<2000x128xf32, #tpu.memory_space<hbm>>) target(%arg9 : memref<128x128xf32, #tpu.memory_space<vmem>>) offsets(%dma_start3A_826 : memref<128xi32, #tpu.memory_space<vmem>>) semaphore(%arg17 : memref<!tpu.dma_semaphore, #tpu.memory_space<semaphore_mem>>)
    %dma_wait3A_830 = arith.constant 0 : i32
    %dma_wait3A_831 = arith.constant 0 : i32
    %dma_wait3A_832 = tpu.memref_slice %arg2[%dma_wait3A_830, %dma_wait3A_831] : memref<2000x128xf32, #tpu.memory_space<hbm>> -> memref<128x128xf32, #tpu.memory_space<hbm>>
    %dma_wait3A_833 = arith.constant 0 : i32
    %dma_wait3A_834 = arith.constant 0 : i32
    %dma_wait3A_835 = tpu.memref_slice %arg2[%dma_wait3A_833, %dma_wait3A_834] : memref<2000x128xf32, #tpu.memory_space<hbm>> -> memref<128x128xf32, #tpu.memory_space<hbm>>
    tpu.wait_dma2 semaphore(%arg17 : memref<!tpu.dma_semaphore, #tpu.memory_space<semaphore_mem>>) src(%dma_wait3A_835 : memref<128x128xf32, #tpu.memory_space<hbm>>) dst(%arg9 : memref<128x128xf32, #tpu.memory_space<vmem>>)
    %dma_start3A_836 = arith.constant 2 : i32
    %dma_start3A_837 = arith.constant 0 : i32
    %dma_start3A_838 = tpu.memref_slice %arg13[%dma_start3A_836, %dma_start3A_837] : memref<8x128xi32, #tpu.memory_space<vmem>> -> memref<1x128xi32, #tpu.memory_space<vmem>>
    %dma_start3A_839 = tpu.memref_squeeze %dma_start3A_838 : memref<1x128xi32, #tpu.memory_space<vmem>> -> memref<128xi32, #tpu.memory_space<vmem>>
    %dma_start3A_840 = arith.constant 0 : i32
    %dma_start3A_841 = arith.constant 0 : i32
    %dma_start3A_842 = tpu.memref_slice %arg8[%dma_start3A_840, %dma_start3A_841] : memref<10112x128xf32, #tpu.memory_space<vmem_shared>> -> memref<10112x128xf32, #tpu.memory_space<vmem_shared>>
    tpu.enqueue_indirect_dma source(%arg9 : memref<128x128xf32, #tpu.memory_space<vmem>>) target(%dma_start3A_842 : memref<10112x128xf32, #tpu.memory_space<vmem_shared>>) offsets(%dma_start3A_839 : memref<128xi32, #tpu.memory_space<vmem>>) semaphore(%arg19 : memref<!tpu.dma_semaphore, #tpu.memory_space<semaphore_mem>>) {add = true}
    %dma_start3A_843 = arith.constant 2 : i32
    %dma_start3A_844 = arith.constant 0 : i32
    %dma_start3A_845 = tpu.memref_slice %arg15[%dma_start3A_843, %dma_start3A_844] : memref<8x128xi32, #tpu.memory_space<vmem>> -> memref<1x128xi32, #tpu.memory_space<vmem>>
    %dma_start3A_846 = tpu.memref_squeeze %dma_start3A_845 : memref<1x128xi32, #tpu.memory_space<vmem>> -> memref<128xi32, #tpu.memory_space<vmem>>
    %dma_start3A_847 = arith.constant 0 : i32
    %dma_start3A_848 = arith.constant 0 : i32
    %dma_start3A_849 = tpu.memref_slice %arg8[%dma_start3A_847, %dma_start3A_848] : memref<10112x128xf32, #tpu.memory_space<vmem_shared>> -> memref<10112x128xf32, #tpu.memory_space<vmem_shared>>
    tpu.enqueue_indirect_dma source(%arg9 : memref<128x128xf32, #tpu.memory_space<vmem>>) target(%dma_start3A_849 : memref<10112x128xf32, #tpu.memory_space<vmem_shared>>) offsets(%dma_start3A_846 : memref<128xi32, #tpu.memory_space<vmem>>) semaphore(%arg19 : memref<!tpu.dma_semaphore, #tpu.memory_space<semaphore_mem>>) {add = true}
    %dma_wait3A_850 = arith.constant 0 : i32
    %dma_wait3A_851 = arith.constant 0 : i32
    %dma_wait3A_852 = tpu.memref_slice %arg8[%dma_wait3A_850, %dma_wait3A_851] : memref<10112x128xf32, #tpu.memory_space<vmem_shared>> -> memref<128x128xf32, #tpu.memory_space<vmem_shared>>
    %dma_wait3A_853 = arith.constant 0 : i32
    %dma_wait3A_854 = arith.constant 0 : i32
    %dma_wait3A_855 = tpu.memref_slice %arg8[%dma_wait3A_853, %dma_wait3A_854] : memref<10112x128xf32, #tpu.memory_space<vmem_shared>> -> memref<128x128xf32, #tpu.memory_space<vmem_shared>>
    tpu.wait_dma2 semaphore(%arg20 : memref<!tpu.dma_semaphore, #tpu.memory_space<semaphore_mem>>) src(%arg10 : memref<128x128xf32, #tpu.memory_space<vmem>>) dst(%dma_wait3A_855 : memref<128x128xf32, #tpu.memory_space<vmem_shared>>)
    %dma_wait3A_856 = arith.constant 0 : i32
    %dma_wait3A_857 = arith.constant 0 : i32
    %dma_wait3A_858 = tpu.memref_slice %arg8[%dma_wait3A_856, %dma_wait3A_857] : memref<10112x128xf32, #tpu.memory_space<vmem_shared>> -> memref<128x128xf32, #tpu.memory_space<vmem_shared>>
    %dma_wait3A_859 = arith.constant 0 : i32
    %dma_wait3A_860 = arith.constant 0 : i32
    %dma_wait3A_861 = tpu.memref_slice %arg8[%dma_wait3A_859, %dma_wait3A_860] : memref<10112x128xf32, #tpu.memory_space<vmem_shared>> -> memref<128x128xf32, #tpu.memory_space<vmem_shared>>
    tpu.wait_dma2 semaphore(%arg20 : memref<!tpu.dma_semaphore, #tpu.memory_space<semaphore_mem>>) src(%arg10 : memref<128x128xf32, #tpu.memory_space<vmem>>) dst(%dma_wait3A_861 : memref<128x128xf32, #tpu.memory_space<vmem_shared>>)
    %dma_start3A_862 = arith.constant 3 : i32
    %dma_start3A_863 = arith.constant 0 : i32
    %dma_start3A_864 = tpu.memref_slice %arg11[%dma_start3A_862, %dma_start3A_863] : memref<8x128xi32, #tpu.memory_space<vmem>> -> memref<1x128xi32, #tpu.memory_space<vmem>>
    %dma_start3A_865 = tpu.memref_squeeze %dma_start3A_864 : memref<1x128xi32, #tpu.memory_space<vmem>> -> memref<128xi32, #tpu.memory_space<vmem>>
    %dma_start3A_866 = arith.constant 0 : i32
    %dma_start3A_867 = arith.constant 0 : i32
    %dma_start3A_868 = tpu.memref_slice %arg2[%dma_start3A_866, %dma_start3A_867] : memref<2000x128xf32, #tpu.memory_space<hbm>> -> memref<2000x128xf32, #tpu.memory_space<hbm>>
    tpu.enqueue_indirect_dma source(%dma_start3A_868 : memref<2000x128xf32, #tpu.memory_space<hbm>>) target(%arg10 : memref<128x128xf32, #tpu.memory_space<vmem>>) offsets(%dma_start3A_865 : memref<128xi32, #tpu.memory_space<vmem>>) semaphore(%arg18 : memref<!tpu.dma_semaphore, #tpu.memory_space<semaphore_mem>>)
    %dma_wait3A_869 = arith.constant 0 : i32
    %dma_wait3A_870 = arith.constant 0 : i32
    %dma_wait3A_871 = tpu.memref_slice %arg2[%dma_wait3A_869, %dma_wait3A_870] : memref<2000x128xf32, #tpu.memory_space<hbm>> -> memref<128x128xf32, #tpu.memory_space<hbm>>
    %dma_wait3A_872 = arith.constant 0 : i32
    %dma_wait3A_873 = arith.constant 0 : i32
    %dma_wait3A_874 = tpu.memref_slice %arg2[%dma_wait3A_872, %dma_wait3A_873] : memref<2000x128xf32, #tpu.memory_space<hbm>> -> memref<128x128xf32, #tpu.memory_space<hbm>>
    tpu.wait_dma2 semaphore(%arg18 : memref<!tpu.dma_semaphore, #tpu.memory_space<semaphore_mem>>) src(%dma_wait3A_874 : memref<128x128xf32, #tpu.memory_space<hbm>>) dst(%arg10 : memref<128x128xf32, #tpu.memory_space<vmem>>)
    %dma_start3A_875 = arith.constant 3 : i32
    %dma_start3A_876 = arith.constant 0 : i32
    %dma_start3A_877 = tpu.memref_slice %arg13[%dma_start3A_875, %dma_start3A_876] : memref<8x128xi32, #tpu.memory_space<vmem>> -> memref<1x128xi32, #tpu.memory_space<vmem>>
    %dma_start3A_878 = tpu.memref_squeeze %dma_start3A_877 : memref<1x128xi32, #tpu.memory_space<vmem>> -> memref<128xi32, #tpu.memory_space<vmem>>
    %dma_start3A_879 = arith.constant 0 : i32
    %dma_start3A_880 = arith.constant 0 : i32
    %dma_start3A_881 = tpu.memref_slice %arg8[%dma_start3A_879, %dma_start3A_880] : memref<10112x128xf32, #tpu.memory_space<vmem_shared>> -> memref<10112x128xf32, #tpu.memory_space<vmem_shared>>
    tpu.enqueue_indirect_dma source(%arg10 : memref<128x128xf32, #tpu.memory_space<vmem>>) target(%dma_start3A_881 : memref<10112x128xf32, #tpu.memory_space<vmem_shared>>) offsets(%dma_start3A_878 : memref<128xi32, #tpu.memory_space<vmem>>) semaphore(%arg20 : memref<!tpu.dma_semaphore, #tpu.memory_space<semaphore_mem>>) {add = true}
    %dma_start3A_882 = arith.constant 3 : i32
    %dma_start3A_883 = arith.constant 0 : i32
    %dma_start3A_884 = tpu.memref_slice %arg15[%dma_start3A_882, %dma_start3A_883] : memref<8x128xi32, #tpu.memory_space<vmem>> -> memref<1x128xi32, #tpu.memory_space<vmem>>
    %dma_start3A_885 = tpu.memref_squeeze %dma_start3A_884 : memref<1x128xi32, #tpu.memory_space<vmem>> -> memref<128xi32, #tpu.memory_space<vmem>>
    %dma_start3A_886 = arith.constant 0 : i32
    %dma_start3A_887 = arith.constant 0 : i32
    %dma_start3A_888 = tpu.memref_slice %arg8[%dma_start3A_886, %dma_start3A_887] : memref<10112x128xf32, #tpu.memory_space<vmem_shared>> -> memref<10112x128xf32, #tpu.memory_space<vmem_shared>>
    tpu.enqueue_indirect_dma source(%arg10 : memref<128x128xf32, #tpu.memory_space<vmem>>) target(%dma_start3A_888 : memref<10112x128xf32, #tpu.memory_space<vmem_shared>>) offsets(%dma_start3A_885 : memref<128xi32, #tpu.memory_space<vmem>>) semaphore(%arg20 : memref<!tpu.dma_semaphore, #tpu.memory_space<semaphore_mem>>) {add = true}
    %dma_wait3A_889 = arith.constant 0 : i32
    %dma_wait3A_890 = arith.constant 0 : i32
    %dma_wait3A_891 = tpu.memref_slice %arg8[%dma_wait3A_889, %dma_wait3A_890] : memref<10112x128xf32, #tpu.memory_space<vmem_shared>> -> memref<128x128xf32, #tpu.memory_space<vmem_shared>>
    %dma_wait3A_892 = arith.constant 0 : i32
    %dma_wait3A_893 = arith.constant 0 : i32
    %dma_wait3A_894 = tpu.memref_slice %arg8[%dma_wait3A_892, %dma_wait3A_893] : memref<10112x128xf32, #tpu.memory_space<vmem_shared>> -> memref<128x128xf32, #tpu.memory_space<vmem_shared>>
    tpu.wait_dma2 semaphore(%arg19 : memref<!tpu.dma_semaphore, #tpu.memory_space<semaphore_mem>>) src(%arg9 : memref<128x128xf32, #tpu.memory_space<vmem>>) dst(%dma_wait3A_894 : memref<128x128xf32, #tpu.memory_space<vmem_shared>>)
    %dma_wait3A_895 = arith.constant 0 : i32
    %dma_wait3A_896 = arith.constant 0 : i32
    %dma_wait3A_897 = tpu.memref_slice %arg8[%dma_wait3A_895, %dma_wait3A_896] : memref<10112x128xf32, #tpu.memory_space<vmem_shared>> -> memref<128x128xf32, #tpu.memory_space<vmem_shared>>
    %dma_wait3A_898 = arith.constant 0 : i32
    %dma_wait3A_899 = arith.constant 0 : i32
    %dma_wait3A_900 = tpu.memref_slice %arg8[%dma_wait3A_898, %dma_wait3A_899] : memref<10112x128xf32, #tpu.memory_space<vmem_shared>> -> memref<128x128xf32, #tpu.memory_space<vmem_shared>>
    tpu.wait_dma2 semaphore(%arg19 : memref<!tpu.dma_semaphore, #tpu.memory_space<semaphore_mem>>) src(%arg9 : memref<128x128xf32, #tpu.memory_space<vmem>>) dst(%dma_wait3A_900 : memref<128x128xf32, #tpu.memory_space<vmem_shared>>)
    %dma_start3A_901 = arith.constant 4 : i32
    %dma_start3A_902 = arith.constant 0 : i32
    %dma_start3A_903 = tpu.memref_slice %arg11[%dma_start3A_901, %dma_start3A_902] : memref<8x128xi32, #tpu.memory_space<vmem>> -> memref<1x128xi32, #tpu.memory_space<vmem>>
    %dma_start3A_904 = tpu.memref_squeeze %dma_start3A_903 : memref<1x128xi32, #tpu.memory_space<vmem>> -> memref<128xi32, #tpu.memory_space<vmem>>
    %dma_start3A_905 = arith.constant 0 : i32
    %dma_start3A_906 = arith.constant 0 : i32
    %dma_start3A_907 = tpu.memref_slice %arg2[%dma_start3A_905, %dma_start3A_906] : memref<2000x128xf32, #tpu.memory_space<hbm>> -> memref<2000x128xf32, #tpu.memory_space<hbm>>
    tpu.enqueue_indirect_dma source(%dma_start3A_907 : memref<2000x128xf32, #tpu.memory_space<hbm>>) target(%arg9 : memref<128x128xf32, #tpu.memory_space<vmem>>) offsets(%dma_start3A_904 : memref<128xi32, #tpu.memory_space<vmem>>) semaphore(%arg17 : memref<!tpu.dma_semaphore, #tpu.memory_space<semaphore_mem>>)
    %dma_wait3A_908 = arith.constant 0 : i32
    %dma_wait3A_909 = arith.constant 0 : i32
    %dma_wait3A_910 = tpu.memref_slice %arg2[%dma_wait3A_908, %dma_wait3A_909] : memref<2000x128xf32, #tpu.memory_space<hbm>> -> memref<128x128xf32, #tpu.memory_space<hbm>>
    %dma_wait3A_911 = arith.constant 0 : i32
    %dma_wait3A_912 = arith.constant 0 : i32
    %dma_wait3A_913 = tpu.memref_slice %arg2[%dma_wait3A_911, %dma_wait3A_912] : memref<2000x128xf32, #tpu.memory_space<hbm>> -> memref<128x128xf32, #tpu.memory_space<hbm>>
    tpu.wait_dma2 semaphore(%arg17 : memref<!tpu.dma_semaphore, #tpu.memory_space<semaphore_mem>>) src(%dma_wait3A_913 : memref<128x128xf32, #tpu.memory_space<hbm>>) dst(%arg9 : memref<128x128xf32, #tpu.memory_space<vmem>>)
    %dma_start3A_914 = arith.constant 4 : i32
    %dma_start3A_915 = arith.constant 0 : i32
    %dma_start3A_916 = tpu.memref_slice %arg13[%dma_start3A_914, %dma_start3A_915] : memref<8x128xi32, #tpu.memory_space<vmem>> -> memref<1x128xi32, #tpu.memory_space<vmem>>
    %dma_start3A_917 = tpu.memref_squeeze %dma_start3A_916 : memref<1x128xi32, #tpu.memory_space<vmem>> -> memref<128xi32, #tpu.memory_space<vmem>>
    %dma_start3A_918 = arith.constant 0 : i32
    %dma_start3A_919 = arith.constant 0 : i32
    %dma_start3A_920 = tpu.memref_slice %arg8[%dma_start3A_918, %dma_start3A_919] : memref<10112x128xf32, #tpu.memory_space<vmem_shared>> -> memref<10112x128xf32, #tpu.memory_space<vmem_shared>>
    tpu.enqueue_indirect_dma source(%arg9 : memref<128x128xf32, #tpu.memory_space<vmem>>) target(%dma_start3A_920 : memref<10112x128xf32, #tpu.memory_space<vmem_shared>>) offsets(%dma_start3A_917 : memref<128xi32, #tpu.memory_space<vmem>>) semaphore(%arg19 : memref<!tpu.dma_semaphore, #tpu.memory_space<semaphore_mem>>) {add = true}
    %dma_start3A_921 = arith.constant 4 : i32
    %dma_start3A_922 = arith.constant 0 : i32
    %dma_start3A_923 = tpu.memref_slice %arg15[%dma_start3A_921, %dma_start3A_922] : memref<8x128xi32, #tpu.memory_space<vmem>> -> memref<1x128xi32, #tpu.memory_space<vmem>>
    %dma_start3A_924 = tpu.memref_squeeze %dma_start3A_923 : memref<1x128xi32, #tpu.memory_space<vmem>> -> memref<128xi32, #tpu.memory_space<vmem>>
    %dma_start3A_925 = arith.constant 0 : i32
    %dma_start3A_926 = arith.constant 0 : i32
    %dma_start3A_927 = tpu.memref_slice %arg8[%dma_start3A_925, %dma_start3A_926] : memref<10112x128xf32, #tpu.memory_space<vmem_shared>> -> memref<10112x128xf32, #tpu.memory_space<vmem_shared>>
    tpu.enqueue_indirect_dma source(%arg9 : memref<128x128xf32, #tpu.memory_space<vmem>>) target(%dma_start3A_927 : memref<10112x128xf32, #tpu.memory_space<vmem_shared>>) offsets(%dma_start3A_924 : memref<128xi32, #tpu.memory_space<vmem>>) semaphore(%arg19 : memref<!tpu.dma_semaphore, #tpu.memory_space<semaphore_mem>>) {add = true}
    %dma_wait3A_928 = arith.constant 0 : i32
    %dma_wait3A_929 = arith.constant 0 : i32
    %dma_wait3A_930 = tpu.memref_slice %arg8[%dma_wait3A_928, %dma_wait3A_929] : memref<10112x128xf32, #tpu.memory_space<vmem_shared>> -> memref<128x128xf32, #tpu.memory_space<vmem_shared>>
    %dma_wait3A_931 = arith.constant 0 : i32
    %dma_wait3A_932 = arith.constant 0 : i32
    %dma_wait3A_933 = tpu.memref_slice %arg8[%dma_wait3A_931, %dma_wait3A_932] : memref<10112x128xf32, #tpu.memory_space<vmem_shared>> -> memref<128x128xf32, #tpu.memory_space<vmem_shared>>
    tpu.wait_dma2 semaphore(%arg20 : memref<!tpu.dma_semaphore, #tpu.memory_space<semaphore_mem>>) src(%arg10 : memref<128x128xf32, #tpu.memory_space<vmem>>) dst(%dma_wait3A_933 : memref<128x128xf32, #tpu.memory_space<vmem_shared>>)
    %dma_wait3A_934 = arith.constant 0 : i32
    %dma_wait3A_935 = arith.constant 0 : i32
    %dma_wait3A_936 = tpu.memref_slice %arg8[%dma_wait3A_934, %dma_wait3A_935] : memref<10112x128xf32, #tpu.memory_space<vmem_shared>> -> memref<128x128xf32, #tpu.memory_space<vmem_shared>>
    %dma_wait3A_937 = arith.constant 0 : i32
    %dma_wait3A_938 = arith.constant 0 : i32
    %dma_wait3A_939 = tpu.memref_slice %arg8[%dma_wait3A_937, %dma_wait3A_938] : memref<10112x128xf32, #tpu.memory_space<vmem_shared>> -> memref<128x128xf32, #tpu.memory_space<vmem_shared>>
    tpu.wait_dma2 semaphore(%arg20 : memref<!tpu.dma_semaphore, #tpu.memory_space<semaphore_mem>>) src(%arg10 : memref<128x128xf32, #tpu.memory_space<vmem>>) dst(%dma_wait3A_939 : memref<128x128xf32, #tpu.memory_space<vmem_shared>>)
    %dma_start3A_940 = arith.constant 5 : i32
    %dma_start3A_941 = arith.constant 0 : i32
    %dma_start3A_942 = tpu.memref_slice %arg11[%dma_start3A_940, %dma_start3A_941] : memref<8x128xi32, #tpu.memory_space<vmem>> -> memref<1x128xi32, #tpu.memory_space<vmem>>
    %dma_start3A_943 = tpu.memref_squeeze %dma_start3A_942 : memref<1x128xi32, #tpu.memory_space<vmem>> -> memref<128xi32, #tpu.memory_space<vmem>>
    %dma_start3A_944 = arith.constant 0 : i32
    %dma_start3A_945 = arith.constant 0 : i32
    %dma_start3A_946 = tpu.memref_slice %arg2[%dma_start3A_944, %dma_start3A_945] : memref<2000x128xf32, #tpu.memory_space<hbm>> -> memref<2000x128xf32, #tpu.memory_space<hbm>>
    tpu.enqueue_indirect_dma source(%dma_start3A_946 : memref<2000x128xf32, #tpu.memory_space<hbm>>) target(%arg10 : memref<128x128xf32, #tpu.memory_space<vmem>>) offsets(%dma_start3A_943 : memref<128xi32, #tpu.memory_space<vmem>>) semaphore(%arg18 : memref<!tpu.dma_semaphore, #tpu.memory_space<semaphore_mem>>)
    %dma_wait3A_947 = arith.constant 0 : i32
    %dma_wait3A_948 = arith.constant 0 : i32
    %dma_wait3A_949 = tpu.memref_slice %arg2[%dma_wait3A_947, %dma_wait3A_948] : memref<2000x128xf32, #tpu.memory_space<hbm>> -> memref<128x128xf32, #tpu.memory_space<hbm>>
    %dma_wait3A_950 = arith.constant 0 : i32
    %dma_wait3A_951 = arith.constant 0 : i32
    %dma_wait3A_952 = tpu.memref_slice %arg2[%dma_wait3A_950, %dma_wait3A_951] : memref<2000x128xf32, #tpu.memory_space<hbm>> -> memref<128x128xf32, #tpu.memory_space<hbm>>
    tpu.wait_dma2 semaphore(%arg18 : memref<!tpu.dma_semaphore, #tpu.memory_space<semaphore_mem>>) src(%dma_wait3A_952 : memref<128x128xf32, #tpu.memory_space<hbm>>) dst(%arg10 : memref<128x128xf32, #tpu.memory_space<vmem>>)
    %dma_start3A_953 = arith.constant 5 : i32
    %dma_start3A_954 = arith.constant 0 : i32
    %dma_start3A_955 = tpu.memref_slice %arg13[%dma_start3A_953, %dma_start3A_954] : memref<8x128xi32, #tpu.memory_space<vmem>> -> memref<1x128xi32, #tpu.memory_space<vmem>>
    %dma_start3A_956 = tpu.memref_squeeze %dma_start3A_955 : memref<1x128xi32, #tpu.memory_space<vmem>> -> memref<128xi32, #tpu.memory_space<vmem>>
    %dma_start3A_957 = arith.constant 0 : i32
    %dma_start3A_958 = arith.constant 0 : i32
    %dma_start3A_959 = tpu.memref_slice %arg8[%dma_start3A_957, %dma_start3A_958] : memref<10112x128xf32, #tpu.memory_space<vmem_shared>> -> memref<10112x128xf32, #tpu.memory_space<vmem_shared>>
    tpu.enqueue_indirect_dma source(%arg10 : memref<128x128xf32, #tpu.memory_space<vmem>>) target(%dma_start3A_959 : memref<10112x128xf32, #tpu.memory_space<vmem_shared>>) offsets(%dma_start3A_956 : memref<128xi32, #tpu.memory_space<vmem>>) semaphore(%arg20 : memref<!tpu.dma_semaphore, #tpu.memory_space<semaphore_mem>>) {add = true}
    %dma_start3A_960 = arith.constant 5 : i32
    %dma_start3A_961 = arith.constant 0 : i32
    %dma_start3A_962 = tpu.memref_slice %arg15[%dma_start3A_960, %dma_start3A_961] : memref<8x128xi32, #tpu.memory_space<vmem>> -> memref<1x128xi32, #tpu.memory_space<vmem>>
    %dma_start3A_963 = tpu.memref_squeeze %dma_start3A_962 : memref<1x128xi32, #tpu.memory_space<vmem>> -> memref<128xi32, #tpu.memory_space<vmem>>
    %dma_start3A_964 = arith.constant 0 : i32
    %dma_start3A_965 = arith.constant 0 : i32
    %dma_start3A_966 = tpu.memref_slice %arg8[%dma_start3A_964, %dma_start3A_965] : memref<10112x128xf32, #tpu.memory_space<vmem_shared>> -> memref<10112x128xf32, #tpu.memory_space<vmem_shared>>
    tpu.enqueue_indirect_dma source(%arg10 : memref<128x128xf32, #tpu.memory_space<vmem>>) target(%dma_start3A_966 : memref<10112x128xf32, #tpu.memory_space<vmem_shared>>) offsets(%dma_start3A_963 : memref<128xi32, #tpu.memory_space<vmem>>) semaphore(%arg20 : memref<!tpu.dma_semaphore, #tpu.memory_space<semaphore_mem>>) {add = true}
    %dma_wait3A_967 = arith.constant 0 : i32
    %dma_wait3A_968 = arith.constant 0 : i32
    %dma_wait3A_969 = tpu.memref_slice %arg8[%dma_wait3A_967, %dma_wait3A_968] : memref<10112x128xf32, #tpu.memory_space<vmem_shared>> -> memref<128x128xf32, #tpu.memory_space<vmem_shared>>
    %dma_wait3A_970 = arith.constant 0 : i32
    %dma_wait3A_971 = arith.constant 0 : i32
    %dma_wait3A_972 = tpu.memref_slice %arg8[%dma_wait3A_970, %dma_wait3A_971] : memref<10112x128xf32, #tpu.memory_space<vmem_shared>> -> memref<128x128xf32, #tpu.memory_space<vmem_shared>>
    tpu.wait_dma2 semaphore(%arg19 : memref<!tpu.dma_semaphore, #tpu.memory_space<semaphore_mem>>) src(%arg9 : memref<128x128xf32, #tpu.memory_space<vmem>>) dst(%dma_wait3A_972 : memref<128x128xf32, #tpu.memory_space<vmem_shared>>)
    %dma_wait3A_973 = arith.constant 0 : i32
    %dma_wait3A_974 = arith.constant 0 : i32
    %dma_wait3A_975 = tpu.memref_slice %arg8[%dma_wait3A_973, %dma_wait3A_974] : memref<10112x128xf32, #tpu.memory_space<vmem_shared>> -> memref<128x128xf32, #tpu.memory_space<vmem_shared>>
    %dma_wait3A_976 = arith.constant 0 : i32
    %dma_wait3A_977 = arith.constant 0 : i32
    %dma_wait3A_978 = tpu.memref_slice %arg8[%dma_wait3A_976, %dma_wait3A_977] : memref<10112x128xf32, #tpu.memory_space<vmem_shared>> -> memref<128x128xf32, #tpu.memory_space<vmem_shared>>
    tpu.wait_dma2 semaphore(%arg19 : memref<!tpu.dma_semaphore, #tpu.memory_space<semaphore_mem>>) src(%arg9 : memref<128x128xf32, #tpu.memory_space<vmem>>) dst(%dma_wait3A_978 : memref<128x128xf32, #tpu.memory_space<vmem_shared>>)
    %dma_start3A_979 = arith.constant 6 : i32
    %dma_start3A_980 = arith.constant 0 : i32
    %dma_start3A_981 = tpu.memref_slice %arg11[%dma_start3A_979, %dma_start3A_980] : memref<8x128xi32, #tpu.memory_space<vmem>> -> memref<1x128xi32, #tpu.memory_space<vmem>>
    %dma_start3A_982 = tpu.memref_squeeze %dma_start3A_981 : memref<1x128xi32, #tpu.memory_space<vmem>> -> memref<128xi32, #tpu.memory_space<vmem>>
    %dma_start3A_983 = arith.constant 0 : i32
    %dma_start3A_984 = arith.constant 0 : i32
    %dma_start3A_985 = tpu.memref_slice %arg2[%dma_start3A_983, %dma_start3A_984] : memref<2000x128xf32, #tpu.memory_space<hbm>> -> memref<2000x128xf32, #tpu.memory_space<hbm>>
    tpu.enqueue_indirect_dma source(%dma_start3A_985 : memref<2000x128xf32, #tpu.memory_space<hbm>>) target(%arg9 : memref<128x128xf32, #tpu.memory_space<vmem>>) offsets(%dma_start3A_982 : memref<128xi32, #tpu.memory_space<vmem>>) semaphore(%arg17 : memref<!tpu.dma_semaphore, #tpu.memory_space<semaphore_mem>>)
    %dma_wait3A_986 = arith.constant 0 : i32
    %dma_wait3A_987 = arith.constant 0 : i32
    %dma_wait3A_988 = tpu.memref_slice %arg2[%dma_wait3A_986, %dma_wait3A_987] : memref<2000x128xf32, #tpu.memory_space<hbm>> -> memref<128x128xf32, #tpu.memory_space<hbm>>
    %dma_wait3A_989 = arith.constant 0 : i32
    %dma_wait3A_990 = arith.constant 0 : i32
    %dma_wait3A_991 = tpu.memref_slice %arg2[%dma_wait3A_989, %dma_wait3A_990] : memref<2000x128xf32, #tpu.memory_space<hbm>> -> memref<128x128xf32, #tpu.memory_space<hbm>>
    tpu.wait_dma2 semaphore(%arg17 : memref<!tpu.dma_semaphore, #tpu.memory_space<semaphore_mem>>) src(%dma_wait3A_991 : memref<128x128xf32, #tpu.memory_space<hbm>>) dst(%arg9 : memref<128x128xf32, #tpu.memory_space<vmem>>)
    %dma_start3A_992 = arith.constant 6 : i32
    %dma_start3A_993 = arith.constant 0 : i32
    %dma_start3A_994 = tpu.memref_slice %arg13[%dma_start3A_992, %dma_start3A_993] : memref<8x128xi32, #tpu.memory_space<vmem>> -> memref<1x128xi32, #tpu.memory_space<vmem>>
    %dma_start3A_995 = tpu.memref_squeeze %dma_start3A_994 : memref<1x128xi32, #tpu.memory_space<vmem>> -> memref<128xi32, #tpu.memory_space<vmem>>
    %dma_start3A_996 = arith.constant 0 : i32
    %dma_start3A_997 = arith.constant 0 : i32
    %dma_start3A_998 = tpu.memref_slice %arg8[%dma_start3A_996, %dma_start3A_997] : memref<10112x128xf32, #tpu.memory_space<vmem_shared>> -> memref<10112x128xf32, #tpu.memory_space<vmem_shared>>
    tpu.enqueue_indirect_dma source(%arg9 : memref<128x128xf32, #tpu.memory_space<vmem>>) target(%dma_start3A_998 : memref<10112x128xf32, #tpu.memory_space<vmem_shared>>) offsets(%dma_start3A_995 : memref<128xi32, #tpu.memory_space<vmem>>) semaphore(%arg19 : memref<!tpu.dma_semaphore, #tpu.memory_space<semaphore_mem>>) {add = true}
    %dma_start3A_999 = arith.constant 6 : i32
    %dma_start3A_1000 = arith.constant 0 : i32
    %dma_start3A_1001 = tpu.memref_slice %arg15[%dma_start3A_999, %dma_start3A_1000] : memref<8x128xi32, #tpu.memory_space<vmem>> -> memref<1x128xi32, #tpu.memory_space<vmem>>
    %dma_start3A_1002 = tpu.memref_squeeze %dma_start3A_1001 : memref<1x128xi32, #tpu.memory_space<vmem>> -> memref<128xi32, #tpu.memory_space<vmem>>
    %dma_start3A_1003 = arith.constant 0 : i32
    %dma_start3A_1004 = arith.constant 0 : i32
    %dma_start3A_1005 = tpu.memref_slice %arg8[%dma_start3A_1003, %dma_start3A_1004] : memref<10112x128xf32, #tpu.memory_space<vmem_shared>> -> memref<10112x128xf32, #tpu.memory_space<vmem_shared>>
    tpu.enqueue_indirect_dma source(%arg9 : memref<128x128xf32, #tpu.memory_space<vmem>>) target(%dma_start3A_1005 : memref<10112x128xf32, #tpu.memory_space<vmem_shared>>) offsets(%dma_start3A_1002 : memref<128xi32, #tpu.memory_space<vmem>>) semaphore(%arg19 : memref<!tpu.dma_semaphore, #tpu.memory_space<semaphore_mem>>) {add = true}
    %dma_wait3A_1006 = arith.constant 0 : i32
    %dma_wait3A_1007 = arith.constant 0 : i32
    %dma_wait3A_1008 = tpu.memref_slice %arg8[%dma_wait3A_1006, %dma_wait3A_1007] : memref<10112x128xf32, #tpu.memory_space<vmem_shared>> -> memref<128x128xf32, #tpu.memory_space<vmem_shared>>
    %dma_wait3A_1009 = arith.constant 0 : i32
    %dma_wait3A_1010 = arith.constant 0 : i32
    %dma_wait3A_1011 = tpu.memref_slice %arg8[%dma_wait3A_1009, %dma_wait3A_1010] : memref<10112x128xf32, #tpu.memory_space<vmem_shared>> -> memref<128x128xf32, #tpu.memory_space<vmem_shared>>
    tpu.wait_dma2 semaphore(%arg20 : memref<!tpu.dma_semaphore, #tpu.memory_space<semaphore_mem>>) src(%arg10 : memref<128x128xf32, #tpu.memory_space<vmem>>) dst(%dma_wait3A_1011 : memref<128x128xf32, #tpu.memory_space<vmem_shared>>)
    %dma_wait3A_1012 = arith.constant 0 : i32
    %dma_wait3A_1013 = arith.constant 0 : i32
    %dma_wait3A_1014 = tpu.memref_slice %arg8[%dma_wait3A_1012, %dma_wait3A_1013] : memref<10112x128xf32, #tpu.memory_space<vmem_shared>> -> memref<128x128xf32, #tpu.memory_space<vmem_shared>>
    %dma_wait3A_1015 = arith.constant 0 : i32
    %dma_wait3A_1016 = arith.constant 0 : i32
    %dma_wait3A_1017 = tpu.memref_slice %arg8[%dma_wait3A_1015, %dma_wait3A_1016] : memref<10112x128xf32, #tpu.memory_space<vmem_shared>> -> memref<128x128xf32, #tpu.memory_space<vmem_shared>>
    tpu.wait_dma2 semaphore(%arg20 : memref<!tpu.dma_semaphore, #tpu.memory_space<semaphore_mem>>) src(%arg10 : memref<128x128xf32, #tpu.memory_space<vmem>>) dst(%dma_wait3A_1017 : memref<128x128xf32, #tpu.memory_space<vmem_shared>>)
    %dma_start3A_1018 = arith.constant 7 : i32
    %dma_start3A_1019 = arith.constant 0 : i32
    %dma_start3A_1020 = tpu.memref_slice %arg11[%dma_start3A_1018, %dma_start3A_1019] : memref<8x128xi32, #tpu.memory_space<vmem>> -> memref<1x128xi32, #tpu.memory_space<vmem>>
    %dma_start3A_1021 = tpu.memref_squeeze %dma_start3A_1020 : memref<1x128xi32, #tpu.memory_space<vmem>> -> memref<128xi32, #tpu.memory_space<vmem>>
    %dma_start3A_1022 = arith.constant 0 : i32
    %dma_start3A_1023 = arith.constant 0 : i32
    %dma_start3A_1024 = tpu.memref_slice %arg2[%dma_start3A_1022, %dma_start3A_1023] : memref<2000x128xf32, #tpu.memory_space<hbm>> -> memref<2000x128xf32, #tpu.memory_space<hbm>>
    tpu.enqueue_indirect_dma source(%dma_start3A_1024 : memref<2000x128xf32, #tpu.memory_space<hbm>>) target(%arg10 : memref<128x128xf32, #tpu.memory_space<vmem>>) offsets(%dma_start3A_1021 : memref<128xi32, #tpu.memory_space<vmem>>) semaphore(%arg18 : memref<!tpu.dma_semaphore, #tpu.memory_space<semaphore_mem>>)
    %dma_wait3A_1025 = arith.constant 0 : i32
    %dma_wait3A_1026 = arith.constant 0 : i32
    %dma_wait3A_1027 = tpu.memref_slice %arg2[%dma_wait3A_1025, %dma_wait3A_1026] : memref<2000x128xf32, #tpu.memory_space<hbm>> -> memref<128x128xf32, #tpu.memory_space<hbm>>
    %dma_wait3A_1028 = arith.constant 0 : i32
    %dma_wait3A_1029 = arith.constant 0 : i32
    %dma_wait3A_1030 = tpu.memref_slice %arg2[%dma_wait3A_1028, %dma_wait3A_1029] : memref<2000x128xf32, #tpu.memory_space<hbm>> -> memref<128x128xf32, #tpu.memory_space<hbm>>
    tpu.wait_dma2 semaphore(%arg18 : memref<!tpu.dma_semaphore, #tpu.memory_space<semaphore_mem>>) src(%dma_wait3A_1030 : memref<128x128xf32, #tpu.memory_space<hbm>>) dst(%arg10 : memref<128x128xf32, #tpu.memory_space<vmem>>)
    %dma_start3A_1031 = arith.constant 7 : i32
    %dma_start3A_1032 = arith.constant 0 : i32
    %dma_start3A_1033 = tpu.memref_slice %arg13[%dma_start3A_1031, %dma_start3A_1032] : memref<8x128xi32, #tpu.memory_space<vmem>> -> memref<1x128xi32, #tpu.memory_space<vmem>>
    %dma_start3A_1034 = tpu.memref_squeeze %dma_start3A_1033 : memref<1x128xi32, #tpu.memory_space<vmem>> -> memref<128xi32, #tpu.memory_space<vmem>>
    %dma_start3A_1035 = arith.constant 0 : i32
    %dma_start3A_1036 = arith.constant 0 : i32
    %dma_start3A_1037 = tpu.memref_slice %arg8[%dma_start3A_1035, %dma_start3A_1036] : memref<10112x128xf32, #tpu.memory_space<vmem_shared>> -> memref<10112x128xf32, #tpu.memory_space<vmem_shared>>
    tpu.enqueue_indirect_dma source(%arg10 : memref<128x128xf32, #tpu.memory_space<vmem>>) target(%dma_start3A_1037 : memref<10112x128xf32, #tpu.memory_space<vmem_shared>>) offsets(%dma_start3A_1034 : memref<128xi32, #tpu.memory_space<vmem>>) semaphore(%arg20 : memref<!tpu.dma_semaphore, #tpu.memory_space<semaphore_mem>>) {add = true}
    %dma_start3A_1038 = arith.constant 7 : i32
    %dma_start3A_1039 = arith.constant 0 : i32
    %dma_start3A_1040 = tpu.memref_slice %arg15[%dma_start3A_1038, %dma_start3A_1039] : memref<8x128xi32, #tpu.memory_space<vmem>> -> memref<1x128xi32, #tpu.memory_space<vmem>>
    %dma_start3A_1041 = tpu.memref_squeeze %dma_start3A_1040 : memref<1x128xi32, #tpu.memory_space<vmem>> -> memref<128xi32, #tpu.memory_space<vmem>>
    %dma_start3A_1042 = arith.constant 0 : i32
    %dma_start3A_1043 = arith.constant 0 : i32
    %dma_start3A_1044 = tpu.memref_slice %arg8[%dma_start3A_1042, %dma_start3A_1043] : memref<10112x128xf32, #tpu.memory_space<vmem_shared>> -> memref<10112x128xf32, #tpu.memory_space<vmem_shared>>
    tpu.enqueue_indirect_dma source(%arg10 : memref<128x128xf32, #tpu.memory_space<vmem>>) target(%dma_start3A_1044 : memref<10112x128xf32, #tpu.memory_space<vmem_shared>>) offsets(%dma_start3A_1041 : memref<128xi32, #tpu.memory_space<vmem>>) semaphore(%arg20 : memref<!tpu.dma_semaphore, #tpu.memory_space<semaphore_mem>>) {add = true}
    %dma_wait3A_1045 = arith.constant 0 : i32
    %dma_wait3A_1046 = arith.constant 0 : i32
    %dma_wait3A_1047 = tpu.memref_slice %arg8[%dma_wait3A_1045, %dma_wait3A_1046] : memref<10112x128xf32, #tpu.memory_space<vmem_shared>> -> memref<128x128xf32, #tpu.memory_space<vmem_shared>>
    %dma_wait3A_1048 = arith.constant 0 : i32
    %dma_wait3A_1049 = arith.constant 0 : i32
    %dma_wait3A_1050 = tpu.memref_slice %arg8[%dma_wait3A_1048, %dma_wait3A_1049] : memref<10112x128xf32, #tpu.memory_space<vmem_shared>> -> memref<128x128xf32, #tpu.memory_space<vmem_shared>>
    tpu.wait_dma2 semaphore(%arg19 : memref<!tpu.dma_semaphore, #tpu.memory_space<semaphore_mem>>) src(%arg9 : memref<128x128xf32, #tpu.memory_space<vmem>>) dst(%dma_wait3A_1050 : memref<128x128xf32, #tpu.memory_space<vmem_shared>>)
    %dma_wait3A_1051 = arith.constant 0 : i32
    %dma_wait3A_1052 = arith.constant 0 : i32
    %dma_wait3A_1053 = tpu.memref_slice %arg8[%dma_wait3A_1051, %dma_wait3A_1052] : memref<10112x128xf32, #tpu.memory_space<vmem_shared>> -> memref<128x128xf32, #tpu.memory_space<vmem_shared>>
    %dma_wait3A_1054 = arith.constant 0 : i32
    %dma_wait3A_1055 = arith.constant 0 : i32
    %dma_wait3A_1056 = tpu.memref_slice %arg8[%dma_wait3A_1054, %dma_wait3A_1055] : memref<10112x128xf32, #tpu.memory_space<vmem_shared>> -> memref<128x128xf32, #tpu.memory_space<vmem_shared>>
    tpu.wait_dma2 semaphore(%arg19 : memref<!tpu.dma_semaphore, #tpu.memory_space<semaphore_mem>>) src(%arg9 : memref<128x128xf32, #tpu.memory_space<vmem>>) dst(%dma_wait3A_1056 : memref<128x128xf32, #tpu.memory_space<vmem_shared>>)
    %dma_wait3A_1057 = arith.constant 0 : i32
    %dma_wait3A_1058 = arith.constant 0 : i32
    %dma_wait3A_1059 = tpu.memref_slice %arg3[%dma_wait3A_1057, %dma_wait3A_1058] : memref<2560x128xi32, #tpu.memory_space<hbm>> -> memref<8x128xi32, #tpu.memory_space<hbm>>
    %dma_wait3A_1060 = arith.constant 0 : i32
    %dma_wait3A_1061 = arith.constant 0 : i32
    %dma_wait3A_1062 = tpu.memref_slice %arg3[%dma_wait3A_1060, %dma_wait3A_1061] : memref<2560x128xi32, #tpu.memory_space<hbm>> -> memref<8x128xi32, #tpu.memory_space<hbm>>
    tpu.wait_dma2 semaphore(%arg22 : memref<!tpu.dma_semaphore, #tpu.memory_space<semaphore_mem>>) src(%dma_wait3A_1062 : memref<8x128xi32, #tpu.memory_space<hbm>>) dst(%arg12 : memref<8x128xi32, #tpu.memory_space<vmem>>)
    %dma_wait3A_1063 = arith.constant 0 : i32
    %dma_wait3A_1064 = arith.constant 0 : i32
    %dma_wait3A_1065 = tpu.memref_slice %arg3[%dma_wait3A_1063, %dma_wait3A_1064] : memref<2560x128xi32, #tpu.memory_space<hbm>> -> memref<8x128xi32, #tpu.memory_space<hbm>>
    %dma_wait3A_1066 = arith.constant 0 : i32
    %dma_wait3A_1067 = arith.constant 0 : i32
    %dma_wait3A_1068 = tpu.memref_slice %arg3[%dma_wait3A_1066, %dma_wait3A_1067] : memref<2560x128xi32, #tpu.memory_space<hbm>> -> memref<8x128xi32, #tpu.memory_space<hbm>>
    tpu.wait_dma2 semaphore(%arg22 : memref<!tpu.dma_semaphore, #tpu.memory_space<semaphore_mem>>) src(%dma_wait3A_1068 : memref<8x128xi32, #tpu.memory_space<hbm>>) dst(%arg14 : memref<8x128xi32, #tpu.memory_space<vmem>>)
    %dma_wait3A_1069 = arith.constant 0 : i32
    %dma_wait3A_1070 = arith.constant 0 : i32
    %dma_wait3A_1071 = tpu.memref_slice %arg3[%dma_wait3A_1069, %dma_wait3A_1070] : memref<2560x128xi32, #tpu.memory_space<hbm>> -> memref<8x128xi32, #tpu.memory_space<hbm>>
    %dma_wait3A_1072 = arith.constant 0 : i32
    %dma_wait3A_1073 = arith.constant 0 : i32
    %dma_wait3A_1074 = tpu.memref_slice %arg3[%dma_wait3A_1072, %dma_wait3A_1073] : memref<2560x128xi32, #tpu.memory_space<hbm>> -> memref<8x128xi32, #tpu.memory_space<hbm>>
    tpu.wait_dma2 semaphore(%arg22 : memref<!tpu.dma_semaphore, #tpu.memory_space<semaphore_mem>>) src(%dma_wait3A_1074 : memref<8x128xi32, #tpu.memory_space<hbm>>) dst(%arg16 : memref<8x128xi32, #tpu.memory_space<vmem>>)
    %dma_start3A_1075 = arith.constant 0 : i32
    %dma_start3A_1076 = arith.constant 0 : i32
    %dma_start3A_1077 = tpu.memref_slice %arg12[%dma_start3A_1075, %dma_start3A_1076] : memref<8x128xi32, #tpu.memory_space<vmem>> -> memref<1x128xi32, #tpu.memory_space<vmem>>
    %dma_start3A_1078 = tpu.memref_squeeze %dma_start3A_1077 : memref<1x128xi32, #tpu.memory_space<vmem>> -> memref<128xi32, #tpu.memory_space<vmem>>
    %dma_start3A_1079 = arith.constant 0 : i32
    %dma_start3A_1080 = arith.constant 0 : i32
    %dma_start3A_1081 = tpu.memref_slice %arg2[%dma_start3A_1079, %dma_start3A_1080] : memref<2000x128xf32, #tpu.memory_space<hbm>> -> memref<2000x128xf32, #tpu.memory_space<hbm>>
    tpu.enqueue_indirect_dma source(%dma_start3A_1081 : memref<2000x128xf32, #tpu.memory_space<hbm>>) target(%arg9 : memref<128x128xf32, #tpu.memory_space<vmem>>) offsets(%dma_start3A_1078 : memref<128xi32, #tpu.memory_space<vmem>>) semaphore(%arg17 : memref<!tpu.dma_semaphore, #tpu.memory_space<semaphore_mem>>)
    %dma_wait3A_1082 = arith.constant 0 : i32
    %dma_wait3A_1083 = arith.constant 0 : i32
    %dma_wait3A_1084 = tpu.memref_slice %arg2[%dma_wait3A_1082, %dma_wait3A_1083] : memref<2000x128xf32, #tpu.memory_space<hbm>> -> memref<128x128xf32, #tpu.memory_space<hbm>>
    %dma_wait3A_1085 = arith.constant 0 : i32
    %dma_wait3A_1086 = arith.constant 0 : i32
    %dma_wait3A_1087 = tpu.memref_slice %arg2[%dma_wait3A_1085, %dma_wait3A_1086] : memref<2000x128xf32, #tpu.memory_space<hbm>> -> memref<128x128xf32, #tpu.memory_space<hbm>>
    tpu.wait_dma2 semaphore(%arg17 : memref<!tpu.dma_semaphore, #tpu.memory_space<semaphore_mem>>) src(%dma_wait3A_1087 : memref<128x128xf32, #tpu.memory_space<hbm>>) dst(%arg9 : memref<128x128xf32, #tpu.memory_space<vmem>>)
    %dma_start3A_1088 = arith.constant 0 : i32
    %dma_start3A_1089 = arith.constant 0 : i32
    %dma_start3A_1090 = tpu.memref_slice %arg14[%dma_start3A_1088, %dma_start3A_1089] : memref<8x128xi32, #tpu.memory_space<vmem>> -> memref<1x128xi32, #tpu.memory_space<vmem>>
    %dma_start3A_1091 = tpu.memref_squeeze %dma_start3A_1090 : memref<1x128xi32, #tpu.memory_space<vmem>> -> memref<128xi32, #tpu.memory_space<vmem>>
    %dma_start3A_1092 = arith.constant 0 : i32
    %dma_start3A_1093 = arith.constant 0 : i32
    %dma_start3A_1094 = tpu.memref_slice %arg8[%dma_start3A_1092, %dma_start3A_1093] : memref<10112x128xf32, #tpu.memory_space<vmem_shared>> -> memref<10112x128xf32, #tpu.memory_space<vmem_shared>>
    tpu.enqueue_indirect_dma source(%arg9 : memref<128x128xf32, #tpu.memory_space<vmem>>) target(%dma_start3A_1094 : memref<10112x128xf32, #tpu.memory_space<vmem_shared>>) offsets(%dma_start3A_1091 : memref<128xi32, #tpu.memory_space<vmem>>) semaphore(%arg19 : memref<!tpu.dma_semaphore, #tpu.memory_space<semaphore_mem>>) {add = true}
    %dma_start3A_1095 = arith.constant 0 : i32
    %dma_start3A_1096 = arith.constant 0 : i32
    %dma_start3A_1097 = tpu.memref_slice %arg16[%dma_start3A_1095, %dma_start3A_1096] : memref<8x128xi32, #tpu.memory_space<vmem>> -> memref<1x128xi32, #tpu.memory_space<vmem>>
    %dma_start3A_1098 = tpu.memref_squeeze %dma_start3A_1097 : memref<1x128xi32, #tpu.memory_space<vmem>> -> memref<128xi32, #tpu.memory_space<vmem>>
    %dma_start3A_1099 = arith.constant 0 : i32
    %dma_start3A_1100 = arith.constant 0 : i32
    %dma_start3A_1101 = tpu.memref_slice %arg8[%dma_start3A_1099, %dma_start3A_1100] : memref<10112x128xf32, #tpu.memory_space<vmem_shared>> -> memref<10112x128xf32, #tpu.memory_space<vmem_shared>>
    tpu.enqueue_indirect_dma source(%arg9 : memref<128x128xf32, #tpu.memory_space<vmem>>) target(%dma_start3A_1101 : memref<10112x128xf32, #tpu.memory_space<vmem_shared>>) offsets(%dma_start3A_1098 : memref<128xi32, #tpu.memory_space<vmem>>) semaphore(%arg19 : memref<!tpu.dma_semaphore, #tpu.memory_space<semaphore_mem>>) {add = true}
    %dma_wait3A_1102 = arith.constant 0 : i32
    %dma_wait3A_1103 = arith.constant 0 : i32
    %dma_wait3A_1104 = tpu.memref_slice %arg8[%dma_wait3A_1102, %dma_wait3A_1103] : memref<10112x128xf32, #tpu.memory_space<vmem_shared>> -> memref<128x128xf32, #tpu.memory_space<vmem_shared>>
    %dma_wait3A_1105 = arith.constant 0 : i32
    %dma_wait3A_1106 = arith.constant 0 : i32
    %dma_wait3A_1107 = tpu.memref_slice %arg8[%dma_wait3A_1105, %dma_wait3A_1106] : memref<10112x128xf32, #tpu.memory_space<vmem_shared>> -> memref<128x128xf32, #tpu.memory_space<vmem_shared>>
    tpu.wait_dma2 semaphore(%arg20 : memref<!tpu.dma_semaphore, #tpu.memory_space<semaphore_mem>>) src(%arg10 : memref<128x128xf32, #tpu.memory_space<vmem>>) dst(%dma_wait3A_1107 : memref<128x128xf32, #tpu.memory_space<vmem_shared>>)
    %dma_wait3A_1108 = arith.constant 0 : i32
    %dma_wait3A_1109 = arith.constant 0 : i32
    %dma_wait3A_1110 = tpu.memref_slice %arg8[%dma_wait3A_1108, %dma_wait3A_1109] : memref<10112x128xf32, #tpu.memory_space<vmem_shared>> -> memref<128x128xf32, #tpu.memory_space<vmem_shared>>
    %dma_wait3A_1111 = arith.constant 0 : i32
    %dma_wait3A_1112 = arith.constant 0 : i32
    %dma_wait3A_1113 = tpu.memref_slice %arg8[%dma_wait3A_1111, %dma_wait3A_1112] : memref<10112x128xf32, #tpu.memory_space<vmem_shared>> -> memref<128x128xf32, #tpu.memory_space<vmem_shared>>
    tpu.wait_dma2 semaphore(%arg20 : memref<!tpu.dma_semaphore, #tpu.memory_space<semaphore_mem>>) src(%arg10 : memref<128x128xf32, #tpu.memory_space<vmem>>) dst(%dma_wait3A_1113 : memref<128x128xf32, #tpu.memory_space<vmem_shared>>)
    %dma_start3A_1114 = arith.constant 1 : i32
    %dma_start3A_1115 = arith.constant 0 : i32
    %dma_start3A_1116 = tpu.memref_slice %arg12[%dma_start3A_1114, %dma_start3A_1115] : memref<8x128xi32, #tpu.memory_space<vmem>> -> memref<1x128xi32, #tpu.memory_space<vmem>>
    %dma_start3A_1117 = tpu.memref_squeeze %dma_start3A_1116 : memref<1x128xi32, #tpu.memory_space<vmem>> -> memref<128xi32, #tpu.memory_space<vmem>>
    %dma_start3A_1118 = arith.constant 0 : i32
    %dma_start3A_1119 = arith.constant 0 : i32
    %dma_start3A_1120 = tpu.memref_slice %arg2[%dma_start3A_1118, %dma_start3A_1119] : memref<2000x128xf32, #tpu.memory_space<hbm>> -> memref<2000x128xf32, #tpu.memory_space<hbm>>
    tpu.enqueue_indirect_dma source(%dma_start3A_1120 : memref<2000x128xf32, #tpu.memory_space<hbm>>) target(%arg10 : memref<128x128xf32, #tpu.memory_space<vmem>>) offsets(%dma_start3A_1117 : memref<128xi32, #tpu.memory_space<vmem>>) semaphore(%arg18 : memref<!tpu.dma_semaphore, #tpu.memory_space<semaphore_mem>>)
    %dma_wait3A_1121 = arith.constant 0 : i32
    %dma_wait3A_1122 = arith.constant 0 : i32
    %dma_wait3A_1123 = tpu.memref_slice %arg2[%dma_wait3A_1121, %dma_wait3A_1122] : memref<2000x128xf32, #tpu.memory_space<hbm>> -> memref<128x128xf32, #tpu.memory_space<hbm>>
    %dma_wait3A_1124 = arith.constant 0 : i32
    %dma_wait3A_1125 = arith.constant 0 : i32
    %dma_wait3A_1126 = tpu.memref_slice %arg2[%dma_wait3A_1124, %dma_wait3A_1125] : memref<2000x128xf32, #tpu.memory_space<hbm>> -> memref<128x128xf32, #tpu.memory_space<hbm>>
    tpu.wait_dma2 semaphore(%arg18 : memref<!tpu.dma_semaphore, #tpu.memory_space<semaphore_mem>>) src(%dma_wait3A_1126 : memref<128x128xf32, #tpu.memory_space<hbm>>) dst(%arg10 : memref<128x128xf32, #tpu.memory_space<vmem>>)
    %dma_start3A_1127 = arith.constant 1 : i32
    %dma_start3A_1128 = arith.constant 0 : i32
    %dma_start3A_1129 = tpu.memref_slice %arg14[%dma_start3A_1127, %dma_start3A_1128] : memref<8x128xi32, #tpu.memory_space<vmem>> -> memref<1x128xi32, #tpu.memory_space<vmem>>
    %dma_start3A_1130 = tpu.memref_squeeze %dma_start3A_1129 : memref<1x128xi32, #tpu.memory_space<vmem>> -> memref<128xi32, #tpu.memory_space<vmem>>
    %dma_start3A_1131 = arith.constant 0 : i32
    %dma_start3A_1132 = arith.constant 0 : i32
    %dma_start3A_1133 = tpu.memref_slice %arg8[%dma_start3A_1131, %dma_start3A_1132] : memref<10112x128xf32, #tpu.memory_space<vmem_shared>> -> memref<10112x128xf32, #tpu.memory_space<vmem_shared>>
    tpu.enqueue_indirect_dma source(%arg10 : memref<128x128xf32, #tpu.memory_space<vmem>>) target(%dma_start3A_1133 : memref<10112x128xf32, #tpu.memory_space<vmem_shared>>) offsets(%dma_start3A_1130 : memref<128xi32, #tpu.memory_space<vmem>>) semaphore(%arg20 : memref<!tpu.dma_semaphore, #tpu.memory_space<semaphore_mem>>) {add = true}
    %dma_start3A_1134 = arith.constant 1 : i32
    %dma_start3A_1135 = arith.constant 0 : i32
    %dma_start3A_1136 = tpu.memref_slice %arg16[%dma_start3A_1134, %dma_start3A_1135] : memref<8x128xi32, #tpu.memory_space<vmem>> -> memref<1x128xi32, #tpu.memory_space<vmem>>
    %dma_start3A_1137 = tpu.memref_squeeze %dma_start3A_1136 : memref<1x128xi32, #tpu.memory_space<vmem>> -> memref<128xi32, #tpu.memory_space<vmem>>
    %dma_start3A_1138 = arith.constant 0 : i32
    %dma_start3A_1139 = arith.constant 0 : i32
    %dma_start3A_1140 = tpu.memref_slice %arg8[%dma_start3A_1138, %dma_start3A_1139] : memref<10112x128xf32, #tpu.memory_space<vmem_shared>> -> memref<10112x128xf32, #tpu.memory_space<vmem_shared>>
    tpu.enqueue_indirect_dma source(%arg10 : memref<128x128xf32, #tpu.memory_space<vmem>>) target(%dma_start3A_1140 : memref<10112x128xf32, #tpu.memory_space<vmem_shared>>) offsets(%dma_start3A_1137 : memref<128xi32, #tpu.memory_space<vmem>>) semaphore(%arg20 : memref<!tpu.dma_semaphore, #tpu.memory_space<semaphore_mem>>) {add = true}
    %dma_wait3A_1141 = arith.constant 0 : i32
    %dma_wait3A_1142 = arith.constant 0 : i32
    %dma_wait3A_1143 = tpu.memref_slice %arg8[%dma_wait3A_1141, %dma_wait3A_1142] : memref<10112x128xf32, #tpu.memory_space<vmem_shared>> -> memref<128x128xf32, #tpu.memory_space<vmem_shared>>
    %dma_wait3A_1144 = arith.constant 0 : i32
    %dma_wait3A_1145 = arith.constant 0 : i32
    %dma_wait3A_1146 = tpu.memref_slice %arg8[%dma_wait3A_1144, %dma_wait3A_1145] : memref<10112x128xf32, #tpu.memory_space<vmem_shared>> -> memref<128x128xf32, #tpu.memory_space<vmem_shared>>
    tpu.wait_dma2 semaphore(%arg19 : memref<!tpu.dma_semaphore, #tpu.memory_space<semaphore_mem>>) src(%arg9 : memref<128x128xf32, #tpu.memory_space<vmem>>) dst(%dma_wait3A_1146 : memref<128x128xf32, #tpu.memory_space<vmem_shared>>)
    %dma_wait3A_1147 = arith.constant 0 : i32
    %dma_wait3A_1148 = arith.constant 0 : i32
    %dma_wait3A_1149 = tpu.memref_slice %arg8[%dma_wait3A_1147, %dma_wait3A_1148] : memref<10112x128xf32, #tpu.memory_space<vmem_shared>> -> memref<128x128xf32, #tpu.memory_space<vmem_shared>>
    %dma_wait3A_1150 = arith.constant 0 : i32
    %dma_wait3A_1151 = arith.constant 0 : i32
    %dma_wait3A_1152 = tpu.memref_slice %arg8[%dma_wait3A_1150, %dma_wait3A_1151] : memref<10112x128xf32, #tpu.memory_space<vmem_shared>> -> memref<128x128xf32, #tpu.memory_space<vmem_shared>>
    tpu.wait_dma2 semaphore(%arg19 : memref<!tpu.dma_semaphore, #tpu.memory_space<semaphore_mem>>) src(%arg9 : memref<128x128xf32, #tpu.memory_space<vmem>>) dst(%dma_wait3A_1152 : memref<128x128xf32, #tpu.memory_space<vmem_shared>>)
    %dma_start3A_1153 = arith.constant 2 : i32
    %dma_start3A_1154 = arith.constant 0 : i32
    %dma_start3A_1155 = tpu.memref_slice %arg12[%dma_start3A_1153, %dma_start3A_1154] : memref<8x128xi32, #tpu.memory_space<vmem>> -> memref<1x128xi32, #tpu.memory_space<vmem>>
    %dma_start3A_1156 = tpu.memref_squeeze %dma_start3A_1155 : memref<1x128xi32, #tpu.memory_space<vmem>> -> memref<128xi32, #tpu.memory_space<vmem>>
    %dma_start3A_1157 = arith.constant 0 : i32
    %dma_start3A_1158 = arith.constant 0 : i32
    %dma_start3A_1159 = tpu.memref_slice %arg2[%dma_start3A_1157, %dma_start3A_1158] : memref<2000x128xf32, #tpu.memory_space<hbm>> -> memref<2000x128xf32, #tpu.memory_space<hbm>>
    tpu.enqueue_indirect_dma source(%dma_start3A_1159 : memref<2000x128xf32, #tpu.memory_space<hbm>>) target(%arg9 : memref<128x128xf32, #tpu.memory_space<vmem>>) offsets(%dma_start3A_1156 : memref<128xi32, #tpu.memory_space<vmem>>) semaphore(%arg17 : memref<!tpu.dma_semaphore, #tpu.memory_space<semaphore_mem>>)
    %dma_wait3A_1160 = arith.constant 0 : i32
    %dma_wait3A_1161 = arith.constant 0 : i32
    %dma_wait3A_1162 = tpu.memref_slice %arg2[%dma_wait3A_1160, %dma_wait3A_1161] : memref<2000x128xf32, #tpu.memory_space<hbm>> -> memref<128x128xf32, #tpu.memory_space<hbm>>
    %dma_wait3A_1163 = arith.constant 0 : i32
    %dma_wait3A_1164 = arith.constant 0 : i32
    %dma_wait3A_1165 = tpu.memref_slice %arg2[%dma_wait3A_1163, %dma_wait3A_1164] : memref<2000x128xf32, #tpu.memory_space<hbm>> -> memref<128x128xf32, #tpu.memory_space<hbm>>
    tpu.wait_dma2 semaphore(%arg17 : memref<!tpu.dma_semaphore, #tpu.memory_space<semaphore_mem>>) src(%dma_wait3A_1165 : memref<128x128xf32, #tpu.memory_space<hbm>>) dst(%arg9 : memref<128x128xf32, #tpu.memory_space<vmem>>)
    %dma_start3A_1166 = arith.constant 2 : i32
    %dma_start3A_1167 = arith.constant 0 : i32
    %dma_start3A_1168 = tpu.memref_slice %arg14[%dma_start3A_1166, %dma_start3A_1167] : memref<8x128xi32, #tpu.memory_space<vmem>> -> memref<1x128xi32, #tpu.memory_space<vmem>>
    %dma_start3A_1169 = tpu.memref_squeeze %dma_start3A_1168 : memref<1x128xi32, #tpu.memory_space<vmem>> -> memref<128xi32, #tpu.memory_space<vmem>>
    %dma_start3A_1170 = arith.constant 0 : i32
    %dma_start3A_1171 = arith.constant 0 : i32
    %dma_start3A_1172 = tpu.memref_slice %arg8[%dma_start3A_1170, %dma_start3A_1171] : memref<10112x128xf32, #tpu.memory_space<vmem_shared>> -> memref<10112x128xf32, #tpu.memory_space<vmem_shared>>
    tpu.enqueue_indirect_dma source(%arg9 : memref<128x128xf32, #tpu.memory_space<vmem>>) target(%dma_start3A_1172 : memref<10112x128xf32, #tpu.memory_space<vmem_shared>>) offsets(%dma_start3A_1169 : memref<128xi32, #tpu.memory_space<vmem>>) semaphore(%arg19 : memref<!tpu.dma_semaphore, #tpu.memory_space<semaphore_mem>>) {add = true}
    %dma_start3A_1173 = arith.constant 2 : i32
    %dma_start3A_1174 = arith.constant 0 : i32
    %dma_start3A_1175 = tpu.memref_slice %arg16[%dma_start3A_1173, %dma_start3A_1174] : memref<8x128xi32, #tpu.memory_space<vmem>> -> memref<1x128xi32, #tpu.memory_space<vmem>>
    %dma_start3A_1176 = tpu.memref_squeeze %dma_start3A_1175 : memref<1x128xi32, #tpu.memory_space<vmem>> -> memref<128xi32, #tpu.memory_space<vmem>>
    %dma_start3A_1177 = arith.constant 0 : i32
    %dma_start3A_1178 = arith.constant 0 : i32
    %dma_start3A_1179 = tpu.memref_slice %arg8[%dma_start3A_1177, %dma_start3A_1178] : memref<10112x128xf32, #tpu.memory_space<vmem_shared>> -> memref<10112x128xf32, #tpu.memory_space<vmem_shared>>
    tpu.enqueue_indirect_dma source(%arg9 : memref<128x128xf32, #tpu.memory_space<vmem>>) target(%dma_start3A_1179 : memref<10112x128xf32, #tpu.memory_space<vmem_shared>>) offsets(%dma_start3A_1176 : memref<128xi32, #tpu.memory_space<vmem>>) semaphore(%arg19 : memref<!tpu.dma_semaphore, #tpu.memory_space<semaphore_mem>>) {add = true}
    %dma_wait3A_1180 = arith.constant 0 : i32
    %dma_wait3A_1181 = arith.constant 0 : i32
    %dma_wait3A_1182 = tpu.memref_slice %arg8[%dma_wait3A_1180, %dma_wait3A_1181] : memref<10112x128xf32, #tpu.memory_space<vmem_shared>> -> memref<128x128xf32, #tpu.memory_space<vmem_shared>>
    %dma_wait3A_1183 = arith.constant 0 : i32
    %dma_wait3A_1184 = arith.constant 0 : i32
    %dma_wait3A_1185 = tpu.memref_slice %arg8[%dma_wait3A_1183, %dma_wait3A_1184] : memref<10112x128xf32, #tpu.memory_space<vmem_shared>> -> memref<128x128xf32, #tpu.memory_space<vmem_shared>>
    tpu.wait_dma2 semaphore(%arg20 : memref<!tpu.dma_semaphore, #tpu.memory_space<semaphore_mem>>) src(%arg10 : memref<128x128xf32, #tpu.memory_space<vmem>>) dst(%dma_wait3A_1185 : memref<128x128xf32, #tpu.memory_space<vmem_shared>>)
    %dma_wait3A_1186 = arith.constant 0 : i32
    %dma_wait3A_1187 = arith.constant 0 : i32
    %dma_wait3A_1188 = tpu.memref_slice %arg8[%dma_wait3A_1186, %dma_wait3A_1187] : memref<10112x128xf32, #tpu.memory_space<vmem_shared>> -> memref<128x128xf32, #tpu.memory_space<vmem_shared>>
    %dma_wait3A_1189 = arith.constant 0 : i32
    %dma_wait3A_1190 = arith.constant 0 : i32
    %dma_wait3A_1191 = tpu.memref_slice %arg8[%dma_wait3A_1189, %dma_wait3A_1190] : memref<10112x128xf32, #tpu.memory_space<vmem_shared>> -> memref<128x128xf32, #tpu.memory_space<vmem_shared>>
    tpu.wait_dma2 semaphore(%arg20 : memref<!tpu.dma_semaphore, #tpu.memory_space<semaphore_mem>>) src(%arg10 : memref<128x128xf32, #tpu.memory_space<vmem>>) dst(%dma_wait3A_1191 : memref<128x128xf32, #tpu.memory_space<vmem_shared>>)
    %dma_start3A_1192 = arith.constant 3 : i32
    %dma_start3A_1193 = arith.constant 0 : i32
    %dma_start3A_1194 = tpu.memref_slice %arg12[%dma_start3A_1192, %dma_start3A_1193] : memref<8x128xi32, #tpu.memory_space<vmem>> -> memref<1x128xi32, #tpu.memory_space<vmem>>
    %dma_start3A_1195 = tpu.memref_squeeze %dma_start3A_1194 : memref<1x128xi32, #tpu.memory_space<vmem>> -> memref<128xi32, #tpu.memory_space<vmem>>
    %dma_start3A_1196 = arith.constant 0 : i32
    %dma_start3A_1197 = arith.constant 0 : i32
    %dma_start3A_1198 = tpu.memref_slice %arg2[%dma_start3A_1196, %dma_start3A_1197] : memref<2000x128xf32, #tpu.memory_space<hbm>> -> memref<2000x128xf32, #tpu.memory_space<hbm>>
    tpu.enqueue_indirect_dma source(%dma_start3A_1198 : memref<2000x128xf32, #tpu.memory_space<hbm>>) target(%arg10 : memref<128x128xf32, #tpu.memory_space<vmem>>) offsets(%dma_start3A_1195 : memref<128xi32, #tpu.memory_space<vmem>>) semaphore(%arg18 : memref<!tpu.dma_semaphore, #tpu.memory_space<semaphore_mem>>)
    %dma_wait3A_1199 = arith.constant 0 : i32
    %dma_wait3A_1200 = arith.constant 0 : i32
    %dma_wait3A_1201 = tpu.memref_slice %arg2[%dma_wait3A_1199, %dma_wait3A_1200] : memref<2000x128xf32, #tpu.memory_space<hbm>> -> memref<128x128xf32, #tpu.memory_space<hbm>>
    %dma_wait3A_1202 = arith.constant 0 : i32
    %dma_wait3A_1203 = arith.constant 0 : i32
    %dma_wait3A_1204 = tpu.memref_slice %arg2[%dma_wait3A_1202, %dma_wait3A_1203] : memref<2000x128xf32, #tpu.memory_space<hbm>> -> memref<128x128xf32, #tpu.memory_space<hbm>>
    tpu.wait_dma2 semaphore(%arg18 : memref<!tpu.dma_semaphore, #tpu.memory_space<semaphore_mem>>) src(%dma_wait3A_1204 : memref<128x128xf32, #tpu.memory_space<hbm>>) dst(%arg10 : memref<128x128xf32, #tpu.memory_space<vmem>>)
    %dma_start3A_1205 = arith.constant 3 : i32
    %dma_start3A_1206 = arith.constant 0 : i32
    %dma_start3A_1207 = tpu.memref_slice %arg14[%dma_start3A_1205, %dma_start3A_1206] : memref<8x128xi32, #tpu.memory_space<vmem>> -> memref<1x128xi32, #tpu.memory_space<vmem>>
    %dma_start3A_1208 = tpu.memref_squeeze %dma_start3A_1207 : memref<1x128xi32, #tpu.memory_space<vmem>> -> memref<128xi32, #tpu.memory_space<vmem>>
    %dma_start3A_1209 = arith.constant 0 : i32
    %dma_start3A_1210 = arith.constant 0 : i32
    %dma_start3A_1211 = tpu.memref_slice %arg8[%dma_start3A_1209, %dma_start3A_1210] : memref<10112x128xf32, #tpu.memory_space<vmem_shared>> -> memref<10112x128xf32, #tpu.memory_space<vmem_shared>>
    tpu.enqueue_indirect_dma source(%arg10 : memref<128x128xf32, #tpu.memory_space<vmem>>) target(%dma_start3A_1211 : memref<10112x128xf32, #tpu.memory_space<vmem_shared>>) offsets(%dma_start3A_1208 : memref<128xi32, #tpu.memory_space<vmem>>) semaphore(%arg20 : memref<!tpu.dma_semaphore, #tpu.memory_space<semaphore_mem>>) {add = true}
    %dma_start3A_1212 = arith.constant 3 : i32
    %dma_start3A_1213 = arith.constant 0 : i32
    %dma_start3A_1214 = tpu.memref_slice %arg16[%dma_start3A_1212, %dma_start3A_1213] : memref<8x128xi32, #tpu.memory_space<vmem>> -> memref<1x128xi32, #tpu.memory_space<vmem>>
    %dma_start3A_1215 = tpu.memref_squeeze %dma_start3A_1214 : memref<1x128xi32, #tpu.memory_space<vmem>> -> memref<128xi32, #tpu.memory_space<vmem>>
    %dma_start3A_1216 = arith.constant 0 : i32
    %dma_start3A_1217 = arith.constant 0 : i32
    %dma_start3A_1218 = tpu.memref_slice %arg8[%dma_start3A_1216, %dma_start3A_1217] : memref<10112x128xf32, #tpu.memory_space<vmem_shared>> -> memref<10112x128xf32, #tpu.memory_space<vmem_shared>>
    tpu.enqueue_indirect_dma source(%arg10 : memref<128x128xf32, #tpu.memory_space<vmem>>) target(%dma_start3A_1218 : memref<10112x128xf32, #tpu.memory_space<vmem_shared>>) offsets(%dma_start3A_1215 : memref<128xi32, #tpu.memory_space<vmem>>) semaphore(%arg20 : memref<!tpu.dma_semaphore, #tpu.memory_space<semaphore_mem>>) {add = true}
    %dma_wait3A_1219 = arith.constant 0 : i32
    %dma_wait3A_1220 = arith.constant 0 : i32
    %dma_wait3A_1221 = tpu.memref_slice %arg8[%dma_wait3A_1219, %dma_wait3A_1220] : memref<10112x128xf32, #tpu.memory_space<vmem_shared>> -> memref<128x128xf32, #tpu.memory_space<vmem_shared>>
    %dma_wait3A_1222 = arith.constant 0 : i32
    %dma_wait3A_1223 = arith.constant 0 : i32
    %dma_wait3A_1224 = tpu.memref_slice %arg8[%dma_wait3A_1222, %dma_wait3A_1223] : memref<10112x128xf32, #tpu.memory_space<vmem_shared>> -> memref<128x128xf32, #tpu.memory_space<vmem_shared>>
    tpu.wait_dma2 semaphore(%arg19 : memref<!tpu.dma_semaphore, #tpu.memory_space<semaphore_mem>>) src(%arg9 : memref<128x128xf32, #tpu.memory_space<vmem>>) dst(%dma_wait3A_1224 : memref<128x128xf32, #tpu.memory_space<vmem_shared>>)
    %dma_wait3A_1225 = arith.constant 0 : i32
    %dma_wait3A_1226 = arith.constant 0 : i32
    %dma_wait3A_1227 = tpu.memref_slice %arg8[%dma_wait3A_1225, %dma_wait3A_1226] : memref<10112x128xf32, #tpu.memory_space<vmem_shared>> -> memref<128x128xf32, #tpu.memory_space<vmem_shared>>
    %dma_wait3A_1228 = arith.constant 0 : i32
    %dma_wait3A_1229 = arith.constant 0 : i32
    %dma_wait3A_1230 = tpu.memref_slice %arg8[%dma_wait3A_1228, %dma_wait3A_1229] : memref<10112x128xf32, #tpu.memory_space<vmem_shared>> -> memref<128x128xf32, #tpu.memory_space<vmem_shared>>
    tpu.wait_dma2 semaphore(%arg19 : memref<!tpu.dma_semaphore, #tpu.memory_space<semaphore_mem>>) src(%arg9 : memref<128x128xf32, #tpu.memory_space<vmem>>) dst(%dma_wait3A_1230 : memref<128x128xf32, #tpu.memory_space<vmem_shared>>)
    %dma_start3A_1231 = arith.constant 4 : i32
    %dma_start3A_1232 = arith.constant 0 : i32
    %dma_start3A_1233 = tpu.memref_slice %arg12[%dma_start3A_1231, %dma_start3A_1232] : memref<8x128xi32, #tpu.memory_space<vmem>> -> memref<1x128xi32, #tpu.memory_space<vmem>>
    %dma_start3A_1234 = tpu.memref_squeeze %dma_start3A_1233 : memref<1x128xi32, #tpu.memory_space<vmem>> -> memref<128xi32, #tpu.memory_space<vmem>>
    %dma_start3A_1235 = arith.constant 0 : i32
    %dma_start3A_1236 = arith.constant 0 : i32
    %dma_start3A_1237 = tpu.memref_slice %arg2[%dma_start3A_1235, %dma_start3A_1236] : memref<2000x128xf32, #tpu.memory_space<hbm>> -> memref<2000x128xf32, #tpu.memory_space<hbm>>
    tpu.enqueue_indirect_dma source(%dma_start3A_1237 : memref<2000x128xf32, #tpu.memory_space<hbm>>) target(%arg9 : memref<128x128xf32, #tpu.memory_space<vmem>>) offsets(%dma_start3A_1234 : memref<128xi32, #tpu.memory_space<vmem>>) semaphore(%arg17 : memref<!tpu.dma_semaphore, #tpu.memory_space<semaphore_mem>>)
    %dma_wait3A_1238 = arith.constant 0 : i32
    %dma_wait3A_1239 = arith.constant 0 : i32
    %dma_wait3A_1240 = tpu.memref_slice %arg2[%dma_wait3A_1238, %dma_wait3A_1239] : memref<2000x128xf32, #tpu.memory_space<hbm>> -> memref<128x128xf32, #tpu.memory_space<hbm>>
    %dma_wait3A_1241 = arith.constant 0 : i32
    %dma_wait3A_1242 = arith.constant 0 : i32
    %dma_wait3A_1243 = tpu.memref_slice %arg2[%dma_wait3A_1241, %dma_wait3A_1242] : memref<2000x128xf32, #tpu.memory_space<hbm>> -> memref<128x128xf32, #tpu.memory_space<hbm>>
    tpu.wait_dma2 semaphore(%arg17 : memref<!tpu.dma_semaphore, #tpu.memory_space<semaphore_mem>>) src(%dma_wait3A_1243 : memref<128x128xf32, #tpu.memory_space<hbm>>) dst(%arg9 : memref<128x128xf32, #tpu.memory_space<vmem>>)
    %dma_start3A_1244 = arith.constant 4 : i32
    %dma_start3A_1245 = arith.constant 0 : i32
    %dma_start3A_1246 = tpu.memref_slice %arg14[%dma_start3A_1244, %dma_start3A_1245] : memref<8x128xi32, #tpu.memory_space<vmem>> -> memref<1x128xi32, #tpu.memory_space<vmem>>
    %dma_start3A_1247 = tpu.memref_squeeze %dma_start3A_1246 : memref<1x128xi32, #tpu.memory_space<vmem>> -> memref<128xi32, #tpu.memory_space<vmem>>
    %dma_start3A_1248 = arith.constant 0 : i32
    %dma_start3A_1249 = arith.constant 0 : i32
    %dma_start3A_1250 = tpu.memref_slice %arg8[%dma_start3A_1248, %dma_start3A_1249] : memref<10112x128xf32, #tpu.memory_space<vmem_shared>> -> memref<10112x128xf32, #tpu.memory_space<vmem_shared>>
    tpu.enqueue_indirect_dma source(%arg9 : memref<128x128xf32, #tpu.memory_space<vmem>>) target(%dma_start3A_1250 : memref<10112x128xf32, #tpu.memory_space<vmem_shared>>) offsets(%dma_start3A_1247 : memref<128xi32, #tpu.memory_space<vmem>>) semaphore(%arg19 : memref<!tpu.dma_semaphore, #tpu.memory_space<semaphore_mem>>) {add = true}
    %dma_start3A_1251 = arith.constant 4 : i32
    %dma_start3A_1252 = arith.constant 0 : i32
    %dma_start3A_1253 = tpu.memref_slice %arg16[%dma_start3A_1251, %dma_start3A_1252] : memref<8x128xi32, #tpu.memory_space<vmem>> -> memref<1x128xi32, #tpu.memory_space<vmem>>
    %dma_start3A_1254 = tpu.memref_squeeze %dma_start3A_1253 : memref<1x128xi32, #tpu.memory_space<vmem>> -> memref<128xi32, #tpu.memory_space<vmem>>
    %dma_start3A_1255 = arith.constant 0 : i32
    %dma_start3A_1256 = arith.constant 0 : i32
    %dma_start3A_1257 = tpu.memref_slice %arg8[%dma_start3A_1255, %dma_start3A_1256] : memref<10112x128xf32, #tpu.memory_space<vmem_shared>> -> memref<10112x128xf32, #tpu.memory_space<vmem_shared>>
    tpu.enqueue_indirect_dma source(%arg9 : memref<128x128xf32, #tpu.memory_space<vmem>>) target(%dma_start3A_1257 : memref<10112x128xf32, #tpu.memory_space<vmem_shared>>) offsets(%dma_start3A_1254 : memref<128xi32, #tpu.memory_space<vmem>>) semaphore(%arg19 : memref<!tpu.dma_semaphore, #tpu.memory_space<semaphore_mem>>) {add = true}
    %dma_wait3A_1258 = arith.constant 0 : i32
    %dma_wait3A_1259 = arith.constant 0 : i32
    %dma_wait3A_1260 = tpu.memref_slice %arg8[%dma_wait3A_1258, %dma_wait3A_1259] : memref<10112x128xf32, #tpu.memory_space<vmem_shared>> -> memref<128x128xf32, #tpu.memory_space<vmem_shared>>
    %dma_wait3A_1261 = arith.constant 0 : i32
    %dma_wait3A_1262 = arith.constant 0 : i32
    %dma_wait3A_1263 = tpu.memref_slice %arg8[%dma_wait3A_1261, %dma_wait3A_1262] : memref<10112x128xf32, #tpu.memory_space<vmem_shared>> -> memref<128x128xf32, #tpu.memory_space<vmem_shared>>
    tpu.wait_dma2 semaphore(%arg20 : memref<!tpu.dma_semaphore, #tpu.memory_space<semaphore_mem>>) src(%arg10 : memref<128x128xf32, #tpu.memory_space<vmem>>) dst(%dma_wait3A_1263 : memref<128x128xf32, #tpu.memory_space<vmem_shared>>)
    %dma_wait3A_1264 = arith.constant 0 : i32
    %dma_wait3A_1265 = arith.constant 0 : i32
    %dma_wait3A_1266 = tpu.memref_slice %arg8[%dma_wait3A_1264, %dma_wait3A_1265] : memref<10112x128xf32, #tpu.memory_space<vmem_shared>> -> memref<128x128xf32, #tpu.memory_space<vmem_shared>>
    %dma_wait3A_1267 = arith.constant 0 : i32
    %dma_wait3A_1268 = arith.constant 0 : i32
    %dma_wait3A_1269 = tpu.memref_slice %arg8[%dma_wait3A_1267, %dma_wait3A_1268] : memref<10112x128xf32, #tpu.memory_space<vmem_shared>> -> memref<128x128xf32, #tpu.memory_space<vmem_shared>>
    tpu.wait_dma2 semaphore(%arg20 : memref<!tpu.dma_semaphore, #tpu.memory_space<semaphore_mem>>) src(%arg10 : memref<128x128xf32, #tpu.memory_space<vmem>>) dst(%dma_wait3A_1269 : memref<128x128xf32, #tpu.memory_space<vmem_shared>>)
    %dma_start3A_1270 = arith.constant 5 : i32
    %dma_start3A_1271 = arith.constant 0 : i32
    %dma_start3A_1272 = tpu.memref_slice %arg12[%dma_start3A_1270, %dma_start3A_1271] : memref<8x128xi32, #tpu.memory_space<vmem>> -> memref<1x128xi32, #tpu.memory_space<vmem>>
    %dma_start3A_1273 = tpu.memref_squeeze %dma_start3A_1272 : memref<1x128xi32, #tpu.memory_space<vmem>> -> memref<128xi32, #tpu.memory_space<vmem>>
    %dma_start3A_1274 = arith.constant 0 : i32
    %dma_start3A_1275 = arith.constant 0 : i32
    %dma_start3A_1276 = tpu.memref_slice %arg2[%dma_start3A_1274, %dma_start3A_1275] : memref<2000x128xf32, #tpu.memory_space<hbm>> -> memref<2000x128xf32, #tpu.memory_space<hbm>>
    tpu.enqueue_indirect_dma source(%dma_start3A_1276 : memref<2000x128xf32, #tpu.memory_space<hbm>>) target(%arg10 : memref<128x128xf32, #tpu.memory_space<vmem>>) offsets(%dma_start3A_1273 : memref<128xi32, #tpu.memory_space<vmem>>) semaphore(%arg18 : memref<!tpu.dma_semaphore, #tpu.memory_space<semaphore_mem>>)
    %dma_wait3A_1277 = arith.constant 0 : i32
    %dma_wait3A_1278 = arith.constant 0 : i32
    %dma_wait3A_1279 = tpu.memref_slice %arg2[%dma_wait3A_1277, %dma_wait3A_1278] : memref<2000x128xf32, #tpu.memory_space<hbm>> -> memref<128x128xf32, #tpu.memory_space<hbm>>
    %dma_wait3A_1280 = arith.constant 0 : i32
    %dma_wait3A_1281 = arith.constant 0 : i32
    %dma_wait3A_1282 = tpu.memref_slice %arg2[%dma_wait3A_1280, %dma_wait3A_1281] : memref<2000x128xf32, #tpu.memory_space<hbm>> -> memref<128x128xf32, #tpu.memory_space<hbm>>
    tpu.wait_dma2 semaphore(%arg18 : memref<!tpu.dma_semaphore, #tpu.memory_space<semaphore_mem>>) src(%dma_wait3A_1282 : memref<128x128xf32, #tpu.memory_space<hbm>>) dst(%arg10 : memref<128x128xf32, #tpu.memory_space<vmem>>)
    %dma_start3A_1283 = arith.constant 5 : i32
    %dma_start3A_1284 = arith.constant 0 : i32
    %dma_start3A_1285 = tpu.memref_slice %arg14[%dma_start3A_1283, %dma_start3A_1284] : memref<8x128xi32, #tpu.memory_space<vmem>> -> memref<1x128xi32, #tpu.memory_space<vmem>>
    %dma_start3A_1286 = tpu.memref_squeeze %dma_start3A_1285 : memref<1x128xi32, #tpu.memory_space<vmem>> -> memref<128xi32, #tpu.memory_space<vmem>>
    %dma_start3A_1287 = arith.constant 0 : i32
    %dma_start3A_1288 = arith.constant 0 : i32
    %dma_start3A_1289 = tpu.memref_slice %arg8[%dma_start3A_1287, %dma_start3A_1288] : memref<10112x128xf32, #tpu.memory_space<vmem_shared>> -> memref<10112x128xf32, #tpu.memory_space<vmem_shared>>
    tpu.enqueue_indirect_dma source(%arg10 : memref<128x128xf32, #tpu.memory_space<vmem>>) target(%dma_start3A_1289 : memref<10112x128xf32, #tpu.memory_space<vmem_shared>>) offsets(%dma_start3A_1286 : memref<128xi32, #tpu.memory_space<vmem>>) semaphore(%arg20 : memref<!tpu.dma_semaphore, #tpu.memory_space<semaphore_mem>>) {add = true}
    %dma_start3A_1290 = arith.constant 5 : i32
    %dma_start3A_1291 = arith.constant 0 : i32
    %dma_start3A_1292 = tpu.memref_slice %arg16[%dma_start3A_1290, %dma_start3A_1291] : memref<8x128xi32, #tpu.memory_space<vmem>> -> memref<1x128xi32, #tpu.memory_space<vmem>>
    %dma_start3A_1293 = tpu.memref_squeeze %dma_start3A_1292 : memref<1x128xi32, #tpu.memory_space<vmem>> -> memref<128xi32, #tpu.memory_space<vmem>>
    %dma_start3A_1294 = arith.constant 0 : i32
    %dma_start3A_1295 = arith.constant 0 : i32
    %dma_start3A_1296 = tpu.memref_slice %arg8[%dma_start3A_1294, %dma_start3A_1295] : memref<10112x128xf32, #tpu.memory_space<vmem_shared>> -> memref<10112x128xf32, #tpu.memory_space<vmem_shared>>
    tpu.enqueue_indirect_dma source(%arg10 : memref<128x128xf32, #tpu.memory_space<vmem>>) target(%dma_start3A_1296 : memref<10112x128xf32, #tpu.memory_space<vmem_shared>>) offsets(%dma_start3A_1293 : memref<128xi32, #tpu.memory_space<vmem>>) semaphore(%arg20 : memref<!tpu.dma_semaphore, #tpu.memory_space<semaphore_mem>>) {add = true}
    %dma_wait3A_1297 = arith.constant 0 : i32
    %dma_wait3A_1298 = arith.constant 0 : i32
    %dma_wait3A_1299 = tpu.memref_slice %arg8[%dma_wait3A_1297, %dma_wait3A_1298] : memref<10112x128xf32, #tpu.memory_space<vmem_shared>> -> memref<128x128xf32, #tpu.memory_space<vmem_shared>>
    %dma_wait3A_1300 = arith.constant 0 : i32
    %dma_wait3A_1301 = arith.constant 0 : i32
    %dma_wait3A_1302 = tpu.memref_slice %arg8[%dma_wait3A_1300, %dma_wait3A_1301] : memref<10112x128xf32, #tpu.memory_space<vmem_shared>> -> memref<128x128xf32, #tpu.memory_space<vmem_shared>>
    tpu.wait_dma2 semaphore(%arg19 : memref<!tpu.dma_semaphore, #tpu.memory_space<semaphore_mem>>) src(%arg9 : memref<128x128xf32, #tpu.memory_space<vmem>>) dst(%dma_wait3A_1302 : memref<128x128xf32, #tpu.memory_space<vmem_shared>>)
    %dma_wait3A_1303 = arith.constant 0 : i32
    %dma_wait3A_1304 = arith.constant 0 : i32
    %dma_wait3A_1305 = tpu.memref_slice %arg8[%dma_wait3A_1303, %dma_wait3A_1304] : memref<10112x128xf32, #tpu.memory_space<vmem_shared>> -> memref<128x128xf32, #tpu.memory_space<vmem_shared>>
    %dma_wait3A_1306 = arith.constant 0 : i32
    %dma_wait3A_1307 = arith.constant 0 : i32
    %dma_wait3A_1308 = tpu.memref_slice %arg8[%dma_wait3A_1306, %dma_wait3A_1307] : memref<10112x128xf32, #tpu.memory_space<vmem_shared>> -> memref<128x128xf32, #tpu.memory_space<vmem_shared>>
    tpu.wait_dma2 semaphore(%arg19 : memref<!tpu.dma_semaphore, #tpu.memory_space<semaphore_mem>>) src(%arg9 : memref<128x128xf32, #tpu.memory_space<vmem>>) dst(%dma_wait3A_1308 : memref<128x128xf32, #tpu.memory_space<vmem_shared>>)
    %dma_start3A_1309 = arith.constant 6 : i32
    %dma_start3A_1310 = arith.constant 0 : i32
    %dma_start3A_1311 = tpu.memref_slice %arg12[%dma_start3A_1309, %dma_start3A_1310] : memref<8x128xi32, #tpu.memory_space<vmem>> -> memref<1x128xi32, #tpu.memory_space<vmem>>
    %dma_start3A_1312 = tpu.memref_squeeze %dma_start3A_1311 : memref<1x128xi32, #tpu.memory_space<vmem>> -> memref<128xi32, #tpu.memory_space<vmem>>
    %dma_start3A_1313 = arith.constant 0 : i32
    %dma_start3A_1314 = arith.constant 0 : i32
    %dma_start3A_1315 = tpu.memref_slice %arg2[%dma_start3A_1313, %dma_start3A_1314] : memref<2000x128xf32, #tpu.memory_space<hbm>> -> memref<2000x128xf32, #tpu.memory_space<hbm>>
    tpu.enqueue_indirect_dma source(%dma_start3A_1315 : memref<2000x128xf32, #tpu.memory_space<hbm>>) target(%arg9 : memref<128x128xf32, #tpu.memory_space<vmem>>) offsets(%dma_start3A_1312 : memref<128xi32, #tpu.memory_space<vmem>>) semaphore(%arg17 : memref<!tpu.dma_semaphore, #tpu.memory_space<semaphore_mem>>)
    %dma_wait3A_1316 = arith.constant 0 : i32
    %dma_wait3A_1317 = arith.constant 0 : i32
    %dma_wait3A_1318 = tpu.memref_slice %arg2[%dma_wait3A_1316, %dma_wait3A_1317] : memref<2000x128xf32, #tpu.memory_space<hbm>> -> memref<128x128xf32, #tpu.memory_space<hbm>>
    %dma_wait3A_1319 = arith.constant 0 : i32
    %dma_wait3A_1320 = arith.constant 0 : i32
    %dma_wait3A_1321 = tpu.memref_slice %arg2[%dma_wait3A_1319, %dma_wait3A_1320] : memref<2000x128xf32, #tpu.memory_space<hbm>> -> memref<128x128xf32, #tpu.memory_space<hbm>>
    tpu.wait_dma2 semaphore(%arg17 : memref<!tpu.dma_semaphore, #tpu.memory_space<semaphore_mem>>) src(%dma_wait3A_1321 : memref<128x128xf32, #tpu.memory_space<hbm>>) dst(%arg9 : memref<128x128xf32, #tpu.memory_space<vmem>>)
    %dma_start3A_1322 = arith.constant 6 : i32
    %dma_start3A_1323 = arith.constant 0 : i32
    %dma_start3A_1324 = tpu.memref_slice %arg14[%dma_start3A_1322, %dma_start3A_1323] : memref<8x128xi32, #tpu.memory_space<vmem>> -> memref<1x128xi32, #tpu.memory_space<vmem>>
    %dma_start3A_1325 = tpu.memref_squeeze %dma_start3A_1324 : memref<1x128xi32, #tpu.memory_space<vmem>> -> memref<128xi32, #tpu.memory_space<vmem>>
    %dma_start3A_1326 = arith.constant 0 : i32
    %dma_start3A_1327 = arith.constant 0 : i32
    %dma_start3A_1328 = tpu.memref_slice %arg8[%dma_start3A_1326, %dma_start3A_1327] : memref<10112x128xf32, #tpu.memory_space<vmem_shared>> -> memref<10112x128xf32, #tpu.memory_space<vmem_shared>>
    tpu.enqueue_indirect_dma source(%arg9 : memref<128x128xf32, #tpu.memory_space<vmem>>) target(%dma_start3A_1328 : memref<10112x128xf32, #tpu.memory_space<vmem_shared>>) offsets(%dma_start3A_1325 : memref<128xi32, #tpu.memory_space<vmem>>) semaphore(%arg19 : memref<!tpu.dma_semaphore, #tpu.memory_space<semaphore_mem>>) {add = true}
    %dma_start3A_1329 = arith.constant 6 : i32
    %dma_start3A_1330 = arith.constant 0 : i32
    %dma_start3A_1331 = tpu.memref_slice %arg16[%dma_start3A_1329, %dma_start3A_1330] : memref<8x128xi32, #tpu.memory_space<vmem>> -> memref<1x128xi32, #tpu.memory_space<vmem>>
    %dma_start3A_1332 = tpu.memref_squeeze %dma_start3A_1331 : memref<1x128xi32, #tpu.memory_space<vmem>> -> memref<128xi32, #tpu.memory_space<vmem>>
    %dma_start3A_1333 = arith.constant 0 : i32
    %dma_start3A_1334 = arith.constant 0 : i32
    %dma_start3A_1335 = tpu.memref_slice %arg8[%dma_start3A_1333, %dma_start3A_1334] : memref<10112x128xf32, #tpu.memory_space<vmem_shared>> -> memref<10112x128xf32, #tpu.memory_space<vmem_shared>>
    tpu.enqueue_indirect_dma source(%arg9 : memref<128x128xf32, #tpu.memory_space<vmem>>) target(%dma_start3A_1335 : memref<10112x128xf32, #tpu.memory_space<vmem_shared>>) offsets(%dma_start3A_1332 : memref<128xi32, #tpu.memory_space<vmem>>) semaphore(%arg19 : memref<!tpu.dma_semaphore, #tpu.memory_space<semaphore_mem>>) {add = true}
    %dma_wait3A_1336 = arith.constant 0 : i32
    %dma_wait3A_1337 = arith.constant 0 : i32
    %dma_wait3A_1338 = tpu.memref_slice %arg8[%dma_wait3A_1336, %dma_wait3A_1337] : memref<10112x128xf32, #tpu.memory_space<vmem_shared>> -> memref<128x128xf32, #tpu.memory_space<vmem_shared>>
    %dma_wait3A_1339 = arith.constant 0 : i32
    %dma_wait3A_1340 = arith.constant 0 : i32
    %dma_wait3A_1341 = tpu.memref_slice %arg8[%dma_wait3A_1339, %dma_wait3A_1340] : memref<10112x128xf32, #tpu.memory_space<vmem_shared>> -> memref<128x128xf32, #tpu.memory_space<vmem_shared>>
    tpu.wait_dma2 semaphore(%arg20 : memref<!tpu.dma_semaphore, #tpu.memory_space<semaphore_mem>>) src(%arg10 : memref<128x128xf32, #tpu.memory_space<vmem>>) dst(%dma_wait3A_1341 : memref<128x128xf32, #tpu.memory_space<vmem_shared>>)
    %dma_wait3A_1342 = arith.constant 0 : i32
    %dma_wait3A_1343 = arith.constant 0 : i32
    %dma_wait3A_1344 = tpu.memref_slice %arg8[%dma_wait3A_1342, %dma_wait3A_1343] : memref<10112x128xf32, #tpu.memory_space<vmem_shared>> -> memref<128x128xf32, #tpu.memory_space<vmem_shared>>
    %dma_wait3A_1345 = arith.constant 0 : i32
    %dma_wait3A_1346 = arith.constant 0 : i32
    %dma_wait3A_1347 = tpu.memref_slice %arg8[%dma_wait3A_1345, %dma_wait3A_1346] : memref<10112x128xf32, #tpu.memory_space<vmem_shared>> -> memref<128x128xf32, #tpu.memory_space<vmem_shared>>
    tpu.wait_dma2 semaphore(%arg20 : memref<!tpu.dma_semaphore, #tpu.memory_space<semaphore_mem>>) src(%arg10 : memref<128x128xf32, #tpu.memory_space<vmem>>) dst(%dma_wait3A_1347 : memref<128x128xf32, #tpu.memory_space<vmem_shared>>)
    %dma_start3A_1348 = arith.constant 7 : i32
    %dma_start3A_1349 = arith.constant 0 : i32
    %dma_start3A_1350 = tpu.memref_slice %arg12[%dma_start3A_1348, %dma_start3A_1349] : memref<8x128xi32, #tpu.memory_space<vmem>> -> memref<1x128xi32, #tpu.memory_space<vmem>>
    %dma_start3A_1351 = tpu.memref_squeeze %dma_start3A_1350 : memref<1x128xi32, #tpu.memory_space<vmem>> -> memref<128xi32, #tpu.memory_space<vmem>>
    %dma_start3A_1352 = arith.constant 0 : i32
    %dma_start3A_1353 = arith.constant 0 : i32
    %dma_start3A_1354 = tpu.memref_slice %arg2[%dma_start3A_1352, %dma_start3A_1353] : memref<2000x128xf32, #tpu.memory_space<hbm>> -> memref<2000x128xf32, #tpu.memory_space<hbm>>
    tpu.enqueue_indirect_dma source(%dma_start3A_1354 : memref<2000x128xf32, #tpu.memory_space<hbm>>) target(%arg10 : memref<128x128xf32, #tpu.memory_space<vmem>>) offsets(%dma_start3A_1351 : memref<128xi32, #tpu.memory_space<vmem>>) semaphore(%arg18 : memref<!tpu.dma_semaphore, #tpu.memory_space<semaphore_mem>>)
    %dma_wait3A_1355 = arith.constant 0 : i32
    %dma_wait3A_1356 = arith.constant 0 : i32
    %dma_wait3A_1357 = tpu.memref_slice %arg2[%dma_wait3A_1355, %dma_wait3A_1356] : memref<2000x128xf32, #tpu.memory_space<hbm>> -> memref<128x128xf32, #tpu.memory_space<hbm>>
    %dma_wait3A_1358 = arith.constant 0 : i32
    %dma_wait3A_1359 = arith.constant 0 : i32
    %dma_wait3A_1360 = tpu.memref_slice %arg2[%dma_wait3A_1358, %dma_wait3A_1359] : memref<2000x128xf32, #tpu.memory_space<hbm>> -> memref<128x128xf32, #tpu.memory_space<hbm>>
    tpu.wait_dma2 semaphore(%arg18 : memref<!tpu.dma_semaphore, #tpu.memory_space<semaphore_mem>>) src(%dma_wait3A_1360 : memref<128x128xf32, #tpu.memory_space<hbm>>) dst(%arg10 : memref<128x128xf32, #tpu.memory_space<vmem>>)
    %dma_start3A_1361 = arith.constant 7 : i32
    %dma_start3A_1362 = arith.constant 0 : i32
    %dma_start3A_1363 = tpu.memref_slice %arg14[%dma_start3A_1361, %dma_start3A_1362] : memref<8x128xi32, #tpu.memory_space<vmem>> -> memref<1x128xi32, #tpu.memory_space<vmem>>
    %dma_start3A_1364 = tpu.memref_squeeze %dma_start3A_1363 : memref<1x128xi32, #tpu.memory_space<vmem>> -> memref<128xi32, #tpu.memory_space<vmem>>
    %dma_start3A_1365 = arith.constant 0 : i32
    %dma_start3A_1366 = arith.constant 0 : i32
    %dma_start3A_1367 = tpu.memref_slice %arg8[%dma_start3A_1365, %dma_start3A_1366] : memref<10112x128xf32, #tpu.memory_space<vmem_shared>> -> memref<10112x128xf32, #tpu.memory_space<vmem_shared>>
    tpu.enqueue_indirect_dma source(%arg10 : memref<128x128xf32, #tpu.memory_space<vmem>>) target(%dma_start3A_1367 : memref<10112x128xf32, #tpu.memory_space<vmem_shared>>) offsets(%dma_start3A_1364 : memref<128xi32, #tpu.memory_space<vmem>>) semaphore(%arg20 : memref<!tpu.dma_semaphore, #tpu.memory_space<semaphore_mem>>) {add = true}
    %dma_start3A_1368 = arith.constant 7 : i32
    %dma_start3A_1369 = arith.constant 0 : i32
    %dma_start3A_1370 = tpu.memref_slice %arg16[%dma_start3A_1368, %dma_start3A_1369] : memref<8x128xi32, #tpu.memory_space<vmem>> -> memref<1x128xi32, #tpu.memory_space<vmem>>
    %dma_start3A_1371 = tpu.memref_squeeze %dma_start3A_1370 : memref<1x128xi32, #tpu.memory_space<vmem>> -> memref<128xi32, #tpu.memory_space<vmem>>
    %dma_start3A_1372 = arith.constant 0 : i32
    %dma_start3A_1373 = arith.constant 0 : i32
    %dma_start3A_1374 = tpu.memref_slice %arg8[%dma_start3A_1372, %dma_start3A_1373] : memref<10112x128xf32, #tpu.memory_space<vmem_shared>> -> memref<10112x128xf32, #tpu.memory_space<vmem_shared>>
    tpu.enqueue_indirect_dma source(%arg10 : memref<128x128xf32, #tpu.memory_space<vmem>>) target(%dma_start3A_1374 : memref<10112x128xf32, #tpu.memory_space<vmem_shared>>) offsets(%dma_start3A_1371 : memref<128xi32, #tpu.memory_space<vmem>>) semaphore(%arg20 : memref<!tpu.dma_semaphore, #tpu.memory_space<semaphore_mem>>) {add = true}
    %dma_wait3A_1375 = arith.constant 0 : i32
    %dma_wait3A_1376 = arith.constant 0 : i32
    %dma_wait3A_1377 = tpu.memref_slice %arg8[%dma_wait3A_1375, %dma_wait3A_1376] : memref<10112x128xf32, #tpu.memory_space<vmem_shared>> -> memref<128x128xf32, #tpu.memory_space<vmem_shared>>
    %dma_wait3A_1378 = arith.constant 0 : i32
    %dma_wait3A_1379 = arith.constant 0 : i32
    %dma_wait3A_1380 = tpu.memref_slice %arg8[%dma_wait3A_1378, %dma_wait3A_1379] : memref<10112x128xf32, #tpu.memory_space<vmem_shared>> -> memref<128x128xf32, #tpu.memory_space<vmem_shared>>
    tpu.wait_dma2 semaphore(%arg19 : memref<!tpu.dma_semaphore, #tpu.memory_space<semaphore_mem>>) src(%arg9 : memref<128x128xf32, #tpu.memory_space<vmem>>) dst(%dma_wait3A_1380 : memref<128x128xf32, #tpu.memory_space<vmem_shared>>)
    %dma_wait3A_1381 = arith.constant 0 : i32
    %dma_wait3A_1382 = arith.constant 0 : i32
    %dma_wait3A_1383 = tpu.memref_slice %arg8[%dma_wait3A_1381, %dma_wait3A_1382] : memref<10112x128xf32, #tpu.memory_space<vmem_shared>> -> memref<128x128xf32, #tpu.memory_space<vmem_shared>>
    %dma_wait3A_1384 = arith.constant 0 : i32
    %dma_wait3A_1385 = arith.constant 0 : i32
    %dma_wait3A_1386 = tpu.memref_slice %arg8[%dma_wait3A_1384, %dma_wait3A_1385] : memref<10112x128xf32, #tpu.memory_space<vmem_shared>> -> memref<128x128xf32, #tpu.memory_space<vmem_shared>>
    tpu.wait_dma2 semaphore(%arg19 : memref<!tpu.dma_semaphore, #tpu.memory_space<semaphore_mem>>) src(%arg9 : memref<128x128xf32, #tpu.memory_space<vmem>>) dst(%dma_wait3A_1386 : memref<128x128xf32, #tpu.memory_space<vmem_shared>>)
    %dma_wait3A_1387 = arith.constant 0 : i32
    %dma_wait3A_1388 = arith.constant 0 : i32
    %dma_wait3A_1389 = tpu.memref_slice %arg8[%dma_wait3A_1387, %dma_wait3A_1388] : memref<10112x128xf32, #tpu.memory_space<vmem_shared>> -> memref<128x128xf32, #tpu.memory_space<vmem_shared>>
    %dma_wait3A_1390 = arith.constant 0 : i32
    %dma_wait3A_1391 = arith.constant 0 : i32
    %dma_wait3A_1392 = tpu.memref_slice %arg8[%dma_wait3A_1390, %dma_wait3A_1391] : memref<10112x128xf32, #tpu.memory_space<vmem_shared>> -> memref<128x128xf32, #tpu.memory_space<vmem_shared>>
    tpu.wait_dma2 semaphore(%arg20 : memref<!tpu.dma_semaphore, #tpu.memory_space<semaphore_mem>>) src(%arg10 : memref<128x128xf32, #tpu.memory_space<vmem>>) dst(%dma_wait3A_1392 : memref<128x128xf32, #tpu.memory_space<vmem_shared>>)
    %dma_wait3A_1393 = arith.constant 0 : i32
    %dma_wait3A_1394 = arith.constant 0 : i32
    %dma_wait3A_1395 = tpu.memref_slice %arg8[%dma_wait3A_1393, %dma_wait3A_1394] : memref<10112x128xf32, #tpu.memory_space<vmem_shared>> -> memref<128x128xf32, #tpu.memory_space<vmem_shared>>
    %dma_wait3A_1396 = arith.constant 0 : i32
    %dma_wait3A_1397 = arith.constant 0 : i32
    %dma_wait3A_1398 = tpu.memref_slice %arg8[%dma_wait3A_1396, %dma_wait3A_1397] : memref<10112x128xf32, #tpu.memory_space<vmem_shared>> -> memref<128x128xf32, #tpu.memory_space<vmem_shared>>
    tpu.wait_dma2 semaphore(%arg20 : memref<!tpu.dma_semaphore, #tpu.memory_space<semaphore_mem>>) src(%arg10 : memref<128x128xf32, #tpu.memory_space<vmem>>) dst(%dma_wait3A_1398 : memref<128x128xf32, #tpu.memory_space<vmem_shared>>)
    %barrier3A_1399 = arith.constant 0 : index
    tpu.barrier barrier_id(%barrier3A_1399)
    %mul3A_1400 = arith.constant 632 : i32
    %mul3A_1401 = arith.muli %arg1, %mul3A_1400 : i32
    %mul3A_1402 = arith.constant 632 : i32
    %mul3A_1403 = arith.muli %arg1, %mul3A_1402 : i32
    "tpu.region"() ({
      %run_scoped3A = tpu.sem_alloc : memref<!tpu.dma_semaphore, #tpu.memory_space<semaphore_mem>>
      %dma_start3A_1404 = arith.constant 0 : i32
      %dma_start3A_1405 = tpu.memref_slice %arg7[%arg0, %mul3A_1403, %dma_start3A_1404] : memref<2x10112x128xf32, #tpu.memory_space<hbm>> -> memref<1x632x128xf32, #tpu.memory_space<hbm>>
      %dma_start3A_1406 = tpu.memref_squeeze %dma_start3A_1405 : memref<1x632x128xf32, #tpu.memory_space<hbm>> -> memref<632x128xf32, #tpu.memory_space<hbm>>
      %dma_start3A_1407 = arith.constant 0 : i32
      %dma_start3A_1408 = tpu.memref_slice %arg8[%mul3A_1401, %dma_start3A_1407] : memref<10112x128xf32, #tpu.memory_space<vmem_shared>> -> memref<632x128xf32, #tpu.memory_space<vmem_shared>>
      tpu.enqueue_dma source(%dma_start3A_1408 : memref<632x128xf32, #tpu.memory_space<vmem_shared>>) target(%dma_start3A_1406 : memref<632x128xf32, #tpu.memory_space<hbm>>) target_semaphore(%run_scoped3A : memref<!tpu.dma_semaphore, #tpu.memory_space<semaphore_mem>>)
      %dma_wait3A_1409 = arith.constant 0 : i32
      %dma_wait3A_1410 = tpu.memref_slice %arg7[%arg0, %mul3A_1403, %dma_wait3A_1409] : memref<2x10112x128xf32, #tpu.memory_space<hbm>> -> memref<1x632x128xf32, #tpu.memory_space<hbm>>
      %dma_wait3A_1411 = tpu.memref_squeeze %dma_wait3A_1410 : memref<1x632x128xf32, #tpu.memory_space<hbm>> -> memref<632x128xf32, #tpu.memory_space<hbm>>
      %dma_wait3A_1412 = arith.constant 0 : i32
      %dma_wait3A_1413 = tpu.memref_slice %arg8[%mul3A_1401, %dma_wait3A_1412] : memref<10112x128xf32, #tpu.memory_space<vmem_shared>> -> memref<632x128xf32, #tpu.memory_space<vmem_shared>>
      tpu.wait_dma2 semaphore(%run_scoped3A : memref<!tpu.dma_semaphore, #tpu.memory_space<semaphore_mem>>) src(%dma_wait3A_1413 : memref<632x128xf32, #tpu.memory_space<vmem_shared>>) dst(%dma_wait3A_1411 : memref<632x128xf32, #tpu.memory_space<hbm>>)
      tpu.yield
    }) : () -> ()
    return
  }
}

module attributes {stable_mosaic.version = 14 : i64} {
  func.func @_combine_body(%arg0: i32, %arg1: memref<2x1000x128xf32, #tpu.memory_space<vmem>>, %arg2: memref<1000x128xf32, #tpu.memory_space<vmem>>) attributes {dimension_semantics = [#tpu.dimension_semantics<arbitrary>], iteration_bounds = array<i64: 10>, scalar_prefetch = 0 : i64, scratch_operands = 0 : i64, tpu.core_type = #tpu.core_type<tc>, window_params = [{transform_indices = @transform_0, window_bounds = array<i64: 2, 1000, 128>}, {transform_indices = @transform_1, window_bounds = array<i64: 1000, 128>}]} {
    %get3A = arith.constant 0 : index
    %get3A_0 = arith.constant 0 : index
    %get3A_1 = arith.constant 0 : index
    %get3A_2 = vector.load %arg1[%get3A, %get3A_0, %get3A_1] : memref<2x1000x128xf32, #tpu.memory_space<vmem>>, vector<1x1000x128xf32>
    %get3A_3 = vector.shape_cast %get3A_2 : vector<1x1000x128xf32> to vector<1000x128xf32>
    %get3A_4 = arith.constant 1 : index
    %get3A_5 = arith.constant 0 : index
    %get3A_6 = arith.constant 0 : index
    %get3A_7 = vector.load %arg1[%get3A_4, %get3A_5, %get3A_6] : memref<2x1000x128xf32, #tpu.memory_space<vmem>>, vector<1x1000x128xf32>
    %get3A_8 = vector.shape_cast %get3A_7 : vector<1x1000x128xf32> to vector<1000x128xf32>
    %add3A = arith.addf %get3A_3, %get3A_8 : vector<1000x128xf32>
    %max3A = arith.constant 0.000000e+00 : f32
    %max3A_9 = vector.broadcast %max3A : f32 to vector<1000x128xf32>
    %max3A_10 = arith.maximumf %add3A, %max3A_9 : vector<1000x128xf32>
    %swap3A = arith.constant 0 : index
    %swap3A_11 = arith.constant 0 : index
    %swap3A_12 = vector.load %arg2[%swap3A, %swap3A_11] : memref<1000x128xf32, #tpu.memory_space<vmem>>, vector<1000x128xf32>
    tpu.vector_store %arg2[%swap3A, %swap3A_11], %max3A_10 {strides = array<i32>} : memref<1000x128xf32, #tpu.memory_space<vmem>>, vector<1000x128xf32>,
    return
  }
  func.func @transform_0(%arg0: i32) -> (i32, i32, i32) {
    %c0_i32 = arith.constant 0 : i32
    %c0_i32_0 = arith.constant 0 : i32
    %c0_i32_1 = arith.constant 0 : i32
    return %c0_i32, %arg0, %c0_i32_0 : i32, i32, i32
  }
  func.func @transform_1(%arg0: i32) -> (i32, i32) {
    %c0_i32 = arith.constant 0 : i32
    %c0_i32_0 = arith.constant 0 : i32
    return %arg0, %c0_i32 : i32, i32
  }
}

module attributes {stable_mosaic.version = 14 : i64} {
  func.func @_relval_body(%arg0: memref<2000x128xf32, #tpu.memory_space<vmem>>, %arg1: memref<128x128xf32, #tpu.memory_space<vmem>>, %arg2: memref<1x128xf32, #tpu.memory_space<vmem>>, %arg3: memref<2000x128xf32, #tpu.memory_space<vmem>>) attributes {dimension_semantics = [], scalar_prefetch = 0 : i64, scratch_operands = 0 : i64, tpu.core_type = #tpu.core_type<tc>} {
    %get3A = arith.constant 0 : index
    %get3A_0 = arith.constant 0 : index
    %get3A_1 = vector.load %arg0[%get3A, %get3A_0] : memref<2000x128xf32, #tpu.memory_space<vmem>>, vector<2000x128xf32>
    %get3A_2 = arith.constant 0 : index
    %get3A_3 = arith.constant 0 : index
    %get3A_4 = vector.load %arg1[%get3A_2, %get3A_3] : memref<128x128xf32, #tpu.memory_space<vmem>>, vector<128x128xf32>
    %dot_general3A = arith.constant dense<0.000000e+00> : vector<2000x128xf32>
    %dot_general3A_5 = tpu.matmul %get3A_1, %get3A_4, %dot_general3A {dimension_numbers = #tpu.dot_dimension_numbers<[1], [1], [0], [0], [0, 0, 1, 0], [], []>, transpose_lhs_hint = false} : vector<2000x128xf32>, vector<128x128xf32>, vector<2000x128xf32> -> vector<2000x128xf32>
    %get3A_6 = arith.constant 0 : index
    %get3A_7 = arith.constant 0 : index
    %get3A_8 = vector.load %arg2[%get3A_6, %get3A_7] : memref<1x128xf32, #tpu.memory_space<vmem>>, vector<1x128xf32>
    %add3A = vector.broadcast %get3A_8 : vector<1x128xf32> to vector<2000x128xf32>
    %add3A_9 = arith.addf %dot_general3A_5, %add3A : vector<2000x128xf32>
    %jit3A = arith.constant -1.000000e+06 : f32
    %jit3A_10 = arith.constant 1.000000e+06 : f32
    %max3A = vector.broadcast %jit3A : f32 to vector<2000x128xf32>
    %max3A_11 = arith.maximumf %max3A, %add3A_9 : vector<2000x128xf32>
    %min3A = vector.broadcast %jit3A_10 : f32 to vector<2000x128xf32>
    %min3A_12 = arith.minimumf %min3A, %max3A_11 : vector<2000x128xf32>
    %swap3A = arith.constant 0 : index
    %swap3A_13 = arith.constant 0 : index
    %swap3A_14 = vector.load %arg3[%swap3A, %swap3A_13] : memref<2000x128xf32, #tpu.memory_space<vmem>>, vector<2000x128xf32>
    tpu.vector_store %arg3[%swap3A, %swap3A_13], %min3A_12 {strides = array<i32>} : memref<2000x128xf32, #tpu.memory_space<vmem>>, vector<2000x128xf32>,
    return
  }
}

</mosaic_0001>

<sc_bundles>
// kernel: kernel.5.cloned.1.call-start
scs
__scs_entry_jumppad:
0x0: {  	(pc) =	sbr.rel $0x88, $3  }
0x1: {  	(tag) =	ssettag $0x0;
	lr =	simm.s32 $0x1  }
0x2: {  	[smem:$0x3F9B] =	sst lr;
	_ =	strace $0xD0000000  }
0x3: {  	_ = 	snop  }
0x4: {  	_ = 	snop  }
0x5: {  	_ = 	snop  }
0x6: {  	_ = 	snop  }
0x7: {  	_ = 	snop  }
__scs_overlays_trampoline_lowered:
0x8: {  	[smem:$0x3FAA] =	sst s0  }
0x9: {  	[smem:$0x3FAB] =	sst s1  }
0xa: {  	[smem:$0x3FAC] =	sst s2  }
0xb: {  	[smem:$0x3FAD] =	sst s3  }
0xc: {  	[smem:$0x3FAE] =	sst s4  }
0xd: {  	[smem:$0x3FAF] =	sst s5  }
0xe: {  	[smem:$0x3FB0] =	sst s6  }
0xf: {  	[smem:$0x3FB1] =	sst s7  }
0x10: {  	[smem:$0x3FB2] =	sst s8  }
0x11: {  	[smem:$0x3FB3] =	sst s9;
	s0 =	simm.s32 @!p0 $0x0  }
0x12: {  	s1 =	sld [smem:$0x3F99];
	s0 =	simm.s32 @p0 $0x1  }
0x13: {  	[smem:$0x3FB4] =	sst s0;
	s0 =	simm.s32 @!p1 $0x0  }
0x14: {  	s2 =	sld [smem:$0x3F98];
	s0 =	simm.s32 @p1 $0x1  }
0x15: {  	[smem:$0x3FB5] =	sst s0;
	s0 =	simm.s32 @!p2 $0x0  }
0x16: {  	s3 =	sld [smem:$0x3FDB];
	s0 =	simm.s32 @p2 $0x1  }
0x17: {  	s4 =	simm.s32 $0x1BF5;
	[smem:$0x3FB7] =	sst s0  }
0x18: {  	s0 =	sld [smem:$0x3F9A];
	_ =	swait.ge [sflag:s4], $0x0  }
0x19: {  	s7 =	sld [smem:$0x3F9B]  }
0x1a: {  	s8 =	sadd.s32 $0xFFFFE003, lr  }
0x1b: {  	s9 =	sadd.s32 $0xFFFFFEF7, lr;
	s5 =	simm.s32 $0xFFFFFFFF;
	p2 =	slt.u32 s8, $0xFFFFF086  }
0x1c: {  	p1 =	slt.u32 s9, $0xF7A;
	s5 =	simm.s32 @!p2 $0x0  }
0x1d: {  	s5 =	simm.s32 @p1 $0x1;
	p0 =	seq.s32 s7, s2  }
0x1e: {  	s7 =	smul.u32 @!p0 $0xF7A, s2;
	p2 =	seq.s32 @!p0 s5, $0x0  }
0x1f: {  	s9 =	smul.u32 $0xF7A, s1;
	s8 =	simm.s32 @!p0 $0x1BF5;
	p2 =	por !p2, p0  }
0x20: {  	[sflag:s8] =	ssyncset.s32 @!p0 $0xFFFFF086;
	s6 =	sadd.s32 @!p0 s3, s7;
	s7 =	simm.s32 @!p0 $0x108  }
0x21: {  	s3 =	sadd.s32 s3, s9;
	s6 =	sadd.s32 @!p0 $0x88, s6;
	s7 =	simm.s32 @p2 $0x1082  }
0x22: {  	[simem:s7], [sflag:s8] =	dma.local @!p0 [hbm:s6], $0xF7A  }
0x23: {  	s9 =	sor.u32 $0xD0000000, s2;
	s6 =	simm.s32 $0x108;
	_ =	swait.ge @!p0 [sflag:s8], $0x0  }
0x24: {  	s3 =	sadd.s32 $0x88, s3;
	s6 =	simm.s32 @!p1 $0x1082;
	[sflag:s4] =	ssyncset.s32 $0xFFFFF086  }
0x25: {  	[simem:s6], [sflag:s4] =	dma.local [hbm:s3], $0xF7A  }
0x26: {  	[smem:$0x3F9B] =	sst s1;
	(tag) =	ssettag s2;
	_ =	strace s9  }
0x27: {  	s1 =	sld [smem:$0x3FAB]  }
0x28: {  	s2 =	sld [smem:$0x3FAC]  }
0x29: {  	s4 =	sld [smem:$0x3FAE]  }
0x2a: {  	p0 =	seq.s32 s5, $0x0;
	s5 =	sld [smem:$0x3FAF]  }
0x2b: {  	s6 =	sld [smem:$0x3FB0]  }
0x2c: {  	s7 =	sld [smem:$0x3FB1]  }
0x2d: {  	s3 =	simm.s32 $0x108;
	s8 =	sld [smem:$0x3FB2]  }
0x2e: {  	s3 =	simm.s32 @!p0 $0x1082;
	s9 =	sld [smem:$0x3FB3]  }
0x2f: {  	lr =	sadd.s32 s0, s3;
	s0 =	sld [smem:$0x3FAA]  }
0x30: {  	s3 =	sld [smem:$0x3FAD]  }
0x31: {  	[smem:$0x3FB6] =	sst s10  }
0x32: {  	s10 =	sld [smem:$0x3FB4];
	_ =	sdelay $0x3  }
0x33: {  	p0 =	seq.s32 s10, $0x1;
	s10 =	sld [smem:$0x3FB6];
	_ =	sdelay $0x3  }
0x34: {  	[smem:$0x3FB6] =	sst s10  }
0x35: {  	s10 =	sld [smem:$0x3FB5];
	_ =	sdelay $0x3  }
0x36: {  	p1 =	seq.s32 s10, $0x1;
	s10 =	sld [smem:$0x3FB6];
	_ =	sdelay $0x3  }
0x37: {  	[smem:$0x3FB6] =	sst s10  }
0x38: {  	s10 =	sld [smem:$0x3FB7]  }
0x39: {  	_ = 	snop;
	(pc) =	sbr.ind lr, $3  }
0x3a: {  	_ = 	snop  }
0x3b: {  	_ = 	snop  }
0x3c: {  	p2 =	seq.s32 s10, $0x1;
	s10 =	sld [smem:$0x3FB6]  }
0x3d: {  	_ =	shalt  }
0x3e: {  	_ =	shalt  }
0x3f: {  	_ =	shalt  }
0x40: {  	_ =	shalt  }
0x41: {  	_ =	shalt  }
0x42: {  	_ =	shalt  }
0x43: {  	_ =	shalt  }
0x44: {  	_ =	shalt  }
0x45: {  	_ =	shalt  }
0x46: {  	_ =	shalt  }
0x47: {  	_ =	shalt  }
0x48: {  	_ =	shalt  }
0x49: {  	_ =	shalt  }
0x4a: {  	_ =	shalt  }
0x4b: {  	_ =	shalt  }
0x4c: {  	_ =	shalt  }
0x4d: {  	_ =	shalt  }
0x4e: {  	_ =	shalt  }
0x4f: {  	_ =	shalt  }
0x50: {  	_ =	shalt  }
0x51: {  	_ =	shalt  }
0x52: {  	_ =	shalt  }
0x53: {  	_ =	shalt  }
0x54: {  	_ =	shalt  }
0x55: {  	_ =	shalt  }
0x56: {  	_ =	shalt  }
0x57: {  	_ =	shalt  }
0x58: {  	_ =	shalt  }
0x59: {  	_ =	shalt  }
0x5a: {  	_ =	shalt  }
0x5b: {  	_ =	shalt  }
0x5c: {  	_ =	shalt  }
0x5d: {  	_ =	shalt  }
0x5e: {  	_ =	shalt  }
0x5f: {  	_ =	shalt  }
0x60: {  	_ =	shalt  }
0x61: {  	_ =	shalt  }
0x62: {  	_ =	shalt  }
0x63: {  	_ =	shalt  }
0x64: {  	_ =	shalt  }
0x65: {  	_ =	shalt  }
0x66: {  	_ =	shalt  }
0x67: {  	_ =	shalt  }
0x68: {  	_ =	shalt  }
0x69: {  	_ =	shalt  }
0x6a: {  	_ =	shalt  }
0x6b: {  	_ =	shalt  }
0x6c: {  	_ =	shalt  }
0x6d: {  	_ =	shalt  }
0x6e: {  	_ =	shalt  }
0x6f: {  	_ =	shalt  }
0x70: {  	_ =	shalt  }
0x71: {  	_ =	shalt  }
0x72: {  	_ =	shalt  }
0x73: {  	_ =	shalt  }
0x74: {  	_ =	shalt  }
0x75: {  	_ =	shalt  }
0x76: {  	_ =	shalt  }
0x77: {  	_ =	shalt  }
0x78: {  	_ =	shalt  }
0x79: {  	_ =	shalt  }
0x7a: {  	_ =	shalt  }
0x7b: {  	_ =	shalt  }
0x7c: {  	_ =	shalt  }
0x7d: {  	_ =	shalt  }
0x7e: {  	_ =	shalt  }
0x7f: {  	_ =	shalt  }
0x80: {  	_ =	shalt  }
0x81: {  	_ =	shalt  }
0x82: {  	_ =	shalt  }
0x83: {  	_ =	shalt  }
0x84: {  	_ =	shalt  }
0x85: {  	_ =	shalt  }
0x86: {  	_ =	shalt  }
0x87: {  	_ =	shalt  }
.Lfunc_end0:
.L_simem_size_0:
called_computation_lowered:
.L_overlay_start_0:
0x88: {  	s2 =	sld [smem:$0x3FD9]  }
0x89: {  	s3 =	sld [smem:$0x3FFE];
	_ =	sdelay $0x1  }
0x8a: {  	s1 =	srdreg.scid  }
0x8b: {  	s0 =	sand.u32 $0x1, s1  }
0x8c: {  	s17 =	sshll.u32 s0, $0xA;
	s2 =	sadd.s32 s3, s2  }
0x8d: {  	s2 =	sadd.s32 s2, s17  }
0x8e: {  	[smem:$0x3FC2] =	sst s2  }
0x8f: {  	_ = 	snop  }
0x90: {  	s2 =	sld [smem:$0x3FD0];
	(tm) =	ssettm $0x1  }
0x91: {  	s18 =	sld [smem:$0x3FFB];
	_ =	sdelay $0x3  }
0x92: {  	_ =	strace s18  }
0x93: {  	s3 =	sld [smem:$0x3FFC];
	_ =	sdelay $0x3  }
0x94: {  	_ =	strace s3  }
0x95: {  	s3 =	sld [smem:$0x3FFD];
	_ =	sdelay $0x3  }
0x96: {  	_ =	strace s3  }
0x97: {  	_ =	strace $0x8FFFFFFF  }
0x98: {  	s19 =	sld [smem:$0x3FDB];
	_ =	sdelay $0x1  }
0x99: {  	s4 =	simm.s32 $_scs_section_size  }
0x9a: {  	s5 =	simm.s32 $_size__tile_overlayer_lowered;
	s6 =	simm.s32 $_tile_overlayer_lowered  }
0x9b: {  	s22 =	simm.s32 $0x1BFF;
	s21 =	sshll.u32 s6, $0x1;
	s3 =	sadd.s32 s4, s19  }
0x9c: {  	s7 =	simm.s32 $0x0;
	s20 =	sshll.u32 s5, $0x1;
	s5 =	sadd.s32 s21, s3  }
0x9d: {  	[timem:s7], [sflag:s22] =	dma.local [hbm:s5], s20  }
0x9e: {  	_ =	swait.ge [sflag:s22], s20  }
0x9f: {  	s4 =	ssub.s32 $0x0, s20;
	[sflag:s22] =	ssyncset.done $0x0  }
0xa0: {  	[sflag:s22] =	ssyncadd.s32 s4;
	_ =	sdelay $0x1  }
0xa1: {  	s23 =	simm.s32 $0x1B8B  }
0xa2: {  	_ =	swait.ge [sflag:s23], $0x1  }
0xa3: {  	[sflag:s23] =	ssyncset.done $0x0  }
0xa4: {  	s25 =	simm.s32 $0x1B8E;
	s24 =	sld [smem:$0x3FFE];
	[sflag:s23] =	ssyncadd.s32 $0xFFFFFFFF  }
0xa5: {  	s26 =	simm.s32 $execute0_lowered;
	[smem:$0x3FD2] =	sst s25  }
0xa6: {  	s5 =	sshll.u32 s26, $0x1;
	_ =	strace $0x80000046;
	[dreg:$0x1] =	wrdreg $0xFFFFFFFF  }
0xa7: {  	s28 =	simm.s32 $_size_execute0_lowered;
	s3 =	sadd.s32 s3, s5;
	[dreg:$0x0] =	wrdreg $0x0  }
0xa8: {  	s5 =	sshll.u32 s28, $0x1;
	[dreg:$0x2] =	wrdreg s3  }
0xa9: {  	[dreg:$0x3] =	wrdreg s5  }
0xaa: {  	[dreg:$0x4] =	wrdreg $0xC0  }
0xab: {  	_ =	task [dreg:s7], $0x5FFFF  }
0xac: {  	[dreg:$0x1] =	wrdreg $0xFFFFFFFF  }
0xad: {  	[dreg:$0x0] =	wrdreg $0x60  }
0xae: {  	[dreg:$0x2] =	wrdreg s24  }
0xaf: {  	[dreg:$0x3] =	wrdreg s2  }
0xb0: {  	[dreg:$0x4] =	wrdreg $0x0  }
0xb1: {  	[dreg:$0x5] =	wrdreg $0x9  }
0xb2: {  	_ =	task.clear_ibuf [dreg:s7], $0x6FFFF;
	_ =	strace $0x90000046  }
0xb3: {  	s29 =	simm.s32 $0x9;
	_ =	strace $0x80000048  }
0xb4: {  	_ =	swait.ge [sflag:s29], $0x1  }
0xb5: {  	[sflag:s29] =	ssyncadd.s32 $0xFFFFFFFF  }
0xb6: {  	_ =	strace $0x90000048  }
0xb7: {  	_ =	sfence  }
0xb8: {  	s30 =	sld [smem:$0x0];
	_ =	sdelay $0x2  }
0xb9: {  	s31 =	sshll.u32 s1, $0xD;
	s1 =	sshrl.u32 s1, $0x2  }
0xba: {  	s3 =	sand.u32 $0x4000, s31;
	s1 =	sadd.s32 s1, s30  }
0xbb: {  	s0 =	sor.u32 s3, s0;
	s1 =	sshll.u32 s1, $0x11  }
0xbc: {  	s0 =	sor.u32 s1, s0  }
0xbd: {  	s0 =	sadd.s32 $0x8F2B, s0  }
0xbe: {  	[sflag:s0] =	ssyncadd.remote.s32 $0x1  }
0xbf: {  	_ =	sfence.sel $0xFFFF  }
0xc0: {  	[dreg:$0x0] =	wrdreg $0xFFFFFFFF;
	(pc) =	sbr.abs _section_cstart, $3  }
0xc1: {  	[dreg:$0x1] =	wrdreg $0xFFFFFFFF  }
0xc2: {  	_ =	task.clear_ibuf [dreg:s7], $0x2FFFF;
	_ =	strace $0x9FFFFFFF  }
0xc3: {  	(tm) =	ssettm $0x7FFFFFFF  }
tec
execute0_lowered:
.L_overlay_start_1:
0x0: {  	(tag) =	ssettag $0x1  }
0x1: {  	s0 =	rddreg [dreg:$0x0]  }
0x2: {  	s2 =	rddreg [dreg:$0x1]  }
0x3: {  	s1 =	rddreg [dreg:$0x2]  }
0x4: {  	s3 =	simm.s32 $0x0;
	s4 =	srdreg.scid;
	s13 =	stileid.u32  }
0x5: {  	s28 =	simm.s32 $0x5;
	s29 =	simm.s32 $0x80;
	s30 =	simm.s32 $0x13C00  }
0x6: {  	[smem:$0x7FF] =	sst s3;
	s5 =	sand.u32 $0x1, s4;
	s7 =	smul.u32 $0x13C00, s13  }
0x7: {  	s4 =	sadd.s32 $0x1200, s0;
	s8 =	sadd.s32 $0x13000, s0;
	s25 =	smul.u32 $0x4F000, s13  }
0x8: {  	s10 =	sadd.s32 $0x9000, s0;
	s12 =	sadd.s32 $0x1D000, s0;
	s6 =	smul.u32 $0x13C000, s5  }
0x9: {  	_ =	strace $0x80000047;
	s9 =	sshll.u32 s5, $0x4;
	s20 =	ssub.s32 $0x2, s5  }
0xa: {  	[dreg:$0x7] =	wrdreg s12;
	s5 =	smul.u32 $0x5000, s5;
	s19 =	sor.u32 s13, s9  }
0xb: {  	s21 =	sshrl.u32 s20, $0x1;
	s12 =	sshrl.u32 s25, $0x2;
	s11 =	smul.u32 $0x500, s19  }
0xc: {  	s6 =	sadd.s32 s7, s6;
	s7 =	smul.u32 $0x2800, s19;
	s15 =	sadd.s32 s12, s1  }
0xd: {  	s6 =	sshrl.u32 s6, $0x3;
	[dreg:$0xe] =	wrdreg s15;
	s15 =	simm.s32 $0x6  }
0xe: {  	s0 =	sadd.s32 s6, s0;
	s6 =	ssub.s32 s20, s21;
	s22 =	sadd.s32 s8, s11  }
0xf: {  	s23 =	sadd.s32 s10, s11;
	s24 =	sor.u32 $0x80, s11;
	[dreg:$0x8] =	wrdreg s22  }
0x10: {  	s11 =	sadd.s32 s2, s11;
	s7 =	sshrl.u32 s7, $0x3;
	[dreg:$0x9] =	wrdreg s23  }
0x11: {  	s20 =	smul.u32 $0x500, s13;
	[dreg:$0xa] =	wrdreg s11;
	s26 =	sadd.s32 s8, s24  }
0x12: {  	s13 =	simm.s32 $0x4;
	s31 =	sadd.s32 s10, s24;
	[dreg:$0xb] =	wrdreg s26  }
0x13: {  	s14 =	sadd.s32 $0x100, s7;
	s9 =	sadd.s32 s2, s24;
	[dreg:$0xc] =	wrdreg s31  }
0x14: {  	s7 =	sadd.s32 $0x480, s7;
	s0 =	sadd.s32 $0x1F800, s0;
	[dreg:$0xd] =	wrdreg s9  }
0x15: {  	s22 =	sadd.s32 s5, s8;
	s16 =	sadd.s32 s8, s14;
	[dreg:$0x15] =	wrdreg s0  }
0x16: {  	s24 =	sadd.s32 s5, s10;
	s17 =	sadd.s32 s10, s14;
	[dreg:$0xf] =	wrdreg s16  }
0x17: {  	s18 =	sadd.s32 s2, s14;
	s19 =	sadd.s32 s8, s7;
	[dreg:$0x10] =	wrdreg s17  }
0x18: {  	s21 =	sadd.s32 s10, s7;
	s7 =	sadd.s32 s2, s7;
	[dreg:$0x11] =	wrdreg s18  }
0x19: {  	s23 =	sadd.s32 s20, s22;
	s25 =	sadd.s32 s20, s24;
	[dreg:$0x12] =	wrdreg s19  }
0x1a: {  	s2 =	sadd.s32 s5, s2;
	s26 =	smax.u32 s6, $0x1;
	[dreg:$0x13] =	wrdreg s21  }
0x1b: {  	s22 =	simm.s32 $0x1C400;
	s24 =	simm.s32 $0x1C000;
	[dreg:$0x14] =	wrdreg s7  }
0x1c: {  	s10 =	simm.s32 $0x7;
	s0 =	simm.s32 $0x1;
	[dreg:$0x4] =	wrdreg s23  }
0x1d: {  	s5 =	simm.s32 $0x17C00;
	s6 =	simm.s32 $0x2;
	[dreg:$0x16] =	wrdreg s26  }
0x1e: {  	s9 =	simm.s32 $0x3;
	[dreg:$0x5] =	wrdreg s25;
	s31 =	sadd.s32 s20, s2  }
0x1f: {  	s21 =	simm.s32 $0x1BC00;
	s23 =	simm.s32 $0x1CC00;
	s25 =	simm.s32 $0x1C800  }
0x20: {  	s26 =	simm.s32 $0x1D000;
	s2 =	simm.s32 $0x0;
	[dreg:$0x6] =	wrdreg s31  }
.LBB2_1:
0x21: {  	[dreg:$0x17] =	wrdreg s2  }
0x22: {  	s8 =	rddreg [dreg:$0x8]  }
0x23: {  	[tilespmem:s21], [sflag:$0x5] =	stream.linear.gather [hbm4b:s8+s3], $0x400, $0x38;
	[tilespmem:$0x1D400] =	vst v63  }
0x24: {  	s20 =	rddreg [dreg:$0x9]  }
0x25: {  	[tilespmem:s22], [sflag:$0x5] =	stream.linear.gather [hbm4b:s20+s3], $0x400, $0x38;
	[tilespmem:$0x1D400] =	vst v63  }
0x26: {  	s2 =	rddreg [dreg:$0xa]  }
0x27: {  	[tilespmem:s23], [sflag:$0x5] =	stream.linear.gather [hbm4b:s2+s3], $0x400, $0x38;
	[tilespmem:$0x1D400] =	vst v63  }
0x28: {  	s7 =	rddreg [dreg:$0xb]  }
0x29: {  	[tilespmem:s24], [sflag:$0x6] =	stream.linear.gather [hbm4b:s7+s3], $0x400, $0x38;
	[tilespmem:$0x1D400] =	vst v63  }
0x2a: {  	s11 =	rddreg [dreg:$0xc]  }
0x2b: {  	[tilespmem:s25], [sflag:$0x6] =	stream.linear.gather [hbm4b:s11+s3], $0x400, $0x38;
	[tilespmem:$0x1D400] =	vst v63  }
0x2c: {  	s12 =	rddreg [dreg:$0xd]  }
0x2d: {  	[tilespmem:s26], [sflag:$0x6] =	stream.linear.gather [hbm4b:s12+s3], $0x400, $0x38;
	[tilespmem:$0x1D400] =	vst v63  }
0x2e: {  	_ =	swait.ge [sflag:s28], $0x400  }
0x2f: {  	[sflag:s28] =	ssyncset.done $0x0  }
0x30: {  	[sflag:s28] =	ssyncadd.s32 $0xFFFFFC00  }
0x31: {  	s14 =	stileid.u32;
	_ =	swait.ge [sflag:s28], $0x400  }
0x32: {  	s8 =	sshll.u32 s14, $0x6;
	[sflag:s28] =	ssyncset.done $0x0  }
0x33: {  	s16 =	sor.u32 $0x1C07, s8;
	[sflag:s28] =	ssyncadd.s32 $0xFFFFFC00  }
0x34: {  	_ =	swait.ge [sflag:s28], $0x400;
	[dreg:$0x18] =	wrdreg s16  }
0x35: {  	[sflag:s28] =	ssyncset.done $0x0;
	s17 =	rddreg [dreg:$0xe]  }
0x36: {  	s18 =	rddreg [dreg:$0x7];
	[sflag:s28] =	ssyncadd.s32 $0xFFFFFC00;
	s7 =	sshrl.u32 s17, $0x3  }
0x37: {  	[tilespmem:s30], [sflag:$0x1] =	stream.indirect.gather [hbm4b:s4+s29], $0x80, s21, s29, $0xb8;
	[tilespmem:$0x1D400] =	vst v63  }
0x38: {  	[dreg:$0x19] =	wrdreg s7  }
0x39: {  	[spmem:s7], [sflag:s16] =	dma.local [hbm:s18], $0x2780  }
0x3a: {  	_ =	swait.ge [sflag:s10], $0x2780  }
0x3b: {  	[sflag:s10] =	ssyncset.done $0x0  }
0x3c: {  	[sflag:s10] =	ssyncadd.s32 $0xFFFFD880  }
0x3d: {  	[bflag:$0x0] =	sbarrier.arrive $0xFFFF  }
0x3e: {  	_ =	swait.ge [sflag:s0], $0x4000  }
0x3f: {  	[sflag:s0] =	ssyncset.done $0x0  }
0x40: {  	[sflag:s0] =	ssyncadd.s32 $0xFFFFC000  }
0x41: {  	[spmem:s1] =	stream.indirect.scatter.add.f32 [tilespmem:s30], [sflag:$0x3], $0x80, s22, s29, $0xb8;
	[tilespmem:$0x1D400] =	vst v63  }
0x42: {  	_ = 	snop  }
0x43: {  	[spmem:s1] =	stream.indirect.scatter.add.f32 [tilespmem:s30], [sflag:$0x3], $0x80, s23, s29, $0xb8;
	[tilespmem:$0x1D400] =	vst v63  }
0x44: {  	s14 =	simm.s32 $0x1BC80  }
0x45: {  	[tilespmem:s5], [sflag:$0x2] =	stream.indirect.gather [hbm4b:s4+s29], $0x80, s14, s29, $0xb8;
	[tilespmem:$0x1D400] =	vst v63  }
0x46: {  	_ =	swait.ge [sflag:s6], $0x4000  }
0x47: {  	[sflag:s6] =	ssyncset.done $0x0  }
0x48: {  	s16 =	simm.s32 $0x1C480;
	[sflag:s6] =	ssyncadd.s32 $0xFFFFC000  }
0x49: {  	[spmem:s1] =	stream.indirect.scatter.add.f32 [tilespmem:s5], [sflag:$0x4], $0x80, s16, s29, $0xb8;
	[tilespmem:$0x1D400] =	vst v63  }
0x4a: {  	s7 =	simm.s32 $0x1CC80  }
0x4b: {  	[spmem:s1] =	stream.indirect.scatter.add.f32 [tilespmem:s5], [sflag:$0x4], $0x80, s7, s29, $0xb8;
	[tilespmem:$0x1D400] =	vst v63  }
0x4c: {  	_ =	swait.ge [sflag:s9], $0x4000  }
0x4d: {  	[sflag:s9] =	ssyncset.done $0x0  }
0x4e: {  	[sflag:s9] =	ssyncadd.s32 $0xFFFFC000  }
0x4f: {  	_ =	swait.ge [sflag:s9], $0x4000  }
0x50: {  	[sflag:s9] =	ssyncset.done $0x0  }
0x51: {  	s19 =	simm.s32 $0x1BD00;
	[sflag:s9] =	ssyncadd.s32 $0xFFFFC000  }
0x52: {  	[tilespmem:s30], [sflag:$0x1] =	stream.indirect.gather [hbm4b:s4+s29], $0x80, s19, s29, $0xb8;
	[tilespmem:$0x1D400] =	vst v63  }
0x53: {  	_ =	swait.ge [sflag:s0], $0x4000  }
0x54: {  	[sflag:s0] =	ssyncset.done $0x0  }
0x55: {  	s20 =	simm.s32 $0x1C500;
	[sflag:s0] =	ssyncadd.s32 $0xFFFFC000  }
0x56: {  	[spmem:s1] =	stream.indirect.scatter.add.f32 [tilespmem:s30], [sflag:$0x3], $0x80, s20, s29, $0xb8;
	[tilespmem:$0x1D400] =	vst v63  }
0x57: {  	s8 =	simm.s32 $0x1CD00  }
0x58: {  	[spmem:s1] =	stream.indirect.scatter.add.f32 [tilespmem:s30], [sflag:$0x3], $0x80, s8, s29, $0xb8;
	[tilespmem:$0x1D400] =	vst v63  }
0x59: {  	_ =	swait.ge [sflag:s13], $0x4000  }
0x5a: {  	[sflag:s13] =	ssyncset.done $0x0  }
0x5b: {  	[sflag:s13] =	ssyncadd.s32 $0xFFFFC000  }
0x5c: {  	_ =	swait.ge [sflag:s13], $0x4000  }
0x5d: {  	[sflag:s13] =	ssyncset.done $0x0  }
0x5e: {  	s10 =	simm.s32 $0x1BD80;
	[sflag:s13] =	ssyncadd.s32 $0xFFFFC000  }
0x5f: {  	[tilespmem:s5], [sflag:$0x2] =	stream.indirect.gather [hbm4b:s4+s29], $0x80, s10, s29, $0xb8;
	[tilespmem:$0x1D400] =	vst v63  }
0x60: {  	_ =	swait.ge [sflag:s6], $0x4000  }
0x61: {  	[sflag:s6] =	ssyncset.done $0x0  }
0x62: {  	s11 =	simm.s32 $0x1C580;
	[sflag:s6] =	ssyncadd.s32 $0xFFFFC000  }
0x63: {  	[spmem:s1] =	stream.indirect.scatter.add.f32 [tilespmem:s5], [sflag:$0x4], $0x80, s11, s29, $0xb8;
	[tilespmem:$0x1D400] =	vst v63  }
0x64: {  	s12 =	simm.s32 $0x1CD80  }
0x65: {  	[spmem:s1] =	stream.indirect.scatter.add.f32 [tilespmem:s5], [sflag:$0x4], $0x80, s12, s29, $0xb8;
	[tilespmem:$0x1D400] =	vst v63  }
0x66: {  	_ =	swait.ge [sflag:s9], $0x4000  }
0x67: {  	[sflag:s9] =	ssyncset.done $0x0  }
0x68: {  	[sflag:s9] =	ssyncadd.s32 $0xFFFFC000  }
0x69: {  	_ =	swait.ge [sflag:s9], $0x4000  }
0x6a: {  	[sflag:s9] =	ssyncset.done $0x0  }
0x6b: {  	s17 =	simm.s32 $0x1BE00;
	[sflag:s9] =	ssyncadd.s32 $0xFFFFC000  }
0x6c: {  	[tilespmem:s30], [sflag:$0x1] =	stream.indirect.gather [hbm4b:s4+s29], $0x80, s17, s29, $0xb8;
	[tilespmem:$0x1D400] =	vst v63  }
0x6d: {  	_ =	swait.ge [sflag:s0], $0x4000  }
0x6e: {  	[sflag:s0] =	ssyncset.done $0x0  }
0x6f: {  	s18 =	simm.s32 $0x1C600;
	[sflag:s0] =	ssyncadd.s32 $0xFFFFC000  }
0x70: {  	[spmem:s1] =	stream.indirect.scatter.add.f32 [tilespmem:s30], [sflag:$0x3], $0x80, s18, s29, $0xb8;
	[tilespmem:$0x1D400] =	vst v63  }
0x71: {  	s19 =	simm.s32 $0x1CE00  }
0x72: {  	[spmem:s1] =	stream.indirect.scatter.add.f32 [tilespmem:s30], [sflag:$0x3], $0x80, s19, s29, $0xb8;
	[tilespmem:$0x1D400] =	vst v63  }
0x73: {  	_ =	swait.ge [sflag:s13], $0x4000  }
0x74: {  	[sflag:s13] =	ssyncset.done $0x0  }
0x75: {  	[sflag:s13] =	ssyncadd.s32 $0xFFFFC000  }
0x76: {  	_ =	swait.ge [sflag:s13], $0x4000  }
0x77: {  	[sflag:s13] =	ssyncset.done $0x0  }
0x78: {  	s20 =	simm.s32 $0x1BE80;
	[sflag:s13] =	ssyncadd.s32 $0xFFFFC000  }
0x79: {  	[tilespmem:s5], [sflag:$0x2] =	stream.indirect.gather [hbm4b:s4+s29], $0x80, s20, s29, $0xb8;
	[tilespmem:$0x1D400] =	vst v63  }
0x7a: {  	_ =	swait.ge [sflag:s6], $0x4000  }
0x7b: {  	[sflag:s6] =	ssyncset.done $0x0  }
0x7c: {  	s8 =	simm.s32 $0x1C680;
	[sflag:s6] =	ssyncadd.s32 $0xFFFFC000  }
0x7d: {  	[spmem:s1] =	stream.indirect.scatter.add.f32 [tilespmem:s5], [sflag:$0x4], $0x80, s8, s29, $0xb8;
	[tilespmem:$0x1D400] =	vst v63  }
0x7e: {  	s10 =	simm.s32 $0x1CE80  }
0x7f: {  	[spmem:s1] =	stream.indirect.scatter.add.f32 [tilespmem:s5], [sflag:$0x4], $0x80, s10, s29, $0xb8;
	[tilespmem:$0x1D400] =	vst v63  }
0x80: {  	_ =	swait.ge [sflag:s9], $0x4000  }
0x81: {  	[sflag:s9] =	ssyncset.done $0x0  }
0x82: {  	[sflag:s9] =	ssyncadd.s32 $0xFFFFC000  }
0x83: {  	_ =	swait.ge [sflag:s9], $0x4000  }
0x84: {  	[sflag:s9] =	ssyncset.done $0x0  }
0x85: {  	s11 =	simm.s32 $0x1BF00;
	[sflag:s9] =	ssyncadd.s32 $0xFFFFC000  }
0x86: {  	[tilespmem:s30], [sflag:$0x1] =	stream.indirect.gather [hbm4b:s4+s29], $0x80, s11, s29, $0xb8;
	[tilespmem:$0x1D400] =	vst v63  }
0x87: {  	_ =	swait.ge [sflag:s0], $0x4000  }
0x88: {  	[sflag:s0] =	ssyncset.done $0x0  }
0x89: {  	s12 =	simm.s32 $0x1C700;
	[sflag:s0] =	ssyncadd.s32 $0xFFFFC000  }
0x8a: {  	[spmem:s1] =	stream.indirect.scatter.add.f32 [tilespmem:s30], [sflag:$0x3], $0x80, s12, s29, $0xb8;
	[tilespmem:$0x1D400] =	vst v63  }
0x8b: {  	s17 =	simm.s32 $0x1CF00  }
0x8c: {  	[spmem:s1] =	stream.indirect.scatter.add.f32 [tilespmem:s30], [sflag:$0x3], $0x80, s17, s29, $0xb8;
	[tilespmem:$0x1D400] =	vst v63  }
0x8d: {  	_ =	swait.ge [sflag:s13], $0x4000  }
0x8e: {  	[sflag:s13] =	ssyncset.done $0x0  }
0x8f: {  	[sflag:s13] =	ssyncadd.s32 $0xFFFFC000  }
0x90: {  	_ =	swait.ge [sflag:s13], $0x4000  }
0x91: {  	[sflag:s13] =	ssyncset.done $0x0  }
0x92: {  	s18 =	simm.s32 $0x1BF80;
	[sflag:s13] =	ssyncadd.s32 $0xFFFFC000  }
0x93: {  	[tilespmem:s5], [sflag:$0x2] =	stream.indirect.gather [hbm4b:s4+s29], $0x80, s18, s29, $0xb8;
	[tilespmem:$0x1D400] =	vst v63  }
0x94: {  	_ =	swait.ge [sflag:s6], $0x4000  }
0x95: {  	[sflag:s6] =	ssyncset.done $0x0  }
0x96: {  	s19 =	simm.s32 $0x1C780;
	[sflag:s6] =	ssyncadd.s32 $0xFFFFC000  }
0x97: {  	[spmem:s1] =	stream.indirect.scatter.add.f32 [tilespmem:s5], [sflag:$0x4], $0x80, s19, s29, $0xb8;
	[tilespmem:$0x1D400] =	vst v63  }
0x98: {  	s20 =	simm.s32 $0x1CF80  }
0x99: {  	[spmem:s1] =	stream.indirect.scatter.add.f32 [tilespmem:s5], [sflag:$0x4], $0x80, s20, s29, $0xb8;
	[tilespmem:$0x1D400] =	vst v63  }
0x9a: {  	_ =	swait.ge [sflag:s9], $0x4000  }
0x9b: {  	[sflag:s9] =	ssyncset.done $0x0  }
0x9c: {  	[sflag:s9] =	ssyncadd.s32 $0xFFFFC000  }
0x9d: {  	_ =	swait.ge [sflag:s9], $0x4000  }
0x9e: {  	[sflag:s9] =	ssyncset.done $0x0  }
0x9f: {  	[sflag:s9] =	ssyncadd.s32 $0xFFFFC000  }
0xa0: {  	_ =	swait.ge [sflag:s15], $0x400  }
0xa1: {  	[sflag:s15] =	ssyncset.done $0x0  }
0xa2: {  	[sflag:s15] =	ssyncadd.s32 $0xFFFFFC00  }
0xa3: {  	_ =	swait.ge [sflag:s15], $0x400  }
0xa4: {  	[sflag:s15] =	ssyncset.done $0x0  }
0xa5: {  	[sflag:s15] =	ssyncadd.s32 $0xFFFFFC00  }
0xa6: {  	_ =	swait.ge [sflag:s15], $0x400  }
0xa7: {  	[sflag:s15] =	ssyncset.done $0x0  }
0xa8: {  	[sflag:s15] =	ssyncadd.s32 $0xFFFFFC00  }
0xa9: {  	[tilespmem:s30], [sflag:$0x1] =	stream.indirect.gather [hbm4b:s4+s29], $0x80, s24, s29, $0xb8;
	[tilespmem:$0x1D400] =	vst v63  }
0xaa: {  	_ =	swait.ge [sflag:s0], $0x4000  }
0xab: {  	[sflag:s0] =	ssyncset.done $0x0  }
0xac: {  	[sflag:s0] =	ssyncadd.s32 $0xFFFFC000  }
0xad: {  	[spmem:s1] =	stream.indirect.scatter.add.f32 [tilespmem:s30], [sflag:$0x3], $0x80, s25, s29, $0xb8;
	[tilespmem:$0x1D400] =	vst v63  }
0xae: {  	_ = 	snop  }
0xaf: {  	[spmem:s1] =	stream.indirect.scatter.add.f32 [tilespmem:s30], [sflag:$0x3], $0x80, s26, s29, $0xb8;
	[tilespmem:$0x1D400] =	vst v63  }
0xb0: {  	_ =	swait.ge [sflag:s13], $0x4000  }
0xb1: {  	[sflag:s13] =	ssyncset.done $0x0  }
0xb2: {  	[sflag:s13] =	ssyncadd.s32 $0xFFFFC000  }
0xb3: {  	_ =	swait.ge [sflag:s13], $0x4000  }
0xb4: {  	[sflag:s13] =	ssyncset.done $0x0  }
0xb5: {  	s2 =	rddreg [dreg:$0xf];
	[sflag:s13] =	ssyncadd.s32 $0xFFFFC000  }
0xb6: {  	[tilespmem:s21], [sflag:$0x5] =	stream.linear.gather [hbm4b:s2+s3], $0x400, $0x38;
	[tilespmem:$0x1D400] =	vst v63  }
0xb7: {  	s10 =	rddreg [dreg:$0x10]  }
0xb8: {  	[tilespmem:s22], [sflag:$0x5] =	stream.linear.gather [hbm4b:s10+s3], $0x400, $0x38;
	[tilespmem:$0x1D400] =	vst v63  }
0xb9: {  	s11 =	rddreg [dreg:$0x11]  }
0xba: {  	[tilespmem:s23], [sflag:$0x5] =	stream.linear.gather [hbm4b:s11+s3], $0x400, $0x38;
	[tilespmem:$0x1D400] =	vst v63  }
0xbb: {  	s17 =	simm.s32 $0x1C080  }
0xbc: {  	[tilespmem:s5], [sflag:$0x2] =	stream.indirect.gather [hbm4b:s4+s29], $0x80, s17, s29, $0xb8;
	[tilespmem:$0x1D400] =	vst v63  }
0xbd: {  	_ =	swait.ge [sflag:s6], $0x4000  }
0xbe: {  	[sflag:s6] =	ssyncset.done $0x0  }
0xbf: {  	s18 =	simm.s32 $0x1C880;
	[sflag:s6] =	ssyncadd.s32 $0xFFFFC000  }
0xc0: {  	[spmem:s1] =	stream.indirect.scatter.add.f32 [tilespmem:s5], [sflag:$0x4], $0x80, s18, s29, $0xb8;
	[tilespmem:$0x1D400] =	vst v63  }
0xc1: {  	s19 =	simm.s32 $0x1D080  }
0xc2: {  	[spmem:s1] =	stream.indirect.scatter.add.f32 [tilespmem:s5], [sflag:$0x4], $0x80, s19, s29, $0xb8;
	[tilespmem:$0x1D400] =	vst v63  }
0xc3: {  	_ =	swait.ge [sflag:s9], $0x4000  }
0xc4: {  	[sflag:s9] =	ssyncset.done $0x0  }
0xc5: {  	[sflag:s9] =	ssyncadd.s32 $0xFFFFC000  }
0xc6: {  	_ =	swait.ge [sflag:s9], $0x4000  }
0xc7: {  	[sflag:s9] =	ssyncset.done $0x0  }
0xc8: {  	s20 =	simm.s32 $0x1C100;
	[sflag:s9] =	ssyncadd.s32 $0xFFFFC000  }
0xc9: {  	[tilespmem:s30], [sflag:$0x1] =	stream.indirect.gather [hbm4b:s4+s29], $0x80, s20, s29, $0xb8;
	[tilespmem:$0x1D400] =	vst v63  }
0xca: {  	_ =	swait.ge [sflag:s0], $0x4000  }
0xcb: {  	[sflag:s0] =	ssyncset.done $0x0  }
0xcc: {  	s31 =	simm.s32 $0x1C900;
	[sflag:s0] =	ssyncadd.s32 $0xFFFFC000  }
0xcd: {  	[spmem:s1] =	stream.indirect.scatter.add.f32 [tilespmem:s30], [sflag:$0x3], $0x80, s31, s29, $0xb8;
	[tilespmem:$0x1D400] =	vst v63  }
0xce: {  	s12 =	simm.s32 $0x1D100  }
0xcf: {  	[spmem:s1] =	stream.indirect.scatter.add.f32 [tilespmem:s30], [sflag:$0x3], $0x80, s12, s29, $0xb8;
	[tilespmem:$0x1D400] =	vst v63  }
0xd0: {  	_ =	swait.ge [sflag:s13], $0x4000  }
0xd1: {  	[sflag:s13] =	ssyncset.done $0x0  }
0xd2: {  	[sflag:s13] =	ssyncadd.s32 $0xFFFFC000  }
0xd3: {  	_ =	swait.ge [sflag:s13], $0x4000  }
0xd4: {  	[sflag:s13] =	ssyncset.done $0x0  }
0xd5: {  	s8 =	simm.s32 $0x1C180;
	[sflag:s13] =	ssyncadd.s32 $0xFFFFC000  }
0xd6: {  	[tilespmem:s5], [sflag:$0x2] =	stream.indirect.gather [hbm4b:s4+s29], $0x80, s8, s29, $0xb8;
	[tilespmem:$0x1D400] =	vst v63  }
0xd7: {  	_ =	swait.ge [sflag:s6], $0x4000  }
0xd8: {  	[sflag:s6] =	ssyncset.done $0x0  }
0xd9: {  	s10 =	simm.s32 $0x1C980;
	[sflag:s6] =	ssyncadd.s32 $0xFFFFC000  }
0xda: {  	[spmem:s1] =	stream.indirect.scatter.add.f32 [tilespmem:s5], [sflag:$0x4], $0x80, s10, s29, $0xb8;
	[tilespmem:$0x1D400] =	vst v63  }
0xdb: {  	s11 =	simm.s32 $0x1D180  }
0xdc: {  	[spmem:s1] =	stream.indirect.scatter.add.f32 [tilespmem:s5], [sflag:$0x4], $0x80, s11, s29, $0xb8;
	[tilespmem:$0x1D400] =	vst v63  }
0xdd: {  	_ =	swait.ge [sflag:s9], $0x4000  }
0xde: {  	[sflag:s9] =	ssyncset.done $0x0  }
0xdf: {  	[sflag:s9] =	ssyncadd.s32 $0xFFFFC000  }
0xe0: {  	_ =	swait.ge [sflag:s9], $0x4000  }
0xe1: {  	[sflag:s9] =	ssyncset.done $0x0  }
0xe2: {  	s12 =	simm.s32 $0x1C200;
	[sflag:s9] =	ssyncadd.s32 $0xFFFFC000  }
0xe3: {  	[tilespmem:s30], [sflag:$0x1] =	stream.indirect.gather [hbm4b:s4+s29], $0x80, s12, s29, $0xb8;
	[tilespmem:$0x1D400] =	vst v63  }
0xe4: {  	_ =	swait.ge [sflag:s0], $0x4000  }
0xe5: {  	[sflag:s0] =	ssyncset.done $0x0  }
0xe6: {  	s8 =	simm.s32 $0x1CA00;
	[sflag:s0] =	ssyncadd.s32 $0xFFFFC000  }
0xe7: {  	[spmem:s1] =	stream.indirect.scatter.add.f32 [tilespmem:s30], [sflag:$0x3], $0x80, s8, s29, $0xb8;
	[tilespmem:$0x1D400] =	vst v63  }
0xe8: {  	s10 =	simm.s32 $0x1D200  }
0xe9: {  	[spmem:s1] =	stream.indirect.scatter.add.f32 [tilespmem:s30], [sflag:$0x3], $0x80, s10, s29, $0xb8;
	[tilespmem:$0x1D400] =	vst v63  }
0xea: {  	_ =	swait.ge [sflag:s13], $0x4000  }
0xeb: {  	[sflag:s13] =	ssyncset.done $0x0  }
0xec: {  	[sflag:s13] =	ssyncadd.s32 $0xFFFFC000  }
0xed: {  	_ =	swait.ge [sflag:s13], $0x4000  }
0xee: {  	[sflag:s13] =	ssyncset.done $0x0  }
0xef: {  	s11 =	simm.s32 $0x1C280;
	[sflag:s13] =	ssyncadd.s32 $0xFFFFC000  }
0xf0: {  	[tilespmem:s5], [sflag:$0x2] =	stream.indirect.gather [hbm4b:s4+s29], $0x80, s11, s29, $0xb8;
	[tilespmem:$0x1D400] =	vst v63  }
0xf1: {  	_ =	swait.ge [sflag:s6], $0x4000  }
0xf2: {  	[sflag:s6] =	ssyncset.done $0x0  }
0xf3: {  	s12 =	simm.s32 $0x1CA80;
	[sflag:s6] =	ssyncadd.s32 $0xFFFFC000  }
0xf4: {  	[spmem:s1] =	stream.indirect.scatter.add.f32 [tilespmem:s5], [sflag:$0x4], $0x80, s12, s29, $0xb8;
	[tilespmem:$0x1D400] =	vst v63  }
0xf5: {  	s8 =	simm.s32 $0x1D280  }
0xf6: {  	[spmem:s1] =	stream.indirect.scatter.add.f32 [tilespmem:s5], [sflag:$0x4], $0x80, s8, s29, $0xb8;
	[tilespmem:$0x1D400] =	vst v63  }
0xf7: {  	_ =	swait.ge [sflag:s9], $0x4000  }
0xf8: {  	[sflag:s9] =	ssyncset.done $0x0  }
0xf9: {  	[sflag:s9] =	ssyncadd.s32 $0xFFFFC000  }
0xfa: {  	_ =	swait.ge [sflag:s9], $0x4000  }
0xfb: {  	[sflag:s9] =	ssyncset.done $0x0  }
0xfc: {  	s10 =	simm.s32 $0x1C300;
	[sflag:s9] =	ssyncadd.s32 $0xFFFFC000  }
0xfd: {  	[tilespmem:s30], [sflag:$0x1] =	stream.indirect.gather [hbm4b:s4+s29], $0x80, s10, s29, $0xb8;
	[tilespmem:$0x1D400] =	vst v63  }
0xfe: {  	_ =	swait.ge [sflag:s0], $0x4000  }
0xff: {  	[sflag:s0] =	ssyncset.done $0x0  }
0x100: {  	s11 =	simm.s32 $0x1CB00;
	[sflag:s0] =	ssyncadd.s32 $0xFFFFC000  }
0x101: {  	[spmem:s1] =	stream.indirect.scatter.add.f32 [tilespmem:s30], [sflag:$0x3], $0x80, s11, s29, $0xb8;
	[tilespmem:$0x1D400] =	vst v63  }
0x102: {  	s12 =	simm.s32 $0x1D300  }
0x103: {  	[spmem:s1] =	stream.indirect.scatter.add.f32 [tilespmem:s30], [sflag:$0x3], $0x80, s12, s29, $0xb8;
	[tilespmem:$0x1D400] =	vst v63  }
0x104: {  	_ =	swait.ge [sflag:s13], $0x4000  }
0x105: {  	[sflag:s13] =	ssyncset.done $0x0  }
0x106: {  	[sflag:s13] =	ssyncadd.s32 $0xFFFFC000  }
0x107: {  	_ =	swait.ge [sflag:s13], $0x4000  }
0x108: {  	[sflag:s13] =	ssyncset.done $0x0  }
0x109: {  	s8 =	simm.s32 $0x1C380;
	[sflag:s13] =	ssyncadd.s32 $0xFFFFC000  }
0x10a: {  	[tilespmem:s5], [sflag:$0x2] =	stream.indirect.gather [hbm4b:s4+s29], $0x80, s8, s29, $0xb8;
	[tilespmem:$0x1D400] =	vst v63  }
0x10b: {  	_ =	swait.ge [sflag:s6], $0x4000  }
0x10c: {  	[sflag:s6] =	ssyncset.done $0x0  }
0x10d: {  	s10 =	simm.s32 $0x1CB80;
	[sflag:s6] =	ssyncadd.s32 $0xFFFFC000  }
0x10e: {  	[spmem:s1] =	stream.indirect.scatter.add.f32 [tilespmem:s5], [sflag:$0x4], $0x80, s10, s29, $0xb8;
	[tilespmem:$0x1D400] =	vst v63  }
0x10f: {  	s11 =	simm.s32 $0x1D380  }
0x110: {  	[spmem:s1] =	stream.indirect.scatter.add.f32 [tilespmem:s5], [sflag:$0x4], $0x80, s11, s29, $0xb8;
	[tilespmem:$0x1D400] =	vst v63  }
0x111: {  	_ =	swait.ge [sflag:s9], $0x4000  }
0x112: {  	[sflag:s9] =	ssyncset.done $0x0  }
0x113: {  	[sflag:s9] =	ssyncadd.s32 $0xFFFFC000  }
0x114: {  	_ =	swait.ge [sflag:s9], $0x4000  }
0x115: {  	[sflag:s9] =	ssyncset.done $0x0  }
0x116: {  	[sflag:s9] =	ssyncadd.s32 $0xFFFFC000  }
0x117: {  	_ =	swait.ge [sflag:s28], $0x400  }
0x118: {  	[sflag:s28] =	ssyncset.done $0x0  }
0x119: {  	[sflag:s28] =	ssyncadd.s32 $0xFFFFFC00  }
0x11a: {  	_ =	swait.ge [sflag:s28], $0x400  }
0x11b: {  	[sflag:s28] =	ssyncset.done $0x0  }
0x11c: {  	[sflag:s28] =	ssyncadd.s32 $0xFFFFFC00  }
0x11d: {  	_ =	swait.ge [sflag:s28], $0x400  }
0x11e: {  	[sflag:s28] =	ssyncset.done $0x0  }
0x11f: {  	[sflag:s28] =	ssyncadd.s32 $0xFFFFFC00  }
0x120: {  	[tilespmem:s30], [sflag:$0x1] =	stream.indirect.gather [hbm4b:s4+s29], $0x80, s21, s29, $0xb8;
	[tilespmem:$0x1D400] =	vst v63  }
0x121: {  	_ =	swait.ge [sflag:s0], $0x4000  }
0x122: {  	[sflag:s0] =	ssyncset.done $0x0  }
0x123: {  	[sflag:s0] =	ssyncadd.s32 $0xFFFFC000  }
0x124: {  	[spmem:s1] =	stream.indirect.scatter.add.f32 [tilespmem:s30], [sflag:$0x3], $0x80, s22, s29, $0xb8;
	[tilespmem:$0x1D400] =	vst v63  }
0x125: {  	_ = 	snop  }
0x126: {  	[spmem:s1] =	stream.indirect.scatter.add.f32 [tilespmem:s30], [sflag:$0x3], $0x80, s23, s29, $0xb8;
	[tilespmem:$0x1D400] =	vst v63  }
0x127: {  	_ =	swait.ge [sflag:s13], $0x4000  }
0x128: {  	[sflag:s13] =	ssyncset.done $0x0  }
0x129: {  	[sflag:s13] =	ssyncadd.s32 $0xFFFFC000  }
0x12a: {  	_ =	swait.ge [sflag:s13], $0x4000  }
0x12b: {  	s12 =	rddreg [dreg:$0x4]  }
0x12c: {  	s2 =	rddreg [dreg:$0x5]  }
0x12d: {  	[sflag:s13] =	ssyncset.done $0x0;
	s11 =	rddreg [dreg:$0x6];
	s8 =	sadd.s32 $0x0, s12  }
0x12e: {  	[sflag:s13] =	ssyncadd.s32 $0xFFFFC000;
	s10 =	sadd.s32 $0x0, s2;
	s12 =	sadd.s32 $0x180, s8  }
0x12f: {  	[tilespmem:s24], [sflag:$0x6] =	stream.linear.gather [hbm4b:s12+s3], $0x400, $0x38;
	[tilespmem:$0x1D400] =	vst v63  }
0x130: {  	s11 =	sadd.s32 $0x0, s11;
	s2 =	sadd.s32 $0x180, s10  }
0x131: {  	[tilespmem:s25], [sflag:$0x6] =	stream.linear.gather [hbm4b:s2+s3], $0x400, $0x38;
	[tilespmem:$0x1D400] =	vst v63  }
0x132: {  	s2 =	sadd.s32 $0x180, s11  }
0x133: {  	[tilespmem:s26], [sflag:$0x6] =	stream.linear.gather [hbm4b:s2+s3], $0x400, $0x38;
	[tilespmem:$0x1D400] =	vst v63  }
0x134: {  	_ = 	snop  }
0x135: {  	[tilespmem:s5], [sflag:$0x2] =	stream.indirect.gather [hbm4b:s4+s29], $0x80, s14, s29, $0xb8;
	[tilespmem:$0x1D400] =	vst v63  }
0x136: {  	_ =	swait.ge [sflag:s6], $0x4000  }
0x137: {  	[sflag:s6] =	ssyncset.done $0x0  }
0x138: {  	[sflag:s6] =	ssyncadd.s32 $0xFFFFC000  }
0x139: {  	[spmem:s1] =	stream.indirect.scatter.add.f32 [tilespmem:s5], [sflag:$0x4], $0x80, s16, s29, $0xb8;
	[tilespmem:$0x1D400] =	vst v63  }
0x13a: {  	_ = 	snop  }
0x13b: {  	[spmem:s1] =	stream.indirect.scatter.add.f32 [tilespmem:s5], [sflag:$0x4], $0x80, s7, s29, $0xb8;
	[tilespmem:$0x1D400] =	vst v63  }
0x13c: {  	_ =	swait.ge [sflag:s9], $0x4000  }
0x13d: {  	[sflag:s9] =	ssyncset.done $0x0  }
0x13e: {  	[sflag:s9] =	ssyncadd.s32 $0xFFFFC000  }
0x13f: {  	_ =	swait.ge [sflag:s9], $0x4000  }
0x140: {  	[sflag:s9] =	ssyncset.done $0x0  }
0x141: {  	s12 =	simm.s32 $0x1BD00;
	[sflag:s9] =	ssyncadd.s32 $0xFFFFC000  }
0x142: {  	[tilespmem:s30], [sflag:$0x1] =	stream.indirect.gather [hbm4b:s4+s29], $0x80, s12, s29, $0xb8;
	[tilespmem:$0x1D400] =	vst v63  }
0x143: {  	_ =	swait.ge [sflag:s0], $0x4000  }
0x144: {  	[sflag:s0] =	ssyncset.done $0x0  }
0x145: {  	s14 =	simm.s32 $0x1C500;
	[sflag:s0] =	ssyncadd.s32 $0xFFFFC000  }
0x146: {  	[spmem:s1] =	stream.indirect.scatter.add.f32 [tilespmem:s30], [sflag:$0x3], $0x80, s14, s29, $0xb8;
	[tilespmem:$0x1D400] =	vst v63  }
0x147: {  	s16 =	simm.s32 $0x1CD00  }
0x148: {  	[spmem:s1] =	stream.indirect.scatter.add.f32 [tilespmem:s30], [sflag:$0x3], $0x80, s16, s29, $0xb8;
	[tilespmem:$0x1D400] =	vst v63  }
0x149: {  	_ =	swait.ge [sflag:s13], $0x4000  }
0x14a: {  	[sflag:s13] =	ssyncset.done $0x0  }
0x14b: {  	[sflag:s13] =	ssyncadd.s32 $0xFFFFC000  }
0x14c: {  	_ =	swait.ge [sflag:s13], $0x4000  }
0x14d: {  	[sflag:s13] =	ssyncset.done $0x0  }
0x14e: {  	s12 =	simm.s32 $0x1BD80;
	[sflag:s13] =	ssyncadd.s32 $0xFFFFC000  }
0x14f: {  	[tilespmem:s5], [sflag:$0x2] =	stream.indirect.gather [hbm4b:s4+s29], $0x80, s12, s29, $0xb8;
	[tilespmem:$0x1D400] =	vst v63  }
0x150: {  	_ =	swait.ge [sflag:s6], $0x4000  }
0x151: {  	[sflag:s6] =	ssyncset.done $0x0  }
0x152: {  	s14 =	simm.s32 $0x1C580;
	[sflag:s6] =	ssyncadd.s32 $0xFFFFC000  }
0x153: {  	[spmem:s1] =	stream.indirect.scatter.add.f32 [tilespmem:s5], [sflag:$0x4], $0x80, s14, s29, $0xb8;
	[tilespmem:$0x1D400] =	vst v63  }
0x154: {  	s16 =	simm.s32 $0x1CD80  }
0x155: {  	[spmem:s1] =	stream.indirect.scatter.add.f32 [tilespmem:s5], [sflag:$0x4], $0x80, s16, s29, $0xb8;
	[tilespmem:$0x1D400] =	vst v63  }
0x156: {  	_ =	swait.ge [sflag:s9], $0x4000  }
0x157: {  	[sflag:s9] =	ssyncset.done $0x0  }
0x158: {  	[sflag:s9] =	ssyncadd.s32 $0xFFFFC000  }
0x159: {  	_ =	swait.ge [sflag:s9], $0x4000  }
0x15a: {  	[sflag:s9] =	ssyncset.done $0x0  }
0x15b: {  	s12 =	simm.s32 $0x1BE00;
	[sflag:s9] =	ssyncadd.s32 $0xFFFFC000  }
0x15c: {  	[tilespmem:s30], [sflag:$0x1] =	stream.indirect.gather [hbm4b:s4+s29], $0x80, s12, s29, $0xb8;
	[tilespmem:$0x1D400] =	vst v63  }
0x15d: {  	_ =	swait.ge [sflag:s0], $0x4000  }
0x15e: {  	[sflag:s0] =	ssyncset.done $0x0  }
0x15f: {  	s14 =	simm.s32 $0x1C600;
	[sflag:s0] =	ssyncadd.s32 $0xFFFFC000  }
0x160: {  	[spmem:s1] =	stream.indirect.scatter.add.f32 [tilespmem:s30], [sflag:$0x3], $0x80, s14, s29, $0xb8;
	[tilespmem:$0x1D400] =	vst v63  }
0x161: {  	s16 =	simm.s32 $0x1CE00  }
0x162: {  	[spmem:s1] =	stream.indirect.scatter.add.f32 [tilespmem:s30], [sflag:$0x3], $0x80, s16, s29, $0xb8;
	[tilespmem:$0x1D400] =	vst v63  }
0x163: {  	_ =	swait.ge [sflag:s13], $0x4000  }
0x164: {  	[sflag:s13] =	ssyncset.done $0x0  }
0x165: {  	[sflag:s13] =	ssyncadd.s32 $0xFFFFC000  }
0x166: {  	_ =	swait.ge [sflag:s13], $0x4000  }
0x167: {  	[sflag:s13] =	ssyncset.done $0x0  }
0x168: {  	s12 =	simm.s32 $0x1BE80;
	[sflag:s13] =	ssyncadd.s32 $0xFFFFC000  }
0x169: {  	[tilespmem:s5], [sflag:$0x2] =	stream.indirect.gather [hbm4b:s4+s29], $0x80, s12, s29, $0xb8;
	[tilespmem:$0x1D400] =	vst v63  }
0x16a: {  	_ =	swait.ge [sflag:s6], $0x4000  }
0x16b: {  	[sflag:s6] =	ssyncset.done $0x0  }
0x16c: {  	s14 =	simm.s32 $0x1C680;
	[sflag:s6] =	ssyncadd.s32 $0xFFFFC000  }
0x16d: {  	[spmem:s1] =	stream.indirect.scatter.add.f32 [tilespmem:s5], [sflag:$0x4], $0x80, s14, s29, $0xb8;
	[tilespmem:$0x1D400] =	vst v63  }
0x16e: {  	s16 =	simm.s32 $0x1CE80  }
0x16f: {  	[spmem:s1] =	stream.indirect.scatter.add.f32 [tilespmem:s5], [sflag:$0x4], $0x80, s16, s29, $0xb8;
	[tilespmem:$0x1D400] =	vst v63  }
0x170: {  	_ =	swait.ge [sflag:s9], $0x4000  }
0x171: {  	[sflag:s9] =	ssyncset.done $0x0  }
0x172: {  	[sflag:s9] =	ssyncadd.s32 $0xFFFFC000  }
0x173: {  	_ =	swait.ge [sflag:s9], $0x4000  }
0x174: {  	[sflag:s9] =	ssyncset.done $0x0  }
0x175: {  	s12 =	simm.s32 $0x1BF00;
	[sflag:s9] =	ssyncadd.s32 $0xFFFFC000  }
0x176: {  	[tilespmem:s30], [sflag:$0x1] =	stream.indirect.gather [hbm4b:s4+s29], $0x80, s12, s29, $0xb8;
	[tilespmem:$0x1D400] =	vst v63  }
0x177: {  	_ =	swait.ge [sflag:s0], $0x4000  }
0x178: {  	[sflag:s0] =	ssyncset.done $0x0  }
0x179: {  	s14 =	simm.s32 $0x1C700;
	[sflag:s0] =	ssyncadd.s32 $0xFFFFC000  }
0x17a: {  	[spmem:s1] =	stream.indirect.scatter.add.f32 [tilespmem:s30], [sflag:$0x3], $0x80, s14, s29, $0xb8;
	[tilespmem:$0x1D400] =	vst v63  }
0x17b: {  	s16 =	simm.s32 $0x1CF00  }
0x17c: {  	[spmem:s1] =	stream.indirect.scatter.add.f32 [tilespmem:s30], [sflag:$0x3], $0x80, s16, s29, $0xb8;
	[tilespmem:$0x1D400] =	vst v63  }
0x17d: {  	_ =	swait.ge [sflag:s13], $0x4000  }
0x17e: {  	[sflag:s13] =	ssyncset.done $0x0  }
0x17f: {  	[sflag:s13] =	ssyncadd.s32 $0xFFFFC000  }
0x180: {  	_ =	swait.ge [sflag:s13], $0x4000  }
0x181: {  	[sflag:s13] =	ssyncset.done $0x0  }
0x182: {  	s12 =	simm.s32 $0x1BF80;
	[sflag:s13] =	ssyncadd.s32 $0xFFFFC000  }
0x183: {  	[tilespmem:s5], [sflag:$0x2] =	stream.indirect.gather [hbm4b:s4+s29], $0x80, s12, s29, $0xb8;
	[tilespmem:$0x1D400] =	vst v63  }
0x184: {  	_ =	swait.ge [sflag:s6], $0x4000  }
0x185: {  	[sflag:s6] =	ssyncset.done $0x0  }
0x186: {  	s14 =	simm.s32 $0x1C780;
	[sflag:s6] =	ssyncadd.s32 $0xFFFFC000  }
0x187: {  	[spmem:s1] =	stream.indirect.scatter.add.f32 [tilespmem:s5], [sflag:$0x4], $0x80, s14, s29, $0xb8;
	[tilespmem:$0x1D400] =	vst v63  }
0x188: {  	s16 =	simm.s32 $0x1CF80  }
0x189: {  	[spmem:s1] =	stream.indirect.scatter.add.f32 [tilespmem:s5], [sflag:$0x4], $0x80, s16, s29, $0xb8;
	[tilespmem:$0x1D400] =	vst v63  }
0x18a: {  	_ =	swait.ge [sflag:s9], $0x4000  }
0x18b: {  	[sflag:s9] =	ssyncset.done $0x0  }
0x18c: {  	[sflag:s9] =	ssyncadd.s32 $0xFFFFC000  }
0x18d: {  	_ =	swait.ge [sflag:s9], $0x4000  }
0x18e: {  	[sflag:s9] =	ssyncset.done $0x0  }
0x18f: {  	[sflag:s9] =	ssyncadd.s32 $0xFFFFC000  }
0x190: {  	_ =	swait.ge [sflag:s15], $0x400  }
0x191: {  	[sflag:s15] =	ssyncset.done $0x0  }
0x192: {  	[sflag:s15] =	ssyncadd.s32 $0xFFFFFC00  }
0x193: {  	_ =	swait.ge [sflag:s15], $0x400  }
0x194: {  	[sflag:s15] =	ssyncset.done $0x0  }
0x195: {  	[sflag:s15] =	ssyncadd.s32 $0xFFFFFC00  }
0x196: {  	_ =	swait.ge [sflag:s15], $0x400  }
0x197: {  	[sflag:s15] =	ssyncset.done $0x0  }
0x198: {  	[sflag:s15] =	ssyncadd.s32 $0xFFFFFC00  }
0x199: {  	[tilespmem:s30], [sflag:$0x1] =	stream.indirect.gather [hbm4b:s4+s29], $0x80, s24, s29, $0xb8;
	[tilespmem:$0x1D400] =	vst v63  }
0x19a: {  	_ =	swait.ge [sflag:s0], $0x4000  }
0x19b: {  	[sflag:s0] =	ssyncset.done $0x0  }
0x19c: {  	[sflag:s0] =	ssyncadd.s32 $0xFFFFC000  }
0x19d: {  	[spmem:s1] =	stream.indirect.scatter.add.f32 [tilespmem:s30], [sflag:$0x3], $0x80, s25, s29, $0xb8;
	[tilespmem:$0x1D400] =	vst v63  }
0x19e: {  	_ = 	snop  }
0x19f: {  	[spmem:s1] =	stream.indirect.scatter.add.f32 [tilespmem:s30], [sflag:$0x3], $0x80, s26, s29, $0xb8;
	[tilespmem:$0x1D400] =	vst v63  }
0x1a0: {  	_ =	swait.ge [sflag:s13], $0x4000  }
0x1a1: {  	[sflag:s13] =	ssyncset.done $0x0  }
0x1a2: {  	[sflag:s13] =	ssyncadd.s32 $0xFFFFC000  }
0x1a3: {  	_ =	swait.ge [sflag:s13], $0x4000  }
0x1a4: {  	[sflag:s13] =	ssyncset.done $0x0  }
0x1a5: {  	s8 =	sadd.s32 $0x200, s8;
	[sflag:s13] =	ssyncadd.s32 $0xFFFFC000  }
0x1a6: {  	[tilespmem:s21], [sflag:$0x5] =	stream.linear.gather [hbm4b:s8+s3], $0x400, $0x38;
	[tilespmem:$0x1D400] =	vst v63  }
0x1a7: {  	s12 =	sadd.s32 $0x200, s10  }
0x1a8: {  	[tilespmem:s22], [sflag:$0x5] =	stream.linear.gather [hbm4b:s12+s3], $0x400, $0x38;
	[tilespmem:$0x1D400] =	vst v63  }
0x1a9: {  	s14 =	sadd.s32 $0x200, s11  }
0x1aa: {  	[tilespmem:s23], [sflag:$0x5] =	stream.linear.gather [hbm4b:s14+s3], $0x400, $0x38;
	[tilespmem:$0x1D400] =	vst v63  }
0x1ab: {  	_ = 	snop  }
0x1ac: {  	[tilespmem:s5], [sflag:$0x2] =	stream.indirect.gather [hbm4b:s4+s29], $0x80, s17, s29, $0xb8;
	[tilespmem:$0x1D400] =	vst v63  }
0x1ad: {  	_ =	swait.ge [sflag:s6], $0x4000  }
0x1ae: {  	[sflag:s6] =	ssyncset.done $0x0  }
0x1af: {  	[sflag:s6] =	ssyncadd.s32 $0xFFFFC000  }
0x1b0: {  	[spmem:s1] =	stream.indirect.scatter.add.f32 [tilespmem:s5], [sflag:$0x4], $0x80, s18, s29, $0xb8;
	[tilespmem:$0x1D400] =	vst v63  }
0x1b1: {  	_ = 	snop  }
0x1b2: {  	[spmem:s1] =	stream.indirect.scatter.add.f32 [tilespmem:s5], [sflag:$0x4], $0x80, s19, s29, $0xb8;
	[tilespmem:$0x1D400] =	vst v63  }
0x1b3: {  	_ =	swait.ge [sflag:s9], $0x4000  }
0x1b4: {  	[sflag:s9] =	ssyncset.done $0x0  }
0x1b5: {  	[sflag:s9] =	ssyncadd.s32 $0xFFFFC000  }
0x1b6: {  	_ =	swait.ge [sflag:s9], $0x4000  }
0x1b7: {  	[sflag:s9] =	ssyncset.done $0x0  }
0x1b8: {  	[sflag:s9] =	ssyncadd.s32 $0xFFFFC000  }
0x1b9: {  	[tilespmem:s30], [sflag:$0x1] =	stream.indirect.gather [hbm4b:s4+s29], $0x80, s20, s29, $0xb8;
	[tilespmem:$0x1D400] =	vst v63  }
0x1ba: {  	_ =	swait.ge [sflag:s0], $0x4000  }
0x1bb: {  	[sflag:s0] =	ssyncset.done $0x0  }
0x1bc: {  	[sflag:s0] =	ssyncadd.s32 $0xFFFFC000  }
0x1bd: {  	[spmem:s1] =	stream.indirect.scatter.add.f32 [tilespmem:s30], [sflag:$0x3], $0x80, s31, s29, $0xb8;
	[tilespmem:$0x1D400] =	vst v63  }
0x1be: {  	s16 =	simm.s32 $0x1D100  }
0x1bf: {  	[spmem:s1] =	stream.indirect.scatter.add.f32 [tilespmem:s30], [sflag:$0x3], $0x80, s16, s29, $0xb8;
	[tilespmem:$0x1D400] =	vst v63  }
0x1c0: {  	_ =	swait.ge [sflag:s13], $0x4000  }
0x1c1: {  	[sflag:s13] =	ssyncset.done $0x0  }
0x1c2: {  	[sflag:s13] =	ssyncadd.s32 $0xFFFFC000  }
0x1c3: {  	_ =	swait.ge [sflag:s13], $0x4000  }
0x1c4: {  	[sflag:s13] =	ssyncset.done $0x0  }
0x1c5: {  	s10 =	simm.s32 $0x1C180;
	[sflag:s13] =	ssyncadd.s32 $0xFFFFC000  }
0x1c6: {  	[tilespmem:s5], [sflag:$0x2] =	stream.indirect.gather [hbm4b:s4+s29], $0x80, s10, s29, $0xb8;
	[tilespmem:$0x1D400] =	vst v63  }
0x1c7: {  	_ =	swait.ge [sflag:s6], $0x4000  }
0x1c8: {  	[sflag:s6] =	ssyncset.done $0x0  }
0x1c9: {  	s11 =	simm.s32 $0x1C980;
	[sflag:s6] =	ssyncadd.s32 $0xFFFFC000  }
0x1ca: {  	[spmem:s1] =	stream.indirect.scatter.add.f32 [tilespmem:s5], [sflag:$0x4], $0x80, s11, s29, $0xb8;
	[tilespmem:$0x1D400] =	vst v63  }
0x1cb: {  	s12 =	simm.s32 $0x1D180  }
0x1cc: {  	[spmem:s1] =	stream.indirect.scatter.add.f32 [tilespmem:s5], [sflag:$0x4], $0x80, s12, s29, $0xb8;
	[tilespmem:$0x1D400] =	vst v63  }
0x1cd: {  	_ =	swait.ge [sflag:s9], $0x4000  }
0x1ce: {  	[sflag:s9] =	ssyncset.done $0x0  }
0x1cf: {  	[sflag:s9] =	ssyncadd.s32 $0xFFFFC000  }
0x1d0: {  	_ =	swait.ge [sflag:s9], $0x4000  }
0x1d1: {  	[sflag:s9] =	ssyncset.done $0x0  }
0x1d2: {  	s14 =	simm.s32 $0x1C200;
	[sflag:s9] =	ssyncadd.s32 $0xFFFFC000  }
0x1d3: {  	[tilespmem:s30], [sflag:$0x1] =	stream.indirect.gather [hbm4b:s4+s29], $0x80, s14, s29, $0xb8;
	[tilespmem:$0x1D400] =	vst v63  }
0x1d4: {  	_ =	swait.ge [sflag:s0], $0x4000  }
0x1d5: {  	[sflag:s0] =	ssyncset.done $0x0  }
0x1d6: {  	s16 =	simm.s32 $0x1CA00;
	[sflag:s0] =	ssyncadd.s32 $0xFFFFC000  }
0x1d7: {  	[spmem:s1] =	stream.indirect.scatter.add.f32 [tilespmem:s30], [sflag:$0x3], $0x80, s16, s29, $0xb8;
	[tilespmem:$0x1D400] =	vst v63  }
0x1d8: {  	s10 =	simm.s32 $0x1D200  }
0x1d9: {  	[spmem:s1] =	stream.indirect.scatter.add.f32 [tilespmem:s30], [sflag:$0x3], $0x80, s10, s29, $0xb8;
	[tilespmem:$0x1D400] =	vst v63  }
0x1da: {  	_ =	swait.ge [sflag:s13], $0x4000  }
0x1db: {  	[sflag:s13] =	ssyncset.done $0x0  }
0x1dc: {  	[sflag:s13] =	ssyncadd.s32 $0xFFFFC000  }
0x1dd: {  	_ =	swait.ge [sflag:s13], $0x4000  }
0x1de: {  	[sflag:s13] =	ssyncset.done $0x0  }
0x1df: {  	s11 =	simm.s32 $0x1C280;
	[sflag:s13] =	ssyncadd.s32 $0xFFFFC000  }
0x1e0: {  	[tilespmem:s5], [sflag:$0x2] =	stream.indirect.gather [hbm4b:s4+s29], $0x80, s11, s29, $0xb8;
	[tilespmem:$0x1D400] =	vst v63  }
0x1e1: {  	_ =	swait.ge [sflag:s6], $0x4000  }
0x1e2: {  	[sflag:s6] =	ssyncset.done $0x0  }
0x1e3: {  	s12 =	simm.s32 $0x1CA80;
	[sflag:s6] =	ssyncadd.s32 $0xFFFFC000  }
0x1e4: {  	[spmem:s1] =	stream.indirect.scatter.add.f32 [tilespmem:s5], [sflag:$0x4], $0x80, s12, s29, $0xb8;
	[tilespmem:$0x1D400] =	vst v63  }
0x1e5: {  	s14 =	simm.s32 $0x1D280  }
0x1e6: {  	[spmem:s1] =	stream.indirect.scatter.add.f32 [tilespmem:s5], [sflag:$0x4], $0x80, s14, s29, $0xb8;
	[tilespmem:$0x1D400] =	vst v63  }
0x1e7: {  	_ =	swait.ge [sflag:s9], $0x4000  }
0x1e8: {  	[sflag:s9] =	ssyncset.done $0x0  }
0x1e9: {  	[sflag:s9] =	ssyncadd.s32 $0xFFFFC000  }
0x1ea: {  	_ =	swait.ge [sflag:s9], $0x4000  }
0x1eb: {  	[sflag:s9] =	ssyncset.done $0x0  }
0x1ec: {  	s16 =	simm.s32 $0x1C300;
	[sflag:s9] =	ssyncadd.s32 $0xFFFFC000  }
0x1ed: {  	[tilespmem:s30], [sflag:$0x1] =	stream.indirect.gather [hbm4b:s4+s29], $0x80, s16, s29, $0xb8;
	[tilespmem:$0x1D400] =	vst v63  }
0x1ee: {  	_ =	swait.ge [sflag:s0], $0x4000  }
0x1ef: {  	[sflag:s0] =	ssyncset.done $0x0  }
0x1f0: {  	s10 =	simm.s32 $0x1CB00;
	[sflag:s0] =	ssyncadd.s32 $0xFFFFC000  }
0x1f1: {  	[spmem:s1] =	stream.indirect.scatter.add.f32 [tilespmem:s30], [sflag:$0x3], $0x80, s10, s29, $0xb8;
	[tilespmem:$0x1D400] =	vst v63  }
0x1f2: {  	s11 =	simm.s32 $0x1D300  }
0x1f3: {  	[spmem:s1] =	stream.indirect.scatter.add.f32 [tilespmem:s30], [sflag:$0x3], $0x80, s11, s29, $0xb8;
	[tilespmem:$0x1D400] =	vst v63  }
0x1f4: {  	_ =	swait.ge [sflag:s13], $0x4000  }
0x1f5: {  	[sflag:s13] =	ssyncset.done $0x0  }
0x1f6: {  	[sflag:s13] =	ssyncadd.s32 $0xFFFFC000  }
0x1f7: {  	_ =	swait.ge [sflag:s13], $0x4000  }
0x1f8: {  	[sflag:s13] =	ssyncset.done $0x0  }
0x1f9: {  	s12 =	simm.s32 $0x1C380;
	[sflag:s13] =	ssyncadd.s32 $0xFFFFC000  }
0x1fa: {  	[tilespmem:s5], [sflag:$0x2] =	stream.indirect.gather [hbm4b:s4+s29], $0x80, s12, s29, $0xb8;
	[tilespmem:$0x1D400] =	vst v63  }
0x1fb: {  	_ =	swait.ge [sflag:s6], $0x4000  }
0x1fc: {  	[sflag:s6] =	ssyncset.done $0x0  }
0x1fd: {  	s14 =	simm.s32 $0x1CB80;
	[sflag:s6] =	ssyncadd.s32 $0xFFFFC000  }
0x1fe: {  	[spmem:s1] =	stream.indirect.scatter.add.f32 [tilespmem:s5], [sflag:$0x4], $0x80, s14, s29, $0xb8;
	[tilespmem:$0x1D400] =	vst v63  }
0x1ff: {  	s16 =	simm.s32 $0x1D380  }
0x200: {  	[spmem:s1] =	stream.indirect.scatter.add.f32 [tilespmem:s5], [sflag:$0x4], $0x80, s16, s29, $0xb8;
	[tilespmem:$0x1D400] =	vst v63  }
0x201: {  	_ =	swait.ge [sflag:s9], $0x4000  }
0x202: {  	[sflag:s9] =	ssyncset.done $0x0  }
0x203: {  	[sflag:s9] =	ssyncadd.s32 $0xFFFFC000  }
0x204: {  	_ =	swait.ge [sflag:s9], $0x4000  }
0x205: {  	[sflag:s9] =	ssyncset.done $0x0  }
0x206: {  	[sflag:s9] =	ssyncadd.s32 $0xFFFFC000  }
0x207: {  	_ =	swait.ge [sflag:s28], $0x400  }
0x208: {  	[sflag:s28] =	ssyncset.done $0x0  }
0x209: {  	[sflag:s28] =	ssyncadd.s32 $0xFFFFFC00  }
0x20a: {  	_ =	swait.ge [sflag:s28], $0x400  }
0x20b: {  	s2 =	simm.s32 $0x1CD00;
	s7 =	simm.s32 $0x1C080;
	[sflag:s28] =	ssyncset.done $0x0  }
0x20c: {  	s8 =	simm.s32 $0x100;
	s17 =	simm.s32 $0x1C880;
	[sflag:s28] =	ssyncadd.s32 $0xFFFFFC00  }
0x20d: {  	s18 =	simm.s32 $0x1D080;
	s19 =	simm.s32 $0x1C100;
	_ =	swait.ge [sflag:s28], $0x400  }
0x20e: {  	s20 =	simm.s32 $0x1C900;
	s31 =	simm.s32 $0x1D100;
	[sflag:s28] =	ssyncset.done $0x0  }
.LBB2_2:
0x20f: {  	[sflag:s28] =	ssyncadd.s32 $0xFFFFFC00  }
0x210: {  	[tilespmem:s30], [sflag:$0x1] =	stream.indirect.gather [hbm4b:s4+s29], $0x80, s21, s29, $0xb8;
	[tilespmem:$0x1D400] =	vst v63  }
0x211: {  	_ =	swait.ge [sflag:s0], $0x4000  }
0x212: {  	[sflag:s0] =	ssyncset.done $0x0  }
0x213: {  	[sflag:s0] =	ssyncadd.s32 $0xFFFFC000  }
0x214: {  	[spmem:s1] =	stream.indirect.scatter.add.f32 [tilespmem:s30], [sflag:$0x3], $0x80, s22, s29, $0xb8;
	[tilespmem:$0x1D400] =	vst v63  }
0x215: {  	_ = 	snop  }
0x216: {  	[spmem:s1] =	stream.indirect.scatter.add.f32 [tilespmem:s30], [sflag:$0x3], $0x80, s23, s29, $0xb8;
	[tilespmem:$0x1D400] =	vst v63  }
0x217: {  	_ =	swait.ge [sflag:s13], $0x4000  }
0x218: {  	[sflag:s13] =	ssyncset.done $0x0  }
0x219: {  	[sflag:s13] =	ssyncadd.s32 $0xFFFFC000  }
0x21a: {  	_ =	swait.ge [sflag:s13], $0x4000  }
0x21b: {  	s10 =	rddreg [dreg:$0x4]  }
0x21c: {  	s12 =	smov.u32 s8;
	s11 =	rddreg [dreg:$0x5]  }
0x21d: {  	[sflag:s13] =	ssyncset.done $0x0;
	s14 =	rddreg [dreg:$0x6];
	s10 =	sadd.s32 s12, s10  }
0x21e: {  	[sflag:s13] =	ssyncadd.s32 $0xFFFFC000;
	s11 =	sadd.s32 s12, s11;
	s16 =	sadd.s32 $0x180, s10  }
0x21f: {  	[tilespmem:s24], [sflag:$0x6] =	stream.linear.gather [hbm4b:s16+s3], $0x400, $0x38;
	[tilespmem:$0x1D400] =	vst v63  }
0x220: {  	s12 =	sadd.s32 s12, s14;
	s16 =	sadd.s32 $0x180, s11  }
0x221: {  	[tilespmem:s25], [sflag:$0x6] =	stream.linear.gather [hbm4b:s16+s3], $0x400, $0x38;
	[tilespmem:$0x1D400] =	vst v63  }
0x222: {  	s14 =	sadd.s32 $0x180, s12  }
0x223: {  	[tilespmem:s26], [sflag:$0x6] =	stream.linear.gather [hbm4b:s14+s3], $0x400, $0x38;
	[tilespmem:$0x1D400] =	vst v63  }
0x224: {  	s16 =	simm.s32 $0x1BC80  }
0x225: {  	[tilespmem:s5], [sflag:$0x2] =	stream.indirect.gather [hbm4b:s4+s29], $0x80, s16, s29, $0xb8;
	[tilespmem:$0x1D400] =	vst v63  }
0x226: {  	_ =	swait.ge [sflag:s6], $0x4000  }
0x227: {  	[sflag:s6] =	ssyncset.done $0x0  }
0x228: {  	s16 =	simm.s32 $0x1C480;
	[sflag:s6] =	ssyncadd.s32 $0xFFFFC000  }
0x229: {  	[spmem:s1] =	stream.indirect.scatter.add.f32 [tilespmem:s5], [sflag:$0x4], $0x80, s16, s29, $0xb8;
	[tilespmem:$0x1D400] =	vst v63  }
0x22a: {  	s16 =	simm.s32 $0x1CC80  }
0x22b: {  	[spmem:s1] =	stream.indirect.scatter.add.f32 [tilespmem:s5], [sflag:$0x4], $0x80, s16, s29, $0xb8;
	[tilespmem:$0x1D400] =	vst v63  }
0x22c: {  	_ =	swait.ge [sflag:s9], $0x4000  }
0x22d: {  	[sflag:s9] =	ssyncset.done $0x0  }
0x22e: {  	[sflag:s9] =	ssyncadd.s32 $0xFFFFC000  }
0x22f: {  	_ =	swait.ge [sflag:s9], $0x4000  }
0x230: {  	[sflag:s9] =	ssyncset.done $0x0  }
0x231: {  	s16 =	simm.s32 $0x1BD00;
	[sflag:s9] =	ssyncadd.s32 $0xFFFFC000  }
0x232: {  	[tilespmem:s30], [sflag:$0x1] =	stream.indirect.gather [hbm4b:s4+s29], $0x80, s16, s29, $0xb8;
	[tilespmem:$0x1D400] =	vst v63  }
0x233: {  	_ =	swait.ge [sflag:s0], $0x4000  }
0x234: {  	[sflag:s0] =	ssyncset.done $0x0  }
0x235: {  	s16 =	simm.s32 $0x1C500;
	[sflag:s0] =	ssyncadd.s32 $0xFFFFC000  }
0x236: {  	[spmem:s1] =	stream.indirect.scatter.add.f32 [tilespmem:s30], [sflag:$0x3], $0x80, s16, s29, $0xb8;
	[tilespmem:$0x1D400] =	vst v63  }
0x237: {  	_ = 	snop  }
0x238: {  	[spmem:s1] =	stream.indirect.scatter.add.f32 [tilespmem:s30], [sflag:$0x3], $0x80, s2, s29, $0xb8;
	[tilespmem:$0x1D400] =	vst v63  }
0x239: {  	_ =	swait.ge [sflag:s13], $0x4000  }
0x23a: {  	[sflag:s13] =	ssyncset.done $0x0  }
0x23b: {  	[sflag:s13] =	ssyncadd.s32 $0xFFFFC000  }
0x23c: {  	_ =	swait.ge [sflag:s13], $0x4000  }
0x23d: {  	[sflag:s13] =	ssyncset.done $0x0  }
0x23e: {  	s16 =	simm.s32 $0x1BD80;
	[sflag:s13] =	ssyncadd.s32 $0xFFFFC000  }
0x23f: {  	[tilespmem:s5], [sflag:$0x2] =	stream.indirect.gather [hbm4b:s4+s29], $0x80, s16, s29, $0xb8;
	[tilespmem:$0x1D400] =	vst v63  }
0x240: {  	_ =	swait.ge [sflag:s6], $0x4000  }
0x241: {  	[sflag:s6] =	ssyncset.done $0x0  }
0x242: {  	s16 =	simm.s32 $0x1C580;
	[sflag:s6] =	ssyncadd.s32 $0xFFFFC000  }
0x243: {  	[spmem:s1] =	stream.indirect.scatter.add.f32 [tilespmem:s5], [sflag:$0x4], $0x80, s16, s29, $0xb8;
	[tilespmem:$0x1D400] =	vst v63  }
0x244: {  	s16 =	simm.s32 $0x1CD80  }
0x245: {  	[spmem:s1] =	stream.indirect.scatter.add.f32 [tilespmem:s5], [sflag:$0x4], $0x80, s16, s29, $0xb8;
	[tilespmem:$0x1D400] =	vst v63  }
0x246: {  	_ =	swait.ge [sflag:s9], $0x4000  }
0x247: {  	[sflag:s9] =	ssyncset.done $0x0  }
0x248: {  	[sflag:s9] =	ssyncadd.s32 $0xFFFFC000  }
0x249: {  	_ =	swait.ge [sflag:s9], $0x4000  }
0x24a: {  	[sflag:s9] =	ssyncset.done $0x0  }
0x24b: {  	s16 =	simm.s32 $0x1BE00;
	[sflag:s9] =	ssyncadd.s32 $0xFFFFC000  }
0x24c: {  	[tilespmem:s30], [sflag:$0x1] =	stream.indirect.gather [hbm4b:s4+s29], $0x80, s16, s29, $0xb8;
	[tilespmem:$0x1D400] =	vst v63  }
0x24d: {  	_ =	swait.ge [sflag:s0], $0x4000  }
0x24e: {  	[sflag:s0] =	ssyncset.done $0x0  }
0x24f: {  	s16 =	simm.s32 $0x1C600;
	[sflag:s0] =	ssyncadd.s32 $0xFFFFC000  }
0x250: {  	[spmem:s1] =	stream.indirect.scatter.add.f32 [tilespmem:s30], [sflag:$0x3], $0x80, s16, s29, $0xb8;
	[tilespmem:$0x1D400] =	vst v63  }
0x251: {  	s16 =	simm.s32 $0x1CE00  }
0x252: {  	[spmem:s1] =	stream.indirect.scatter.add.f32 [tilespmem:s30], [sflag:$0x3], $0x80, s16, s29, $0xb8;
	[tilespmem:$0x1D400] =	vst v63  }
0x253: {  	_ =	swait.ge [sflag:s13], $0x4000  }
0x254: {  	[sflag:s13] =	ssyncset.done $0x0  }
0x255: {  	[sflag:s13] =	ssyncadd.s32 $0xFFFFC000  }
0x256: {  	_ =	swait.ge [sflag:s13], $0x4000  }
0x257: {  	[sflag:s13] =	ssyncset.done $0x0  }
0x258: {  	s16 =	simm.s32 $0x1BE80;
	[sflag:s13] =	ssyncadd.s32 $0xFFFFC000  }
0x259: {  	[tilespmem:s5], [sflag:$0x2] =	stream.indirect.gather [hbm4b:s4+s29], $0x80, s16, s29, $0xb8;
	[tilespmem:$0x1D400] =	vst v63  }
0x25a: {  	_ =	swait.ge [sflag:s6], $0x4000  }
0x25b: {  	[sflag:s6] =	ssyncset.done $0x0  }
0x25c: {  	s16 =	simm.s32 $0x1C680;
	[sflag:s6] =	ssyncadd.s32 $0xFFFFC000  }
0x25d: {  	[spmem:s1] =	stream.indirect.scatter.add.f32 [tilespmem:s5], [sflag:$0x4], $0x80, s16, s29, $0xb8;
	[tilespmem:$0x1D400] =	vst v63  }
0x25e: {  	s16 =	simm.s32 $0x1CE80  }
0x25f: {  	[spmem:s1] =	stream.indirect.scatter.add.f32 [tilespmem:s5], [sflag:$0x4], $0x80, s16, s29, $0xb8;
	[tilespmem:$0x1D400] =	vst v63  }
0x260: {  	_ =	swait.ge [sflag:s9], $0x4000  }
0x261: {  	[sflag:s9] =	ssyncset.done $0x0  }
0x262: {  	[sflag:s9] =	ssyncadd.s32 $0xFFFFC000  }
0x263: {  	_ =	swait.ge [sflag:s9], $0x4000  }
0x264: {  	[sflag:s9] =	ssyncset.done $0x0  }
0x265: {  	s16 =	simm.s32 $0x1BF00;
	[sflag:s9] =	ssyncadd.s32 $0xFFFFC000  }
0x266: {  	[tilespmem:s30], [sflag:$0x1] =	stream.indirect.gather [hbm4b:s4+s29], $0x80, s16, s29, $0xb8;
	[tilespmem:$0x1D400] =	vst v63  }
0x267: {  	_ =	swait.ge [sflag:s0], $0x4000  }
0x268: {  	[sflag:s0] =	ssyncset.done $0x0  }
0x269: {  	s16 =	simm.s32 $0x1C700;
	[sflag:s0] =	ssyncadd.s32 $0xFFFFC000  }
0x26a: {  	[spmem:s1] =	stream.indirect.scatter.add.f32 [tilespmem:s30], [sflag:$0x3], $0x80, s16, s29, $0xb8;
	[tilespmem:$0x1D400] =	vst v63  }
0x26b: {  	s16 =	simm.s32 $0x1CF00  }
0x26c: {  	[spmem:s1] =	stream.indirect.scatter.add.f32 [tilespmem:s30], [sflag:$0x3], $0x80, s16, s29, $0xb8;
	[tilespmem:$0x1D400] =	vst v63  }
0x26d: {  	_ =	swait.ge [sflag:s13], $0x4000  }
0x26e: {  	[sflag:s13] =	ssyncset.done $0x0  }
0x26f: {  	[sflag:s13] =	ssyncadd.s32 $0xFFFFC000  }
0x270: {  	_ =	swait.ge [sflag:s13], $0x4000  }
0x271: {  	[sflag:s13] =	ssyncset.done $0x0  }
0x272: {  	s16 =	simm.s32 $0x1BF80;
	[sflag:s13] =	ssyncadd.s32 $0xFFFFC000  }
0x273: {  	[tilespmem:s5], [sflag:$0x2] =	stream.indirect.gather [hbm4b:s4+s29], $0x80, s16, s29, $0xb8;
	[tilespmem:$0x1D400] =	vst v63  }
0x274: {  	_ =	swait.ge [sflag:s6], $0x4000  }
0x275: {  	[sflag:s6] =	ssyncset.done $0x0  }
0x276: {  	s16 =	simm.s32 $0x1C780;
	[sflag:s6] =	ssyncadd.s32 $0xFFFFC000  }
0x277: {  	[spmem:s1] =	stream.indirect.scatter.add.f32 [tilespmem:s5], [sflag:$0x4], $0x80, s16, s29, $0xb8;
	[tilespmem:$0x1D400] =	vst v63  }
0x278: {  	s16 =	simm.s32 $0x1CF80  }
0x279: {  	[spmem:s1] =	stream.indirect.scatter.add.f32 [tilespmem:s5], [sflag:$0x4], $0x80, s16, s29, $0xb8;
	[tilespmem:$0x1D400] =	vst v63  }
0x27a: {  	_ =	swait.ge [sflag:s9], $0x4000  }
0x27b: {  	[sflag:s9] =	ssyncset.done $0x0  }
0x27c: {  	[sflag:s9] =	ssyncadd.s32 $0xFFFFC000  }
0x27d: {  	_ =	swait.ge [sflag:s9], $0x4000  }
0x27e: {  	[sflag:s9] =	ssyncset.done $0x0  }
0x27f: {  	[sflag:s9] =	ssyncadd.s32 $0xFFFFC000  }
0x280: {  	_ =	swait.ge [sflag:s15], $0x400  }
0x281: {  	[sflag:s15] =	ssyncset.done $0x0  }
0x282: {  	[sflag:s15] =	ssyncadd.s32 $0xFFFFFC00  }
0x283: {  	_ =	swait.ge [sflag:s15], $0x400  }
0x284: {  	[sflag:s15] =	ssyncset.done $0x0  }
0x285: {  	[sflag:s15] =	ssyncadd.s32 $0xFFFFFC00  }
0x286: {  	_ =	swait.ge [sflag:s15], $0x400  }
0x287: {  	[sflag:s15] =	ssyncset.done $0x0  }
0x288: {  	[sflag:s15] =	ssyncadd.s32 $0xFFFFFC00  }
0x289: {  	[tilespmem:s30], [sflag:$0x1] =	stream.indirect.gather [hbm4b:s4+s29], $0x80, s24, s29, $0xb8;
	[tilespmem:$0x1D400] =	vst v63  }
0x28a: {  	_ =	swait.ge [sflag:s0], $0x4000  }
0x28b: {  	[sflag:s0] =	ssyncset.done $0x0  }
0x28c: {  	[sflag:s0] =	ssyncadd.s32 $0xFFFFC000  }
0x28d: {  	[spmem:s1] =	stream.indirect.scatter.add.f32 [tilespmem:s30], [sflag:$0x3], $0x80, s25, s29, $0xb8;
	[tilespmem:$0x1D400] =	vst v63  }
0x28e: {  	_ = 	snop  }
0x28f: {  	[spmem:s1] =	stream.indirect.scatter.add.f32 [tilespmem:s30], [sflag:$0x3], $0x80, s26, s29, $0xb8;
	[tilespmem:$0x1D400] =	vst v63  }
0x290: {  	_ =	swait.ge [sflag:s13], $0x4000  }
0x291: {  	[sflag:s13] =	ssyncset.done $0x0  }
0x292: {  	[sflag:s13] =	ssyncadd.s32 $0xFFFFC000  }
0x293: {  	_ =	swait.ge [sflag:s13], $0x4000  }
0x294: {  	[sflag:s13] =	ssyncset.done $0x0  }
0x295: {  	s10 =	sadd.s32 $0x200, s10;
	[sflag:s13] =	ssyncadd.s32 $0xFFFFC000  }
0x296: {  	[tilespmem:s21], [sflag:$0x5] =	stream.linear.gather [hbm4b:s10+s3], $0x400, $0x38;
	[tilespmem:$0x1D400] =	vst v63  }
0x297: {  	s11 =	sadd.s32 $0x200, s11  }
0x298: {  	[tilespmem:s22], [sflag:$0x5] =	stream.linear.gather [hbm4b:s11+s3], $0x400, $0x38;
	[tilespmem:$0x1D400] =	vst v63  }
0x299: {  	s16 =	sadd.s32 $0x200, s12  }
0x29a: {  	[tilespmem:s23], [sflag:$0x5] =	stream.linear.gather [hbm4b:s16+s3], $0x400, $0x38;
	[tilespmem:$0x1D400] =	vst v63  }
0x29b: {  	_ = 	snop  }
0x29c: {  	[tilespmem:s5], [sflag:$0x2] =	stream.indirect.gather [hbm4b:s4+s29], $0x80, s7, s29, $0xb8;
	[tilespmem:$0x1D400] =	vst v63  }
0x29d: {  	_ =	swait.ge [sflag:s6], $0x4000  }
0x29e: {  	[sflag:s6] =	ssyncset.done $0x0  }
0x29f: {  	[sflag:s6] =	ssyncadd.s32 $0xFFFFC000  }
0x2a0: {  	[spmem:s1] =	stream.indirect.scatter.add.f32 [tilespmem:s5], [sflag:$0x4], $0x80, s17, s29, $0xb8;
	[tilespmem:$0x1D400] =	vst v63  }
0x2a1: {  	_ = 	snop  }
0x2a2: {  	[spmem:s1] =	stream.indirect.scatter.add.f32 [tilespmem:s5], [sflag:$0x4], $0x80, s18, s29, $0xb8;
	[tilespmem:$0x1D400] =	vst v63  }
0x2a3: {  	_ =	swait.ge [sflag:s9], $0x4000  }
0x2a4: {  	[sflag:s9] =	ssyncset.done $0x0  }
0x2a5: {  	[sflag:s9] =	ssyncadd.s32 $0xFFFFC000  }
0x2a6: {  	_ =	swait.ge [sflag:s9], $0x4000  }
0x2a7: {  	[sflag:s9] =	ssyncset.done $0x0  }
0x2a8: {  	[sflag:s9] =	ssyncadd.s32 $0xFFFFC000  }
0x2a9: {  	[tilespmem:s30], [sflag:$0x1] =	stream.indirect.gather [hbm4b:s4+s29], $0x80, s19, s29, $0xb8;
	[tilespmem:$0x1D400] =	vst v63  }
0x2aa: {  	_ =	swait.ge [sflag:s0], $0x4000  }
0x2ab: {  	[sflag:s0] =	ssyncset.done $0x0  }
0x2ac: {  	[sflag:s0] =	ssyncadd.s32 $0xFFFFC000  }
0x2ad: {  	[spmem:s1] =	stream.indirect.scatter.add.f32 [tilespmem:s30], [sflag:$0x3], $0x80, s20, s29, $0xb8;
	[tilespmem:$0x1D400] =	vst v63  }
0x2ae: {  	_ = 	snop  }
0x2af: {  	[spmem:s1] =	stream.indirect.scatter.add.f32 [tilespmem:s30], [sflag:$0x3], $0x80, s31, s29, $0xb8;
	[tilespmem:$0x1D400] =	vst v63  }
0x2b0: {  	_ =	swait.ge [sflag:s13], $0x4000  }
0x2b1: {  	[sflag:s13] =	ssyncset.done $0x0  }
0x2b2: {  	[sflag:s13] =	ssyncadd.s32 $0xFFFFC000  }
0x2b3: {  	_ =	swait.ge [sflag:s13], $0x4000  }
0x2b4: {  	[sflag:s13] =	ssyncset.done $0x0  }
0x2b5: {  	s12 =	simm.s32 $0x1C180;
	[sflag:s13] =	ssyncadd.s32 $0xFFFFC000  }
0x2b6: {  	[tilespmem:s5], [sflag:$0x2] =	stream.indirect.gather [hbm4b:s4+s29], $0x80, s12, s29, $0xb8;
	[tilespmem:$0x1D400] =	vst v63  }
0x2b7: {  	_ =	swait.ge [sflag:s6], $0x4000  }
0x2b8: {  	[sflag:s6] =	ssyncset.done $0x0  }
0x2b9: {  	s14 =	simm.s32 $0x1C980;
	[sflag:s6] =	ssyncadd.s32 $0xFFFFC000  }
0x2ba: {  	[spmem:s1] =	stream.indirect.scatter.add.f32 [tilespmem:s5], [sflag:$0x4], $0x80, s14, s29, $0xb8;
	[tilespmem:$0x1D400] =	vst v63  }
0x2bb: {  	s16 =	simm.s32 $0x1D180  }
0x2bc: {  	[spmem:s1] =	stream.indirect.scatter.add.f32 [tilespmem:s5], [sflag:$0x4], $0x80, s16, s29, $0xb8;
	[tilespmem:$0x1D400] =	vst v63  }
0x2bd: {  	_ =	swait.ge [sflag:s9], $0x4000  }
0x2be: {  	[sflag:s9] =	ssyncset.done $0x0  }
0x2bf: {  	[sflag:s9] =	ssyncadd.s32 $0xFFFFC000  }
0x2c0: {  	_ =	swait.ge [sflag:s9], $0x4000  }
0x2c1: {  	[sflag:s9] =	ssyncset.done $0x0  }
0x2c2: {  	s11 =	simm.s32 $0x1C200;
	[sflag:s9] =	ssyncadd.s32 $0xFFFFC000  }
0x2c3: {  	[tilespmem:s30], [sflag:$0x1] =	stream.indirect.gather [hbm4b:s4+s29], $0x80, s11, s29, $0xb8;
	[tilespmem:$0x1D400] =	vst v63  }
0x2c4: {  	_ =	swait.ge [sflag:s0], $0x4000  }
0x2c5: {  	[sflag:s0] =	ssyncset.done $0x0  }
0x2c6: {  	s12 =	simm.s32 $0x1CA00;
	[sflag:s0] =	ssyncadd.s32 $0xFFFFC000  }
0x2c7: {  	[spmem:s1] =	stream.indirect.scatter.add.f32 [tilespmem:s30], [sflag:$0x3], $0x80, s12, s29, $0xb8;
	[tilespmem:$0x1D400] =	vst v63  }
0x2c8: {  	s14 =	simm.s32 $0x1D200  }
0x2c9: {  	[spmem:s1] =	stream.indirect.scatter.add.f32 [tilespmem:s30], [sflag:$0x3], $0x80, s14, s29, $0xb8;
	[tilespmem:$0x1D400] =	vst v63  }
0x2ca: {  	_ =	swait.ge [sflag:s13], $0x4000  }
0x2cb: {  	[sflag:s13] =	ssyncset.done $0x0  }
0x2cc: {  	[sflag:s13] =	ssyncadd.s32 $0xFFFFC000  }
0x2cd: {  	_ =	swait.ge [sflag:s13], $0x4000  }
0x2ce: {  	[sflag:s13] =	ssyncset.done $0x0  }
0x2cf: {  	s16 =	simm.s32 $0x1C280;
	[sflag:s13] =	ssyncadd.s32 $0xFFFFC000  }
0x2d0: {  	[tilespmem:s5], [sflag:$0x2] =	stream.indirect.gather [hbm4b:s4+s29], $0x80, s16, s29, $0xb8;
	[tilespmem:$0x1D400] =	vst v63  }
0x2d1: {  	_ =	swait.ge [sflag:s6], $0x4000  }
0x2d2: {  	[sflag:s6] =	ssyncset.done $0x0  }
0x2d3: {  	s11 =	simm.s32 $0x1CA80;
	[sflag:s6] =	ssyncadd.s32 $0xFFFFC000  }
0x2d4: {  	[spmem:s1] =	stream.indirect.scatter.add.f32 [tilespmem:s5], [sflag:$0x4], $0x80, s11, s29, $0xb8;
	[tilespmem:$0x1D400] =	vst v63  }
0x2d5: {  	s12 =	simm.s32 $0x1D280  }
0x2d6: {  	[spmem:s1] =	stream.indirect.scatter.add.f32 [tilespmem:s5], [sflag:$0x4], $0x80, s12, s29, $0xb8;
	[tilespmem:$0x1D400] =	vst v63  }
0x2d7: {  	_ =	swait.ge [sflag:s9], $0x4000  }
0x2d8: {  	[sflag:s9] =	ssyncset.done $0x0  }
0x2d9: {  	[sflag:s9] =	ssyncadd.s32 $0xFFFFC000  }
0x2da: {  	_ =	swait.ge [sflag:s9], $0x4000  }
0x2db: {  	[sflag:s9] =	ssyncset.done $0x0  }
0x2dc: {  	s14 =	simm.s32 $0x1C300;
	[sflag:s9] =	ssyncadd.s32 $0xFFFFC000  }
0x2dd: {  	[tilespmem:s30], [sflag:$0x1] =	stream.indirect.gather [hbm4b:s4+s29], $0x80, s14, s29, $0xb8;
	[tilespmem:$0x1D400] =	vst v63  }
0x2de: {  	_ =	swait.ge [sflag:s0], $0x4000  }
0x2df: {  	[sflag:s0] =	ssyncset.done $0x0  }
0x2e0: {  	s16 =	simm.s32 $0x1CB00;
	[sflag:s0] =	ssyncadd.s32 $0xFFFFC000  }
0x2e1: {  	[spmem:s1] =	stream.indirect.scatter.add.f32 [tilespmem:s30], [sflag:$0x3], $0x80, s16, s29, $0xb8;
	[tilespmem:$0x1D400] =	vst v63  }
0x2e2: {  	s11 =	simm.s32 $0x1D300  }
0x2e3: {  	[spmem:s1] =	stream.indirect.scatter.add.f32 [tilespmem:s30], [sflag:$0x3], $0x80, s11, s29, $0xb8;
	[tilespmem:$0x1D400] =	vst v63  }
0x2e4: {  	_ =	swait.ge [sflag:s13], $0x4000  }
0x2e5: {  	[sflag:s13] =	ssyncset.done $0x0  }
0x2e6: {  	[sflag:s13] =	ssyncadd.s32 $0xFFFFC000  }
0x2e7: {  	_ =	swait.ge [sflag:s13], $0x4000  }
0x2e8: {  	[sflag:s13] =	ssyncset.done $0x0  }
0x2e9: {  	s12 =	simm.s32 $0x1C380;
	[sflag:s13] =	ssyncadd.s32 $0xFFFFC000  }
0x2ea: {  	[tilespmem:s5], [sflag:$0x2] =	stream.indirect.gather [hbm4b:s4+s29], $0x80, s12, s29, $0xb8;
	[tilespmem:$0x1D400] =	vst v63  }
0x2eb: {  	_ =	swait.ge [sflag:s6], $0x4000  }
0x2ec: {  	[sflag:s6] =	ssyncset.done $0x0  }
0x2ed: {  	s14 =	simm.s32 $0x1CB80;
	[sflag:s6] =	ssyncadd.s32 $0xFFFFC000  }
0x2ee: {  	[spmem:s1] =	stream.indirect.scatter.add.f32 [tilespmem:s5], [sflag:$0x4], $0x80, s14, s29, $0xb8;
	[tilespmem:$0x1D400] =	vst v63  }
0x2ef: {  	s16 =	simm.s32 $0x1D380  }
0x2f0: {  	[spmem:s1] =	stream.indirect.scatter.add.f32 [tilespmem:s5], [sflag:$0x4], $0x80, s16, s29, $0xb8;
	[tilespmem:$0x1D400] =	vst v63  }
0x2f1: {  	_ =	swait.ge [sflag:s9], $0x4000  }
0x2f2: {  	[sflag:s9] =	ssyncset.done $0x0  }
0x2f3: {  	[sflag:s9] =	ssyncadd.s32 $0xFFFFC000  }
0x2f4: {  	_ =	swait.ge [sflag:s9], $0x4000  }
0x2f5: {  	[sflag:s9] =	ssyncset.done $0x0  }
0x2f6: {  	[sflag:s9] =	ssyncadd.s32 $0xFFFFC000  }
0x2f7: {  	_ =	swait.ge [sflag:s28], $0x400  }
0x2f8: {  	[sflag:s28] =	ssyncset.done $0x0  }
0x2f9: {  	p0 =	sne.s32 s8, $0x200;
	[sflag:s28] =	ssyncadd.s32 $0xFFFFFC00  }
.Ltmp0:
0x2fa: {  	_ =	swait.ge [sflag:s28], $0x400;
	(pc) =	sbr.rel @p0 .LBB2_2-.Ltmp0, $4  }
0x2fb: {  	[sflag:s28] =	ssyncset.done $0x0  }
0x2fc: {  	[sflag:s28] =	ssyncadd.s32 $0xFFFFFC00  }
0x2fd: {  	_ =	swait.ge [sflag:s28], $0x400  }
0x2fe: {  	s8 =	sadd.s32 $0x100, s8;
	[sflag:s28] =	ssyncset.done $0x0  }
0x2ff: {  	[sflag:s28] =	ssyncadd.s32 $0xFFFFFC00  }
0x300: {  	[tilespmem:s30], [sflag:$0x1] =	stream.indirect.gather [hbm4b:s4+s29], $0x80, s21, s29, $0xb8;
	[tilespmem:$0x1D400] =	vst v63  }
0x301: {  	_ =	swait.ge [sflag:s0], $0x4000  }
0x302: {  	[sflag:s0] =	ssyncset.done $0x0  }
0x303: {  	[sflag:s0] =	ssyncadd.s32 $0xFFFFC000  }
0x304: {  	[spmem:s1] =	stream.indirect.scatter.add.f32 [tilespmem:s30], [sflag:$0x3], $0x80, s22, s29, $0xb8;
	[tilespmem:$0x1D400] =	vst v63  }
0x305: {  	_ = 	snop  }
0x306: {  	[spmem:s1] =	stream.indirect.scatter.add.f32 [tilespmem:s30], [sflag:$0x3], $0x80, s23, s29, $0xb8;
	[tilespmem:$0x1D400] =	vst v63  }
0x307: {  	_ =	swait.ge [sflag:s13], $0x4000  }
0x308: {  	[sflag:s13] =	ssyncset.done $0x0  }
0x309: {  	[sflag:s13] =	ssyncadd.s32 $0xFFFFC000  }
0x30a: {  	_ =	swait.ge [sflag:s13], $0x4000  }
0x30b: {  	[sflag:s13] =	ssyncset.done $0x0  }
0x30c: {  	s8 =	rddreg [dreg:$0x12];
	[sflag:s13] =	ssyncadd.s32 $0xFFFFC000  }
0x30d: {  	[tilespmem:s24], [sflag:$0x6] =	stream.linear.gather [hbm4b:s8+s3], $0x400, $0x38;
	[tilespmem:$0x1D400] =	vst v63  }
0x30e: {  	s14 =	rddreg [dreg:$0x13]  }
0x30f: {  	[tilespmem:s25], [sflag:$0x6] =	stream.linear.gather [hbm4b:s14+s3], $0x400, $0x38;
	[tilespmem:$0x1D400] =	vst v63  }
0x310: {  	s16 =	rddreg [dreg:$0x14]  }
0x311: {  	[tilespmem:s26], [sflag:$0x6] =	stream.linear.gather [hbm4b:s16+s3], $0x400, $0x38;
	[tilespmem:$0x1D400] =	vst v63  }
0x312: {  	s10 =	simm.s32 $0x1BC80  }
0x313: {  	[tilespmem:s5], [sflag:$0x2] =	stream.indirect.gather [hbm4b:s4+s29], $0x80, s10, s29, $0xb8;
	[tilespmem:$0x1D400] =	vst v63  }
0x314: {  	_ =	swait.ge [sflag:s6], $0x4000  }
0x315: {  	[sflag:s6] =	ssyncset.done $0x0  }
0x316: {  	s11 =	simm.s32 $0x1C480;
	[sflag:s6] =	ssyncadd.s32 $0xFFFFC000  }
0x317: {  	[spmem:s1] =	stream.indirect.scatter.add.f32 [tilespmem:s5], [sflag:$0x4], $0x80, s11, s29, $0xb8;
	[tilespmem:$0x1D400] =	vst v63  }
0x318: {  	s12 =	simm.s32 $0x1CC80  }
0x319: {  	[spmem:s1] =	stream.indirect.scatter.add.f32 [tilespmem:s5], [sflag:$0x4], $0x80, s12, s29, $0xb8;
	[tilespmem:$0x1D400] =	vst v63  }
0x31a: {  	_ =	swait.ge [sflag:s9], $0x4000  }
0x31b: {  	[sflag:s9] =	ssyncset.done $0x0  }
0x31c: {  	[sflag:s9] =	ssyncadd.s32 $0xFFFFC000  }
0x31d: {  	_ =	swait.ge [sflag:s9], $0x4000  }
0x31e: {  	[sflag:s9] =	ssyncset.done $0x0  }
0x31f: {  	s14 =	simm.s32 $0x1BD00;
	[sflag:s9] =	ssyncadd.s32 $0xFFFFC000  }
0x320: {  	[tilespmem:s30], [sflag:$0x1] =	stream.indirect.gather [hbm4b:s4+s29], $0x80, s14, s29, $0xb8;
	[tilespmem:$0x1D400] =	vst v63  }
0x321: {  	_ =	swait.ge [sflag:s0], $0x4000  }
0x322: {  	[sflag:s0] =	ssyncset.done $0x0  }
0x323: {  	s16 =	simm.s32 $0x1C500;
	[sflag:s0] =	ssyncadd.s32 $0xFFFFC000  }
0x324: {  	[spmem:s1] =	stream.indirect.scatter.add.f32 [tilespmem:s30], [sflag:$0x3], $0x80, s16, s29, $0xb8;
	[tilespmem:$0x1D400] =	vst v63  }
0x325: {  	_ = 	snop  }
0x326: {  	[spmem:s1] =	stream.indirect.scatter.add.f32 [tilespmem:s30], [sflag:$0x3], $0x80, s2, s29, $0xb8;
	[tilespmem:$0x1D400] =	vst v63  }
0x327: {  	_ =	swait.ge [sflag:s13], $0x4000  }
0x328: {  	[sflag:s13] =	ssyncset.done $0x0  }
0x329: {  	[sflag:s13] =	ssyncadd.s32 $0xFFFFC000  }
0x32a: {  	_ =	swait.ge [sflag:s13], $0x4000  }
0x32b: {  	[sflag:s13] =	ssyncset.done $0x0  }
0x32c: {  	s8 =	simm.s32 $0x1BD80;
	[sflag:s13] =	ssyncadd.s32 $0xFFFFC000  }
0x32d: {  	[tilespmem:s5], [sflag:$0x2] =	stream.indirect.gather [hbm4b:s4+s29], $0x80, s8, s29, $0xb8;
	[tilespmem:$0x1D400] =	vst v63  }
0x32e: {  	_ =	swait.ge [sflag:s6], $0x4000  }
0x32f: {  	[sflag:s6] =	ssyncset.done $0x0  }
0x330: {  	s10 =	simm.s32 $0x1C580;
	[sflag:s6] =	ssyncadd.s32 $0xFFFFC000  }
0x331: {  	[spmem:s1] =	stream.indirect.scatter.add.f32 [tilespmem:s5], [sflag:$0x4], $0x80, s10, s29, $0xb8;
	[tilespmem:$0x1D400] =	vst v63  }
0x332: {  	s11 =	simm.s32 $0x1CD80  }
0x333: {  	[spmem:s1] =	stream.indirect.scatter.add.f32 [tilespmem:s5], [sflag:$0x4], $0x80, s11, s29, $0xb8;
	[tilespmem:$0x1D400] =	vst v63  }
0x334: {  	_ =	swait.ge [sflag:s9], $0x4000  }
0x335: {  	[sflag:s9] =	ssyncset.done $0x0  }
0x336: {  	[sflag:s9] =	ssyncadd.s32 $0xFFFFC000  }
0x337: {  	_ =	swait.ge [sflag:s9], $0x4000  }
0x338: {  	[sflag:s9] =	ssyncset.done $0x0  }
0x339: {  	s12 =	simm.s32 $0x1BE00;
	[sflag:s9] =	ssyncadd.s32 $0xFFFFC000  }
0x33a: {  	[tilespmem:s30], [sflag:$0x1] =	stream.indirect.gather [hbm4b:s4+s29], $0x80, s12, s29, $0xb8;
	[tilespmem:$0x1D400] =	vst v63  }
0x33b: {  	_ =	swait.ge [sflag:s0], $0x4000  }
0x33c: {  	[sflag:s0] =	ssyncset.done $0x0  }
0x33d: {  	s14 =	simm.s32 $0x1C600;
	[sflag:s0] =	ssyncadd.s32 $0xFFFFC000  }
0x33e: {  	[spmem:s1] =	stream.indirect.scatter.add.f32 [tilespmem:s30], [sflag:$0x3], $0x80, s14, s29, $0xb8;
	[tilespmem:$0x1D400] =	vst v63  }
0x33f: {  	s16 =	simm.s32 $0x1CE00  }
0x340: {  	[spmem:s1] =	stream.indirect.scatter.add.f32 [tilespmem:s30], [sflag:$0x3], $0x80, s16, s29, $0xb8;
	[tilespmem:$0x1D400] =	vst v63  }
0x341: {  	_ =	swait.ge [sflag:s13], $0x4000  }
0x342: {  	[sflag:s13] =	ssyncset.done $0x0  }
0x343: {  	[sflag:s13] =	ssyncadd.s32 $0xFFFFC000  }
0x344: {  	_ =	swait.ge [sflag:s13], $0x4000  }
0x345: {  	[sflag:s13] =	ssyncset.done $0x0  }
0x346: {  	s8 =	simm.s32 $0x1BE80;
	[sflag:s13] =	ssyncadd.s32 $0xFFFFC000  }
0x347: {  	[tilespmem:s5], [sflag:$0x2] =	stream.indirect.gather [hbm4b:s4+s29], $0x80, s8, s29, $0xb8;
	[tilespmem:$0x1D400] =	vst v63  }
0x348: {  	_ =	swait.ge [sflag:s6], $0x4000  }
0x349: {  	[sflag:s6] =	ssyncset.done $0x0  }
0x34a: {  	s10 =	simm.s32 $0x1C680;
	[sflag:s6] =	ssyncadd.s32 $0xFFFFC000  }
0x34b: {  	[spmem:s1] =	stream.indirect.scatter.add.f32 [tilespmem:s5], [sflag:$0x4], $0x80, s10, s29, $0xb8;
	[tilespmem:$0x1D400] =	vst v63  }
0x34c: {  	s11 =	simm.s32 $0x1CE80  }
0x34d: {  	[spmem:s1] =	stream.indirect.scatter.add.f32 [tilespmem:s5], [sflag:$0x4], $0x80, s11, s29, $0xb8;
	[tilespmem:$0x1D400] =	vst v63  }
0x34e: {  	_ =	swait.ge [sflag:s9], $0x4000  }
0x34f: {  	[sflag:s9] =	ssyncset.done $0x0  }
0x350: {  	[sflag:s9] =	ssyncadd.s32 $0xFFFFC000  }
0x351: {  	_ =	swait.ge [sflag:s9], $0x4000  }
0x352: {  	[sflag:s9] =	ssyncset.done $0x0  }
0x353: {  	s12 =	simm.s32 $0x1BF00;
	[sflag:s9] =	ssyncadd.s32 $0xFFFFC000  }
0x354: {  	[tilespmem:s30], [sflag:$0x1] =	stream.indirect.gather [hbm4b:s4+s29], $0x80, s12, s29, $0xb8;
	[tilespmem:$0x1D400] =	vst v63  }
0x355: {  	_ =	swait.ge [sflag:s0], $0x4000  }
0x356: {  	[sflag:s0] =	ssyncset.done $0x0  }
0x357: {  	s14 =	simm.s32 $0x1C700;
	[sflag:s0] =	ssyncadd.s32 $0xFFFFC000  }
0x358: {  	[spmem:s1] =	stream.indirect.scatter.add.f32 [tilespmem:s30], [sflag:$0x3], $0x80, s14, s29, $0xb8;
	[tilespmem:$0x1D400] =	vst v63  }
0x359: {  	s16 =	simm.s32 $0x1CF00  }
0x35a: {  	[spmem:s1] =	stream.indirect.scatter.add.f32 [tilespmem:s30], [sflag:$0x3], $0x80, s16, s29, $0xb8;
	[tilespmem:$0x1D400] =	vst v63  }
0x35b: {  	_ =	swait.ge [sflag:s13], $0x4000  }
0x35c: {  	[sflag:s13] =	ssyncset.done $0x0  }
0x35d: {  	[sflag:s13] =	ssyncadd.s32 $0xFFFFC000  }
0x35e: {  	_ =	swait.ge [sflag:s13], $0x4000  }
0x35f: {  	[sflag:s13] =	ssyncset.done $0x0  }
0x360: {  	s8 =	simm.s32 $0x1BF80;
	[sflag:s13] =	ssyncadd.s32 $0xFFFFC000  }
0x361: {  	[tilespmem:s5], [sflag:$0x2] =	stream.indirect.gather [hbm4b:s4+s29], $0x80, s8, s29, $0xb8;
	[tilespmem:$0x1D400] =	vst v63  }
0x362: {  	_ =	swait.ge [sflag:s6], $0x4000  }
0x363: {  	[sflag:s6] =	ssyncset.done $0x0  }
0x364: {  	s10 =	simm.s32 $0x1C780;
	[sflag:s6] =	ssyncadd.s32 $0xFFFFC000  }
0x365: {  	[spmem:s1] =	stream.indirect.scatter.add.f32 [tilespmem:s5], [sflag:$0x4], $0x80, s10, s29, $0xb8;
	[tilespmem:$0x1D400] =	vst v63  }
0x366: {  	s11 =	simm.s32 $0x1CF80  }
0x367: {  	[spmem:s1] =	stream.indirect.scatter.add.f32 [tilespmem:s5], [sflag:$0x4], $0x80, s11, s29, $0xb8;
	[tilespmem:$0x1D400] =	vst v63  }
0x368: {  	_ =	swait.ge [sflag:s9], $0x4000  }
0x369: {  	[sflag:s9] =	ssyncset.done $0x0  }
0x36a: {  	[sflag:s9] =	ssyncadd.s32 $0xFFFFC000  }
0x36b: {  	_ =	swait.ge [sflag:s9], $0x4000  }
0x36c: {  	[sflag:s9] =	ssyncset.done $0x0  }
0x36d: {  	[sflag:s9] =	ssyncadd.s32 $0xFFFFC000  }
0x36e: {  	_ =	swait.ge [sflag:s15], $0x400  }
0x36f: {  	[sflag:s15] =	ssyncset.done $0x0  }
0x370: {  	[sflag:s15] =	ssyncadd.s32 $0xFFFFFC00  }
0x371: {  	_ =	swait.ge [sflag:s15], $0x400  }
0x372: {  	[sflag:s15] =	ssyncset.done $0x0  }
0x373: {  	[sflag:s15] =	ssyncadd.s32 $0xFFFFFC00  }
0x374: {  	_ =	swait.ge [sflag:s15], $0x400  }
0x375: {  	[sflag:s15] =	ssyncset.done $0x0  }
0x376: {  	[sflag:s15] =	ssyncadd.s32 $0xFFFFFC00  }
0x377: {  	[tilespmem:s30], [sflag:$0x1] =	stream.indirect.gather [hbm4b:s4+s29], $0x80, s24, s29, $0xb8;
	[tilespmem:$0x1D400] =	vst v63  }
0x378: {  	_ =	swait.ge [sflag:s0], $0x4000  }
0x379: {  	[sflag:s0] =	ssyncset.done $0x0  }
0x37a: {  	[sflag:s0] =	ssyncadd.s32 $0xFFFFC000  }
0x37b: {  	[spmem:s1] =	stream.indirect.scatter.add.f32 [tilespmem:s30], [sflag:$0x3], $0x80, s25, s29, $0xb8;
	[tilespmem:$0x1D400] =	vst v63  }
0x37c: {  	_ = 	snop  }
0x37d: {  	[spmem:s1] =	stream.indirect.scatter.add.f32 [tilespmem:s30], [sflag:$0x3], $0x80, s26, s29, $0xb8;
	[tilespmem:$0x1D400] =	vst v63  }
0x37e: {  	_ =	swait.ge [sflag:s13], $0x4000  }
0x37f: {  	[sflag:s13] =	ssyncset.done $0x0  }
0x380: {  	[sflag:s13] =	ssyncadd.s32 $0xFFFFC000  }
0x381: {  	_ =	swait.ge [sflag:s13], $0x4000  }
0x382: {  	[sflag:s13] =	ssyncset.done $0x0  }
0x383: {  	[sflag:s13] =	ssyncadd.s32 $0xFFFFC000  }
0x384: {  	[tilespmem:s5], [sflag:$0x2] =	stream.indirect.gather [hbm4b:s4+s29], $0x80, s7, s29, $0xb8;
	[tilespmem:$0x1D400] =	vst v63  }
0x385: {  	_ =	swait.ge [sflag:s6], $0x4000  }
0x386: {  	[sflag:s6] =	ssyncset.done $0x0  }
0x387: {  	[sflag:s6] =	ssyncadd.s32 $0xFFFFC000  }
0x388: {  	[spmem:s1] =	stream.indirect.scatter.add.f32 [tilespmem:s5], [sflag:$0x4], $0x80, s17, s29, $0xb8;
	[tilespmem:$0x1D400] =	vst v63  }
0x389: {  	_ = 	snop  }
0x38a: {  	[spmem:s1] =	stream.indirect.scatter.add.f32 [tilespmem:s5], [sflag:$0x4], $0x80, s18, s29, $0xb8;
	[tilespmem:$0x1D400] =	vst v63  }
0x38b: {  	_ =	swait.ge [sflag:s9], $0x4000  }
0x38c: {  	[sflag:s9] =	ssyncset.done $0x0  }
0x38d: {  	[sflag:s9] =	ssyncadd.s32 $0xFFFFC000  }
0x38e: {  	_ =	swait.ge [sflag:s9], $0x4000  }
0x38f: {  	[sflag:s9] =	ssyncset.done $0x0  }
0x390: {  	[sflag:s9] =	ssyncadd.s32 $0xFFFFC000  }
0x391: {  	[tilespmem:s30], [sflag:$0x1] =	stream.indirect.gather [hbm4b:s4+s29], $0x80, s19, s29, $0xb8;
	[tilespmem:$0x1D400] =	vst v63  }
0x392: {  	_ =	swait.ge [sflag:s0], $0x4000  }
0x393: {  	[sflag:s0] =	ssyncset.done $0x0  }
0x394: {  	[sflag:s0] =	ssyncadd.s32 $0xFFFFC000  }
0x395: {  	[spmem:s1] =	stream.indirect.scatter.add.f32 [tilespmem:s30], [sflag:$0x3], $0x80, s20, s29, $0xb8;
	[tilespmem:$0x1D400] =	vst v63  }
0x396: {  	_ = 	snop  }
0x397: {  	[spmem:s1] =	stream.indirect.scatter.add.f32 [tilespmem:s30], [sflag:$0x3], $0x80, s31, s29, $0xb8;
	[tilespmem:$0x1D400] =	vst v63  }
0x398: {  	_ =	swait.ge [sflag:s13], $0x4000  }
0x399: {  	[sflag:s13] =	ssyncset.done $0x0  }
0x39a: {  	[sflag:s13] =	ssyncadd.s32 $0xFFFFC000  }
0x39b: {  	_ =	swait.ge [sflag:s13], $0x4000  }
0x39c: {  	[sflag:s13] =	ssyncset.done $0x0  }
0x39d: {  	s12 =	simm.s32 $0x1C180;
	[sflag:s13] =	ssyncadd.s32 $0xFFFFC000  }
0x39e: {  	[tilespmem:s5], [sflag:$0x2] =	stream.indirect.gather [hbm4b:s4+s29], $0x80, s12, s29, $0xb8;
	[tilespmem:$0x1D400] =	vst v63  }
0x39f: {  	_ =	swait.ge [sflag:s6], $0x4000  }
0x3a0: {  	[sflag:s6] =	ssyncset.done $0x0  }
0x3a1: {  	s14 =	simm.s32 $0x1C980;
	[sflag:s6] =	ssyncadd.s32 $0xFFFFC000  }
0x3a2: {  	[spmem:s1] =	stream.indirect.scatter.add.f32 [tilespmem:s5], [sflag:$0x4], $0x80, s14, s29, $0xb8;
	[tilespmem:$0x1D400] =	vst v63  }
0x3a3: {  	s16 =	simm.s32 $0x1D180  }
0x3a4: {  	[spmem:s1] =	stream.indirect.scatter.add.f32 [tilespmem:s5], [sflag:$0x4], $0x80, s16, s29, $0xb8;
	[tilespmem:$0x1D400] =	vst v63  }
0x3a5: {  	_ =	swait.ge [sflag:s9], $0x4000  }
0x3a6: {  	[sflag:s9] =	ssyncset.done $0x0  }
0x3a7: {  	[sflag:s9] =	ssyncadd.s32 $0xFFFFC000  }
0x3a8: {  	_ =	swait.ge [sflag:s9], $0x4000  }
0x3a9: {  	[sflag:s9] =	ssyncset.done $0x0  }
0x3aa: {  	s17 =	simm.s32 $0x1C200;
	[sflag:s9] =	ssyncadd.s32 $0xFFFFC000  }
0x3ab: {  	[tilespmem:s30], [sflag:$0x1] =	stream.indirect.gather [hbm4b:s4+s29], $0x80, s17, s29, $0xb8;
	[tilespmem:$0x1D400] =	vst v63  }
0x3ac: {  	_ =	swait.ge [sflag:s0], $0x4000  }
0x3ad: {  	[sflag:s0] =	ssyncset.done $0x0  }
0x3ae: {  	s18 =	simm.s32 $0x1CA00;
	[sflag:s0] =	ssyncadd.s32 $0xFFFFC000  }
0x3af: {  	[spmem:s1] =	stream.indirect.scatter.add.f32 [tilespmem:s30], [sflag:$0x3], $0x80, s18, s29, $0xb8;
	[tilespmem:$0x1D400] =	vst v63  }
0x3b0: {  	s19 =	simm.s32 $0x1D200  }
0x3b1: {  	[spmem:s1] =	stream.indirect.scatter.add.f32 [tilespmem:s30], [sflag:$0x3], $0x80, s19, s29, $0xb8;
	[tilespmem:$0x1D400] =	vst v63  }
0x3b2: {  	_ =	swait.ge [sflag:s13], $0x4000  }
0x3b3: {  	[sflag:s13] =	ssyncset.done $0x0  }
0x3b4: {  	[sflag:s13] =	ssyncadd.s32 $0xFFFFC000  }
0x3b5: {  	_ =	swait.ge [sflag:s13], $0x4000  }
0x3b6: {  	[sflag:s13] =	ssyncset.done $0x0  }
0x3b7: {  	s20 =	simm.s32 $0x1C280;
	[sflag:s13] =	ssyncadd.s32 $0xFFFFC000  }
0x3b8: {  	[tilespmem:s5], [sflag:$0x2] =	stream.indirect.gather [hbm4b:s4+s29], $0x80, s20, s29, $0xb8;
	[tilespmem:$0x1D400] =	vst v63  }
0x3b9: {  	_ =	swait.ge [sflag:s6], $0x4000  }
0x3ba: {  	[sflag:s6] =	ssyncset.done $0x0  }
0x3bb: {  	s31 =	simm.s32 $0x1CA80;
	[sflag:s6] =	ssyncadd.s32 $0xFFFFC000  }
0x3bc: {  	[spmem:s1] =	stream.indirect.scatter.add.f32 [tilespmem:s5], [sflag:$0x4], $0x80, s31, s29, $0xb8;
	[tilespmem:$0x1D400] =	vst v63  }
0x3bd: {  	s7 =	simm.s32 $0x1D280  }
0x3be: {  	[spmem:s1] =	stream.indirect.scatter.add.f32 [tilespmem:s5], [sflag:$0x4], $0x80, s7, s29, $0xb8;
	[tilespmem:$0x1D400] =	vst v63  }
0x3bf: {  	_ =	swait.ge [sflag:s9], $0x4000  }
0x3c0: {  	[sflag:s9] =	ssyncset.done $0x0  }
0x3c1: {  	[sflag:s9] =	ssyncadd.s32 $0xFFFFC000  }
0x3c2: {  	_ =	swait.ge [sflag:s9], $0x4000  }
0x3c3: {  	[sflag:s9] =	ssyncset.done $0x0  }
0x3c4: {  	s8 =	simm.s32 $0x1C300;
	[sflag:s9] =	ssyncadd.s32 $0xFFFFC000  }
0x3c5: {  	[tilespmem:s30], [sflag:$0x1] =	stream.indirect.gather [hbm4b:s4+s29], $0x80, s8, s29, $0xb8;
	[tilespmem:$0x1D400] =	vst v63  }
0x3c6: {  	_ =	swait.ge [sflag:s0], $0x4000  }
0x3c7: {  	[sflag:s0] =	ssyncset.done $0x0  }
0x3c8: {  	s10 =	simm.s32 $0x1CB00;
	[sflag:s0] =	ssyncadd.s32 $0xFFFFC000  }
0x3c9: {  	[spmem:s1] =	stream.indirect.scatter.add.f32 [tilespmem:s30], [sflag:$0x3], $0x80, s10, s29, $0xb8;
	[tilespmem:$0x1D400] =	vst v63  }
0x3ca: {  	s11 =	simm.s32 $0x1D300  }
0x3cb: {  	[spmem:s1] =	stream.indirect.scatter.add.f32 [tilespmem:s30], [sflag:$0x3], $0x80, s11, s29, $0xb8;
	[tilespmem:$0x1D400] =	vst v63  }
0x3cc: {  	_ =	swait.ge [sflag:s13], $0x4000  }
0x3cd: {  	[sflag:s13] =	ssyncset.done $0x0  }
0x3ce: {  	[sflag:s13] =	ssyncadd.s32 $0xFFFFC000  }
0x3cf: {  	_ =	swait.ge [sflag:s13], $0x4000  }
0x3d0: {  	[sflag:s13] =	ssyncset.done $0x0  }
0x3d1: {  	s12 =	simm.s32 $0x1C380;
	[sflag:s13] =	ssyncadd.s32 $0xFFFFC000  }
0x3d2: {  	[tilespmem:s5], [sflag:$0x2] =	stream.indirect.gather [hbm4b:s4+s29], $0x80, s12, s29, $0xb8;
	[tilespmem:$0x1D400] =	vst v63  }
0x3d3: {  	_ =	swait.ge [sflag:s6], $0x4000  }
0x3d4: {  	[sflag:s6] =	ssyncset.done $0x0  }
0x3d5: {  	s14 =	simm.s32 $0x1CB80;
	[sflag:s6] =	ssyncadd.s32 $0xFFFFC000  }
0x3d6: {  	[spmem:s1] =	stream.indirect.scatter.add.f32 [tilespmem:s5], [sflag:$0x4], $0x80, s14, s29, $0xb8;
	[tilespmem:$0x1D400] =	vst v63  }
0x3d7: {  	s16 =	simm.s32 $0x1D380  }
0x3d8: {  	[spmem:s1] =	stream.indirect.scatter.add.f32 [tilespmem:s5], [sflag:$0x4], $0x80, s16, s29, $0xb8;
	[tilespmem:$0x1D400] =	vst v63  }
0x3d9: {  	_ =	swait.ge [sflag:s9], $0x4000  }
0x3da: {  	[sflag:s9] =	ssyncset.done $0x0  }
0x3db: {  	[sflag:s9] =	ssyncadd.s32 $0xFFFFC000  }
0x3dc: {  	_ =	swait.ge [sflag:s9], $0x4000  }
0x3dd: {  	[sflag:s9] =	ssyncset.done $0x0  }
0x3de: {  	[sflag:s9] =	ssyncadd.s32 $0xFFFFC000  }
0x3df: {  	_ =	swait.ge [sflag:s13], $0x4000  }
0x3e0: {  	[sflag:s13] =	ssyncset.done $0x0  }
0x3e1: {  	[sflag:s13] =	ssyncadd.s32 $0xFFFFC000  }
0x3e2: {  	_ =	swait.ge [sflag:s13], $0x4000  }
0x3e3: {  	[sflag:s13] =	ssyncset.done $0x0  }
0x3e4: {  	[sflag:s13] =	ssyncadd.s32 $0xFFFFC000  }
0x3e5: {  	[bflag:$0x0] =	sbarrier.arrive $0xFFFF  }
0x3e6: {  	s17 =	rddreg [dreg:$0x15]  }
0x3e7: {  	s18 =	rddreg [dreg:$0x18]  }
0x3e8: {  	s10 =	simm.s32 $0x7;
	s19 =	rddreg [dreg:$0x19]  }
0x3e9: {  	[hbm:s17], [sflag:s18] =	dma.local [spmem:s19], $0x2780  }
0x3ea: {  	_ =	swait.ge [sflag:s10], $0x2780  }
0x3eb: {  	s20 =	rddreg [dreg:$0x17]  }
0x3ec: {  	s31 =	rddreg [dreg:$0x16];
	s2 =	sadd.s32 $0x1, s20  }
0x3ed: {  	p0 =	sne.s32 s2, s31  }
.Ltmp1:
0x3ee: {  	_ = 	snop;
	(pc) =	sbr.rel @p0 .LBB2_1-.Ltmp1, $3  }
0x3ef: {  	_ =	sdelay $0x1  }
0x3f0: {  	[sflag:s10] =	ssyncset.done $0x0  }
0x3f1: {  	[sflag:s10] =	ssyncadd.s32 $0xFFFFD880  }
0x3f2: {  	_ =	sfence.sel $0x180000  }
0x3f3: {  	[bflag:$0x0] =	sbarrier.arrive $0xFFFF  }
0x3f4: {  	_ =	strace $0x90000047  }
0x3f5: {  	s0 =	stileid.u32;
	[bflag:$0x2] =	sbarrier.arrive $0xFFFF  }
0x3f6: {  	p0 =	sne.s32 s0, $0x0;
	s0 =	rddreg [dreg:$0x3]  }
0x3f7: {  	s0 =	sadd.s32 @!p0 $0x100000, s0  }
0x3f8: {  	[sflag:s0] =	ssyncadd.tile.s32 @!p0 $0x1;
	_ =	shalt  }
.Lfunc_end2:
_tile_overlayer_lowered:
.L_overlay_start_2:
0x3f9: {  	(tag) =	ssettag $0x2  }
0x3fa: {  	s0 =	rddreg [dreg:$0x0];
	s2 =	stileid.u32  }
0x3fb: {  	s1 =	rddreg [dreg:$0x1];
	p0 =	sne.s32 s2, $0x0  }
0x3fc: {  	s3 =	rddreg [dreg:$0x2];
	[bflag:$0x3] =	sbarrier.arrive $0xFFFF;
	s2 =	simm.s32 @!p0 $0x1C07  }
0x3fd: {  	[timem:s3], [sflag:s2] =	dma.local @!p0 [hbm:s0], s1  }
0x3fe: {  	s0 =	simm.s32 @!p0 $0x7  }
0x3ff: {  	_ =	swait.ge @!p0 [sflag:s0], s1  }
0x400: {  	s1 =	ssub.s32 @!p0 $0x0, s1;
	[sflag:s0] =	ssyncset.done @!p0 $0x0  }
0x401: {  	[sflag:s0] =	ssyncadd.s32 @!p0 s1  }
0x402: {  	[bflag:$0x3] =	sbarrier.arrive $0xFFFF  }
0x403: {  	_ =	shalt  }

</sc_bundles>
